<compile_context>
chip_gen: v7x
topology: tpu7x:2x2x1
jax: 0.10.2.dev20260603
libtpu: 0.0.44.dev20260713+nightly
codegen_flags: <defaults>
</compile_context>

<pallas_src>
import functools

import jax
import jax.numpy as jnp
from jax import lax
from jax.experimental import pallas as pl
from jax.experimental.pallas import tpu as pltpu
from jax.experimental.pallas import tpu_sc as plsc

B = 16384
F = 26
V = 100
D = 64

NC = 2
NS = 16
NW = NC * NS

BT = B // 128
BTW = BT // NW
BW = 128 * BTW
NG = BW // 16
HD = D // 16

_mesh = plsc.VectorSubcoreMesh(core_axis_name="c", subcore_axis_name="s")


@functools.partial(
    pl.kernel,
    mesh=_mesh,
    out_type=jax.ShapeDtypeStruct((F, D // 8, BT, 8, 128), jnp.float32),
    compiler_params=pltpu.CompilerParams(
        use_tc_tiling_on_sc=False, needs_layout_passes=False
    ),
    scratch_types=[
        pltpu.VMEM((F, BW), jnp.int32),
        pltpu.VMEM((2, D, 128), jnp.float32),
        pltpu.VMEM((3, HD, BTW, 8, 128), jnp.float32),
        pltpu.VMEM_SHARED((F, D, 128), jnp.float32),
        pltpu.SemaphoreType.DMA,
        pltpu.SemaphoreType.DMA,
    ],
)
def _emb_lookup(idx_hbm, tab_hbm, out_hbm, idx_v, tf, ob, tab_s, tsem, osem):
    cid = lax.axis_index("c")
    sid = lax.axis_index("s")
    wid = sid * NC + cid

    @pl.when(sid == 0)
    def _():
        pltpu.sync_copy(tab_hbm, tab_s)

    pltpu.sync_copy(idx_hbm.at[:, pl.ds(wid * BW, BW)], idx_v)
    plsc.subcore_barrier()

    def prefetch(f, q):
        pltpu.async_copy(tab_s.at[f], tf.at[q], tsem)

    def wait_table(q):
        pltpu.make_async_copy(tab_s.at[0], tf.at[q], tsem).wait()

    def write_half(f, h, r):
        pltpu.async_copy(
            ob.at[r],
            out_hbm.at[f, pl.ds(h * HD, HD), pl.ds(wid * BTW, BTW)],
            osem,
        )

    def wait_half(r):
        pltpu.make_async_copy(
            ob.at[r], out_hbm.at[0, pl.ds(0, HD), pl.ds(wid * BTW, BTW)], osem
        ).wait()

    def compute_half(f, q, r, h):
        @plsc.parallel_loop(0, NG)
        def gbody(g):
            btl = g // 8
            jg = (g % 8) * 16
            idxv = idx_v[f, pl.ds(g * 16, 16)]
            for dl in range(D // 2):
                d = h * (D // 2) + dl
                val = plsc.load_gather(tf.at[q, d], [idxv])
                ob[r, dl // 8, btl, dl % 8, pl.ds(jg, 16)] = val

    prefetch(0, 0)

    def step(s, carry):
        for q in range(2):
            f = s * 2 + q
            wait_table(q)

            @pl.when(f + 1 < F)
            def _():
                prefetch(f + 1, 1 - q)

            for h in range(2):
                hid = f * 2 + h
                r = lax.rem(hid, 3)

                @pl.when(hid >= 3)
                def _():
                    wait_half(r)

                compute_half(f, q, r, h)
                write_half(f, h, r)
        return carry

    lax.fori_loop(0, F // 2, step, 0)

    for _ in range(3):
        wait_half(0)


def kernel(inputs, tables):
    idx_t = inputs.T
    tab_t = jnp.pad(tables.transpose(0, 2, 1), ((0, 0), (0, 0), (0, 128 - V)))
    x = _emb_lookup(idx_t, tab_t)
    return x.transpose(2, 4, 0, 1, 3).reshape(B, F, D)

# --- scband reference (transcript-rebuilt; emitter-appended) ---
"""Pipeline reference for scband-categorical-feature-embedding-55473797595529 (READ-ONLY COPY).

The authoritative reference and input builder live on the scoring server;
editing this copy changes nothing except your own understanding.
"""

import jax, jax.numpy as jnp
import numpy as np

B = 16384
F = 26
V = 100
D = 64


def setup_inputs(seed: int = 0) -> dict:
    key = jax.random.key(seed)
    k1, k2 = jax.random.split(key)
    inputs = jax.random.randint(k1, (B, F), 0, V, dtype=jnp.int32)
    # One embedding table per categorical field, stacked: [F, V, D]
    tables = jax.random.normal(k2, (F, V, D), dtype=jnp.float32) * 0.05
    return {"inputs": inputs, "tables": tables}


def reference(inputs, tables):
    # Faithful translation of CategoricalFeatureEmbedding.call with encode=False:
    # for each field f: emb_f = embedding_layers[f](inputs[:, f])  -> [B, D]
    # stack over fields -> [F, B, D]; transpose(1,0,2) -> [B, F, D]
    feat_idx = jnp.arange(tables.shape[0], dtype=jnp.int32)  # [F]
    # advanced indexing: tables[f, inputs[b, f]] for every (b, f) -> [B, F, D]
    emb = tables[feat_idx[None, :], inputs]
    return emb

if __name__ == "__main__":
    import jax
    _d = setup_inputs()
    print(jax.jit(kernel)(*tuple(_d.values())))

</pallas_src>

<mosaic_0001>
#map = affine_map<(d0, d1) -> (0, 0)>
#map1 = affine_map<(d0, d1) -> (0, 0, 0)>
#map2 = affine_map<(d0, d1) -> (0, 0, 0, 0, 0)>
module attributes {stable_mosaic.version = 14 : i64} {
  func.func @_emb_lookup(%arg0: i32, %arg1: i32, %arg2: memref<26x16384xi32, #tpu.memory_space<hbm>>, %arg3: memref<26x64x128xf32, #tpu.memory_space<hbm>>, %arg4: memref<26x8x128x8x128xf32, #tpu.memory_space<hbm>>, %arg5: memref<26x512xi32, #tpu.memory_space<vmem>>, %arg6: memref<2x64x128xf32, #tpu.memory_space<vmem>>, %arg7: memref<3x4x4x8x128xf32, #tpu.memory_space<vmem>>, %arg8: memref<26x64x128xf32, #tpu.memory_space<vmem_shared>>, %arg9: memref<!tpu.dma_semaphore, #tpu.memory_space<semaphore_mem>>, %arg10: memref<!tpu.dma_semaphore, #tpu.memory_space<semaphore_mem>>) attributes {dimension_semantics = [#tpu.dimension_semantics<core_parallel>, #tpu.dimension_semantics<subcore_parallel>], iteration_bounds = array<i64: 2, 16>, scalar_prefetch = 0 : i64, scratch_operands = 6 : i64, tpu.core_type = #tpu.core_type<sc_vector_subcore>, window_params = [{transform_indices = #map}, {transform_indices = #map1}, {transform_indices = #map2}]} {
    %mul3A = arith.constant 2 : i32
    %mul3A_0 = arith.muli %arg1, %mul3A : i32
    %add3A = arith.addi %mul3A_0, %arg0 : i32
    %eq3A = arith.constant 0 : i32
    %eq3A_1 = arith.cmpi eq, %arg1, %eq3A : i32
    %convert_element_type3A = arith.extui %eq3A_1 : i1 to i32
    %cond3A = arith.constant 0 : i32
    %cond3A_2 = arith.cmpi ne, %convert_element_type3A, %cond3A : i32
    scf.if %cond3A_2 {
      "tpu.region"() ({
        %run_scoped3A = tpu.sem_alloc : memref<!tpu.dma_semaphore, #tpu.memory_space<semaphore_mem>>
        tpu.enqueue_dma source(%arg3 : memref<26x64x128xf32, #tpu.memory_space<hbm>>) target(%arg8 : memref<26x64x128xf32, #tpu.memory_space<vmem_shared>>) target_semaphore(%run_scoped3A : memref<!tpu.dma_semaphore, #tpu.memory_space<semaphore_mem>>)
        tpu.wait_dma2 semaphore(%run_scoped3A : memref<!tpu.dma_semaphore, #tpu.memory_space<semaphore_mem>>) src(%arg3 : memref<26x64x128xf32, #tpu.memory_space<hbm>>) dst(%arg8 : memref<26x64x128xf32, #tpu.memory_space<vmem_shared>>)
        tpu.yield
      }) : () -> ()
    } else {
    }
    %mul3A_3 = arith.constant 512 : i32
    %mul3A_4 = arith.muli %add3A, %mul3A_3 : i32
    "tpu.region"() ({
      %run_scoped3A = tpu.sem_alloc : memref<!tpu.dma_semaphore, #tpu.memory_space<semaphore_mem>>
      %dma_start3A_104 = arith.constant 0 : i32
      %dma_start3A_105 = tpu.memref_slice %arg2[%dma_start3A_104, %mul3A_4] : memref<26x16384xi32, #tpu.memory_space<hbm>> -> memref<26x512xi32, #tpu.memory_space<hbm>>
      %dma_start3A_106 = arith.constant 0 : i32
      %dma_start3A_107 = tpu.memref_slice %arg2[%dma_start3A_106, %mul3A_4] : memref<26x16384xi32, #tpu.memory_space<hbm>> -> memref<26x512xi32, #tpu.memory_space<hbm>>
      tpu.enqueue_dma source(%dma_start3A_107 : memref<26x512xi32, #tpu.memory_space<hbm>>) target(%arg5 : memref<26x512xi32, #tpu.memory_space<vmem>>) target_semaphore(%run_scoped3A : memref<!tpu.dma_semaphore, #tpu.memory_space<semaphore_mem>>)
      %dma_wait3A_108 = arith.constant 0 : i32
      %dma_wait3A_109 = tpu.memref_slice %arg2[%dma_wait3A_108, %mul3A_4] : memref<26x16384xi32, #tpu.memory_space<hbm>> -> memref<26x512xi32, #tpu.memory_space<hbm>>
      %dma_wait3A_110 = arith.constant 0 : i32
      %dma_wait3A_111 = tpu.memref_slice %arg2[%dma_wait3A_110, %mul3A_4] : memref<26x16384xi32, #tpu.memory_space<hbm>> -> memref<26x512xi32, #tpu.memory_space<hbm>>
      tpu.wait_dma2 semaphore(%run_scoped3A : memref<!tpu.dma_semaphore, #tpu.memory_space<semaphore_mem>>) src(%dma_wait3A_111 : memref<26x512xi32, #tpu.memory_space<hbm>>) dst(%arg5 : memref<26x512xi32, #tpu.memory_space<vmem>>)
      tpu.yield
    }) : () -> ()
    %barrier3A = arith.constant 0 : index
    tpu.barrier barrier_id(%barrier3A)
    %dma_start3A = arith.constant 0 : i32
    %dma_start3A_5 = arith.constant 0 : i32
    %dma_start3A_6 = arith.constant 0 : i32
    %dma_start3A_7 = arith.constant 0 : i32
    %dma_start3A_8 = tpu.memref_slice %arg6[%dma_start3A_5, %dma_start3A_6, %dma_start3A_7] : memref<2x64x128xf32, #tpu.memory_space<vmem>> -> memref<1x64x128xf32, #tpu.memory_space<vmem>>
    %dma_start3A_9 = tpu.memref_squeeze %dma_start3A_8 : memref<1x64x128xf32, #tpu.memory_space<vmem>> -> memref<64x128xf32, #tpu.memory_space<vmem>>
    %dma_start3A_10 = arith.constant 0 : i32
    %dma_start3A_11 = arith.constant 0 : i32
    %dma_start3A_12 = tpu.memref_slice %arg8[%dma_start3A, %dma_start3A_10, %dma_start3A_11] : memref<26x64x128xf32, #tpu.memory_space<vmem_shared>> -> memref<1x64x128xf32, #tpu.memory_space<vmem_shared>>
    %dma_start3A_13 = tpu.memref_squeeze %dma_start3A_12 : memref<1x64x128xf32, #tpu.memory_space<vmem_shared>> -> memref<64x128xf32, #tpu.memory_space<vmem_shared>>
    %dma_start3A_14 = arith.constant 0 : i32
    %dma_start3A_15 = arith.constant 0 : i32
    %dma_start3A_16 = tpu.memref_slice %arg6[%dma_start3A_5, %dma_start3A_14, %dma_start3A_15] : memref<2x64x128xf32, #tpu.memory_space<vmem>> -> memref<1x64x128xf32, #tpu.memory_space<vmem>>
    %dma_start3A_17 = tpu.memref_squeeze %dma_start3A_16 : memref<1x64x128xf32, #tpu.memory_space<vmem>> -> memref<64x128xf32, #tpu.memory_space<vmem>>
    %dma_start3A_18 = arith.constant 0 : i32
    %dma_start3A_19 = arith.constant 0 : i32
    %dma_start3A_20 = tpu.memref_slice %arg8[%dma_start3A, %dma_start3A_18, %dma_start3A_19] : memref<26x64x128xf32, #tpu.memory_space<vmem_shared>> -> memref<1x64x128xf32, #tpu.memory_space<vmem_shared>>
    %dma_start3A_21 = tpu.memref_squeeze %dma_start3A_20 : memref<1x64x128xf32, #tpu.memory_space<vmem_shared>> -> memref<64x128xf32, #tpu.memory_space<vmem_shared>>
    tpu.enqueue_dma source(%dma_start3A_21 : memref<64x128xf32, #tpu.memory_space<vmem_shared>>) target(%dma_start3A_17 : memref<64x128xf32, #tpu.memory_space<vmem>>) target_semaphore(%arg9 : memref<!tpu.dma_semaphore, #tpu.memory_space<semaphore_mem>>)
    %scan3A = arith.constant 0 : i32
    %scan3A_22 = arith.constant 0 : i32
    %scan3A_23 = arith.constant 13 : i32
    %scan3A_24 = arith.addi %scan3A_22, %scan3A_23 : i32
    %scan3A_25 = arith.constant 1 : i32
    scf.for %scan3A_104 = %scan3A_22 to %scan3A_24 step %scan3A_25  : i32 {
      %mul3A_105 = arith.constant 2 : i32
      %mul3A_106 = arith.muli %scan3A_104, %mul3A_105 : i32
      %add3A_107 = arith.constant 0 : i32
      %add3A_108 = arith.addi %mul3A_106, %add3A_107 : i32
      %dma_wait3A_109 = arith.constant 0 : i32
      %dma_wait3A_110 = arith.constant 0 : i32
      %dma_wait3A_111 = arith.constant 0 : i32
      %dma_wait3A_112 = arith.constant 0 : i32
      %dma_wait3A_113 = tpu.memref_slice %arg6[%dma_wait3A_110, %dma_wait3A_111, %dma_wait3A_112] : memref<2x64x128xf32, #tpu.memory_space<vmem>> -> memref<1x64x128xf32, #tpu.memory_space<vmem>>
      %dma_wait3A_114 = tpu.memref_squeeze %dma_wait3A_113 : memref<1x64x128xf32, #tpu.memory_space<vmem>> -> memref<64x128xf32, #tpu.memory_space<vmem>>
      %dma_wait3A_115 = arith.constant 0 : i32
      %dma_wait3A_116 = arith.constant 0 : i32
      %dma_wait3A_117 = tpu.memref_slice %arg8[%dma_wait3A_109, %dma_wait3A_115, %dma_wait3A_116] : memref<26x64x128xf32, #tpu.memory_space<vmem_shared>> -> memref<1x64x128xf32, #tpu.memory_space<vmem_shared>>
      %dma_wait3A_118 = tpu.memref_squeeze %dma_wait3A_117 : memref<1x64x128xf32, #tpu.memory_space<vmem_shared>> -> memref<64x128xf32, #tpu.memory_space<vmem_shared>>
      %dma_wait3A_119 = arith.constant 0 : i32
      %dma_wait3A_120 = arith.constant 0 : i32
      %dma_wait3A_121 = tpu.memref_slice %arg6[%dma_wait3A_110, %dma_wait3A_119, %dma_wait3A_120] : memref<2x64x128xf32, #tpu.memory_space<vmem>> -> memref<1x64x128xf32, #tpu.memory_space<vmem>>
      %dma_wait3A_122 = tpu.memref_squeeze %dma_wait3A_121 : memref<1x64x128xf32, #tpu.memory_space<vmem>> -> memref<64x128xf32, #tpu.memory_space<vmem>>
      %dma_wait3A_123 = arith.constant 0 : i32
      %dma_wait3A_124 = arith.constant 0 : i32
      %dma_wait3A_125 = tpu.memref_slice %arg8[%dma_wait3A_109, %dma_wait3A_123, %dma_wait3A_124] : memref<26x64x128xf32, #tpu.memory_space<vmem_shared>> -> memref<1x64x128xf32, #tpu.memory_space<vmem_shared>>
      %dma_wait3A_126 = tpu.memref_squeeze %dma_wait3A_125 : memref<1x64x128xf32, #tpu.memory_space<vmem_shared>> -> memref<64x128xf32, #tpu.memory_space<vmem_shared>>
      tpu.wait_dma2 semaphore(%arg9 : memref<!tpu.dma_semaphore, #tpu.memory_space<semaphore_mem>>) src(%dma_wait3A_126 : memref<64x128xf32, #tpu.memory_space<vmem_shared>>) dst(%dma_wait3A_122 : memref<64x128xf32, #tpu.memory_space<vmem>>)
      %add3A_127 = arith.constant 1 : i32
      %add3A_128 = arith.addi %add3A_108, %add3A_127 : i32
      %lt3A = arith.constant 26 : i32
      %lt3A_129 = arith.cmpi slt, %add3A_128, %lt3A : i32
      %convert_element_type3A_130 = arith.extui %lt3A_129 : i1 to i32
      %cond3A_131 = arith.constant 0 : i32
      %cond3A_132 = arith.cmpi ne, %convert_element_type3A_130, %cond3A_131 : i32
      scf.if %cond3A_132 {
        %add3A_311 = arith.constant 1 : i32
        %add3A_312 = arith.addi %add3A_108, %add3A_311 : i32
        %dma_start3A_313 = arith.constant 1 : i32
        %dma_start3A_314 = arith.constant 0 : i32
        %dma_start3A_315 = arith.constant 0 : i32
        %dma_start3A_316 = tpu.memref_slice %arg6[%dma_start3A_313, %dma_start3A_314, %dma_start3A_315] : memref<2x64x128xf32, #tpu.memory_space<vmem>> -> memref<1x64x128xf32, #tpu.memory_space<vmem>>
        %dma_start3A_317 = tpu.memref_squeeze %dma_start3A_316 : memref<1x64x128xf32, #tpu.memory_space<vmem>> -> memref<64x128xf32, #tpu.memory_space<vmem>>
        %dma_start3A_318 = arith.constant 0 : i32
        %dma_start3A_319 = arith.constant 0 : i32
        %dma_start3A_320 = tpu.memref_slice %arg8[%add3A_312, %dma_start3A_318, %dma_start3A_319] : memref<26x64x128xf32, #tpu.memory_space<vmem_shared>> -> memref<1x64x128xf32, #tpu.memory_space<vmem_shared>>
        %dma_start3A_321 = tpu.memref_squeeze %dma_start3A_320 : memref<1x64x128xf32, #tpu.memory_space<vmem_shared>> -> memref<64x128xf32, #tpu.memory_space<vmem_shared>>
        %dma_start3A_322 = arith.constant 0 : i32
        %dma_start3A_323 = arith.constant 0 : i32
        %dma_start3A_324 = tpu.memref_slice %arg6[%dma_start3A_313, %dma_start3A_322, %dma_start3A_323] : memref<2x64x128xf32, #tpu.memory_space<vmem>> -> memref<1x64x128xf32, #tpu.memory_space<vmem>>
        %dma_start3A_325 = tpu.memref_squeeze %dma_start3A_324 : memref<1x64x128xf32, #tpu.memory_space<vmem>> -> memref<64x128xf32, #tpu.memory_space<vmem>>
        %dma_start3A_326 = arith.constant 0 : i32
        %dma_start3A_327 = arith.constant 0 : i32
        %dma_start3A_328 = tpu.memref_slice %arg8[%add3A_312, %dma_start3A_326, %dma_start3A_327] : memref<26x64x128xf32, #tpu.memory_space<vmem_shared>> -> memref<1x64x128xf32, #tpu.memory_space<vmem_shared>>
        %dma_start3A_329 = tpu.memref_squeeze %dma_start3A_328 : memref<1x64x128xf32, #tpu.memory_space<vmem_shared>> -> memref<64x128xf32, #tpu.memory_space<vmem_shared>>
        tpu.enqueue_dma source(%dma_start3A_329 : memref<64x128xf32, #tpu.memory_space<vmem_shared>>) target(%dma_start3A_325 : memref<64x128xf32, #tpu.memory_space<vmem>>) target_semaphore(%arg9 : memref<!tpu.dma_semaphore, #tpu.memory_space<semaphore_mem>>)
      } else {
      }
      %mul3A_133 = arith.constant 2 : i32
      %mul3A_134 = arith.muli %add3A_108, %mul3A_133 : i32
      %add3A_135 = arith.constant 0 : i32
      %add3A_136 = arith.addi %mul3A_134, %add3A_135 : i32
      %rem3A = arith.constant 3 : i32
      %rem3A_137 = arith.remsi %add3A_136, %rem3A : i32
      %ge3A = arith.constant 3 : i32
      %ge3A_138 = arith.cmpi sge, %add3A_136, %ge3A : i32
      %convert_element_type3A_139 = arith.extui %ge3A_138 : i1 to i32
      %cond3A_140 = arith.constant 0 : i32
      %cond3A_141 = arith.cmpi ne, %convert_element_type3A_139, %cond3A_140 : i32
      scf.if %cond3A_141 {
        %mul3A_311 = arith.constant 4 : i32
        %mul3A_312 = arith.muli %add3A, %mul3A_311 : i32
        %dma_wait3A_313 = arith.constant 0 : i32
        %dma_wait3A_314 = arith.constant 0 : i32
        %dma_wait3A_315 = arith.constant 0 : i32
        %dma_wait3A_316 = arith.constant 0 : i32
        %dma_wait3A_317 = arith.constant 0 : i32
        %dma_wait3A_318 = tpu.memref_slice %arg7[%rem3A_137, %dma_wait3A_314, %dma_wait3A_315, %dma_wait3A_316, %dma_wait3A_317] : memref<3x4x4x8x128xf32, #tpu.memory_space<vmem>> -> memref<1x4x4x8x128xf32, #tpu.memory_space<vmem>>
        %dma_wait3A_319 = tpu.memref_squeeze %dma_wait3A_318 : memref<1x4x4x8x128xf32, #tpu.memory_space<vmem>> -> memref<4x4x8x128xf32, #tpu.memory_space<vmem>>
        %dma_wait3A_320 = arith.constant 0 : i32
        %dma_wait3A_321 = arith.constant 0 : i32
        %dma_wait3A_322 = arith.constant 0 : i32
        %dma_wait3A_323 = tpu.memref_slice %arg4[%dma_wait3A_313, %dma_wait3A_320, %mul3A_312, %dma_wait3A_321, %dma_wait3A_322] : memref<26x8x128x8x128xf32, #tpu.memory_space<hbm>> -> memref<1x4x4x8x128xf32, #tpu.memory_space<hbm>>
        %dma_wait3A_324 = tpu.memref_squeeze %dma_wait3A_323 : memref<1x4x4x8x128xf32, #tpu.memory_space<hbm>> -> memref<4x4x8x128xf32, #tpu.memory_space<hbm>>
        %dma_wait3A_325 = arith.constant 0 : i32
        %dma_wait3A_326 = arith.constant 0 : i32
        %dma_wait3A_327 = arith.constant 0 : i32
        %dma_wait3A_328 = tpu.memref_slice %arg4[%dma_wait3A_313, %dma_wait3A_325, %mul3A_312, %dma_wait3A_326, %dma_wait3A_327] : memref<26x8x128x8x128xf32, #tpu.memory_space<hbm>> -> memref<1x4x4x8x128xf32, #tpu.memory_space<hbm>>
        %dma_wait3A_329 = tpu.memref_squeeze %dma_wait3A_328 : memref<1x4x4x8x128xf32, #tpu.memory_space<hbm>> -> memref<4x4x8x128xf32, #tpu.memory_space<hbm>>
        %dma_wait3A_330 = arith.constant 0 : i32
        %dma_wait3A_331 = arith.constant 0 : i32
        %dma_wait3A_332 = arith.constant 0 : i32
        %dma_wait3A_333 = arith.constant 0 : i32
        %dma_wait3A_334 = tpu.memref_slice %arg7[%rem3A_137, %dma_wait3A_330, %dma_wait3A_331, %dma_wait3A_332, %dma_wait3A_333] : memref<3x4x4x8x128xf32, #tpu.memory_space<vmem>> -> memref<1x4x4x8x128xf32, #tpu.memory_space<vmem>>
        %dma_wait3A_335 = tpu.memref_squeeze %dma_wait3A_334 : memref<1x4x4x8x128xf32, #tpu.memory_space<vmem>> -> memref<4x4x8x128xf32, #tpu.memory_space<vmem>>
        tpu.wait_dma2 semaphore(%arg10 : memref<!tpu.dma_semaphore, #tpu.memory_space<semaphore_mem>>) src(%dma_wait3A_335 : memref<4x4x8x128xf32, #tpu.memory_space<vmem>>) dst(%dma_wait3A_329 : memref<4x4x8x128xf32, #tpu.memory_space<hbm>>)
      } else {
      }
      %parallel_loop3A = arith.constant 0 : i32
      %parallel_loop3A_142 = arith.constant 32 : i32
      %parallel_loop3A_143 = arith.constant 1 : i32
      scf.for %parallel_loop3A_311 = %parallel_loop3A to %parallel_loop3A_142 step %parallel_loop3A_143  : i32 {
        %parallel_loop3A_312 = arith.constant 8 : i32
        %parallel_loop3A_313 = arith.divsi %parallel_loop3A_311, %parallel_loop3A_312 : i32
        %parallel_loop3A_314 = arith.constant 0 : i32
        %parallel_loop3A_315 = arith.cmpi sgt, %parallel_loop3A_311, %parallel_loop3A_314 : i32
        %parallel_loop3A_316 = arith.extui %parallel_loop3A_315 : i1 to i32
        %parallel_loop3A_317 = arith.constant 0 : i32
        %parallel_loop3A_318 = arith.cmpi slt, %parallel_loop3A_311, %parallel_loop3A_317 : i32
        %parallel_loop3A_319 = arith.extui %parallel_loop3A_318 : i1 to i32
        %parallel_loop3A_320 = arith.subi %parallel_loop3A_316, %parallel_loop3A_319 : i32
        %parallel_loop3A_321 = arith.constant 0 : i32
        %parallel_loop3A_322 = arith.cmpi sgt, %parallel_loop3A_312, %parallel_loop3A_321 : i32
        %parallel_loop3A_323 = arith.extui %parallel_loop3A_322 : i1 to i32
        %parallel_loop3A_324 = arith.constant 0 : i32
        %parallel_loop3A_325 = arith.cmpi slt, %parallel_loop3A_312, %parallel_loop3A_324 : i32
        %parallel_loop3A_326 = arith.extui %parallel_loop3A_325 : i1 to i32
        %parallel_loop3A_327 = arith.subi %parallel_loop3A_323, %parallel_loop3A_326 : i32
        %parallel_loop3A_328 = arith.cmpi ne, %parallel_loop3A_320, %parallel_loop3A_327 : i32
        %parallel_loop3A_329 = arith.remsi %parallel_loop3A_311, %parallel_loop3A_312 : i32
        %parallel_loop3A_330 = arith.constant 0 : i32
        %parallel_loop3A_331 = arith.cmpi ne, %parallel_loop3A_329, %parallel_loop3A_330 : i32
        %parallel_loop3A_332 = arith.andi %parallel_loop3A_328, %parallel_loop3A_331 : i1
        %parallel_loop3A_333 = arith.constant 1 : i32
        %parallel_loop3A_334 = arith.subi %parallel_loop3A_313, %parallel_loop3A_333 : i32
        %parallel_loop3A_335 = arith.select %parallel_loop3A_332, %parallel_loop3A_334, %parallel_loop3A_313 : i32
        %parallel_loop3A_336 = arith.constant 8 : i32
        %parallel_loop3A_337 = arith.constant 0 : i32
        %parallel_loop3A_338 = arith.cmpi eq, %parallel_loop3A_336, %parallel_loop3A_337 : i32
        %parallel_loop3A_339 = arith.constant 1 : i32
        %parallel_loop3A_340 = arith.select %parallel_loop3A_338, %parallel_loop3A_339, %parallel_loop3A_336 : i32
        %parallel_loop3A_341 = arith.remsi %parallel_loop3A_311, %parallel_loop3A_340 : i32
        %parallel_loop3A_342 = arith.constant 0 : i32
        %parallel_loop3A_343 = arith.cmpi ne, %parallel_loop3A_341, %parallel_loop3A_342 : i32
        %parallel_loop3A_344 = arith.constant 0 : i32
        %parallel_loop3A_345 = arith.cmpi slt, %parallel_loop3A_341, %parallel_loop3A_344 : i32
        %parallel_loop3A_346 = arith.constant 0 : i32
        %parallel_loop3A_347 = arith.cmpi slt, %parallel_loop3A_340, %parallel_loop3A_346 : i32
        %parallel_loop3A_348 = arith.xori %parallel_loop3A_345, %parallel_loop3A_347 : i1
        %parallel_loop3A_349 = arith.andi %parallel_loop3A_348, %parallel_loop3A_343 : i1
        %parallel_loop3A_350 = arith.addi %parallel_loop3A_341, %parallel_loop3A_340 : i32
        %parallel_loop3A_351 = arith.select %parallel_loop3A_349, %parallel_loop3A_350, %parallel_loop3A_341 : i32
        %parallel_loop3A_352 = arith.constant 16 : i32
        %parallel_loop3A_353 = arith.muli %parallel_loop3A_351, %parallel_loop3A_352 : i32
        %parallel_loop3A_354 = arith.constant 16 : i32
        %parallel_loop3A_355 = arith.muli %parallel_loop3A_311, %parallel_loop3A_354 : i32
        %parallel_loop3A_356 = arith.index_cast %add3A_108 : i32 to index
        %parallel_loop3A_357 = arith.index_cast %parallel_loop3A_355 : i32 to index
        %parallel_loop3A_358 = tpu.vector_load %arg5[%parallel_loop3A_356, %parallel_loop3A_357] {strides = array<i32>} : memref<26x512xi32, #tpu.memory_space<vmem>>, vector<16xi32>,
        %parallel_loop3A_359 = arith.constant 0 : i32
        %parallel_loop3A_360 = arith.constant 0 : i32
        %parallel_loop3A_361 = arith.constant 0 : i32
        %parallel_loop3A_362 = tpu.memref_slice %arg6[%parallel_loop3A_359, %parallel_loop3A_360, %parallel_loop3A_361] : memref<2x64x128xf32, #tpu.memory_space<vmem>> -> memref<1x1x128xf32, #tpu.memory_space<vmem>>
        %parallel_loop3A_363 = tpu.memref_squeeze %parallel_loop3A_362 : memref<1x1x128xf32, #tpu.memory_space<vmem>> -> memref<128xf32, #tpu.memory_space<vmem>>
        %parallel_loop3A_364 = tpu.vector_load_idx %parallel_loop3A_363[%parallel_loop3A_358] : memref<128xf32, #tpu.memory_space<vmem>>[vector<16xi32>], vector<16xf32>,
        %parallel_loop3A_365 = arith.constant 0 : i32
        %parallel_loop3A_366 = arith.constant 0 : i32
        %parallel_loop3A_367 = arith.index_cast %rem3A_137 : i32 to index
        %parallel_loop3A_368 = arith.index_cast %parallel_loop3A_365 : i32 to index
        %parallel_loop3A_369 = arith.index_cast %parallel_loop3A_335 : i32 to index
        %parallel_loop3A_370 = arith.index_cast %parallel_loop3A_366 : i32 to index
        %parallel_loop3A_371 = arith.index_cast %parallel_loop3A_353 : i32 to index
        %parallel_loop3A_372 = tpu.vector_load %arg7[%parallel_loop3A_367, %parallel_loop3A_368, %parallel_loop3A_369, %parallel_loop3A_370, %parallel_loop3A_371] {strides = array<i32>} : memref<3x4x4x8x128xf32, #tpu.memory_space<vmem>>, vector<16xf32>,
        tpu.vector_store %arg7[%parallel_loop3A_367, %parallel_loop3A_368, %parallel_loop3A_369, %parallel_loop3A_370, %parallel_loop3A_371], %parallel_loop3A_364 {strides = array<i32>} : memref<3x4x4x8x128xf32, #tpu.memory_space<vmem>>, vector<16xf32>,
        %parallel_loop3A_373 = arith.constant 0 : i32
        %parallel_loop3A_374 = arith.constant 1 : i32
        %parallel_loop3A_375 = arith.constant 0 : i32
        %parallel_loop3A_376 = tpu.memref_slice %arg6[%parallel_loop3A_373, %parallel_loop3A_374, %parallel_loop3A_375] : memref<2x64x128xf32, #tpu.memory_space<vmem>> -> memref<1x1x128xf32, #tpu.memory_space<vmem>>
        %parallel_loop3A_377 = tpu.memref_squeeze %parallel_loop3A_376 : memref<1x1x128xf32, #tpu.memory_space<vmem>> -> memref<128xf32, #tpu.memory_space<vmem>>
        %parallel_loop3A_378 = tpu.vector_load_idx %parallel_loop3A_377[%parallel_loop3A_358] : memref<128xf32, #tpu.memory_space<vmem>>[vector<16xi32>], vector<16xf32>,
        %parallel_loop3A_379 = arith.constant 0 : i32
        %parallel_loop3A_380 = arith.constant 1 : i32
        %parallel_loop3A_381 = arith.index_cast %rem3A_137 : i32 to index
        %parallel_loop3A_382 = arith.index_cast %parallel_loop3A_379 : i32 to index
        %parallel_loop3A_383 = arith.index_cast %parallel_loop3A_335 : i32 to index
        %parallel_loop3A_384 = arith.index_cast %parallel_loop3A_380 : i32 to index
        %parallel_loop3A_385 = arith.index_cast %parallel_loop3A_353 : i32 to index
        %parallel_loop3A_386 = tpu.vector_load %arg7[%parallel_loop3A_381, %parallel_loop3A_382, %parallel_loop3A_383, %parallel_loop3A_384, %parallel_loop3A_385] {strides = array<i32>} : memref<3x4x4x8x128xf32, #tpu.memory_space<vmem>>, vector<16xf32>,
        tpu.vector_store %arg7[%parallel_loop3A_381, %parallel_loop3A_382, %parallel_loop3A_383, %parallel_loop3A_384, %parallel_loop3A_385], %parallel_loop3A_378 {strides = array<i32>} : memref<3x4x4x8x128xf32, #tpu.memory_space<vmem>>, vector<16xf32>,
        %parallel_loop3A_387 = arith.constant 0 : i32
        %parallel_loop3A_388 = arith.constant 2 : i32
        %parallel_loop3A_389 = arith.constant 0 : i32
        %parallel_loop3A_390 = tpu.memref_slice %arg6[%parallel_loop3A_387, %parallel_loop3A_388, %parallel_loop3A_389] : memref<2x64x128xf32, #tpu.memory_space<vmem>> -> memref<1x1x128xf32, #tpu.memory_space<vmem>>
        %parallel_loop3A_391 = tpu.memref_squeeze %parallel_loop3A_390 : memref<1x1x128xf32, #tpu.memory_space<vmem>> -> memref<128xf32, #tpu.memory_space<vmem>>
        %parallel_loop3A_392 = tpu.vector_load_idx %parallel_loop3A_391[%parallel_loop3A_358] : memref<128xf32, #tpu.memory_space<vmem>>[vector<16xi32>], vector<16xf32>,
        %parallel_loop3A_393 = arith.constant 0 : i32
        %parallel_loop3A_394 = arith.constant 2 : i32
        %parallel_loop3A_395 = arith.index_cast %rem3A_137 : i32 to index
        %parallel_loop3A_396 = arith.index_cast %parallel_loop3A_393 : i32 to index
        %parallel_loop3A_397 = arith.index_cast %parallel_loop3A_335 : i32 to index
        %parallel_loop3A_398 = arith.index_cast %parallel_loop3A_394 : i32 to index
        %parallel_loop3A_399 = arith.index_cast %parallel_loop3A_353 : i32 to index
        %parallel_loop3A_400 = tpu.vector_load %arg7[%parallel_loop3A_395, %parallel_loop3A_396, %parallel_loop3A_397, %parallel_loop3A_398, %parallel_loop3A_399] {strides = array<i32>} : memref<3x4x4x8x128xf32, #tpu.memory_space<vmem>>, vector<16xf32>,
        tpu.vector_store %arg7[%parallel_loop3A_395, %parallel_loop3A_396, %parallel_loop3A_397, %parallel_loop3A_398, %parallel_loop3A_399], %parallel_loop3A_392 {strides = array<i32>} : memref<3x4x4x8x128xf32, #tpu.memory_space<vmem>>, vector<16xf32>,
        %parallel_loop3A_401 = arith.constant 0 : i32
        %parallel_loop3A_402 = arith.constant 3 : i32
        %parallel_loop3A_403 = arith.constant 0 : i32
        %parallel_loop3A_404 = tpu.memref_slice %arg6[%parallel_loop3A_401, %parallel_loop3A_402, %parallel_loop3A_403] : memref<2x64x128xf32, #tpu.memory_space<vmem>> -> memref<1x1x128xf32, #tpu.memory_space<vmem>>
        %parallel_loop3A_405 = tpu.memref_squeeze %parallel_loop3A_404 : memref<1x1x128xf32, #tpu.memory_space<vmem>> -> memref<128xf32, #tpu.memory_space<vmem>>
        %parallel_loop3A_406 = tpu.vector_load_idx %parallel_loop3A_405[%parallel_loop3A_358] : memref<128xf32, #tpu.memory_space<vmem>>[vector<16xi32>], vector<16xf32>,
        %parallel_loop3A_407 = arith.constant 0 : i32
        %parallel_loop3A_408 = arith.constant 3 : i32
        %parallel_loop3A_409 = arith.index_cast %rem3A_137 : i32 to index
        %parallel_loop3A_410 = arith.index_cast %parallel_loop3A_407 : i32 to index
        %parallel_loop3A_411 = arith.index_cast %parallel_loop3A_335 : i32 to index
        %parallel_loop3A_412 = arith.index_cast %parallel_loop3A_408 : i32 to index
        %parallel_loop3A_413 = arith.index_cast %parallel_loop3A_353 : i32 to index
        %parallel_loop3A_414 = tpu.vector_load %arg7[%parallel_loop3A_409, %parallel_loop3A_410, %parallel_loop3A_411, %parallel_loop3A_412, %parallel_loop3A_413] {strides = array<i32>} : memref<3x4x4x8x128xf32, #tpu.memory_space<vmem>>, vector<16xf32>,
        tpu.vector_store %arg7[%parallel_loop3A_409, %parallel_loop3A_410, %parallel_loop3A_411, %parallel_loop3A_412, %parallel_loop3A_413], %parallel_loop3A_406 {strides = array<i32>} : memref<3x4x4x8x128xf32, #tpu.memory_space<vmem>>, vector<16xf32>,
        %parallel_loop3A_415 = arith.constant 0 : i32
        %parallel_loop3A_416 = arith.constant 4 : i32
        %parallel_loop3A_417 = arith.constant 0 : i32
        %parallel_loop3A_418 = tpu.memref_slice %arg6[%parallel_loop3A_415, %parallel_loop3A_416, %parallel_loop3A_417] : memref<2x64x128xf32, #tpu.memory_space<vmem>> -> memref<1x1x128xf32, #tpu.memory_space<vmem>>
        %parallel_loop3A_419 = tpu.memref_squeeze %parallel_loop3A_418 : memref<1x1x128xf32, #tpu.memory_space<vmem>> -> memref<128xf32, #tpu.memory_space<vmem>>
        %parallel_loop3A_420 = tpu.vector_load_idx %parallel_loop3A_419[%parallel_loop3A_358] : memref<128xf32, #tpu.memory_space<vmem>>[vector<16xi32>], vector<16xf32>,
        %parallel_loop3A_421 = arith.constant 0 : i32
        %parallel_loop3A_422 = arith.constant 4 : i32
        %parallel_loop3A_423 = arith.index_cast %rem3A_137 : i32 to index
        %parallel_loop3A_424 = arith.index_cast %parallel_loop3A_421 : i32 to index
        %parallel_loop3A_425 = arith.index_cast %parallel_loop3A_335 : i32 to index
        %parallel_loop3A_426 = arith.index_cast %parallel_loop3A_422 : i32 to index
        %parallel_loop3A_427 = arith.index_cast %parallel_loop3A_353 : i32 to index
        %parallel_loop3A_428 = tpu.vector_load %arg7[%parallel_loop3A_423, %parallel_loop3A_424, %parallel_loop3A_425, %parallel_loop3A_426, %parallel_loop3A_427] {strides = array<i32>} : memref<3x4x4x8x128xf32, #tpu.memory_space<vmem>>, vector<16xf32>,
        tpu.vector_store %arg7[%parallel_loop3A_423, %parallel_loop3A_424, %parallel_loop3A_425, %parallel_loop3A_426, %parallel_loop3A_427], %parallel_loop3A_420 {strides = array<i32>} : memref<3x4x4x8x128xf32, #tpu.memory_space<vmem>>, vector<16xf32>,
        %parallel_loop3A_429 = arith.constant 0 : i32
        %parallel_loop3A_430 = arith.constant 5 : i32
        %parallel_loop3A_431 = arith.constant 0 : i32
        %parallel_loop3A_432 = tpu.memref_slice %arg6[%parallel_loop3A_429, %parallel_loop3A_430, %parallel_loop3A_431] : memref<2x64x128xf32, #tpu.memory_space<vmem>> -> memref<1x1x128xf32, #tpu.memory_space<vmem>>
        %parallel_loop3A_433 = tpu.memref_squeeze %parallel_loop3A_432 : memref<1x1x128xf32, #tpu.memory_space<vmem>> -> memref<128xf32, #tpu.memory_space<vmem>>
        %parallel_loop3A_434 = tpu.vector_load_idx %parallel_loop3A_433[%parallel_loop3A_358] : memref<128xf32, #tpu.memory_space<vmem>>[vector<16xi32>], vector<16xf32>,
        %parallel_loop3A_435 = arith.constant 0 : i32
        %parallel_loop3A_436 = arith.constant 5 : i32
        %parallel_loop3A_437 = arith.index_cast %rem3A_137 : i32 to index
        %parallel_loop3A_438 = arith.index_cast %parallel_loop3A_435 : i32 to index
        %parallel_loop3A_439 = arith.index_cast %parallel_loop3A_335 : i32 to index
        %parallel_loop3A_440 = arith.index_cast %parallel_loop3A_436 : i32 to index
        %parallel_loop3A_441 = arith.index_cast %parallel_loop3A_353 : i32 to index
        %parallel_loop3A_442 = tpu.vector_load %arg7[%parallel_loop3A_437, %parallel_loop3A_438, %parallel_loop3A_439, %parallel_loop3A_440, %parallel_loop3A_441] {strides = array<i32>} : memref<3x4x4x8x128xf32, #tpu.memory_space<vmem>>, vector<16xf32>,
        tpu.vector_store %arg7[%parallel_loop3A_437, %parallel_loop3A_438, %parallel_loop3A_439, %parallel_loop3A_440, %parallel_loop3A_441], %parallel_loop3A_434 {strides = array<i32>} : memref<3x4x4x8x128xf32, #tpu.memory_space<vmem>>, vector<16xf32>,
        %parallel_loop3A_443 = arith.constant 0 : i32
        %parallel_loop3A_444 = arith.constant 6 : i32
        %parallel_loop3A_445 = arith.constant 0 : i32
        %parallel_loop3A_446 = tpu.memref_slice %arg6[%parallel_loop3A_443, %parallel_loop3A_444, %parallel_loop3A_445] : memref<2x64x128xf32, #tpu.memory_space<vmem>> -> memref<1x1x128xf32, #tpu.memory_space<vmem>>
        %parallel_loop3A_447 = tpu.memref_squeeze %parallel_loop3A_446 : memref<1x1x128xf32, #tpu.memory_space<vmem>> -> memref<128xf32, #tpu.memory_space<vmem>>
        %parallel_loop3A_448 = tpu.vector_load_idx %parallel_loop3A_447[%parallel_loop3A_358] : memref<128xf32, #tpu.memory_space<vmem>>[vector<16xi32>], vector<16xf32>,
        %parallel_loop3A_449 = arith.constant 0 : i32
        %parallel_loop3A_450 = arith.constant 6 : i32
        %parallel_loop3A_451 = arith.index_cast %rem3A_137 : i32 to index
        %parallel_loop3A_452 = arith.index_cast %parallel_loop3A_449 : i32 to index
        %parallel_loop3A_453 = arith.index_cast %parallel_loop3A_335 : i32 to index
        %parallel_loop3A_454 = arith.index_cast %parallel_loop3A_450 : i32 to index
        %parallel_loop3A_455 = arith.index_cast %parallel_loop3A_353 : i32 to index
        %parallel_loop3A_456 = tpu.vector_load %arg7[%parallel_loop3A_451, %parallel_loop3A_452, %parallel_loop3A_453, %parallel_loop3A_454, %parallel_loop3A_455] {strides = array<i32>} : memref<3x4x4x8x128xf32, #tpu.memory_space<vmem>>, vector<16xf32>,
        tpu.vector_store %arg7[%parallel_loop3A_451, %parallel_loop3A_452, %parallel_loop3A_453, %parallel_loop3A_454, %parallel_loop3A_455], %parallel_loop3A_448 {strides = array<i32>} : memref<3x4x4x8x128xf32, #tpu.memory_space<vmem>>, vector<16xf32>,
        %parallel_loop3A_457 = arith.constant 0 : i32
        %parallel_loop3A_458 = arith.constant 7 : i32
        %parallel_loop3A_459 = arith.constant 0 : i32
        %parallel_loop3A_460 = tpu.memref_slice %arg6[%parallel_loop3A_457, %parallel_loop3A_458, %parallel_loop3A_459] : memref<2x64x128xf32, #tpu.memory_space<vmem>> -> memref<1x1x128xf32, #tpu.memory_space<vmem>>
        %parallel_loop3A_461 = tpu.memref_squeeze %parallel_loop3A_460 : memref<1x1x128xf32, #tpu.memory_space<vmem>> -> memref<128xf32, #tpu.memory_space<vmem>>
        %parallel_loop3A_462 = tpu.vector_load_idx %parallel_loop3A_461[%parallel_loop3A_358] : memref<128xf32, #tpu.memory_space<vmem>>[vector<16xi32>], vector<16xf32>,
        %parallel_loop3A_463 = arith.constant 0 : i32
        %parallel_loop3A_464 = arith.constant 7 : i32
        %parallel_loop3A_465 = arith.index_cast %rem3A_137 : i32 to index
        %parallel_loop3A_466 = arith.index_cast %parallel_loop3A_463 : i32 to index
        %parallel_loop3A_467 = arith.index_cast %parallel_loop3A_335 : i32 to index
        %parallel_loop3A_468 = arith.index_cast %parallel_loop3A_464 : i32 to index
        %parallel_loop3A_469 = arith.index_cast %parallel_loop3A_353 : i32 to index
        %parallel_loop3A_470 = tpu.vector_load %arg7[%parallel_loop3A_465, %parallel_loop3A_466, %parallel_loop3A_467, %parallel_loop3A_468, %parallel_loop3A_469] {strides = array<i32>} : memref<3x4x4x8x128xf32, #tpu.memory_space<vmem>>, vector<16xf32>,
        tpu.vector_store %arg7[%parallel_loop3A_465, %parallel_loop3A_466, %parallel_loop3A_467, %parallel_loop3A_468, %parallel_loop3A_469], %parallel_loop3A_462 {strides = array<i32>} : memref<3x4x4x8x128xf32, #tpu.memory_space<vmem>>, vector<16xf32>,
        %parallel_loop3A_471 = arith.constant 0 : i32
        %parallel_loop3A_472 = arith.constant 8 : i32
        %parallel_loop3A_473 = arith.constant 0 : i32
        %parallel_loop3A_474 = tpu.memref_slice %arg6[%parallel_loop3A_471, %parallel_loop3A_472, %parallel_loop3A_473] : memref<2x64x128xf32, #tpu.memory_space<vmem>> -> memref<1x1x128xf32, #tpu.memory_space<vmem>>
        %parallel_loop3A_475 = tpu.memref_squeeze %parallel_loop3A_474 : memref<1x1x128xf32, #tpu.memory_space<vmem>> -> memref<128xf32, #tpu.memory_space<vmem>>
        %parallel_loop3A_476 = tpu.vector_load_idx %parallel_loop3A_475[%parallel_loop3A_358] : memref<128xf32, #tpu.memory_space<vmem>>[vector<16xi32>], vector<16xf32>,
        %parallel_loop3A_477 = arith.constant 1 : i32
        %parallel_loop3A_478 = arith.constant 0 : i32
        %parallel_loop3A_479 = arith.index_cast %rem3A_137 : i32 to index
        %parallel_loop3A_480 = arith.index_cast %parallel_loop3A_477 : i32 to index
        %parallel_loop3A_481 = arith.index_cast %parallel_loop3A_335 : i32 to index
        %parallel_loop3A_482 = arith.index_cast %parallel_loop3A_478 : i32 to index
        %parallel_loop3A_483 = arith.index_cast %parallel_loop3A_353 : i32 to index
        %parallel_loop3A_484 = tpu.vector_load %arg7[%parallel_loop3A_479, %parallel_loop3A_480, %parallel_loop3A_481, %parallel_loop3A_482, %parallel_loop3A_483] {strides = array<i32>} : memref<3x4x4x8x128xf32, #tpu.memory_space<vmem>>, vector<16xf32>,
        tpu.vector_store %arg7[%parallel_loop3A_479, %parallel_loop3A_480, %parallel_loop3A_481, %parallel_loop3A_482, %parallel_loop3A_483], %parallel_loop3A_476 {strides = array<i32>} : memref<3x4x4x8x128xf32, #tpu.memory_space<vmem>>, vector<16xf32>,
        %parallel_loop3A_485 = arith.constant 0 : i32
        %parallel_loop3A_486 = arith.constant 9 : i32
        %parallel_loop3A_487 = arith.constant 0 : i32
        %parallel_loop3A_488 = tpu.memref_slice %arg6[%parallel_loop3A_485, %parallel_loop3A_486, %parallel_loop3A_487] : memref<2x64x128xf32, #tpu.memory_space<vmem>> -> memref<1x1x128xf32, #tpu.memory_space<vmem>>
        %parallel_loop3A_489 = tpu.memref_squeeze %parallel_loop3A_488 : memref<1x1x128xf32, #tpu.memory_space<vmem>> -> memref<128xf32, #tpu.memory_space<vmem>>
        %parallel_loop3A_490 = tpu.vector_load_idx %parallel_loop3A_489[%parallel_loop3A_358] : memref<128xf32, #tpu.memory_space<vmem>>[vector<16xi32>], vector<16xf32>,
        %parallel_loop3A_491 = arith.constant 1 : i32
        %parallel_loop3A_492 = arith.constant 1 : i32
        %parallel_loop3A_493 = arith.index_cast %rem3A_137 : i32 to index
        %parallel_loop3A_494 = arith.index_cast %parallel_loop3A_491 : i32 to index
        %parallel_loop3A_495 = arith.index_cast %parallel_loop3A_335 : i32 to index
        %parallel_loop3A_496 = arith.index_cast %parallel_loop3A_492 : i32 to index
        %parallel_loop3A_497 = arith.index_cast %parallel_loop3A_353 : i32 to index
        %parallel_loop3A_498 = tpu.vector_load %arg7[%parallel_loop3A_493, %parallel_loop3A_494, %parallel_loop3A_495, %parallel_loop3A_496, %parallel_loop3A_497] {strides = array<i32>} : memref<3x4x4x8x128xf32, #tpu.memory_space<vmem>>, vector<16xf32>,
        tpu.vector_store %arg7[%parallel_loop3A_493, %parallel_loop3A_494, %parallel_loop3A_495, %parallel_loop3A_496, %parallel_loop3A_497], %parallel_loop3A_490 {strides = array<i32>} : memref<3x4x4x8x128xf32, #tpu.memory_space<vmem>>, vector<16xf32>,
        %parallel_loop3A_499 = arith.constant 0 : i32
        %parallel_loop3A_500 = arith.constant 10 : i32
        %parallel_loop3A_501 = arith.constant 0 : i32
        %parallel_loop3A_502 = tpu.memref_slice %arg6[%parallel_loop3A_499, %parallel_loop3A_500, %parallel_loop3A_501] : memref<2x64x128xf32, #tpu.memory_space<vmem>> -> memref<1x1x128xf32, #tpu.memory_space<vmem>>
        %parallel_loop3A_503 = tpu.memref_squeeze %parallel_loop3A_502 : memref<1x1x128xf32, #tpu.memory_space<vmem>> -> memref<128xf32, #tpu.memory_space<vmem>>
        %parallel_loop3A_504 = tpu.vector_load_idx %parallel_loop3A_503[%parallel_loop3A_358] : memref<128xf32, #tpu.memory_space<vmem>>[vector<16xi32>], vector<16xf32>,
        %parallel_loop3A_505 = arith.constant 1 : i32
        %parallel_loop3A_506 = arith.constant 2 : i32
        %parallel_loop3A_507 = arith.index_cast %rem3A_137 : i32 to index
        %parallel_loop3A_508 = arith.index_cast %parallel_loop3A_505 : i32 to index
        %parallel_loop3A_509 = arith.index_cast %parallel_loop3A_335 : i32 to index
        %parallel_loop3A_510 = arith.index_cast %parallel_loop3A_506 : i32 to index
        %parallel_loop3A_511 = arith.index_cast %parallel_loop3A_353 : i32 to index
        %parallel_loop3A_512 = tpu.vector_load %arg7[%parallel_loop3A_507, %parallel_loop3A_508, %parallel_loop3A_509, %parallel_loop3A_510, %parallel_loop3A_511] {strides = array<i32>} : memref<3x4x4x8x128xf32, #tpu.memory_space<vmem>>, vector<16xf32>,
        tpu.vector_store %arg7[%parallel_loop3A_507, %parallel_loop3A_508, %parallel_loop3A_509, %parallel_loop3A_510, %parallel_loop3A_511], %parallel_loop3A_504 {strides = array<i32>} : memref<3x4x4x8x128xf32, #tpu.memory_space<vmem>>, vector<16xf32>,
        %parallel_loop3A_513 = arith.constant 0 : i32
        %parallel_loop3A_514 = arith.constant 11 : i32
        %parallel_loop3A_515 = arith.constant 0 : i32
        %parallel_loop3A_516 = tpu.memref_slice %arg6[%parallel_loop3A_513, %parallel_loop3A_514, %parallel_loop3A_515] : memref<2x64x128xf32, #tpu.memory_space<vmem>> -> memref<1x1x128xf32, #tpu.memory_space<vmem>>
        %parallel_loop3A_517 = tpu.memref_squeeze %parallel_loop3A_516 : memref<1x1x128xf32, #tpu.memory_space<vmem>> -> memref<128xf32, #tpu.memory_space<vmem>>
        %parallel_loop3A_518 = tpu.vector_load_idx %parallel_loop3A_517[%parallel_loop3A_358] : memref<128xf32, #tpu.memory_space<vmem>>[vector<16xi32>], vector<16xf32>,
        %parallel_loop3A_519 = arith.constant 1 : i32
        %parallel_loop3A_520 = arith.constant 3 : i32
        %parallel_loop3A_521 = arith.index_cast %rem3A_137 : i32 to index
        %parallel_loop3A_522 = arith.index_cast %parallel_loop3A_519 : i32 to index
        %parallel_loop3A_523 = arith.index_cast %parallel_loop3A_335 : i32 to index
        %parallel_loop3A_524 = arith.index_cast %parallel_loop3A_520 : i32 to index
        %parallel_loop3A_525 = arith.index_cast %parallel_loop3A_353 : i32 to index
        %parallel_loop3A_526 = tpu.vector_load %arg7[%parallel_loop3A_521, %parallel_loop3A_522, %parallel_loop3A_523, %parallel_loop3A_524, %parallel_loop3A_525] {strides = array<i32>} : memref<3x4x4x8x128xf32, #tpu.memory_space<vmem>>, vector<16xf32>,
        tpu.vector_store %arg7[%parallel_loop3A_521, %parallel_loop3A_522, %parallel_loop3A_523, %parallel_loop3A_524, %parallel_loop3A_525], %parallel_loop3A_518 {strides = array<i32>} : memref<3x4x4x8x128xf32, #tpu.memory_space<vmem>>, vector<16xf32>,
        %parallel_loop3A_527 = arith.constant 0 : i32
        %parallel_loop3A_528 = arith.constant 12 : i32
        %parallel_loop3A_529 = arith.constant 0 : i32
        %parallel_loop3A_530 = tpu.memref_slice %arg6[%parallel_loop3A_527, %parallel_loop3A_528, %parallel_loop3A_529] : memref<2x64x128xf32, #tpu.memory_space<vmem>> -> memref<1x1x128xf32, #tpu.memory_space<vmem>>
        %parallel_loop3A_531 = tpu.memref_squeeze %parallel_loop3A_530 : memref<1x1x128xf32, #tpu.memory_space<vmem>> -> memref<128xf32, #tpu.memory_space<vmem>>
        %parallel_loop3A_532 = tpu.vector_load_idx %parallel_loop3A_531[%parallel_loop3A_358] : memref<128xf32, #tpu.memory_space<vmem>>[vector<16xi32>], vector<16xf32>,
        %parallel_loop3A_533 = arith.constant 1 : i32
        %parallel_loop3A_534 = arith.constant 4 : i32
        %parallel_loop3A_535 = arith.index_cast %rem3A_137 : i32 to index
        %parallel_loop3A_536 = arith.index_cast %parallel_loop3A_533 : i32 to index
        %parallel_loop3A_537 = arith.index_cast %parallel_loop3A_335 : i32 to index
        %parallel_loop3A_538 = arith.index_cast %parallel_loop3A_534 : i32 to index
        %parallel_loop3A_539 = arith.index_cast %parallel_loop3A_353 : i32 to index
        %parallel_loop3A_540 = tpu.vector_load %arg7[%parallel_loop3A_535, %parallel_loop3A_536, %parallel_loop3A_537, %parallel_loop3A_538, %parallel_loop3A_539] {strides = array<i32>} : memref<3x4x4x8x128xf32, #tpu.memory_space<vmem>>, vector<16xf32>,
        tpu.vector_store %arg7[%parallel_loop3A_535, %parallel_loop3A_536, %parallel_loop3A_537, %parallel_loop3A_538, %parallel_loop3A_539], %parallel_loop3A_532 {strides = array<i32>} : memref<3x4x4x8x128xf32, #tpu.memory_space<vmem>>, vector<16xf32>,
        %parallel_loop3A_541 = arith.constant 0 : i32
        %parallel_loop3A_542 = arith.constant 13 : i32
        %parallel_loop3A_543 = arith.constant 0 : i32
        %parallel_loop3A_544 = tpu.memref_slice %arg6[%parallel_loop3A_541, %parallel_loop3A_542, %parallel_loop3A_543] : memref<2x64x128xf32, #tpu.memory_space<vmem>> -> memref<1x1x128xf32, #tpu.memory_space<vmem>>
        %parallel_loop3A_545 = tpu.memref_squeeze %parallel_loop3A_544 : memref<1x1x128xf32, #tpu.memory_space<vmem>> -> memref<128xf32, #tpu.memory_space<vmem>>
        %parallel_loop3A_546 = tpu.vector_load_idx %parallel_loop3A_545[%parallel_loop3A_358] : memref<128xf32, #tpu.memory_space<vmem>>[vector<16xi32>], vector<16xf32>,
        %parallel_loop3A_547 = arith.constant 1 : i32
        %parallel_loop3A_548 = arith.constant 5 : i32
        %parallel_loop3A_549 = arith.index_cast %rem3A_137 : i32 to index
        %parallel_loop3A_550 = arith.index_cast %parallel_loop3A_547 : i32 to index
        %parallel_loop3A_551 = arith.index_cast %parallel_loop3A_335 : i32 to index
        %parallel_loop3A_552 = arith.index_cast %parallel_loop3A_548 : i32 to index
        %parallel_loop3A_553 = arith.index_cast %parallel_loop3A_353 : i32 to index
        %parallel_loop3A_554 = tpu.vector_load %arg7[%parallel_loop3A_549, %parallel_loop3A_550, %parallel_loop3A_551, %parallel_loop3A_552, %parallel_loop3A_553] {strides = array<i32>} : memref<3x4x4x8x128xf32, #tpu.memory_space<vmem>>, vector<16xf32>,
        tpu.vector_store %arg7[%parallel_loop3A_549, %parallel_loop3A_550, %parallel_loop3A_551, %parallel_loop3A_552, %parallel_loop3A_553], %parallel_loop3A_546 {strides = array<i32>} : memref<3x4x4x8x128xf32, #tpu.memory_space<vmem>>, vector<16xf32>,
        %parallel_loop3A_555 = arith.constant 0 : i32
        %parallel_loop3A_556 = arith.constant 14 : i32
        %parallel_loop3A_557 = arith.constant 0 : i32
        %parallel_loop3A_558 = tpu.memref_slice %arg6[%parallel_loop3A_555, %parallel_loop3A_556, %parallel_loop3A_557] : memref<2x64x128xf32, #tpu.memory_space<vmem>> -> memref<1x1x128xf32, #tpu.memory_space<vmem>>
        %parallel_loop3A_559 = tpu.memref_squeeze %parallel_loop3A_558 : memref<1x1x128xf32, #tpu.memory_space<vmem>> -> memref<128xf32, #tpu.memory_space<vmem>>
        %parallel_loop3A_560 = tpu.vector_load_idx %parallel_loop3A_559[%parallel_loop3A_358] : memref<128xf32, #tpu.memory_space<vmem>>[vector<16xi32>], vector<16xf32>,
        %parallel_loop3A_561 = arith.constant 1 : i32
        %parallel_loop3A_562 = arith.constant 6 : i32
        %parallel_loop3A_563 = arith.index_cast %rem3A_137 : i32 to index
        %parallel_loop3A_564 = arith.index_cast %parallel_loop3A_561 : i32 to index
        %parallel_loop3A_565 = arith.index_cast %parallel_loop3A_335 : i32 to index
        %parallel_loop3A_566 = arith.index_cast %parallel_loop3A_562 : i32 to index
        %parallel_loop3A_567 = arith.index_cast %parallel_loop3A_353 : i32 to index
        %parallel_loop3A_568 = tpu.vector_load %arg7[%parallel_loop3A_563, %parallel_loop3A_564, %parallel_loop3A_565, %parallel_loop3A_566, %parallel_loop3A_567] {strides = array<i32>} : memref<3x4x4x8x128xf32, #tpu.memory_space<vmem>>, vector<16xf32>,
        tpu.vector_store %arg7[%parallel_loop3A_563, %parallel_loop3A_564, %parallel_loop3A_565, %parallel_loop3A_566, %parallel_loop3A_567], %parallel_loop3A_560 {strides = array<i32>} : memref<3x4x4x8x128xf32, #tpu.memory_space<vmem>>, vector<16xf32>,
        %parallel_loop3A_569 = arith.constant 0 : i32
        %parallel_loop3A_570 = arith.constant 15 : i32
        %parallel_loop3A_571 = arith.constant 0 : i32
        %parallel_loop3A_572 = tpu.memref_slice %arg6[%parallel_loop3A_569, %parallel_loop3A_570, %parallel_loop3A_571] : memref<2x64x128xf32, #tpu.memory_space<vmem>> -> memref<1x1x128xf32, #tpu.memory_space<vmem>>
        %parallel_loop3A_573 = tpu.memref_squeeze %parallel_loop3A_572 : memref<1x1x128xf32, #tpu.memory_space<vmem>> -> memref<128xf32, #tpu.memory_space<vmem>>
        %parallel_loop3A_574 = tpu.vector_load_idx %parallel_loop3A_573[%parallel_loop3A_358] : memref<128xf32, #tpu.memory_space<vmem>>[vector<16xi32>], vector<16xf32>,
        %parallel_loop3A_575 = arith.constant 1 : i32
        %parallel_loop3A_576 = arith.constant 7 : i32
        %parallel_loop3A_577 = arith.index_cast %rem3A_137 : i32 to index
        %parallel_loop3A_578 = arith.index_cast %parallel_loop3A_575 : i32 to index
        %parallel_loop3A_579 = arith.index_cast %parallel_loop3A_335 : i32 to index
        %parallel_loop3A_580 = arith.index_cast %parallel_loop3A_576 : i32 to index
        %parallel_loop3A_581 = arith.index_cast %parallel_loop3A_353 : i32 to index
        %parallel_loop3A_582 = tpu.vector_load %arg7[%parallel_loop3A_577, %parallel_loop3A_578, %parallel_loop3A_579, %parallel_loop3A_580, %parallel_loop3A_581] {strides = array<i32>} : memref<3x4x4x8x128xf32, #tpu.memory_space<vmem>>, vector<16xf32>,
        tpu.vector_store %arg7[%parallel_loop3A_577, %parallel_loop3A_578, %parallel_loop3A_579, %parallel_loop3A_580, %parallel_loop3A_581], %parallel_loop3A_574 {strides = array<i32>} : memref<3x4x4x8x128xf32, #tpu.memory_space<vmem>>, vector<16xf32>,
        %parallel_loop3A_583 = arith.constant 0 : i32
        %parallel_loop3A_584 = arith.constant 16 : i32
        %parallel_loop3A_585 = arith.constant 0 : i32
        %parallel_loop3A_586 = tpu.memref_slice %arg6[%parallel_loop3A_583, %parallel_loop3A_584, %parallel_loop3A_585] : memref<2x64x128xf32, #tpu.memory_space<vmem>> -> memref<1x1x128xf32, #tpu.memory_space<vmem>>
        %parallel_loop3A_587 = tpu.memref_squeeze %parallel_loop3A_586 : memref<1x1x128xf32, #tpu.memory_space<vmem>> -> memref<128xf32, #tpu.memory_space<vmem>>
        %parallel_loop3A_588 = tpu.vector_load_idx %parallel_loop3A_587[%parallel_loop3A_358] : memref<128xf32, #tpu.memory_space<vmem>>[vector<16xi32>], vector<16xf32>,
        %parallel_loop3A_589 = arith.constant 2 : i32
        %parallel_loop3A_590 = arith.constant 0 : i32
        %parallel_loop3A_591 = arith.index_cast %rem3A_137 : i32 to index
        %parallel_loop3A_592 = arith.index_cast %parallel_loop3A_589 : i32 to index
        %parallel_loop3A_593 = arith.index_cast %parallel_loop3A_335 : i32 to index
        %parallel_loop3A_594 = arith.index_cast %parallel_loop3A_590 : i32 to index
        %parallel_loop3A_595 = arith.index_cast %parallel_loop3A_353 : i32 to index
        %parallel_loop3A_596 = tpu.vector_load %arg7[%parallel_loop3A_591, %parallel_loop3A_592, %parallel_loop3A_593, %parallel_loop3A_594, %parallel_loop3A_595] {strides = array<i32>} : memref<3x4x4x8x128xf32, #tpu.memory_space<vmem>>, vector<16xf32>,
        tpu.vector_store %arg7[%parallel_loop3A_591, %parallel_loop3A_592, %parallel_loop3A_593, %parallel_loop3A_594, %parallel_loop3A_595], %parallel_loop3A_588 {strides = array<i32>} : memref<3x4x4x8x128xf32, #tpu.memory_space<vmem>>, vector<16xf32>,
        %parallel_loop3A_597 = arith.constant 0 : i32
        %parallel_loop3A_598 = arith.constant 17 : i32
        %parallel_loop3A_599 = arith.constant 0 : i32
        %parallel_loop3A_600 = tpu.memref_slice %arg6[%parallel_loop3A_597, %parallel_loop3A_598, %parallel_loop3A_599] : memref<2x64x128xf32, #tpu.memory_space<vmem>> -> memref<1x1x128xf32, #tpu.memory_space<vmem>>
        %parallel_loop3A_601 = tpu.memref_squeeze %parallel_loop3A_600 : memref<1x1x128xf32, #tpu.memory_space<vmem>> -> memref<128xf32, #tpu.memory_space<vmem>>
        %parallel_loop3A_602 = tpu.vector_load_idx %parallel_loop3A_601[%parallel_loop3A_358] : memref<128xf32, #tpu.memory_space<vmem>>[vector<16xi32>], vector<16xf32>,
        %parallel_loop3A_603 = arith.constant 2 : i32
        %parallel_loop3A_604 = arith.constant 1 : i32
        %parallel_loop3A_605 = arith.index_cast %rem3A_137 : i32 to index
        %parallel_loop3A_606 = arith.index_cast %parallel_loop3A_603 : i32 to index
        %parallel_loop3A_607 = arith.index_cast %parallel_loop3A_335 : i32 to index
        %parallel_loop3A_608 = arith.index_cast %parallel_loop3A_604 : i32 to index
        %parallel_loop3A_609 = arith.index_cast %parallel_loop3A_353 : i32 to index
        %parallel_loop3A_610 = tpu.vector_load %arg7[%parallel_loop3A_605, %parallel_loop3A_606, %parallel_loop3A_607, %parallel_loop3A_608, %parallel_loop3A_609] {strides = array<i32>} : memref<3x4x4x8x128xf32, #tpu.memory_space<vmem>>, vector<16xf32>,
        tpu.vector_store %arg7[%parallel_loop3A_605, %parallel_loop3A_606, %parallel_loop3A_607, %parallel_loop3A_608, %parallel_loop3A_609], %parallel_loop3A_602 {strides = array<i32>} : memref<3x4x4x8x128xf32, #tpu.memory_space<vmem>>, vector<16xf32>,
        %parallel_loop3A_611 = arith.constant 0 : i32
        %parallel_loop3A_612 = arith.constant 18 : i32
        %parallel_loop3A_613 = arith.constant 0 : i32
        %parallel_loop3A_614 = tpu.memref_slice %arg6[%parallel_loop3A_611, %parallel_loop3A_612, %parallel_loop3A_613] : memref<2x64x128xf32, #tpu.memory_space<vmem>> -> memref<1x1x128xf32, #tpu.memory_space<vmem>>
        %parallel_loop3A_615 = tpu.memref_squeeze %parallel_loop3A_614 : memref<1x1x128xf32, #tpu.memory_space<vmem>> -> memref<128xf32, #tpu.memory_space<vmem>>
        %parallel_loop3A_616 = tpu.vector_load_idx %parallel_loop3A_615[%parallel_loop3A_358] : memref<128xf32, #tpu.memory_space<vmem>>[vector<16xi32>], vector<16xf32>,
        %parallel_loop3A_617 = arith.constant 2 : i32
        %parallel_loop3A_618 = arith.constant 2 : i32
        %parallel_loop3A_619 = arith.index_cast %rem3A_137 : i32 to index
        %parallel_loop3A_620 = arith.index_cast %parallel_loop3A_617 : i32 to index
        %parallel_loop3A_621 = arith.index_cast %parallel_loop3A_335 : i32 to index
        %parallel_loop3A_622 = arith.index_cast %parallel_loop3A_618 : i32 to index
        %parallel_loop3A_623 = arith.index_cast %parallel_loop3A_353 : i32 to index
        %parallel_loop3A_624 = tpu.vector_load %arg7[%parallel_loop3A_619, %parallel_loop3A_620, %parallel_loop3A_621, %parallel_loop3A_622, %parallel_loop3A_623] {strides = array<i32>} : memref<3x4x4x8x128xf32, #tpu.memory_space<vmem>>, vector<16xf32>,
        tpu.vector_store %arg7[%parallel_loop3A_619, %parallel_loop3A_620, %parallel_loop3A_621, %parallel_loop3A_622, %parallel_loop3A_623], %parallel_loop3A_616 {strides = array<i32>} : memref<3x4x4x8x128xf32, #tpu.memory_space<vmem>>, vector<16xf32>,
        %parallel_loop3A_625 = arith.constant 0 : i32
        %parallel_loop3A_626 = arith.constant 19 : i32
        %parallel_loop3A_627 = arith.constant 0 : i32
        %parallel_loop3A_628 = tpu.memref_slice %arg6[%parallel_loop3A_625, %parallel_loop3A_626, %parallel_loop3A_627] : memref<2x64x128xf32, #tpu.memory_space<vmem>> -> memref<1x1x128xf32, #tpu.memory_space<vmem>>
        %parallel_loop3A_629 = tpu.memref_squeeze %parallel_loop3A_628 : memref<1x1x128xf32, #tpu.memory_space<vmem>> -> memref<128xf32, #tpu.memory_space<vmem>>
        %parallel_loop3A_630 = tpu.vector_load_idx %parallel_loop3A_629[%parallel_loop3A_358] : memref<128xf32, #tpu.memory_space<vmem>>[vector<16xi32>], vector<16xf32>,
        %parallel_loop3A_631 = arith.constant 2 : i32
        %parallel_loop3A_632 = arith.constant 3 : i32
        %parallel_loop3A_633 = arith.index_cast %rem3A_137 : i32 to index
        %parallel_loop3A_634 = arith.index_cast %parallel_loop3A_631 : i32 to index
        %parallel_loop3A_635 = arith.index_cast %parallel_loop3A_335 : i32 to index
        %parallel_loop3A_636 = arith.index_cast %parallel_loop3A_632 : i32 to index
        %parallel_loop3A_637 = arith.index_cast %parallel_loop3A_353 : i32 to index
        %parallel_loop3A_638 = tpu.vector_load %arg7[%parallel_loop3A_633, %parallel_loop3A_634, %parallel_loop3A_635, %parallel_loop3A_636, %parallel_loop3A_637] {strides = array<i32>} : memref<3x4x4x8x128xf32, #tpu.memory_space<vmem>>, vector<16xf32>,
        tpu.vector_store %arg7[%parallel_loop3A_633, %parallel_loop3A_634, %parallel_loop3A_635, %parallel_loop3A_636, %parallel_loop3A_637], %parallel_loop3A_630 {strides = array<i32>} : memref<3x4x4x8x128xf32, #tpu.memory_space<vmem>>, vector<16xf32>,
        %parallel_loop3A_639 = arith.constant 0 : i32
        %parallel_loop3A_640 = arith.constant 20 : i32
        %parallel_loop3A_641 = arith.constant 0 : i32
        %parallel_loop3A_642 = tpu.memref_slice %arg6[%parallel_loop3A_639, %parallel_loop3A_640, %parallel_loop3A_641] : memref<2x64x128xf32, #tpu.memory_space<vmem>> -> memref<1x1x128xf32, #tpu.memory_space<vmem>>
        %parallel_loop3A_643 = tpu.memref_squeeze %parallel_loop3A_642 : memref<1x1x128xf32, #tpu.memory_space<vmem>> -> memref<128xf32, #tpu.memory_space<vmem>>
        %parallel_loop3A_644 = tpu.vector_load_idx %parallel_loop3A_643[%parallel_loop3A_358] : memref<128xf32, #tpu.memory_space<vmem>>[vector<16xi32>], vector<16xf32>,
        %parallel_loop3A_645 = arith.constant 2 : i32
        %parallel_loop3A_646 = arith.constant 4 : i32
        %parallel_loop3A_647 = arith.index_cast %rem3A_137 : i32 to index
        %parallel_loop3A_648 = arith.index_cast %parallel_loop3A_645 : i32 to index
        %parallel_loop3A_649 = arith.index_cast %parallel_loop3A_335 : i32 to index
        %parallel_loop3A_650 = arith.index_cast %parallel_loop3A_646 : i32 to index
        %parallel_loop3A_651 = arith.index_cast %parallel_loop3A_353 : i32 to index
        %parallel_loop3A_652 = tpu.vector_load %arg7[%parallel_loop3A_647, %parallel_loop3A_648, %parallel_loop3A_649, %parallel_loop3A_650, %parallel_loop3A_651] {strides = array<i32>} : memref<3x4x4x8x128xf32, #tpu.memory_space<vmem>>, vector<16xf32>,
        tpu.vector_store %arg7[%parallel_loop3A_647, %parallel_loop3A_648, %parallel_loop3A_649, %parallel_loop3A_650, %parallel_loop3A_651], %parallel_loop3A_644 {strides = array<i32>} : memref<3x4x4x8x128xf32, #tpu.memory_space<vmem>>, vector<16xf32>,
        %parallel_loop3A_653 = arith.constant 0 : i32
        %parallel_loop3A_654 = arith.constant 21 : i32
        %parallel_loop3A_655 = arith.constant 0 : i32
        %parallel_loop3A_656 = tpu.memref_slice %arg6[%parallel_loop3A_653, %parallel_loop3A_654, %parallel_loop3A_655] : memref<2x64x128xf32, #tpu.memory_space<vmem>> -> memref<1x1x128xf32, #tpu.memory_space<vmem>>
        %parallel_loop3A_657 = tpu.memref_squeeze %parallel_loop3A_656 : memref<1x1x128xf32, #tpu.memory_space<vmem>> -> memref<128xf32, #tpu.memory_space<vmem>>
        %parallel_loop3A_658 = tpu.vector_load_idx %parallel_loop3A_657[%parallel_loop3A_358] : memref<128xf32, #tpu.memory_space<vmem>>[vector<16xi32>], vector<16xf32>,
        %parallel_loop3A_659 = arith.constant 2 : i32
        %parallel_loop3A_660 = arith.constant 5 : i32
        %parallel_loop3A_661 = arith.index_cast %rem3A_137 : i32 to index
        %parallel_loop3A_662 = arith.index_cast %parallel_loop3A_659 : i32 to index
        %parallel_loop3A_663 = arith.index_cast %parallel_loop3A_335 : i32 to index
        %parallel_loop3A_664 = arith.index_cast %parallel_loop3A_660 : i32 to index
        %parallel_loop3A_665 = arith.index_cast %parallel_loop3A_353 : i32 to index
        %parallel_loop3A_666 = tpu.vector_load %arg7[%parallel_loop3A_661, %parallel_loop3A_662, %parallel_loop3A_663, %parallel_loop3A_664, %parallel_loop3A_665] {strides = array<i32>} : memref<3x4x4x8x128xf32, #tpu.memory_space<vmem>>, vector<16xf32>,
        tpu.vector_store %arg7[%parallel_loop3A_661, %parallel_loop3A_662, %parallel_loop3A_663, %parallel_loop3A_664, %parallel_loop3A_665], %parallel_loop3A_658 {strides = array<i32>} : memref<3x4x4x8x128xf32, #tpu.memory_space<vmem>>, vector<16xf32>,
        %parallel_loop3A_667 = arith.constant 0 : i32
        %parallel_loop3A_668 = arith.constant 22 : i32
        %parallel_loop3A_669 = arith.constant 0 : i32
        %parallel_loop3A_670 = tpu.memref_slice %arg6[%parallel_loop3A_667, %parallel_loop3A_668, %parallel_loop3A_669] : memref<2x64x128xf32, #tpu.memory_space<vmem>> -> memref<1x1x128xf32, #tpu.memory_space<vmem>>
        %parallel_loop3A_671 = tpu.memref_squeeze %parallel_loop3A_670 : memref<1x1x128xf32, #tpu.memory_space<vmem>> -> memref<128xf32, #tpu.memory_space<vmem>>
        %parallel_loop3A_672 = tpu.vector_load_idx %parallel_loop3A_671[%parallel_loop3A_358] : memref<128xf32, #tpu.memory_space<vmem>>[vector<16xi32>], vector<16xf32>,
        %parallel_loop3A_673 = arith.constant 2 : i32
        %parallel_loop3A_674 = arith.constant 6 : i32
        %parallel_loop3A_675 = arith.index_cast %rem3A_137 : i32 to index
        %parallel_loop3A_676 = arith.index_cast %parallel_loop3A_673 : i32 to index
        %parallel_loop3A_677 = arith.index_cast %parallel_loop3A_335 : i32 to index
        %parallel_loop3A_678 = arith.index_cast %parallel_loop3A_674 : i32 to index
        %parallel_loop3A_679 = arith.index_cast %parallel_loop3A_353 : i32 to index
        %parallel_loop3A_680 = tpu.vector_load %arg7[%parallel_loop3A_675, %parallel_loop3A_676, %parallel_loop3A_677, %parallel_loop3A_678, %parallel_loop3A_679] {strides = array<i32>} : memref<3x4x4x8x128xf32, #tpu.memory_space<vmem>>, vector<16xf32>,
        tpu.vector_store %arg7[%parallel_loop3A_675, %parallel_loop3A_676, %parallel_loop3A_677, %parallel_loop3A_678, %parallel_loop3A_679], %parallel_loop3A_672 {strides = array<i32>} : memref<3x4x4x8x128xf32, #tpu.memory_space<vmem>>, vector<16xf32>,
        %parallel_loop3A_681 = arith.constant 0 : i32
        %parallel_loop3A_682 = arith.constant 23 : i32
        %parallel_loop3A_683 = arith.constant 0 : i32
        %parallel_loop3A_684 = tpu.memref_slice %arg6[%parallel_loop3A_681, %parallel_loop3A_682, %parallel_loop3A_683] : memref<2x64x128xf32, #tpu.memory_space<vmem>> -> memref<1x1x128xf32, #tpu.memory_space<vmem>>
        %parallel_loop3A_685 = tpu.memref_squeeze %parallel_loop3A_684 : memref<1x1x128xf32, #tpu.memory_space<vmem>> -> memref<128xf32, #tpu.memory_space<vmem>>
        %parallel_loop3A_686 = tpu.vector_load_idx %parallel_loop3A_685[%parallel_loop3A_358] : memref<128xf32, #tpu.memory_space<vmem>>[vector<16xi32>], vector<16xf32>,
        %parallel_loop3A_687 = arith.constant 2 : i32
        %parallel_loop3A_688 = arith.constant 7 : i32
        %parallel_loop3A_689 = arith.index_cast %rem3A_137 : i32 to index
        %parallel_loop3A_690 = arith.index_cast %parallel_loop3A_687 : i32 to index
        %parallel_loop3A_691 = arith.index_cast %parallel_loop3A_335 : i32 to index
        %parallel_loop3A_692 = arith.index_cast %parallel_loop3A_688 : i32 to index
        %parallel_loop3A_693 = arith.index_cast %parallel_loop3A_353 : i32 to index
        %parallel_loop3A_694 = tpu.vector_load %arg7[%parallel_loop3A_689, %parallel_loop3A_690, %parallel_loop3A_691, %parallel_loop3A_692, %parallel_loop3A_693] {strides = array<i32>} : memref<3x4x4x8x128xf32, #tpu.memory_space<vmem>>, vector<16xf32>,
        tpu.vector_store %arg7[%parallel_loop3A_689, %parallel_loop3A_690, %parallel_loop3A_691, %parallel_loop3A_692, %parallel_loop3A_693], %parallel_loop3A_686 {strides = array<i32>} : memref<3x4x4x8x128xf32, #tpu.memory_space<vmem>>, vector<16xf32>,
        %parallel_loop3A_695 = arith.constant 0 : i32
        %parallel_loop3A_696 = arith.constant 24 : i32
        %parallel_loop3A_697 = arith.constant 0 : i32
        %parallel_loop3A_698 = tpu.memref_slice %arg6[%parallel_loop3A_695, %parallel_loop3A_696, %parallel_loop3A_697] : memref<2x64x128xf32, #tpu.memory_space<vmem>> -> memref<1x1x128xf32, #tpu.memory_space<vmem>>
        %parallel_loop3A_699 = tpu.memref_squeeze %parallel_loop3A_698 : memref<1x1x128xf32, #tpu.memory_space<vmem>> -> memref<128xf32, #tpu.memory_space<vmem>>
        %parallel_loop3A_700 = tpu.vector_load_idx %parallel_loop3A_699[%parallel_loop3A_358] : memref<128xf32, #tpu.memory_space<vmem>>[vector<16xi32>], vector<16xf32>,
        %parallel_loop3A_701 = arith.constant 3 : i32
        %parallel_loop3A_702 = arith.constant 0 : i32
        %parallel_loop3A_703 = arith.index_cast %rem3A_137 : i32 to index
        %parallel_loop3A_704 = arith.index_cast %parallel_loop3A_701 : i32 to index
        %parallel_loop3A_705 = arith.index_cast %parallel_loop3A_335 : i32 to index
        %parallel_loop3A_706 = arith.index_cast %parallel_loop3A_702 : i32 to index
        %parallel_loop3A_707 = arith.index_cast %parallel_loop3A_353 : i32 to index
        %parallel_loop3A_708 = tpu.vector_load %arg7[%parallel_loop3A_703, %parallel_loop3A_704, %parallel_loop3A_705, %parallel_loop3A_706, %parallel_loop3A_707] {strides = array<i32>} : memref<3x4x4x8x128xf32, #tpu.memory_space<vmem>>, vector<16xf32>,
        tpu.vector_store %arg7[%parallel_loop3A_703, %parallel_loop3A_704, %parallel_loop3A_705, %parallel_loop3A_706, %parallel_loop3A_707], %parallel_loop3A_700 {strides = array<i32>} : memref<3x4x4x8x128xf32, #tpu.memory_space<vmem>>, vector<16xf32>,
        %parallel_loop3A_709 = arith.constant 0 : i32
        %parallel_loop3A_710 = arith.constant 25 : i32
        %parallel_loop3A_711 = arith.constant 0 : i32
        %parallel_loop3A_712 = tpu.memref_slice %arg6[%parallel_loop3A_709, %parallel_loop3A_710, %parallel_loop3A_711] : memref<2x64x128xf32, #tpu.memory_space<vmem>> -> memref<1x1x128xf32, #tpu.memory_space<vmem>>
        %parallel_loop3A_713 = tpu.memref_squeeze %parallel_loop3A_712 : memref<1x1x128xf32, #tpu.memory_space<vmem>> -> memref<128xf32, #tpu.memory_space<vmem>>
        %parallel_loop3A_714 = tpu.vector_load_idx %parallel_loop3A_713[%parallel_loop3A_358] : memref<128xf32, #tpu.memory_space<vmem>>[vector<16xi32>], vector<16xf32>,
        %parallel_loop3A_715 = arith.constant 3 : i32
        %parallel_loop3A_716 = arith.constant 1 : i32
        %parallel_loop3A_717 = arith.index_cast %rem3A_137 : i32 to index
        %parallel_loop3A_718 = arith.index_cast %parallel_loop3A_715 : i32 to index
        %parallel_loop3A_719 = arith.index_cast %parallel_loop3A_335 : i32 to index
        %parallel_loop3A_720 = arith.index_cast %parallel_loop3A_716 : i32 to index
        %parallel_loop3A_721 = arith.index_cast %parallel_loop3A_353 : i32 to index
        %parallel_loop3A_722 = tpu.vector_load %arg7[%parallel_loop3A_717, %parallel_loop3A_718, %parallel_loop3A_719, %parallel_loop3A_720, %parallel_loop3A_721] {strides = array<i32>} : memref<3x4x4x8x128xf32, #tpu.memory_space<vmem>>, vector<16xf32>,
        tpu.vector_store %arg7[%parallel_loop3A_717, %parallel_loop3A_718, %parallel_loop3A_719, %parallel_loop3A_720, %parallel_loop3A_721], %parallel_loop3A_714 {strides = array<i32>} : memref<3x4x4x8x128xf32, #tpu.memory_space<vmem>>, vector<16xf32>,
        %parallel_loop3A_723 = arith.constant 0 : i32
        %parallel_loop3A_724 = arith.constant 26 : i32
        %parallel_loop3A_725 = arith.constant 0 : i32
        %parallel_loop3A_726 = tpu.memref_slice %arg6[%parallel_loop3A_723, %parallel_loop3A_724, %parallel_loop3A_725] : memref<2x64x128xf32, #tpu.memory_space<vmem>> -> memref<1x1x128xf32, #tpu.memory_space<vmem>>
        %parallel_loop3A_727 = tpu.memref_squeeze %parallel_loop3A_726 : memref<1x1x128xf32, #tpu.memory_space<vmem>> -> memref<128xf32, #tpu.memory_space<vmem>>
        %parallel_loop3A_728 = tpu.vector_load_idx %parallel_loop3A_727[%parallel_loop3A_358] : memref<128xf32, #tpu.memory_space<vmem>>[vector<16xi32>], vector<16xf32>,
        %parallel_loop3A_729 = arith.constant 3 : i32
        %parallel_loop3A_730 = arith.constant 2 : i32
        %parallel_loop3A_731 = arith.index_cast %rem3A_137 : i32 to index
        %parallel_loop3A_732 = arith.index_cast %parallel_loop3A_729 : i32 to index
        %parallel_loop3A_733 = arith.index_cast %parallel_loop3A_335 : i32 to index
        %parallel_loop3A_734 = arith.index_cast %parallel_loop3A_730 : i32 to index
        %parallel_loop3A_735 = arith.index_cast %parallel_loop3A_353 : i32 to index
        %parallel_loop3A_736 = tpu.vector_load %arg7[%parallel_loop3A_731, %parallel_loop3A_732, %parallel_loop3A_733, %parallel_loop3A_734, %parallel_loop3A_735] {strides = array<i32>} : memref<3x4x4x8x128xf32, #tpu.memory_space<vmem>>, vector<16xf32>,
        tpu.vector_store %arg7[%parallel_loop3A_731, %parallel_loop3A_732, %parallel_loop3A_733, %parallel_loop3A_734, %parallel_loop3A_735], %parallel_loop3A_728 {strides = array<i32>} : memref<3x4x4x8x128xf32, #tpu.memory_space<vmem>>, vector<16xf32>,
        %parallel_loop3A_737 = arith.constant 0 : i32
        %parallel_loop3A_738 = arith.constant 27 : i32
        %parallel_loop3A_739 = arith.constant 0 : i32
        %parallel_loop3A_740 = tpu.memref_slice %arg6[%parallel_loop3A_737, %parallel_loop3A_738, %parallel_loop3A_739] : memref<2x64x128xf32, #tpu.memory_space<vmem>> -> memref<1x1x128xf32, #tpu.memory_space<vmem>>
        %parallel_loop3A_741 = tpu.memref_squeeze %parallel_loop3A_740 : memref<1x1x128xf32, #tpu.memory_space<vmem>> -> memref<128xf32, #tpu.memory_space<vmem>>
        %parallel_loop3A_742 = tpu.vector_load_idx %parallel_loop3A_741[%parallel_loop3A_358] : memref<128xf32, #tpu.memory_space<vmem>>[vector<16xi32>], vector<16xf32>,
        %parallel_loop3A_743 = arith.constant 3 : i32
        %parallel_loop3A_744 = arith.constant 3 : i32
        %parallel_loop3A_745 = arith.index_cast %rem3A_137 : i32 to index
        %parallel_loop3A_746 = arith.index_cast %parallel_loop3A_743 : i32 to index
        %parallel_loop3A_747 = arith.index_cast %parallel_loop3A_335 : i32 to index
        %parallel_loop3A_748 = arith.index_cast %parallel_loop3A_744 : i32 to index
        %parallel_loop3A_749 = arith.index_cast %parallel_loop3A_353 : i32 to index
        %parallel_loop3A_750 = tpu.vector_load %arg7[%parallel_loop3A_745, %parallel_loop3A_746, %parallel_loop3A_747, %parallel_loop3A_748, %parallel_loop3A_749] {strides = array<i32>} : memref<3x4x4x8x128xf32, #tpu.memory_space<vmem>>, vector<16xf32>,
        tpu.vector_store %arg7[%parallel_loop3A_745, %parallel_loop3A_746, %parallel_loop3A_747, %parallel_loop3A_748, %parallel_loop3A_749], %parallel_loop3A_742 {strides = array<i32>} : memref<3x4x4x8x128xf32, #tpu.memory_space<vmem>>, vector<16xf32>,
        %parallel_loop3A_751 = arith.constant 0 : i32
        %parallel_loop3A_752 = arith.constant 28 : i32
        %parallel_loop3A_753 = arith.constant 0 : i32
        %parallel_loop3A_754 = tpu.memref_slice %arg6[%parallel_loop3A_751, %parallel_loop3A_752, %parallel_loop3A_753] : memref<2x64x128xf32, #tpu.memory_space<vmem>> -> memref<1x1x128xf32, #tpu.memory_space<vmem>>
        %parallel_loop3A_755 = tpu.memref_squeeze %parallel_loop3A_754 : memref<1x1x128xf32, #tpu.memory_space<vmem>> -> memref<128xf32, #tpu.memory_space<vmem>>
        %parallel_loop3A_756 = tpu.vector_load_idx %parallel_loop3A_755[%parallel_loop3A_358] : memref<128xf32, #tpu.memory_space<vmem>>[vector<16xi32>], vector<16xf32>,
        %parallel_loop3A_757 = arith.constant 3 : i32
        %parallel_loop3A_758 = arith.constant 4 : i32
        %parallel_loop3A_759 = arith.index_cast %rem3A_137 : i32 to index
        %parallel_loop3A_760 = arith.index_cast %parallel_loop3A_757 : i32 to index
        %parallel_loop3A_761 = arith.index_cast %parallel_loop3A_335 : i32 to index
        %parallel_loop3A_762 = arith.index_cast %parallel_loop3A_758 : i32 to index
        %parallel_loop3A_763 = arith.index_cast %parallel_loop3A_353 : i32 to index
        %parallel_loop3A_764 = tpu.vector_load %arg7[%parallel_loop3A_759, %parallel_loop3A_760, %parallel_loop3A_761, %parallel_loop3A_762, %parallel_loop3A_763] {strides = array<i32>} : memref<3x4x4x8x128xf32, #tpu.memory_space<vmem>>, vector<16xf32>,
        tpu.vector_store %arg7[%parallel_loop3A_759, %parallel_loop3A_760, %parallel_loop3A_761, %parallel_loop3A_762, %parallel_loop3A_763], %parallel_loop3A_756 {strides = array<i32>} : memref<3x4x4x8x128xf32, #tpu.memory_space<vmem>>, vector<16xf32>,
        %parallel_loop3A_765 = arith.constant 0 : i32
        %parallel_loop3A_766 = arith.constant 29 : i32
        %parallel_loop3A_767 = arith.constant 0 : i32
        %parallel_loop3A_768 = tpu.memref_slice %arg6[%parallel_loop3A_765, %parallel_loop3A_766, %parallel_loop3A_767] : memref<2x64x128xf32, #tpu.memory_space<vmem>> -> memref<1x1x128xf32, #tpu.memory_space<vmem>>
        %parallel_loop3A_769 = tpu.memref_squeeze %parallel_loop3A_768 : memref<1x1x128xf32, #tpu.memory_space<vmem>> -> memref<128xf32, #tpu.memory_space<vmem>>
        %parallel_loop3A_770 = tpu.vector_load_idx %parallel_loop3A_769[%parallel_loop3A_358] : memref<128xf32, #tpu.memory_space<vmem>>[vector<16xi32>], vector<16xf32>,
        %parallel_loop3A_771 = arith.constant 3 : i32
        %parallel_loop3A_772 = arith.constant 5 : i32
        %parallel_loop3A_773 = arith.index_cast %rem3A_137 : i32 to index
        %parallel_loop3A_774 = arith.index_cast %parallel_loop3A_771 : i32 to index
        %parallel_loop3A_775 = arith.index_cast %parallel_loop3A_335 : i32 to index
        %parallel_loop3A_776 = arith.index_cast %parallel_loop3A_772 : i32 to index
        %parallel_loop3A_777 = arith.index_cast %parallel_loop3A_353 : i32 to index
        %parallel_loop3A_778 = tpu.vector_load %arg7[%parallel_loop3A_773, %parallel_loop3A_774, %parallel_loop3A_775, %parallel_loop3A_776, %parallel_loop3A_777] {strides = array<i32>} : memref<3x4x4x8x128xf32, #tpu.memory_space<vmem>>, vector<16xf32>,
        tpu.vector_store %arg7[%parallel_loop3A_773, %parallel_loop3A_774, %parallel_loop3A_775, %parallel_loop3A_776, %parallel_loop3A_777], %parallel_loop3A_770 {strides = array<i32>} : memref<3x4x4x8x128xf32, #tpu.memory_space<vmem>>, vector<16xf32>,
        %parallel_loop3A_779 = arith.constant 0 : i32
        %parallel_loop3A_780 = arith.constant 30 : i32
        %parallel_loop3A_781 = arith.constant 0 : i32
        %parallel_loop3A_782 = tpu.memref_slice %arg6[%parallel_loop3A_779, %parallel_loop3A_780, %parallel_loop3A_781] : memref<2x64x128xf32, #tpu.memory_space<vmem>> -> memref<1x1x128xf32, #tpu.memory_space<vmem>>
        %parallel_loop3A_783 = tpu.memref_squeeze %parallel_loop3A_782 : memref<1x1x128xf32, #tpu.memory_space<vmem>> -> memref<128xf32, #tpu.memory_space<vmem>>
        %parallel_loop3A_784 = tpu.vector_load_idx %parallel_loop3A_783[%parallel_loop3A_358] : memref<128xf32, #tpu.memory_space<vmem>>[vector<16xi32>], vector<16xf32>,
        %parallel_loop3A_785 = arith.constant 3 : i32
        %parallel_loop3A_786 = arith.constant 6 : i32
        %parallel_loop3A_787 = arith.index_cast %rem3A_137 : i32 to index
        %parallel_loop3A_788 = arith.index_cast %parallel_loop3A_785 : i32 to index
        %parallel_loop3A_789 = arith.index_cast %parallel_loop3A_335 : i32 to index
        %parallel_loop3A_790 = arith.index_cast %parallel_loop3A_786 : i32 to index
        %parallel_loop3A_791 = arith.index_cast %parallel_loop3A_353 : i32 to index
        %parallel_loop3A_792 = tpu.vector_load %arg7[%parallel_loop3A_787, %parallel_loop3A_788, %parallel_loop3A_789, %parallel_loop3A_790, %parallel_loop3A_791] {strides = array<i32>} : memref<3x4x4x8x128xf32, #tpu.memory_space<vmem>>, vector<16xf32>,
        tpu.vector_store %arg7[%parallel_loop3A_787, %parallel_loop3A_788, %parallel_loop3A_789, %parallel_loop3A_790, %parallel_loop3A_791], %parallel_loop3A_784 {strides = array<i32>} : memref<3x4x4x8x128xf32, #tpu.memory_space<vmem>>, vector<16xf32>,
        %parallel_loop3A_793 = arith.constant 0 : i32
        %parallel_loop3A_794 = arith.constant 31 : i32
        %parallel_loop3A_795 = arith.constant 0 : i32
        %parallel_loop3A_796 = tpu.memref_slice %arg6[%parallel_loop3A_793, %parallel_loop3A_794, %parallel_loop3A_795] : memref<2x64x128xf32, #tpu.memory_space<vmem>> -> memref<1x1x128xf32, #tpu.memory_space<vmem>>
        %parallel_loop3A_797 = tpu.memref_squeeze %parallel_loop3A_796 : memref<1x1x128xf32, #tpu.memory_space<vmem>> -> memref<128xf32, #tpu.memory_space<vmem>>
        %parallel_loop3A_798 = tpu.vector_load_idx %parallel_loop3A_797[%parallel_loop3A_358] : memref<128xf32, #tpu.memory_space<vmem>>[vector<16xi32>], vector<16xf32>,
        %parallel_loop3A_799 = arith.constant 3 : i32
        %parallel_loop3A_800 = arith.constant 7 : i32
        %parallel_loop3A_801 = arith.index_cast %rem3A_137 : i32 to index
        %parallel_loop3A_802 = arith.index_cast %parallel_loop3A_799 : i32 to index
        %parallel_loop3A_803 = arith.index_cast %parallel_loop3A_335 : i32 to index
        %parallel_loop3A_804 = arith.index_cast %parallel_loop3A_800 : i32 to index
        %parallel_loop3A_805 = arith.index_cast %parallel_loop3A_353 : i32 to index
        %parallel_loop3A_806 = tpu.vector_load %arg7[%parallel_loop3A_801, %parallel_loop3A_802, %parallel_loop3A_803, %parallel_loop3A_804, %parallel_loop3A_805] {strides = array<i32>} : memref<3x4x4x8x128xf32, #tpu.memory_space<vmem>>, vector<16xf32>,
        tpu.vector_store %arg7[%parallel_loop3A_801, %parallel_loop3A_802, %parallel_loop3A_803, %parallel_loop3A_804, %parallel_loop3A_805], %parallel_loop3A_798 {strides = array<i32>} : memref<3x4x4x8x128xf32, #tpu.memory_space<vmem>>, vector<16xf32>,
      } {sc.loop_unroll_factor = 1 : i64, sc.parallel_access}
      %mul3A_144 = arith.constant 4 : i32
      %mul3A_145 = arith.muli %add3A, %mul3A_144 : i32
      %dma_start3A_146 = arith.constant 0 : i32
      %dma_start3A_147 = arith.constant 0 : i32
      %dma_start3A_148 = arith.constant 0 : i32
      %dma_start3A_149 = arith.constant 0 : i32
      %dma_start3A_150 = tpu.memref_slice %arg7[%rem3A_137, %dma_start3A_146, %dma_start3A_147, %dma_start3A_148, %dma_start3A_149] : memref<3x4x4x8x128xf32, #tpu.memory_space<vmem>> -> memref<1x4x4x8x128xf32, #tpu.memory_space<vmem>>
      %dma_start3A_151 = tpu.memref_squeeze %dma_start3A_150 : memref<1x4x4x8x128xf32, #tpu.memory_space<vmem>> -> memref<4x4x8x128xf32, #tpu.memory_space<vmem>>
      %dma_start3A_152 = arith.constant 0 : i32
      %dma_start3A_153 = arith.constant 0 : i32
      %dma_start3A_154 = arith.constant 0 : i32
      %dma_start3A_155 = tpu.memref_slice %arg4[%add3A_108, %dma_start3A_152, %mul3A_145, %dma_start3A_153, %dma_start3A_154] : memref<26x8x128x8x128xf32, #tpu.memory_space<hbm>> -> memref<1x4x4x8x128xf32, #tpu.memory_space<hbm>>
      %dma_start3A_156 = tpu.memref_squeeze %dma_start3A_155 : memref<1x4x4x8x128xf32, #tpu.memory_space<hbm>> -> memref<4x4x8x128xf32, #tpu.memory_space<hbm>>
      %dma_start3A_157 = arith.constant 0 : i32
      %dma_start3A_158 = arith.constant 0 : i32
      %dma_start3A_159 = arith.constant 0 : i32
      %dma_start3A_160 = tpu.memref_slice %arg4[%add3A_108, %dma_start3A_157, %mul3A_145, %dma_start3A_158, %dma_start3A_159] : memref<26x8x128x8x128xf32, #tpu.memory_space<hbm>> -> memref<1x4x4x8x128xf32, #tpu.memory_space<hbm>>
      %dma_start3A_161 = tpu.memref_squeeze %dma_start3A_160 : memref<1x4x4x8x128xf32, #tpu.memory_space<hbm>> -> memref<4x4x8x128xf32, #tpu.memory_space<hbm>>
      %dma_start3A_162 = arith.constant 0 : i32
      %dma_start3A_163 = arith.constant 0 : i32
      %dma_start3A_164 = arith.constant 0 : i32
      %dma_start3A_165 = arith.constant 0 : i32
      %dma_start3A_166 = tpu.memref_slice %arg7[%rem3A_137, %dma_start3A_162, %dma_start3A_163, %dma_start3A_164, %dma_start3A_165] : memref<3x4x4x8x128xf32, #tpu.memory_space<vmem>> -> memref<1x4x4x8x128xf32, #tpu.memory_space<vmem>>
      %dma_start3A_167 = tpu.memref_squeeze %dma_start3A_166 : memref<1x4x4x8x128xf32, #tpu.memory_space<vmem>> -> memref<4x4x8x128xf32, #tpu.memory_space<vmem>>
      tpu.enqueue_dma source(%dma_start3A_167 : memref<4x4x8x128xf32, #tpu.memory_space<vmem>>) target(%dma_start3A_161 : memref<4x4x8x128xf32, #tpu.memory_space<hbm>>) target_semaphore(%arg10 : memref<!tpu.dma_semaphore, #tpu.memory_space<semaphore_mem>>)
      %mul3A_168 = arith.constant 2 : i32
      %mul3A_169 = arith.muli %add3A_108, %mul3A_168 : i32
      %add3A_170 = arith.constant 1 : i32
      %add3A_171 = arith.addi %mul3A_169, %add3A_170 : i32
      %rem3A_172 = arith.constant 3 : i32
      %rem3A_173 = arith.remsi %add3A_171, %rem3A_172 : i32
      %ge3A_174 = arith.constant 3 : i32
      %ge3A_175 = arith.cmpi sge, %add3A_171, %ge3A_174 : i32
      %convert_element_type3A_176 = arith.extui %ge3A_175 : i1 to i32
      %cond3A_177 = arith.constant 0 : i32
      %cond3A_178 = arith.cmpi ne, %convert_element_type3A_176, %cond3A_177 : i32
      scf.if %cond3A_178 {
        %mul3A_311 = arith.constant 4 : i32
        %mul3A_312 = arith.muli %add3A, %mul3A_311 : i32
        %dma_wait3A_313 = arith.constant 0 : i32
        %dma_wait3A_314 = arith.constant 0 : i32
        %dma_wait3A_315 = arith.constant 0 : i32
        %dma_wait3A_316 = arith.constant 0 : i32
        %dma_wait3A_317 = arith.constant 0 : i32
        %dma_wait3A_318 = tpu.memref_slice %arg7[%rem3A_173, %dma_wait3A_314, %dma_wait3A_315, %dma_wait3A_316, %dma_wait3A_317] : memref<3x4x4x8x128xf32, #tpu.memory_space<vmem>> -> memref<1x4x4x8x128xf32, #tpu.memory_space<vmem>>
        %dma_wait3A_319 = tpu.memref_squeeze %dma_wait3A_318 : memref<1x4x4x8x128xf32, #tpu.memory_space<vmem>> -> memref<4x4x8x128xf32, #tpu.memory_space<vmem>>
        %dma_wait3A_320 = arith.constant 0 : i32
        %dma_wait3A_321 = arith.constant 0 : i32
        %dma_wait3A_322 = arith.constant 0 : i32
        %dma_wait3A_323 = tpu.memref_slice %arg4[%dma_wait3A_313, %dma_wait3A_320, %mul3A_312, %dma_wait3A_321, %dma_wait3A_322] : memref<26x8x128x8x128xf32, #tpu.memory_space<hbm>> -> memref<1x4x4x8x128xf32, #tpu.memory_space<hbm>>
        %dma_wait3A_324 = tpu.memref_squeeze %dma_wait3A_323 : memref<1x4x4x8x128xf32, #tpu.memory_space<hbm>> -> memref<4x4x8x128xf32, #tpu.memory_space<hbm>>
        %dma_wait3A_325 = arith.constant 0 : i32
        %dma_wait3A_326 = arith.constant 0 : i32
        %dma_wait3A_327 = arith.constant 0 : i32
        %dma_wait3A_328 = tpu.memref_slice %arg4[%dma_wait3A_313, %dma_wait3A_325, %mul3A_312, %dma_wait3A_326, %dma_wait3A_327] : memref<26x8x128x8x128xf32, #tpu.memory_space<hbm>> -> memref<1x4x4x8x128xf32, #tpu.memory_space<hbm>>
        %dma_wait3A_329 = tpu.memref_squeeze %dma_wait3A_328 : memref<1x4x4x8x128xf32, #tpu.memory_space<hbm>> -> memref<4x4x8x128xf32, #tpu.memory_space<hbm>>
        %dma_wait3A_330 = arith.constant 0 : i32
        %dma_wait3A_331 = arith.constant 0 : i32
        %dma_wait3A_332 = arith.constant 0 : i32
        %dma_wait3A_333 = arith.constant 0 : i32
        %dma_wait3A_334 = tpu.memref_slice %arg7[%rem3A_173, %dma_wait3A_330, %dma_wait3A_331, %dma_wait3A_332, %dma_wait3A_333] : memref<3x4x4x8x128xf32, #tpu.memory_space<vmem>> -> memref<1x4x4x8x128xf32, #tpu.memory_space<vmem>>
        %dma_wait3A_335 = tpu.memref_squeeze %dma_wait3A_334 : memref<1x4x4x8x128xf32, #tpu.memory_space<vmem>> -> memref<4x4x8x128xf32, #tpu.memory_space<vmem>>
        tpu.wait_dma2 semaphore(%arg10 : memref<!tpu.dma_semaphore, #tpu.memory_space<semaphore_mem>>) src(%dma_wait3A_335 : memref<4x4x8x128xf32, #tpu.memory_space<vmem>>) dst(%dma_wait3A_329 : memref<4x4x8x128xf32, #tpu.memory_space<hbm>>)
      } else {
      }
      %parallel_loop3A_179 = arith.constant 0 : i32
      %parallel_loop3A_180 = arith.constant 32 : i32
      %parallel_loop3A_181 = arith.constant 1 : i32
      scf.for %parallel_loop3A_311 = %parallel_loop3A_179 to %parallel_loop3A_180 step %parallel_loop3A_181  : i32 {
        %parallel_loop3A_312 = arith.constant 8 : i32
        %parallel_loop3A_313 = arith.divsi %parallel_loop3A_311, %parallel_loop3A_312 : i32
        %parallel_loop3A_314 = arith.constant 0 : i32
        %parallel_loop3A_315 = arith.cmpi sgt, %parallel_loop3A_311, %parallel_loop3A_314 : i32
        %parallel_loop3A_316 = arith.extui %parallel_loop3A_315 : i1 to i32
        %parallel_loop3A_317 = arith.constant 0 : i32
        %parallel_loop3A_318 = arith.cmpi slt, %parallel_loop3A_311, %parallel_loop3A_317 : i32
        %parallel_loop3A_319 = arith.extui %parallel_loop3A_318 : i1 to i32
        %parallel_loop3A_320 = arith.subi %parallel_loop3A_316, %parallel_loop3A_319 : i32
        %parallel_loop3A_321 = arith.constant 0 : i32
        %parallel_loop3A_322 = arith.cmpi sgt, %parallel_loop3A_312, %parallel_loop3A_321 : i32
        %parallel_loop3A_323 = arith.extui %parallel_loop3A_322 : i1 to i32
        %parallel_loop3A_324 = arith.constant 0 : i32
        %parallel_loop3A_325 = arith.cmpi slt, %parallel_loop3A_312, %parallel_loop3A_324 : i32
        %parallel_loop3A_326 = arith.extui %parallel_loop3A_325 : i1 to i32
        %parallel_loop3A_327 = arith.subi %parallel_loop3A_323, %parallel_loop3A_326 : i32
        %parallel_loop3A_328 = arith.cmpi ne, %parallel_loop3A_320, %parallel_loop3A_327 : i32
        %parallel_loop3A_329 = arith.remsi %parallel_loop3A_311, %parallel_loop3A_312 : i32
        %parallel_loop3A_330 = arith.constant 0 : i32
        %parallel_loop3A_331 = arith.cmpi ne, %parallel_loop3A_329, %parallel_loop3A_330 : i32
        %parallel_loop3A_332 = arith.andi %parallel_loop3A_328, %parallel_loop3A_331 : i1
        %parallel_loop3A_333 = arith.constant 1 : i32
        %parallel_loop3A_334 = arith.subi %parallel_loop3A_313, %parallel_loop3A_333 : i32
        %parallel_loop3A_335 = arith.select %parallel_loop3A_332, %parallel_loop3A_334, %parallel_loop3A_313 : i32
        %parallel_loop3A_336 = arith.constant 8 : i32
        %parallel_loop3A_337 = arith.constant 0 : i32
        %parallel_loop3A_338 = arith.cmpi eq, %parallel_loop3A_336, %parallel_loop3A_337 : i32
        %parallel_loop3A_339 = arith.constant 1 : i32
        %parallel_loop3A_340 = arith.select %parallel_loop3A_338, %parallel_loop3A_339, %parallel_loop3A_336 : i32
        %parallel_loop3A_341 = arith.remsi %parallel_loop3A_311, %parallel_loop3A_340 : i32
        %parallel_loop3A_342 = arith.constant 0 : i32
        %parallel_loop3A_343 = arith.cmpi ne, %parallel_loop3A_341, %parallel_loop3A_342 : i32
        %parallel_loop3A_344 = arith.constant 0 : i32
        %parallel_loop3A_345 = arith.cmpi slt, %parallel_loop3A_341, %parallel_loop3A_344 : i32
        %parallel_loop3A_346 = arith.constant 0 : i32
        %parallel_loop3A_347 = arith.cmpi slt, %parallel_loop3A_340, %parallel_loop3A_346 : i32
        %parallel_loop3A_348 = arith.xori %parallel_loop3A_345, %parallel_loop3A_347 : i1
        %parallel_loop3A_349 = arith.andi %parallel_loop3A_348, %parallel_loop3A_343 : i1
        %parallel_loop3A_350 = arith.addi %parallel_loop3A_341, %parallel_loop3A_340 : i32
        %parallel_loop3A_351 = arith.select %parallel_loop3A_349, %parallel_loop3A_350, %parallel_loop3A_341 : i32
        %parallel_loop3A_352 = arith.constant 16 : i32
        %parallel_loop3A_353 = arith.muli %parallel_loop3A_351, %parallel_loop3A_352 : i32
        %parallel_loop3A_354 = arith.constant 16 : i32
        %parallel_loop3A_355 = arith.muli %parallel_loop3A_311, %parallel_loop3A_354 : i32
        %parallel_loop3A_356 = arith.index_cast %add3A_108 : i32 to index
        %parallel_loop3A_357 = arith.index_cast %parallel_loop3A_355 : i32 to index
        %parallel_loop3A_358 = tpu.vector_load %arg5[%parallel_loop3A_356, %parallel_loop3A_357] {strides = array<i32>} : memref<26x512xi32, #tpu.memory_space<vmem>>, vector<16xi32>,
        %parallel_loop3A_359 = arith.constant 0 : i32
        %parallel_loop3A_360 = arith.constant 32 : i32
        %parallel_loop3A_361 = arith.constant 0 : i32
        %parallel_loop3A_362 = tpu.memref_slice %arg6[%parallel_loop3A_359, %parallel_loop3A_360, %parallel_loop3A_361] : memref<2x64x128xf32, #tpu.memory_space<vmem>> -> memref<1x1x128xf32, #tpu.memory_space<vmem>>
        %parallel_loop3A_363 = tpu.memref_squeeze %parallel_loop3A_362 : memref<1x1x128xf32, #tpu.memory_space<vmem>> -> memref<128xf32, #tpu.memory_space<vmem>>
        %parallel_loop3A_364 = tpu.vector_load_idx %parallel_loop3A_363[%parallel_loop3A_358] : memref<128xf32, #tpu.memory_space<vmem>>[vector<16xi32>], vector<16xf32>,
        %parallel_loop3A_365 = arith.constant 0 : i32
        %parallel_loop3A_366 = arith.constant 0 : i32
        %parallel_loop3A_367 = arith.index_cast %rem3A_173 : i32 to index
        %parallel_loop3A_368 = arith.index_cast %parallel_loop3A_365 : i32 to index
        %parallel_loop3A_369 = arith.index_cast %parallel_loop3A_335 : i32 to index
        %parallel_loop3A_370 = arith.index_cast %parallel_loop3A_366 : i32 to index
        %parallel_loop3A_371 = arith.index_cast %parallel_loop3A_353 : i32 to index
        %parallel_loop3A_372 = tpu.vector_load %arg7[%parallel_loop3A_367, %parallel_loop3A_368, %parallel_loop3A_369, %parallel_loop3A_370, %parallel_loop3A_371] {strides = array<i32>} : memref<3x4x4x8x128xf32, #tpu.memory_space<vmem>>, vector<16xf32>,
        tpu.vector_store %arg7[%parallel_loop3A_367, %parallel_loop3A_368, %parallel_loop3A_369, %parallel_loop3A_370, %parallel_loop3A_371], %parallel_loop3A_364 {strides = array<i32>} : memref<3x4x4x8x128xf32, #tpu.memory_space<vmem>>, vector<16xf32>,
        %parallel_loop3A_373 = arith.constant 0 : i32
        %parallel_loop3A_374 = arith.constant 33 : i32
        %parallel_loop3A_375 = arith.constant 0 : i32
        %parallel_loop3A_376 = tpu.memref_slice %arg6[%parallel_loop3A_373, %parallel_loop3A_374, %parallel_loop3A_375] : memref<2x64x128xf32, #tpu.memory_space<vmem>> -> memref<1x1x128xf32, #tpu.memory_space<vmem>>
        %parallel_loop3A_377 = tpu.memref_squeeze %parallel_loop3A_376 : memref<1x1x128xf32, #tpu.memory_space<vmem>> -> memref<128xf32, #tpu.memory_space<vmem>>
        %parallel_loop3A_378 = tpu.vector_load_idx %parallel_loop3A_377[%parallel_loop3A_358] : memref<128xf32, #tpu.memory_space<vmem>>[vector<16xi32>], vector<16xf32>,
        %parallel_loop3A_379 = arith.constant 0 : i32
        %parallel_loop3A_380 = arith.constant 1 : i32
        %parallel_loop3A_381 = arith.index_cast %rem3A_173 : i32 to index
        %parallel_loop3A_382 = arith.index_cast %parallel_loop3A_379 : i32 to index
        %parallel_loop3A_383 = arith.index_cast %parallel_loop3A_335 : i32 to index
        %parallel_loop3A_384 = arith.index_cast %parallel_loop3A_380 : i32 to index
        %parallel_loop3A_385 = arith.index_cast %parallel_loop3A_353 : i32 to index
        %parallel_loop3A_386 = tpu.vector_load %arg7[%parallel_loop3A_381, %parallel_loop3A_382, %parallel_loop3A_383, %parallel_loop3A_384, %parallel_loop3A_385] {strides = array<i32>} : memref<3x4x4x8x128xf32, #tpu.memory_space<vmem>>, vector<16xf32>,
        tpu.vector_store %arg7[%parallel_loop3A_381, %parallel_loop3A_382, %parallel_loop3A_383, %parallel_loop3A_384, %parallel_loop3A_385], %parallel_loop3A_378 {strides = array<i32>} : memref<3x4x4x8x128xf32, #tpu.memory_space<vmem>>, vector<16xf32>,
        %parallel_loop3A_387 = arith.constant 0 : i32
        %parallel_loop3A_388 = arith.constant 34 : i32
        %parallel_loop3A_389 = arith.constant 0 : i32
        %parallel_loop3A_390 = tpu.memref_slice %arg6[%parallel_loop3A_387, %parallel_loop3A_388, %parallel_loop3A_389] : memref<2x64x128xf32, #tpu.memory_space<vmem>> -> memref<1x1x128xf32, #tpu.memory_space<vmem>>
        %parallel_loop3A_391 = tpu.memref_squeeze %parallel_loop3A_390 : memref<1x1x128xf32, #tpu.memory_space<vmem>> -> memref<128xf32, #tpu.memory_space<vmem>>
        %parallel_loop3A_392 = tpu.vector_load_idx %parallel_loop3A_391[%parallel_loop3A_358] : memref<128xf32, #tpu.memory_space<vmem>>[vector<16xi32>], vector<16xf32>,
        %parallel_loop3A_393 = arith.constant 0 : i32
        %parallel_loop3A_394 = arith.constant 2 : i32
        %parallel_loop3A_395 = arith.index_cast %rem3A_173 : i32 to index
        %parallel_loop3A_396 = arith.index_cast %parallel_loop3A_393 : i32 to index
        %parallel_loop3A_397 = arith.index_cast %parallel_loop3A_335 : i32 to index
        %parallel_loop3A_398 = arith.index_cast %parallel_loop3A_394 : i32 to index
        %parallel_loop3A_399 = arith.index_cast %parallel_loop3A_353 : i32 to index
        %parallel_loop3A_400 = tpu.vector_load %arg7[%parallel_loop3A_395, %parallel_loop3A_396, %parallel_loop3A_397, %parallel_loop3A_398, %parallel_loop3A_399] {strides = array<i32>} : memref<3x4x4x8x128xf32, #tpu.memory_space<vmem>>, vector<16xf32>,
        tpu.vector_store %arg7[%parallel_loop3A_395, %parallel_loop3A_396, %parallel_loop3A_397, %parallel_loop3A_398, %parallel_loop3A_399], %parallel_loop3A_392 {strides = array<i32>} : memref<3x4x4x8x128xf32, #tpu.memory_space<vmem>>, vector<16xf32>,
        %parallel_loop3A_401 = arith.constant 0 : i32
        %parallel_loop3A_402 = arith.constant 35 : i32
        %parallel_loop3A_403 = arith.constant 0 : i32
        %parallel_loop3A_404 = tpu.memref_slice %arg6[%parallel_loop3A_401, %parallel_loop3A_402, %parallel_loop3A_403] : memref<2x64x128xf32, #tpu.memory_space<vmem>> -> memref<1x1x128xf32, #tpu.memory_space<vmem>>
        %parallel_loop3A_405 = tpu.memref_squeeze %parallel_loop3A_404 : memref<1x1x128xf32, #tpu.memory_space<vmem>> -> memref<128xf32, #tpu.memory_space<vmem>>
        %parallel_loop3A_406 = tpu.vector_load_idx %parallel_loop3A_405[%parallel_loop3A_358] : memref<128xf32, #tpu.memory_space<vmem>>[vector<16xi32>], vector<16xf32>,
        %parallel_loop3A_407 = arith.constant 0 : i32
        %parallel_loop3A_408 = arith.constant 3 : i32
        %parallel_loop3A_409 = arith.index_cast %rem3A_173 : i32 to index
        %parallel_loop3A_410 = arith.index_cast %parallel_loop3A_407 : i32 to index
        %parallel_loop3A_411 = arith.index_cast %parallel_loop3A_335 : i32 to index
        %parallel_loop3A_412 = arith.index_cast %parallel_loop3A_408 : i32 to index
        %parallel_loop3A_413 = arith.index_cast %parallel_loop3A_353 : i32 to index
        %parallel_loop3A_414 = tpu.vector_load %arg7[%parallel_loop3A_409, %parallel_loop3A_410, %parallel_loop3A_411, %parallel_loop3A_412, %parallel_loop3A_413] {strides = array<i32>} : memref<3x4x4x8x128xf32, #tpu.memory_space<vmem>>, vector<16xf32>,
        tpu.vector_store %arg7[%parallel_loop3A_409, %parallel_loop3A_410, %parallel_loop3A_411, %parallel_loop3A_412, %parallel_loop3A_413], %parallel_loop3A_406 {strides = array<i32>} : memref<3x4x4x8x128xf32, #tpu.memory_space<vmem>>, vector<16xf32>,
        %parallel_loop3A_415 = arith.constant 0 : i32
        %parallel_loop3A_416 = arith.constant 36 : i32
        %parallel_loop3A_417 = arith.constant 0 : i32
        %parallel_loop3A_418 = tpu.memref_slice %arg6[%parallel_loop3A_415, %parallel_loop3A_416, %parallel_loop3A_417] : memref<2x64x128xf32, #tpu.memory_space<vmem>> -> memref<1x1x128xf32, #tpu.memory_space<vmem>>
        %parallel_loop3A_419 = tpu.memref_squeeze %parallel_loop3A_418 : memref<1x1x128xf32, #tpu.memory_space<vmem>> -> memref<128xf32, #tpu.memory_space<vmem>>
        %parallel_loop3A_420 = tpu.vector_load_idx %parallel_loop3A_419[%parallel_loop3A_358] : memref<128xf32, #tpu.memory_space<vmem>>[vector<16xi32>], vector<16xf32>,
        %parallel_loop3A_421 = arith.constant 0 : i32
        %parallel_loop3A_422 = arith.constant 4 : i32
        %parallel_loop3A_423 = arith.index_cast %rem3A_173 : i32 to index
        %parallel_loop3A_424 = arith.index_cast %parallel_loop3A_421 : i32 to index
        %parallel_loop3A_425 = arith.index_cast %parallel_loop3A_335 : i32 to index
        %parallel_loop3A_426 = arith.index_cast %parallel_loop3A_422 : i32 to index
        %parallel_loop3A_427 = arith.index_cast %parallel_loop3A_353 : i32 to index
        %parallel_loop3A_428 = tpu.vector_load %arg7[%parallel_loop3A_423, %parallel_loop3A_424, %parallel_loop3A_425, %parallel_loop3A_426, %parallel_loop3A_427] {strides = array<i32>} : memref<3x4x4x8x128xf32, #tpu.memory_space<vmem>>, vector<16xf32>,
        tpu.vector_store %arg7[%parallel_loop3A_423, %parallel_loop3A_424, %parallel_loop3A_425, %parallel_loop3A_426, %parallel_loop3A_427], %parallel_loop3A_420 {strides = array<i32>} : memref<3x4x4x8x128xf32, #tpu.memory_space<vmem>>, vector<16xf32>,
        %parallel_loop3A_429 = arith.constant 0 : i32
        %parallel_loop3A_430 = arith.constant 37 : i32
        %parallel_loop3A_431 = arith.constant 0 : i32
        %parallel_loop3A_432 = tpu.memref_slice %arg6[%parallel_loop3A_429, %parallel_loop3A_430, %parallel_loop3A_431] : memref<2x64x128xf32, #tpu.memory_space<vmem>> -> memref<1x1x128xf32, #tpu.memory_space<vmem>>
        %parallel_loop3A_433 = tpu.memref_squeeze %parallel_loop3A_432 : memref<1x1x128xf32, #tpu.memory_space<vmem>> -> memref<128xf32, #tpu.memory_space<vmem>>
        %parallel_loop3A_434 = tpu.vector_load_idx %parallel_loop3A_433[%parallel_loop3A_358] : memref<128xf32, #tpu.memory_space<vmem>>[vector<16xi32>], vector<16xf32>,
        %parallel_loop3A_435 = arith.constant 0 : i32
        %parallel_loop3A_436 = arith.constant 5 : i32
        %parallel_loop3A_437 = arith.index_cast %rem3A_173 : i32 to index
        %parallel_loop3A_438 = arith.index_cast %parallel_loop3A_435 : i32 to index
        %parallel_loop3A_439 = arith.index_cast %parallel_loop3A_335 : i32 to index
        %parallel_loop3A_440 = arith.index_cast %parallel_loop3A_436 : i32 to index
        %parallel_loop3A_441 = arith.index_cast %parallel_loop3A_353 : i32 to index
        %parallel_loop3A_442 = tpu.vector_load %arg7[%parallel_loop3A_437, %parallel_loop3A_438, %parallel_loop3A_439, %parallel_loop3A_440, %parallel_loop3A_441] {strides = array<i32>} : memref<3x4x4x8x128xf32, #tpu.memory_space<vmem>>, vector<16xf32>,
        tpu.vector_store %arg7[%parallel_loop3A_437, %parallel_loop3A_438, %parallel_loop3A_439, %parallel_loop3A_440, %parallel_loop3A_441], %parallel_loop3A_434 {strides = array<i32>} : memref<3x4x4x8x128xf32, #tpu.memory_space<vmem>>, vector<16xf32>,
        %parallel_loop3A_443 = arith.constant 0 : i32
        %parallel_loop3A_444 = arith.constant 38 : i32
        %parallel_loop3A_445 = arith.constant 0 : i32
        %parallel_loop3A_446 = tpu.memref_slice %arg6[%parallel_loop3A_443, %parallel_loop3A_444, %parallel_loop3A_445] : memref<2x64x128xf32, #tpu.memory_space<vmem>> -> memref<1x1x128xf32, #tpu.memory_space<vmem>>
        %parallel_loop3A_447 = tpu.memref_squeeze %parallel_loop3A_446 : memref<1x1x128xf32, #tpu.memory_space<vmem>> -> memref<128xf32, #tpu.memory_space<vmem>>
        %parallel_loop3A_448 = tpu.vector_load_idx %parallel_loop3A_447[%parallel_loop3A_358] : memref<128xf32, #tpu.memory_space<vmem>>[vector<16xi32>], vector<16xf32>,
        %parallel_loop3A_449 = arith.constant 0 : i32
        %parallel_loop3A_450 = arith.constant 6 : i32
        %parallel_loop3A_451 = arith.index_cast %rem3A_173 : i32 to index
        %parallel_loop3A_452 = arith.index_cast %parallel_loop3A_449 : i32 to index
        %parallel_loop3A_453 = arith.index_cast %parallel_loop3A_335 : i32 to index
        %parallel_loop3A_454 = arith.index_cast %parallel_loop3A_450 : i32 to index
        %parallel_loop3A_455 = arith.index_cast %parallel_loop3A_353 : i32 to index
        %parallel_loop3A_456 = tpu.vector_load %arg7[%parallel_loop3A_451, %parallel_loop3A_452, %parallel_loop3A_453, %parallel_loop3A_454, %parallel_loop3A_455] {strides = array<i32>} : memref<3x4x4x8x128xf32, #tpu.memory_space<vmem>>, vector<16xf32>,
        tpu.vector_store %arg7[%parallel_loop3A_451, %parallel_loop3A_452, %parallel_loop3A_453, %parallel_loop3A_454, %parallel_loop3A_455], %parallel_loop3A_448 {strides = array<i32>} : memref<3x4x4x8x128xf32, #tpu.memory_space<vmem>>, vector<16xf32>,
        %parallel_loop3A_457 = arith.constant 0 : i32
        %parallel_loop3A_458 = arith.constant 39 : i32
        %parallel_loop3A_459 = arith.constant 0 : i32
        %parallel_loop3A_460 = tpu.memref_slice %arg6[%parallel_loop3A_457, %parallel_loop3A_458, %parallel_loop3A_459] : memref<2x64x128xf32, #tpu.memory_space<vmem>> -> memref<1x1x128xf32, #tpu.memory_space<vmem>>
        %parallel_loop3A_461 = tpu.memref_squeeze %parallel_loop3A_460 : memref<1x1x128xf32, #tpu.memory_space<vmem>> -> memref<128xf32, #tpu.memory_space<vmem>>
        %parallel_loop3A_462 = tpu.vector_load_idx %parallel_loop3A_461[%parallel_loop3A_358] : memref<128xf32, #tpu.memory_space<vmem>>[vector<16xi32>], vector<16xf32>,
        %parallel_loop3A_463 = arith.constant 0 : i32
        %parallel_loop3A_464 = arith.constant 7 : i32
        %parallel_loop3A_465 = arith.index_cast %rem3A_173 : i32 to index
        %parallel_loop3A_466 = arith.index_cast %parallel_loop3A_463 : i32 to index
        %parallel_loop3A_467 = arith.index_cast %parallel_loop3A_335 : i32 to index
        %parallel_loop3A_468 = arith.index_cast %parallel_loop3A_464 : i32 to index
        %parallel_loop3A_469 = arith.index_cast %parallel_loop3A_353 : i32 to index
        %parallel_loop3A_470 = tpu.vector_load %arg7[%parallel_loop3A_465, %parallel_loop3A_466, %parallel_loop3A_467, %parallel_loop3A_468, %parallel_loop3A_469] {strides = array<i32>} : memref<3x4x4x8x128xf32, #tpu.memory_space<vmem>>, vector<16xf32>,
        tpu.vector_store %arg7[%parallel_loop3A_465, %parallel_loop3A_466, %parallel_loop3A_467, %parallel_loop3A_468, %parallel_loop3A_469], %parallel_loop3A_462 {strides = array<i32>} : memref<3x4x4x8x128xf32, #tpu.memory_space<vmem>>, vector<16xf32>,
        %parallel_loop3A_471 = arith.constant 0 : i32
        %parallel_loop3A_472 = arith.constant 40 : i32
        %parallel_loop3A_473 = arith.constant 0 : i32
        %parallel_loop3A_474 = tpu.memref_slice %arg6[%parallel_loop3A_471, %parallel_loop3A_472, %parallel_loop3A_473] : memref<2x64x128xf32, #tpu.memory_space<vmem>> -> memref<1x1x128xf32, #tpu.memory_space<vmem>>
        %parallel_loop3A_475 = tpu.memref_squeeze %parallel_loop3A_474 : memref<1x1x128xf32, #tpu.memory_space<vmem>> -> memref<128xf32, #tpu.memory_space<vmem>>
        %parallel_loop3A_476 = tpu.vector_load_idx %parallel_loop3A_475[%parallel_loop3A_358] : memref<128xf32, #tpu.memory_space<vmem>>[vector<16xi32>], vector<16xf32>,
        %parallel_loop3A_477 = arith.constant 1 : i32
        %parallel_loop3A_478 = arith.constant 0 : i32
        %parallel_loop3A_479 = arith.index_cast %rem3A_173 : i32 to index
        %parallel_loop3A_480 = arith.index_cast %parallel_loop3A_477 : i32 to index
        %parallel_loop3A_481 = arith.index_cast %parallel_loop3A_335 : i32 to index
        %parallel_loop3A_482 = arith.index_cast %parallel_loop3A_478 : i32 to index
        %parallel_loop3A_483 = arith.index_cast %parallel_loop3A_353 : i32 to index
        %parallel_loop3A_484 = tpu.vector_load %arg7[%parallel_loop3A_479, %parallel_loop3A_480, %parallel_loop3A_481, %parallel_loop3A_482, %parallel_loop3A_483] {strides = array<i32>} : memref<3x4x4x8x128xf32, #tpu.memory_space<vmem>>, vector<16xf32>,
        tpu.vector_store %arg7[%parallel_loop3A_479, %parallel_loop3A_480, %parallel_loop3A_481, %parallel_loop3A_482, %parallel_loop3A_483], %parallel_loop3A_476 {strides = array<i32>} : memref<3x4x4x8x128xf32, #tpu.memory_space<vmem>>, vector<16xf32>,
        %parallel_loop3A_485 = arith.constant 0 : i32
        %parallel_loop3A_486 = arith.constant 41 : i32
        %parallel_loop3A_487 = arith.constant 0 : i32
        %parallel_loop3A_488 = tpu.memref_slice %arg6[%parallel_loop3A_485, %parallel_loop3A_486, %parallel_loop3A_487] : memref<2x64x128xf32, #tpu.memory_space<vmem>> -> memref<1x1x128xf32, #tpu.memory_space<vmem>>
        %parallel_loop3A_489 = tpu.memref_squeeze %parallel_loop3A_488 : memref<1x1x128xf32, #tpu.memory_space<vmem>> -> memref<128xf32, #tpu.memory_space<vmem>>
        %parallel_loop3A_490 = tpu.vector_load_idx %parallel_loop3A_489[%parallel_loop3A_358] : memref<128xf32, #tpu.memory_space<vmem>>[vector<16xi32>], vector<16xf32>,
        %parallel_loop3A_491 = arith.constant 1 : i32
        %parallel_loop3A_492 = arith.constant 1 : i32
        %parallel_loop3A_493 = arith.index_cast %rem3A_173 : i32 to index
        %parallel_loop3A_494 = arith.index_cast %parallel_loop3A_491 : i32 to index
        %parallel_loop3A_495 = arith.index_cast %parallel_loop3A_335 : i32 to index
        %parallel_loop3A_496 = arith.index_cast %parallel_loop3A_492 : i32 to index
        %parallel_loop3A_497 = arith.index_cast %parallel_loop3A_353 : i32 to index
        %parallel_loop3A_498 = tpu.vector_load %arg7[%parallel_loop3A_493, %parallel_loop3A_494, %parallel_loop3A_495, %parallel_loop3A_496, %parallel_loop3A_497] {strides = array<i32>} : memref<3x4x4x8x128xf32, #tpu.memory_space<vmem>>, vector<16xf32>,
        tpu.vector_store %arg7[%parallel_loop3A_493, %parallel_loop3A_494, %parallel_loop3A_495, %parallel_loop3A_496, %parallel_loop3A_497], %parallel_loop3A_490 {strides = array<i32>} : memref<3x4x4x8x128xf32, #tpu.memory_space<vmem>>, vector<16xf32>,
        %parallel_loop3A_499 = arith.constant 0 : i32
        %parallel_loop3A_500 = arith.constant 42 : i32
        %parallel_loop3A_501 = arith.constant 0 : i32
        %parallel_loop3A_502 = tpu.memref_slice %arg6[%parallel_loop3A_499, %parallel_loop3A_500, %parallel_loop3A_501] : memref<2x64x128xf32, #tpu.memory_space<vmem>> -> memref<1x1x128xf32, #tpu.memory_space<vmem>>
        %parallel_loop3A_503 = tpu.memref_squeeze %parallel_loop3A_502 : memref<1x1x128xf32, #tpu.memory_space<vmem>> -> memref<128xf32, #tpu.memory_space<vmem>>
        %parallel_loop3A_504 = tpu.vector_load_idx %parallel_loop3A_503[%parallel_loop3A_358] : memref<128xf32, #tpu.memory_space<vmem>>[vector<16xi32>], vector<16xf32>,
        %parallel_loop3A_505 = arith.constant 1 : i32
        %parallel_loop3A_506 = arith.constant 2 : i32
        %parallel_loop3A_507 = arith.index_cast %rem3A_173 : i32 to index
        %parallel_loop3A_508 = arith.index_cast %parallel_loop3A_505 : i32 to index
        %parallel_loop3A_509 = arith.index_cast %parallel_loop3A_335 : i32 to index
        %parallel_loop3A_510 = arith.index_cast %parallel_loop3A_506 : i32 to index
        %parallel_loop3A_511 = arith.index_cast %parallel_loop3A_353 : i32 to index
        %parallel_loop3A_512 = tpu.vector_load %arg7[%parallel_loop3A_507, %parallel_loop3A_508, %parallel_loop3A_509, %parallel_loop3A_510, %parallel_loop3A_511] {strides = array<i32>} : memref<3x4x4x8x128xf32, #tpu.memory_space<vmem>>, vector<16xf32>,
        tpu.vector_store %arg7[%parallel_loop3A_507, %parallel_loop3A_508, %parallel_loop3A_509, %parallel_loop3A_510, %parallel_loop3A_511], %parallel_loop3A_504 {strides = array<i32>} : memref<3x4x4x8x128xf32, #tpu.memory_space<vmem>>, vector<16xf32>,
        %parallel_loop3A_513 = arith.constant 0 : i32
        %parallel_loop3A_514 = arith.constant 43 : i32
        %parallel_loop3A_515 = arith.constant 0 : i32
        %parallel_loop3A_516 = tpu.memref_slice %arg6[%parallel_loop3A_513, %parallel_loop3A_514, %parallel_loop3A_515] : memref<2x64x128xf32, #tpu.memory_space<vmem>> -> memref<1x1x128xf32, #tpu.memory_space<vmem>>
        %parallel_loop3A_517 = tpu.memref_squeeze %parallel_loop3A_516 : memref<1x1x128xf32, #tpu.memory_space<vmem>> -> memref<128xf32, #tpu.memory_space<vmem>>
        %parallel_loop3A_518 = tpu.vector_load_idx %parallel_loop3A_517[%parallel_loop3A_358] : memref<128xf32, #tpu.memory_space<vmem>>[vector<16xi32>], vector<16xf32>,
        %parallel_loop3A_519 = arith.constant 1 : i32
        %parallel_loop3A_520 = arith.constant 3 : i32
        %parallel_loop3A_521 = arith.index_cast %rem3A_173 : i32 to index
        %parallel_loop3A_522 = arith.index_cast %parallel_loop3A_519 : i32 to index
        %parallel_loop3A_523 = arith.index_cast %parallel_loop3A_335 : i32 to index
        %parallel_loop3A_524 = arith.index_cast %parallel_loop3A_520 : i32 to index
        %parallel_loop3A_525 = arith.index_cast %parallel_loop3A_353 : i32 to index
        %parallel_loop3A_526 = tpu.vector_load %arg7[%parallel_loop3A_521, %parallel_loop3A_522, %parallel_loop3A_523, %parallel_loop3A_524, %parallel_loop3A_525] {strides = array<i32>} : memref<3x4x4x8x128xf32, #tpu.memory_space<vmem>>, vector<16xf32>,
        tpu.vector_store %arg7[%parallel_loop3A_521, %parallel_loop3A_522, %parallel_loop3A_523, %parallel_loop3A_524, %parallel_loop3A_525], %parallel_loop3A_518 {strides = array<i32>} : memref<3x4x4x8x128xf32, #tpu.memory_space<vmem>>, vector<16xf32>,
        %parallel_loop3A_527 = arith.constant 0 : i32
        %parallel_loop3A_528 = arith.constant 44 : i32
        %parallel_loop3A_529 = arith.constant 0 : i32
        %parallel_loop3A_530 = tpu.memref_slice %arg6[%parallel_loop3A_527, %parallel_loop3A_528, %parallel_loop3A_529] : memref<2x64x128xf32, #tpu.memory_space<vmem>> -> memref<1x1x128xf32, #tpu.memory_space<vmem>>
        %parallel_loop3A_531 = tpu.memref_squeeze %parallel_loop3A_530 : memref<1x1x128xf32, #tpu.memory_space<vmem>> -> memref<128xf32, #tpu.memory_space<vmem>>
        %parallel_loop3A_532 = tpu.vector_load_idx %parallel_loop3A_531[%parallel_loop3A_358] : memref<128xf32, #tpu.memory_space<vmem>>[vector<16xi32>], vector<16xf32>,
        %parallel_loop3A_533 = arith.constant 1 : i32
        %parallel_loop3A_534 = arith.constant 4 : i32
        %parallel_loop3A_535 = arith.index_cast %rem3A_173 : i32 to index
        %parallel_loop3A_536 = arith.index_cast %parallel_loop3A_533 : i32 to index
        %parallel_loop3A_537 = arith.index_cast %parallel_loop3A_335 : i32 to index
        %parallel_loop3A_538 = arith.index_cast %parallel_loop3A_534 : i32 to index
        %parallel_loop3A_539 = arith.index_cast %parallel_loop3A_353 : i32 to index
        %parallel_loop3A_540 = tpu.vector_load %arg7[%parallel_loop3A_535, %parallel_loop3A_536, %parallel_loop3A_537, %parallel_loop3A_538, %parallel_loop3A_539] {strides = array<i32>} : memref<3x4x4x8x128xf32, #tpu.memory_space<vmem>>, vector<16xf32>,
        tpu.vector_store %arg7[%parallel_loop3A_535, %parallel_loop3A_536, %parallel_loop3A_537, %parallel_loop3A_538, %parallel_loop3A_539], %parallel_loop3A_532 {strides = array<i32>} : memref<3x4x4x8x128xf32, #tpu.memory_space<vmem>>, vector<16xf32>,
        %parallel_loop3A_541 = arith.constant 0 : i32
        %parallel_loop3A_542 = arith.constant 45 : i32
        %parallel_loop3A_543 = arith.constant 0 : i32
        %parallel_loop3A_544 = tpu.memref_slice %arg6[%parallel_loop3A_541, %parallel_loop3A_542, %parallel_loop3A_543] : memref<2x64x128xf32, #tpu.memory_space<vmem>> -> memref<1x1x128xf32, #tpu.memory_space<vmem>>
        %parallel_loop3A_545 = tpu.memref_squeeze %parallel_loop3A_544 : memref<1x1x128xf32, #tpu.memory_space<vmem>> -> memref<128xf32, #tpu.memory_space<vmem>>
        %parallel_loop3A_546 = tpu.vector_load_idx %parallel_loop3A_545[%parallel_loop3A_358] : memref<128xf32, #tpu.memory_space<vmem>>[vector<16xi32>], vector<16xf32>,
        %parallel_loop3A_547 = arith.constant 1 : i32
        %parallel_loop3A_548 = arith.constant 5 : i32
        %parallel_loop3A_549 = arith.index_cast %rem3A_173 : i32 to index
        %parallel_loop3A_550 = arith.index_cast %parallel_loop3A_547 : i32 to index
        %parallel_loop3A_551 = arith.index_cast %parallel_loop3A_335 : i32 to index
        %parallel_loop3A_552 = arith.index_cast %parallel_loop3A_548 : i32 to index
        %parallel_loop3A_553 = arith.index_cast %parallel_loop3A_353 : i32 to index
        %parallel_loop3A_554 = tpu.vector_load %arg7[%parallel_loop3A_549, %parallel_loop3A_550, %parallel_loop3A_551, %parallel_loop3A_552, %parallel_loop3A_553] {strides = array<i32>} : memref<3x4x4x8x128xf32, #tpu.memory_space<vmem>>, vector<16xf32>,
        tpu.vector_store %arg7[%parallel_loop3A_549, %parallel_loop3A_550, %parallel_loop3A_551, %parallel_loop3A_552, %parallel_loop3A_553], %parallel_loop3A_546 {strides = array<i32>} : memref<3x4x4x8x128xf32, #tpu.memory_space<vmem>>, vector<16xf32>,
        %parallel_loop3A_555 = arith.constant 0 : i32
        %parallel_loop3A_556 = arith.constant 46 : i32
        %parallel_loop3A_557 = arith.constant 0 : i32
        %parallel_loop3A_558 = tpu.memref_slice %arg6[%parallel_loop3A_555, %parallel_loop3A_556, %parallel_loop3A_557] : memref<2x64x128xf32, #tpu.memory_space<vmem>> -> memref<1x1x128xf32, #tpu.memory_space<vmem>>
        %parallel_loop3A_559 = tpu.memref_squeeze %parallel_loop3A_558 : memref<1x1x128xf32, #tpu.memory_space<vmem>> -> memref<128xf32, #tpu.memory_space<vmem>>
        %parallel_loop3A_560 = tpu.vector_load_idx %parallel_loop3A_559[%parallel_loop3A_358] : memref<128xf32, #tpu.memory_space<vmem>>[vector<16xi32>], vector<16xf32>,
        %parallel_loop3A_561 = arith.constant 1 : i32
        %parallel_loop3A_562 = arith.constant 6 : i32
        %parallel_loop3A_563 = arith.index_cast %rem3A_173 : i32 to index
        %parallel_loop3A_564 = arith.index_cast %parallel_loop3A_561 : i32 to index
        %parallel_loop3A_565 = arith.index_cast %parallel_loop3A_335 : i32 to index
        %parallel_loop3A_566 = arith.index_cast %parallel_loop3A_562 : i32 to index
        %parallel_loop3A_567 = arith.index_cast %parallel_loop3A_353 : i32 to index
        %parallel_loop3A_568 = tpu.vector_load %arg7[%parallel_loop3A_563, %parallel_loop3A_564, %parallel_loop3A_565, %parallel_loop3A_566, %parallel_loop3A_567] {strides = array<i32>} : memref<3x4x4x8x128xf32, #tpu.memory_space<vmem>>, vector<16xf32>,
        tpu.vector_store %arg7[%parallel_loop3A_563, %parallel_loop3A_564, %parallel_loop3A_565, %parallel_loop3A_566, %parallel_loop3A_567], %parallel_loop3A_560 {strides = array<i32>} : memref<3x4x4x8x128xf32, #tpu.memory_space<vmem>>, vector<16xf32>,
        %parallel_loop3A_569 = arith.constant 0 : i32
        %parallel_loop3A_570 = arith.constant 47 : i32
        %parallel_loop3A_571 = arith.constant 0 : i32
        %parallel_loop3A_572 = tpu.memref_slice %arg6[%parallel_loop3A_569, %parallel_loop3A_570, %parallel_loop3A_571] : memref<2x64x128xf32, #tpu.memory_space<vmem>> -> memref<1x1x128xf32, #tpu.memory_space<vmem>>
        %parallel_loop3A_573 = tpu.memref_squeeze %parallel_loop3A_572 : memref<1x1x128xf32, #tpu.memory_space<vmem>> -> memref<128xf32, #tpu.memory_space<vmem>>
        %parallel_loop3A_574 = tpu.vector_load_idx %parallel_loop3A_573[%parallel_loop3A_358] : memref<128xf32, #tpu.memory_space<vmem>>[vector<16xi32>], vector<16xf32>,
        %parallel_loop3A_575 = arith.constant 1 : i32
        %parallel_loop3A_576 = arith.constant 7 : i32
        %parallel_loop3A_577 = arith.index_cast %rem3A_173 : i32 to index
        %parallel_loop3A_578 = arith.index_cast %parallel_loop3A_575 : i32 to index
        %parallel_loop3A_579 = arith.index_cast %parallel_loop3A_335 : i32 to index
        %parallel_loop3A_580 = arith.index_cast %parallel_loop3A_576 : i32 to index
        %parallel_loop3A_581 = arith.index_cast %parallel_loop3A_353 : i32 to index
        %parallel_loop3A_582 = tpu.vector_load %arg7[%parallel_loop3A_577, %parallel_loop3A_578, %parallel_loop3A_579, %parallel_loop3A_580, %parallel_loop3A_581] {strides = array<i32>} : memref<3x4x4x8x128xf32, #tpu.memory_space<vmem>>, vector<16xf32>,
        tpu.vector_store %arg7[%parallel_loop3A_577, %parallel_loop3A_578, %parallel_loop3A_579, %parallel_loop3A_580, %parallel_loop3A_581], %parallel_loop3A_574 {strides = array<i32>} : memref<3x4x4x8x128xf32, #tpu.memory_space<vmem>>, vector<16xf32>,
        %parallel_loop3A_583 = arith.constant 0 : i32
        %parallel_loop3A_584 = arith.constant 48 : i32
        %parallel_loop3A_585 = arith.constant 0 : i32
        %parallel_loop3A_586 = tpu.memref_slice %arg6[%parallel_loop3A_583, %parallel_loop3A_584, %parallel_loop3A_585] : memref<2x64x128xf32, #tpu.memory_space<vmem>> -> memref<1x1x128xf32, #tpu.memory_space<vmem>>
        %parallel_loop3A_587 = tpu.memref_squeeze %parallel_loop3A_586 : memref<1x1x128xf32, #tpu.memory_space<vmem>> -> memref<128xf32, #tpu.memory_space<vmem>>
        %parallel_loop3A_588 = tpu.vector_load_idx %parallel_loop3A_587[%parallel_loop3A_358] : memref<128xf32, #tpu.memory_space<vmem>>[vector<16xi32>], vector<16xf32>,
        %parallel_loop3A_589 = arith.constant 2 : i32
        %parallel_loop3A_590 = arith.constant 0 : i32
        %parallel_loop3A_591 = arith.index_cast %rem3A_173 : i32 to index
        %parallel_loop3A_592 = arith.index_cast %parallel_loop3A_589 : i32 to index
        %parallel_loop3A_593 = arith.index_cast %parallel_loop3A_335 : i32 to index
        %parallel_loop3A_594 = arith.index_cast %parallel_loop3A_590 : i32 to index
        %parallel_loop3A_595 = arith.index_cast %parallel_loop3A_353 : i32 to index
        %parallel_loop3A_596 = tpu.vector_load %arg7[%parallel_loop3A_591, %parallel_loop3A_592, %parallel_loop3A_593, %parallel_loop3A_594, %parallel_loop3A_595] {strides = array<i32>} : memref<3x4x4x8x128xf32, #tpu.memory_space<vmem>>, vector<16xf32>,
        tpu.vector_store %arg7[%parallel_loop3A_591, %parallel_loop3A_592, %parallel_loop3A_593, %parallel_loop3A_594, %parallel_loop3A_595], %parallel_loop3A_588 {strides = array<i32>} : memref<3x4x4x8x128xf32, #tpu.memory_space<vmem>>, vector<16xf32>,
        %parallel_loop3A_597 = arith.constant 0 : i32
        %parallel_loop3A_598 = arith.constant 49 : i32
        %parallel_loop3A_599 = arith.constant 0 : i32
        %parallel_loop3A_600 = tpu.memref_slice %arg6[%parallel_loop3A_597, %parallel_loop3A_598, %parallel_loop3A_599] : memref<2x64x128xf32, #tpu.memory_space<vmem>> -> memref<1x1x128xf32, #tpu.memory_space<vmem>>
        %parallel_loop3A_601 = tpu.memref_squeeze %parallel_loop3A_600 : memref<1x1x128xf32, #tpu.memory_space<vmem>> -> memref<128xf32, #tpu.memory_space<vmem>>
        %parallel_loop3A_602 = tpu.vector_load_idx %parallel_loop3A_601[%parallel_loop3A_358] : memref<128xf32, #tpu.memory_space<vmem>>[vector<16xi32>], vector<16xf32>,
        %parallel_loop3A_603 = arith.constant 2 : i32
        %parallel_loop3A_604 = arith.constant 1 : i32
        %parallel_loop3A_605 = arith.index_cast %rem3A_173 : i32 to index
        %parallel_loop3A_606 = arith.index_cast %parallel_loop3A_603 : i32 to index
        %parallel_loop3A_607 = arith.index_cast %parallel_loop3A_335 : i32 to index
        %parallel_loop3A_608 = arith.index_cast %parallel_loop3A_604 : i32 to index
        %parallel_loop3A_609 = arith.index_cast %parallel_loop3A_353 : i32 to index
        %parallel_loop3A_610 = tpu.vector_load %arg7[%parallel_loop3A_605, %parallel_loop3A_606, %parallel_loop3A_607, %parallel_loop3A_608, %parallel_loop3A_609] {strides = array<i32>} : memref<3x4x4x8x128xf32, #tpu.memory_space<vmem>>, vector<16xf32>,
        tpu.vector_store %arg7[%parallel_loop3A_605, %parallel_loop3A_606, %parallel_loop3A_607, %parallel_loop3A_608, %parallel_loop3A_609], %parallel_loop3A_602 {strides = array<i32>} : memref<3x4x4x8x128xf32, #tpu.memory_space<vmem>>, vector<16xf32>,
        %parallel_loop3A_611 = arith.constant 0 : i32
        %parallel_loop3A_612 = arith.constant 50 : i32
        %parallel_loop3A_613 = arith.constant 0 : i32
        %parallel_loop3A_614 = tpu.memref_slice %arg6[%parallel_loop3A_611, %parallel_loop3A_612, %parallel_loop3A_613] : memref<2x64x128xf32, #tpu.memory_space<vmem>> -> memref<1x1x128xf32, #tpu.memory_space<vmem>>
        %parallel_loop3A_615 = tpu.memref_squeeze %parallel_loop3A_614 : memref<1x1x128xf32, #tpu.memory_space<vmem>> -> memref<128xf32, #tpu.memory_space<vmem>>
        %parallel_loop3A_616 = tpu.vector_load_idx %parallel_loop3A_615[%parallel_loop3A_358] : memref<128xf32, #tpu.memory_space<vmem>>[vector<16xi32>], vector<16xf32>,
        %parallel_loop3A_617 = arith.constant 2 : i32
        %parallel_loop3A_618 = arith.constant 2 : i32
        %parallel_loop3A_619 = arith.index_cast %rem3A_173 : i32 to index
        %parallel_loop3A_620 = arith.index_cast %parallel_loop3A_617 : i32 to index
        %parallel_loop3A_621 = arith.index_cast %parallel_loop3A_335 : i32 to index
        %parallel_loop3A_622 = arith.index_cast %parallel_loop3A_618 : i32 to index
        %parallel_loop3A_623 = arith.index_cast %parallel_loop3A_353 : i32 to index
        %parallel_loop3A_624 = tpu.vector_load %arg7[%parallel_loop3A_619, %parallel_loop3A_620, %parallel_loop3A_621, %parallel_loop3A_622, %parallel_loop3A_623] {strides = array<i32>} : memref<3x4x4x8x128xf32, #tpu.memory_space<vmem>>, vector<16xf32>,
        tpu.vector_store %arg7[%parallel_loop3A_619, %parallel_loop3A_620, %parallel_loop3A_621, %parallel_loop3A_622, %parallel_loop3A_623], %parallel_loop3A_616 {strides = array<i32>} : memref<3x4x4x8x128xf32, #tpu.memory_space<vmem>>, vector<16xf32>,
        %parallel_loop3A_625 = arith.constant 0 : i32
        %parallel_loop3A_626 = arith.constant 51 : i32
        %parallel_loop3A_627 = arith.constant 0 : i32
        %parallel_loop3A_628 = tpu.memref_slice %arg6[%parallel_loop3A_625, %parallel_loop3A_626, %parallel_loop3A_627] : memref<2x64x128xf32, #tpu.memory_space<vmem>> -> memref<1x1x128xf32, #tpu.memory_space<vmem>>
        %parallel_loop3A_629 = tpu.memref_squeeze %parallel_loop3A_628 : memref<1x1x128xf32, #tpu.memory_space<vmem>> -> memref<128xf32, #tpu.memory_space<vmem>>
        %parallel_loop3A_630 = tpu.vector_load_idx %parallel_loop3A_629[%parallel_loop3A_358] : memref<128xf32, #tpu.memory_space<vmem>>[vector<16xi32>], vector<16xf32>,
        %parallel_loop3A_631 = arith.constant 2 : i32
        %parallel_loop3A_632 = arith.constant 3 : i32
        %parallel_loop3A_633 = arith.index_cast %rem3A_173 : i32 to index
        %parallel_loop3A_634 = arith.index_cast %parallel_loop3A_631 : i32 to index
        %parallel_loop3A_635 = arith.index_cast %parallel_loop3A_335 : i32 to index
        %parallel_loop3A_636 = arith.index_cast %parallel_loop3A_632 : i32 to index
        %parallel_loop3A_637 = arith.index_cast %parallel_loop3A_353 : i32 to index
        %parallel_loop3A_638 = tpu.vector_load %arg7[%parallel_loop3A_633, %parallel_loop3A_634, %parallel_loop3A_635, %parallel_loop3A_636, %parallel_loop3A_637] {strides = array<i32>} : memref<3x4x4x8x128xf32, #tpu.memory_space<vmem>>, vector<16xf32>,
        tpu.vector_store %arg7[%parallel_loop3A_633, %parallel_loop3A_634, %parallel_loop3A_635, %parallel_loop3A_636, %parallel_loop3A_637], %parallel_loop3A_630 {strides = array<i32>} : memref<3x4x4x8x128xf32, #tpu.memory_space<vmem>>, vector<16xf32>,
        %parallel_loop3A_639 = arith.constant 0 : i32
        %parallel_loop3A_640 = arith.constant 52 : i32
        %parallel_loop3A_641 = arith.constant 0 : i32
        %parallel_loop3A_642 = tpu.memref_slice %arg6[%parallel_loop3A_639, %parallel_loop3A_640, %parallel_loop3A_641] : memref<2x64x128xf32, #tpu.memory_space<vmem>> -> memref<1x1x128xf32, #tpu.memory_space<vmem>>
        %parallel_loop3A_643 = tpu.memref_squeeze %parallel_loop3A_642 : memref<1x1x128xf32, #tpu.memory_space<vmem>> -> memref<128xf32, #tpu.memory_space<vmem>>
        %parallel_loop3A_644 = tpu.vector_load_idx %parallel_loop3A_643[%parallel_loop3A_358] : memref<128xf32, #tpu.memory_space<vmem>>[vector<16xi32>], vector<16xf32>,
        %parallel_loop3A_645 = arith.constant 2 : i32
        %parallel_loop3A_646 = arith.constant 4 : i32
        %parallel_loop3A_647 = arith.index_cast %rem3A_173 : i32 to index
        %parallel_loop3A_648 = arith.index_cast %parallel_loop3A_645 : i32 to index
        %parallel_loop3A_649 = arith.index_cast %parallel_loop3A_335 : i32 to index
        %parallel_loop3A_650 = arith.index_cast %parallel_loop3A_646 : i32 to index
        %parallel_loop3A_651 = arith.index_cast %parallel_loop3A_353 : i32 to index
        %parallel_loop3A_652 = tpu.vector_load %arg7[%parallel_loop3A_647, %parallel_loop3A_648, %parallel_loop3A_649, %parallel_loop3A_650, %parallel_loop3A_651] {strides = array<i32>} : memref<3x4x4x8x128xf32, #tpu.memory_space<vmem>>, vector<16xf32>,
        tpu.vector_store %arg7[%parallel_loop3A_647, %parallel_loop3A_648, %parallel_loop3A_649, %parallel_loop3A_650, %parallel_loop3A_651], %parallel_loop3A_644 {strides = array<i32>} : memref<3x4x4x8x128xf32, #tpu.memory_space<vmem>>, vector<16xf32>,
        %parallel_loop3A_653 = arith.constant 0 : i32
        %parallel_loop3A_654 = arith.constant 53 : i32
        %parallel_loop3A_655 = arith.constant 0 : i32
        %parallel_loop3A_656 = tpu.memref_slice %arg6[%parallel_loop3A_653, %parallel_loop3A_654, %parallel_loop3A_655] : memref<2x64x128xf32, #tpu.memory_space<vmem>> -> memref<1x1x128xf32, #tpu.memory_space<vmem>>
        %parallel_loop3A_657 = tpu.memref_squeeze %parallel_loop3A_656 : memref<1x1x128xf32, #tpu.memory_space<vmem>> -> memref<128xf32, #tpu.memory_space<vmem>>
        %parallel_loop3A_658 = tpu.vector_load_idx %parallel_loop3A_657[%parallel_loop3A_358] : memref<128xf32, #tpu.memory_space<vmem>>[vector<16xi32>], vector<16xf32>,
        %parallel_loop3A_659 = arith.constant 2 : i32
        %parallel_loop3A_660 = arith.constant 5 : i32
        %parallel_loop3A_661 = arith.index_cast %rem3A_173 : i32 to index
        %parallel_loop3A_662 = arith.index_cast %parallel_loop3A_659 : i32 to index
        %parallel_loop3A_663 = arith.index_cast %parallel_loop3A_335 : i32 to index
        %parallel_loop3A_664 = arith.index_cast %parallel_loop3A_660 : i32 to index
        %parallel_loop3A_665 = arith.index_cast %parallel_loop3A_353 : i32 to index
        %parallel_loop3A_666 = tpu.vector_load %arg7[%parallel_loop3A_661, %parallel_loop3A_662, %parallel_loop3A_663, %parallel_loop3A_664, %parallel_loop3A_665] {strides = array<i32>} : memref<3x4x4x8x128xf32, #tpu.memory_space<vmem>>, vector<16xf32>,
        tpu.vector_store %arg7[%parallel_loop3A_661, %parallel_loop3A_662, %parallel_loop3A_663, %parallel_loop3A_664, %parallel_loop3A_665], %parallel_loop3A_658 {strides = array<i32>} : memref<3x4x4x8x128xf32, #tpu.memory_space<vmem>>, vector<16xf32>,
        %parallel_loop3A_667 = arith.constant 0 : i32
        %parallel_loop3A_668 = arith.constant 54 : i32
        %parallel_loop3A_669 = arith.constant 0 : i32
        %parallel_loop3A_670 = tpu.memref_slice %arg6[%parallel_loop3A_667, %parallel_loop3A_668, %parallel_loop3A_669] : memref<2x64x128xf32, #tpu.memory_space<vmem>> -> memref<1x1x128xf32, #tpu.memory_space<vmem>>
        %parallel_loop3A_671 = tpu.memref_squeeze %parallel_loop3A_670 : memref<1x1x128xf32, #tpu.memory_space<vmem>> -> memref<128xf32, #tpu.memory_space<vmem>>
        %parallel_loop3A_672 = tpu.vector_load_idx %parallel_loop3A_671[%parallel_loop3A_358] : memref<128xf32, #tpu.memory_space<vmem>>[vector<16xi32>], vector<16xf32>,
        %parallel_loop3A_673 = arith.constant 2 : i32
        %parallel_loop3A_674 = arith.constant 6 : i32
        %parallel_loop3A_675 = arith.index_cast %rem3A_173 : i32 to index
        %parallel_loop3A_676 = arith.index_cast %parallel_loop3A_673 : i32 to index
        %parallel_loop3A_677 = arith.index_cast %parallel_loop3A_335 : i32 to index
        %parallel_loop3A_678 = arith.index_cast %parallel_loop3A_674 : i32 to index
        %parallel_loop3A_679 = arith.index_cast %parallel_loop3A_353 : i32 to index
        %parallel_loop3A_680 = tpu.vector_load %arg7[%parallel_loop3A_675, %parallel_loop3A_676, %parallel_loop3A_677, %parallel_loop3A_678, %parallel_loop3A_679] {strides = array<i32>} : memref<3x4x4x8x128xf32, #tpu.memory_space<vmem>>, vector<16xf32>,
        tpu.vector_store %arg7[%parallel_loop3A_675, %parallel_loop3A_676, %parallel_loop3A_677, %parallel_loop3A_678, %parallel_loop3A_679], %parallel_loop3A_672 {strides = array<i32>} : memref<3x4x4x8x128xf32, #tpu.memory_space<vmem>>, vector<16xf32>,
        %parallel_loop3A_681 = arith.constant 0 : i32
        %parallel_loop3A_682 = arith.constant 55 : i32
        %parallel_loop3A_683 = arith.constant 0 : i32
        %parallel_loop3A_684 = tpu.memref_slice %arg6[%parallel_loop3A_681, %parallel_loop3A_682, %parallel_loop3A_683] : memref<2x64x128xf32, #tpu.memory_space<vmem>> -> memref<1x1x128xf32, #tpu.memory_space<vmem>>
        %parallel_loop3A_685 = tpu.memref_squeeze %parallel_loop3A_684 : memref<1x1x128xf32, #tpu.memory_space<vmem>> -> memref<128xf32, #tpu.memory_space<vmem>>
        %parallel_loop3A_686 = tpu.vector_load_idx %parallel_loop3A_685[%parallel_loop3A_358] : memref<128xf32, #tpu.memory_space<vmem>>[vector<16xi32>], vector<16xf32>,
        %parallel_loop3A_687 = arith.constant 2 : i32
        %parallel_loop3A_688 = arith.constant 7 : i32
        %parallel_loop3A_689 = arith.index_cast %rem3A_173 : i32 to index
        %parallel_loop3A_690 = arith.index_cast %parallel_loop3A_687 : i32 to index
        %parallel_loop3A_691 = arith.index_cast %parallel_loop3A_335 : i32 to index
        %parallel_loop3A_692 = arith.index_cast %parallel_loop3A_688 : i32 to index
        %parallel_loop3A_693 = arith.index_cast %parallel_loop3A_353 : i32 to index
        %parallel_loop3A_694 = tpu.vector_load %arg7[%parallel_loop3A_689, %parallel_loop3A_690, %parallel_loop3A_691, %parallel_loop3A_692, %parallel_loop3A_693] {strides = array<i32>} : memref<3x4x4x8x128xf32, #tpu.memory_space<vmem>>, vector<16xf32>,
        tpu.vector_store %arg7[%parallel_loop3A_689, %parallel_loop3A_690, %parallel_loop3A_691, %parallel_loop3A_692, %parallel_loop3A_693], %parallel_loop3A_686 {strides = array<i32>} : memref<3x4x4x8x128xf32, #tpu.memory_space<vmem>>, vector<16xf32>,
        %parallel_loop3A_695 = arith.constant 0 : i32
        %parallel_loop3A_696 = arith.constant 56 : i32
        %parallel_loop3A_697 = arith.constant 0 : i32
        %parallel_loop3A_698 = tpu.memref_slice %arg6[%parallel_loop3A_695, %parallel_loop3A_696, %parallel_loop3A_697] : memref<2x64x128xf32, #tpu.memory_space<vmem>> -> memref<1x1x128xf32, #tpu.memory_space<vmem>>
        %parallel_loop3A_699 = tpu.memref_squeeze %parallel_loop3A_698 : memref<1x1x128xf32, #tpu.memory_space<vmem>> -> memref<128xf32, #tpu.memory_space<vmem>>
        %parallel_loop3A_700 = tpu.vector_load_idx %parallel_loop3A_699[%parallel_loop3A_358] : memref<128xf32, #tpu.memory_space<vmem>>[vector<16xi32>], vector<16xf32>,
        %parallel_loop3A_701 = arith.constant 3 : i32
        %parallel_loop3A_702 = arith.constant 0 : i32
        %parallel_loop3A_703 = arith.index_cast %rem3A_173 : i32 to index
        %parallel_loop3A_704 = arith.index_cast %parallel_loop3A_701 : i32 to index
        %parallel_loop3A_705 = arith.index_cast %parallel_loop3A_335 : i32 to index
        %parallel_loop3A_706 = arith.index_cast %parallel_loop3A_702 : i32 to index
        %parallel_loop3A_707 = arith.index_cast %parallel_loop3A_353 : i32 to index
        %parallel_loop3A_708 = tpu.vector_load %arg7[%parallel_loop3A_703, %parallel_loop3A_704, %parallel_loop3A_705, %parallel_loop3A_706, %parallel_loop3A_707] {strides = array<i32>} : memref<3x4x4x8x128xf32, #tpu.memory_space<vmem>>, vector<16xf32>,
        tpu.vector_store %arg7[%parallel_loop3A_703, %parallel_loop3A_704, %parallel_loop3A_705, %parallel_loop3A_706, %parallel_loop3A_707], %parallel_loop3A_700 {strides = array<i32>} : memref<3x4x4x8x128xf32, #tpu.memory_space<vmem>>, vector<16xf32>,
        %parallel_loop3A_709 = arith.constant 0 : i32
        %parallel_loop3A_710 = arith.constant 57 : i32
        %parallel_loop3A_711 = arith.constant 0 : i32
        %parallel_loop3A_712 = tpu.memref_slice %arg6[%parallel_loop3A_709, %parallel_loop3A_710, %parallel_loop3A_711] : memref<2x64x128xf32, #tpu.memory_space<vmem>> -> memref<1x1x128xf32, #tpu.memory_space<vmem>>
        %parallel_loop3A_713 = tpu.memref_squeeze %parallel_loop3A_712 : memref<1x1x128xf32, #tpu.memory_space<vmem>> -> memref<128xf32, #tpu.memory_space<vmem>>
        %parallel_loop3A_714 = tpu.vector_load_idx %parallel_loop3A_713[%parallel_loop3A_358] : memref<128xf32, #tpu.memory_space<vmem>>[vector<16xi32>], vector<16xf32>,
        %parallel_loop3A_715 = arith.constant 3 : i32
        %parallel_loop3A_716 = arith.constant 1 : i32
        %parallel_loop3A_717 = arith.index_cast %rem3A_173 : i32 to index
        %parallel_loop3A_718 = arith.index_cast %parallel_loop3A_715 : i32 to index
        %parallel_loop3A_719 = arith.index_cast %parallel_loop3A_335 : i32 to index
        %parallel_loop3A_720 = arith.index_cast %parallel_loop3A_716 : i32 to index
        %parallel_loop3A_721 = arith.index_cast %parallel_loop3A_353 : i32 to index
        %parallel_loop3A_722 = tpu.vector_load %arg7[%parallel_loop3A_717, %parallel_loop3A_718, %parallel_loop3A_719, %parallel_loop3A_720, %parallel_loop3A_721] {strides = array<i32>} : memref<3x4x4x8x128xf32, #tpu.memory_space<vmem>>, vector<16xf32>,
        tpu.vector_store %arg7[%parallel_loop3A_717, %parallel_loop3A_718, %parallel_loop3A_719, %parallel_loop3A_720, %parallel_loop3A_721], %parallel_loop3A_714 {strides = array<i32>} : memref<3x4x4x8x128xf32, #tpu.memory_space<vmem>>, vector<16xf32>,
        %parallel_loop3A_723 = arith.constant 0 : i32
        %parallel_loop3A_724 = arith.constant 58 : i32
        %parallel_loop3A_725 = arith.constant 0 : i32
        %parallel_loop3A_726 = tpu.memref_slice %arg6[%parallel_loop3A_723, %parallel_loop3A_724, %parallel_loop3A_725] : memref<2x64x128xf32, #tpu.memory_space<vmem>> -> memref<1x1x128xf32, #tpu.memory_space<vmem>>
        %parallel_loop3A_727 = tpu.memref_squeeze %parallel_loop3A_726 : memref<1x1x128xf32, #tpu.memory_space<vmem>> -> memref<128xf32, #tpu.memory_space<vmem>>
        %parallel_loop3A_728 = tpu.vector_load_idx %parallel_loop3A_727[%parallel_loop3A_358] : memref<128xf32, #tpu.memory_space<vmem>>[vector<16xi32>], vector<16xf32>,
        %parallel_loop3A_729 = arith.constant 3 : i32
        %parallel_loop3A_730 = arith.constant 2 : i32
        %parallel_loop3A_731 = arith.index_cast %rem3A_173 : i32 to index
        %parallel_loop3A_732 = arith.index_cast %parallel_loop3A_729 : i32 to index
        %parallel_loop3A_733 = arith.index_cast %parallel_loop3A_335 : i32 to index
        %parallel_loop3A_734 = arith.index_cast %parallel_loop3A_730 : i32 to index
        %parallel_loop3A_735 = arith.index_cast %parallel_loop3A_353 : i32 to index
        %parallel_loop3A_736 = tpu.vector_load %arg7[%parallel_loop3A_731, %parallel_loop3A_732, %parallel_loop3A_733, %parallel_loop3A_734, %parallel_loop3A_735] {strides = array<i32>} : memref<3x4x4x8x128xf32, #tpu.memory_space<vmem>>, vector<16xf32>,
        tpu.vector_store %arg7[%parallel_loop3A_731, %parallel_loop3A_732, %parallel_loop3A_733, %parallel_loop3A_734, %parallel_loop3A_735], %parallel_loop3A_728 {strides = array<i32>} : memref<3x4x4x8x128xf32, #tpu.memory_space<vmem>>, vector<16xf32>,
        %parallel_loop3A_737 = arith.constant 0 : i32
        %parallel_loop3A_738 = arith.constant 59 : i32
        %parallel_loop3A_739 = arith.constant 0 : i32
        %parallel_loop3A_740 = tpu.memref_slice %arg6[%parallel_loop3A_737, %parallel_loop3A_738, %parallel_loop3A_739] : memref<2x64x128xf32, #tpu.memory_space<vmem>> -> memref<1x1x128xf32, #tpu.memory_space<vmem>>
        %parallel_loop3A_741 = tpu.memref_squeeze %parallel_loop3A_740 : memref<1x1x128xf32, #tpu.memory_space<vmem>> -> memref<128xf32, #tpu.memory_space<vmem>>
        %parallel_loop3A_742 = tpu.vector_load_idx %parallel_loop3A_741[%parallel_loop3A_358] : memref<128xf32, #tpu.memory_space<vmem>>[vector<16xi32>], vector<16xf32>,
        %parallel_loop3A_743 = arith.constant 3 : i32
        %parallel_loop3A_744 = arith.constant 3 : i32
        %parallel_loop3A_745 = arith.index_cast %rem3A_173 : i32 to index
        %parallel_loop3A_746 = arith.index_cast %parallel_loop3A_743 : i32 to index
        %parallel_loop3A_747 = arith.index_cast %parallel_loop3A_335 : i32 to index
        %parallel_loop3A_748 = arith.index_cast %parallel_loop3A_744 : i32 to index
        %parallel_loop3A_749 = arith.index_cast %parallel_loop3A_353 : i32 to index
        %parallel_loop3A_750 = tpu.vector_load %arg7[%parallel_loop3A_745, %parallel_loop3A_746, %parallel_loop3A_747, %parallel_loop3A_748, %parallel_loop3A_749] {strides = array<i32>} : memref<3x4x4x8x128xf32, #tpu.memory_space<vmem>>, vector<16xf32>,
        tpu.vector_store %arg7[%parallel_loop3A_745, %parallel_loop3A_746, %parallel_loop3A_747, %parallel_loop3A_748, %parallel_loop3A_749], %parallel_loop3A_742 {strides = array<i32>} : memref<3x4x4x8x128xf32, #tpu.memory_space<vmem>>, vector<16xf32>,
        %parallel_loop3A_751 = arith.constant 0 : i32
        %parallel_loop3A_752 = arith.constant 60 : i32
        %parallel_loop3A_753 = arith.constant 0 : i32
        %parallel_loop3A_754 = tpu.memref_slice %arg6[%parallel_loop3A_751, %parallel_loop3A_752, %parallel_loop3A_753] : memref<2x64x128xf32, #tpu.memory_space<vmem>> -> memref<1x1x128xf32, #tpu.memory_space<vmem>>
        %parallel_loop3A_755 = tpu.memref_squeeze %parallel_loop3A_754 : memref<1x1x128xf32, #tpu.memory_space<vmem>> -> memref<128xf32, #tpu.memory_space<vmem>>
        %parallel_loop3A_756 = tpu.vector_load_idx %parallel_loop3A_755[%parallel_loop3A_358] : memref<128xf32, #tpu.memory_space<vmem>>[vector<16xi32>], vector<16xf32>,
        %parallel_loop3A_757 = arith.constant 3 : i32
        %parallel_loop3A_758 = arith.constant 4 : i32
        %parallel_loop3A_759 = arith.index_cast %rem3A_173 : i32 to index
        %parallel_loop3A_760 = arith.index_cast %parallel_loop3A_757 : i32 to index
        %parallel_loop3A_761 = arith.index_cast %parallel_loop3A_335 : i32 to index
        %parallel_loop3A_762 = arith.index_cast %parallel_loop3A_758 : i32 to index
        %parallel_loop3A_763 = arith.index_cast %parallel_loop3A_353 : i32 to index
        %parallel_loop3A_764 = tpu.vector_load %arg7[%parallel_loop3A_759, %parallel_loop3A_760, %parallel_loop3A_761, %parallel_loop3A_762, %parallel_loop3A_763] {strides = array<i32>} : memref<3x4x4x8x128xf32, #tpu.memory_space<vmem>>, vector<16xf32>,
        tpu.vector_store %arg7[%parallel_loop3A_759, %parallel_loop3A_760, %parallel_loop3A_761, %parallel_loop3A_762, %parallel_loop3A_763], %parallel_loop3A_756 {strides = array<i32>} : memref<3x4x4x8x128xf32, #tpu.memory_space<vmem>>, vector<16xf32>,
        %parallel_loop3A_765 = arith.constant 0 : i32
        %parallel_loop3A_766 = arith.constant 61 : i32
        %parallel_loop3A_767 = arith.constant 0 : i32
        %parallel_loop3A_768 = tpu.memref_slice %arg6[%parallel_loop3A_765, %parallel_loop3A_766, %parallel_loop3A_767] : memref<2x64x128xf32, #tpu.memory_space<vmem>> -> memref<1x1x128xf32, #tpu.memory_space<vmem>>
        %parallel_loop3A_769 = tpu.memref_squeeze %parallel_loop3A_768 : memref<1x1x128xf32, #tpu.memory_space<vmem>> -> memref<128xf32, #tpu.memory_space<vmem>>
        %parallel_loop3A_770 = tpu.vector_load_idx %parallel_loop3A_769[%parallel_loop3A_358] : memref<128xf32, #tpu.memory_space<vmem>>[vector<16xi32>], vector<16xf32>,
        %parallel_loop3A_771 = arith.constant 3 : i32
        %parallel_loop3A_772 = arith.constant 5 : i32
        %parallel_loop3A_773 = arith.index_cast %rem3A_173 : i32 to index
        %parallel_loop3A_774 = arith.index_cast %parallel_loop3A_771 : i32 to index
        %parallel_loop3A_775 = arith.index_cast %parallel_loop3A_335 : i32 to index
        %parallel_loop3A_776 = arith.index_cast %parallel_loop3A_772 : i32 to index
        %parallel_loop3A_777 = arith.index_cast %parallel_loop3A_353 : i32 to index
        %parallel_loop3A_778 = tpu.vector_load %arg7[%parallel_loop3A_773, %parallel_loop3A_774, %parallel_loop3A_775, %parallel_loop3A_776, %parallel_loop3A_777] {strides = array<i32>} : memref<3x4x4x8x128xf32, #tpu.memory_space<vmem>>, vector<16xf32>,
        tpu.vector_store %arg7[%parallel_loop3A_773, %parallel_loop3A_774, %parallel_loop3A_775, %parallel_loop3A_776, %parallel_loop3A_777], %parallel_loop3A_770 {strides = array<i32>} : memref<3x4x4x8x128xf32, #tpu.memory_space<vmem>>, vector<16xf32>,
        %parallel_loop3A_779 = arith.constant 0 : i32
        %parallel_loop3A_780 = arith.constant 62 : i32
        %parallel_loop3A_781 = arith.constant 0 : i32
        %parallel_loop3A_782 = tpu.memref_slice %arg6[%parallel_loop3A_779, %parallel_loop3A_780, %parallel_loop3A_781] : memref<2x64x128xf32, #tpu.memory_space<vmem>> -> memref<1x1x128xf32, #tpu.memory_space<vmem>>
        %parallel_loop3A_783 = tpu.memref_squeeze %parallel_loop3A_782 : memref<1x1x128xf32, #tpu.memory_space<vmem>> -> memref<128xf32, #tpu.memory_space<vmem>>
        %parallel_loop3A_784 = tpu.vector_load_idx %parallel_loop3A_783[%parallel_loop3A_358] : memref<128xf32, #tpu.memory_space<vmem>>[vector<16xi32>], vector<16xf32>,
        %parallel_loop3A_785 = arith.constant 3 : i32
        %parallel_loop3A_786 = arith.constant 6 : i32
        %parallel_loop3A_787 = arith.index_cast %rem3A_173 : i32 to index
        %parallel_loop3A_788 = arith.index_cast %parallel_loop3A_785 : i32 to index
        %parallel_loop3A_789 = arith.index_cast %parallel_loop3A_335 : i32 to index
        %parallel_loop3A_790 = arith.index_cast %parallel_loop3A_786 : i32 to index
        %parallel_loop3A_791 = arith.index_cast %parallel_loop3A_353 : i32 to index
        %parallel_loop3A_792 = tpu.vector_load %arg7[%parallel_loop3A_787, %parallel_loop3A_788, %parallel_loop3A_789, %parallel_loop3A_790, %parallel_loop3A_791] {strides = array<i32>} : memref<3x4x4x8x128xf32, #tpu.memory_space<vmem>>, vector<16xf32>,
        tpu.vector_store %arg7[%parallel_loop3A_787, %parallel_loop3A_788, %parallel_loop3A_789, %parallel_loop3A_790, %parallel_loop3A_791], %parallel_loop3A_784 {strides = array<i32>} : memref<3x4x4x8x128xf32, #tpu.memory_space<vmem>>, vector<16xf32>,
        %parallel_loop3A_793 = arith.constant 0 : i32
        %parallel_loop3A_794 = arith.constant 63 : i32
        %parallel_loop3A_795 = arith.constant 0 : i32
        %parallel_loop3A_796 = tpu.memref_slice %arg6[%parallel_loop3A_793, %parallel_loop3A_794, %parallel_loop3A_795] : memref<2x64x128xf32, #tpu.memory_space<vmem>> -> memref<1x1x128xf32, #tpu.memory_space<vmem>>
        %parallel_loop3A_797 = tpu.memref_squeeze %parallel_loop3A_796 : memref<1x1x128xf32, #tpu.memory_space<vmem>> -> memref<128xf32, #tpu.memory_space<vmem>>
        %parallel_loop3A_798 = tpu.vector_load_idx %parallel_loop3A_797[%parallel_loop3A_358] : memref<128xf32, #tpu.memory_space<vmem>>[vector<16xi32>], vector<16xf32>,
        %parallel_loop3A_799 = arith.constant 3 : i32
        %parallel_loop3A_800 = arith.constant 7 : i32
        %parallel_loop3A_801 = arith.index_cast %rem3A_173 : i32 to index
        %parallel_loop3A_802 = arith.index_cast %parallel_loop3A_799 : i32 to index
        %parallel_loop3A_803 = arith.index_cast %parallel_loop3A_335 : i32 to index
        %parallel_loop3A_804 = arith.index_cast %parallel_loop3A_800 : i32 to index
        %parallel_loop3A_805 = arith.index_cast %parallel_loop3A_353 : i32 to index
        %parallel_loop3A_806 = tpu.vector_load %arg7[%parallel_loop3A_801, %parallel_loop3A_802, %parallel_loop3A_803, %parallel_loop3A_804, %parallel_loop3A_805] {strides = array<i32>} : memref<3x4x4x8x128xf32, #tpu.memory_space<vmem>>, vector<16xf32>,
        tpu.vector_store %arg7[%parallel_loop3A_801, %parallel_loop3A_802, %parallel_loop3A_803, %parallel_loop3A_804, %parallel_loop3A_805], %parallel_loop3A_798 {strides = array<i32>} : memref<3x4x4x8x128xf32, #tpu.memory_space<vmem>>, vector<16xf32>,
      } {sc.loop_unroll_factor = 1 : i64, sc.parallel_access}
      %mul3A_182 = arith.constant 4 : i32
      %mul3A_183 = arith.muli %add3A, %mul3A_182 : i32
      %dma_start3A_184 = arith.constant 0 : i32
      %dma_start3A_185 = arith.constant 0 : i32
      %dma_start3A_186 = arith.constant 0 : i32
      %dma_start3A_187 = arith.constant 0 : i32
      %dma_start3A_188 = tpu.memref_slice %arg7[%rem3A_173, %dma_start3A_184, %dma_start3A_185, %dma_start3A_186, %dma_start3A_187] : memref<3x4x4x8x128xf32, #tpu.memory_space<vmem>> -> memref<1x4x4x8x128xf32, #tpu.memory_space<vmem>>
      %dma_start3A_189 = tpu.memref_squeeze %dma_start3A_188 : memref<1x4x4x8x128xf32, #tpu.memory_space<vmem>> -> memref<4x4x8x128xf32, #tpu.memory_space<vmem>>
      %dma_start3A_190 = arith.constant 4 : i32
      %dma_start3A_191 = arith.constant 0 : i32
      %dma_start3A_192 = arith.constant 0 : i32
      %dma_start3A_193 = tpu.memref_slice %arg4[%add3A_108, %dma_start3A_190, %mul3A_183, %dma_start3A_191, %dma_start3A_192] : memref<26x8x128x8x128xf32, #tpu.memory_space<hbm>> -> memref<1x4x4x8x128xf32, #tpu.memory_space<hbm>>
      %dma_start3A_194 = tpu.memref_squeeze %dma_start3A_193 : memref<1x4x4x8x128xf32, #tpu.memory_space<hbm>> -> memref<4x4x8x128xf32, #tpu.memory_space<hbm>>
      %dma_start3A_195 = arith.constant 4 : i32
      %dma_start3A_196 = arith.constant 0 : i32
      %dma_start3A_197 = arith.constant 0 : i32
      %dma_start3A_198 = tpu.memref_slice %arg4[%add3A_108, %dma_start3A_195, %mul3A_183, %dma_start3A_196, %dma_start3A_197] : memref<26x8x128x8x128xf32, #tpu.memory_space<hbm>> -> memref<1x4x4x8x128xf32, #tpu.memory_space<hbm>>
      %dma_start3A_199 = tpu.memref_squeeze %dma_start3A_198 : memref<1x4x4x8x128xf32, #tpu.memory_space<hbm>> -> memref<4x4x8x128xf32, #tpu.memory_space<hbm>>
      %dma_start3A_200 = arith.constant 0 : i32
      %dma_start3A_201 = arith.constant 0 : i32
      %dma_start3A_202 = arith.constant 0 : i32
      %dma_start3A_203 = arith.constant 0 : i32
      %dma_start3A_204 = tpu.memref_slice %arg7[%rem3A_173, %dma_start3A_200, %dma_start3A_201, %dma_start3A_202, %dma_start3A_203] : memref<3x4x4x8x128xf32, #tpu.memory_space<vmem>> -> memref<1x4x4x8x128xf32, #tpu.memory_space<vmem>>
      %dma_start3A_205 = tpu.memref_squeeze %dma_start3A_204 : memref<1x4x4x8x128xf32, #tpu.memory_space<vmem>> -> memref<4x4x8x128xf32, #tpu.memory_space<vmem>>
      tpu.enqueue_dma source(%dma_start3A_205 : memref<4x4x8x128xf32, #tpu.memory_space<vmem>>) target(%dma_start3A_199 : memref<4x4x8x128xf32, #tpu.memory_space<hbm>>) target_semaphore(%arg10 : memref<!tpu.dma_semaphore, #tpu.memory_space<semaphore_mem>>)
      %mul3A_206 = arith.constant 2 : i32
      %mul3A_207 = arith.muli %scan3A_104, %mul3A_206 : i32
      %add3A_208 = arith.constant 1 : i32
      %add3A_209 = arith.addi %mul3A_207, %add3A_208 : i32
      %dma_wait3A_210 = arith.constant 0 : i32
      %dma_wait3A_211 = arith.constant 1 : i32
      %dma_wait3A_212 = arith.constant 0 : i32
      %dma_wait3A_213 = arith.constant 0 : i32
      %dma_wait3A_214 = tpu.memref_slice %arg6[%dma_wait3A_211, %dma_wait3A_212, %dma_wait3A_213] : memref<2x64x128xf32, #tpu.memory_space<vmem>> -> memref<1x64x128xf32, #tpu.memory_space<vmem>>
      %dma_wait3A_215 = tpu.memref_squeeze %dma_wait3A_214 : memref<1x64x128xf32, #tpu.memory_space<vmem>> -> memref<64x128xf32, #tpu.memory_space<vmem>>
      %dma_wait3A_216 = arith.constant 0 : i32
      %dma_wait3A_217 = arith.constant 0 : i32
      %dma_wait3A_218 = tpu.memref_slice %arg8[%dma_wait3A_210, %dma_wait3A_216, %dma_wait3A_217] : memref<26x64x128xf32, #tpu.memory_space<vmem_shared>> -> memref<1x64x128xf32, #tpu.memory_space<vmem_shared>>
      %dma_wait3A_219 = tpu.memref_squeeze %dma_wait3A_218 : memref<1x64x128xf32, #tpu.memory_space<vmem_shared>> -> memref<64x128xf32, #tpu.memory_space<vmem_shared>>
      %dma_wait3A_220 = arith.constant 0 : i32
      %dma_wait3A_221 = arith.constant 0 : i32
      %dma_wait3A_222 = tpu.memref_slice %arg6[%dma_wait3A_211, %dma_wait3A_220, %dma_wait3A_221] : memref<2x64x128xf32, #tpu.memory_space<vmem>> -> memref<1x64x128xf32, #tpu.memory_space<vmem>>
      %dma_wait3A_223 = tpu.memref_squeeze %dma_wait3A_222 : memref<1x64x128xf32, #tpu.memory_space<vmem>> -> memref<64x128xf32, #tpu.memory_space<vmem>>
      %dma_wait3A_224 = arith.constant 0 : i32
      %dma_wait3A_225 = arith.constant 0 : i32
      %dma_wait3A_226 = tpu.memref_slice %arg8[%dma_wait3A_210, %dma_wait3A_224, %dma_wait3A_225] : memref<26x64x128xf32, #tpu.memory_space<vmem_shared>> -> memref<1x64x128xf32, #tpu.memory_space<vmem_shared>>
      %dma_wait3A_227 = tpu.memref_squeeze %dma_wait3A_226 : memref<1x64x128xf32, #tpu.memory_space<vmem_shared>> -> memref<64x128xf32, #tpu.memory_space<vmem_shared>>
      tpu.wait_dma2 semaphore(%arg9 : memref<!tpu.dma_semaphore, #tpu.memory_space<semaphore_mem>>) src(%dma_wait3A_227 : memref<64x128xf32, #tpu.memory_space<vmem_shared>>) dst(%dma_wait3A_223 : memref<64x128xf32, #tpu.memory_space<vmem>>)
      %add3A_228 = arith.constant 1 : i32
      %add3A_229 = arith.addi %add3A_209, %add3A_228 : i32
      %lt3A_230 = arith.constant 26 : i32
      %lt3A_231 = arith.cmpi slt, %add3A_229, %lt3A_230 : i32
      %convert_element_type3A_232 = arith.extui %lt3A_231 : i1 to i32
      %cond3A_233 = arith.constant 0 : i32
      %cond3A_234 = arith.cmpi ne, %convert_element_type3A_232, %cond3A_233 : i32
      scf.if %cond3A_234 {
        %add3A_311 = arith.constant 1 : i32
        %add3A_312 = arith.addi %add3A_209, %add3A_311 : i32
        %dma_start3A_313 = arith.constant 0 : i32
        %dma_start3A_314 = arith.constant 0 : i32
        %dma_start3A_315 = arith.constant 0 : i32
        %dma_start3A_316 = tpu.memref_slice %arg6[%dma_start3A_313, %dma_start3A_314, %dma_start3A_315] : memref<2x64x128xf32, #tpu.memory_space<vmem>> -> memref<1x64x128xf32, #tpu.memory_space<vmem>>
        %dma_start3A_317 = tpu.memref_squeeze %dma_start3A_316 : memref<1x64x128xf32, #tpu.memory_space<vmem>> -> memref<64x128xf32, #tpu.memory_space<vmem>>
        %dma_start3A_318 = arith.constant 0 : i32
        %dma_start3A_319 = arith.constant 0 : i32
        %dma_start3A_320 = tpu.memref_slice %arg8[%add3A_312, %dma_start3A_318, %dma_start3A_319] : memref<26x64x128xf32, #tpu.memory_space<vmem_shared>> -> memref<1x64x128xf32, #tpu.memory_space<vmem_shared>>
        %dma_start3A_321 = tpu.memref_squeeze %dma_start3A_320 : memref<1x64x128xf32, #tpu.memory_space<vmem_shared>> -> memref<64x128xf32, #tpu.memory_space<vmem_shared>>
        %dma_start3A_322 = arith.constant 0 : i32
        %dma_start3A_323 = arith.constant 0 : i32
        %dma_start3A_324 = tpu.memref_slice %arg6[%dma_start3A_313, %dma_start3A_322, %dma_start3A_323] : memref<2x64x128xf32, #tpu.memory_space<vmem>> -> memref<1x64x128xf32, #tpu.memory_space<vmem>>
        %dma_start3A_325 = tpu.memref_squeeze %dma_start3A_324 : memref<1x64x128xf32, #tpu.memory_space<vmem>> -> memref<64x128xf32, #tpu.memory_space<vmem>>
        %dma_start3A_326 = arith.constant 0 : i32
        %dma_start3A_327 = arith.constant 0 : i32
        %dma_start3A_328 = tpu.memref_slice %arg8[%add3A_312, %dma_start3A_326, %dma_start3A_327] : memref<26x64x128xf32, #tpu.memory_space<vmem_shared>> -> memref<1x64x128xf32, #tpu.memory_space<vmem_shared>>
        %dma_start3A_329 = tpu.memref_squeeze %dma_start3A_328 : memref<1x64x128xf32, #tpu.memory_space<vmem_shared>> -> memref<64x128xf32, #tpu.memory_space<vmem_shared>>
        tpu.enqueue_dma source(%dma_start3A_329 : memref<64x128xf32, #tpu.memory_space<vmem_shared>>) target(%dma_start3A_325 : memref<64x128xf32, #tpu.memory_space<vmem>>) target_semaphore(%arg9 : memref<!tpu.dma_semaphore, #tpu.memory_space<semaphore_mem>>)
      } else {
      }
      %mul3A_235 = arith.constant 2 : i32
      %mul3A_236 = arith.muli %add3A_209, %mul3A_235 : i32
      %add3A_237 = arith.constant 0 : i32
      %add3A_238 = arith.addi %mul3A_236, %add3A_237 : i32
      %rem3A_239 = arith.constant 3 : i32
      %rem3A_240 = arith.remsi %add3A_238, %rem3A_239 : i32
      %ge3A_241 = arith.constant 3 : i32
      %ge3A_242 = arith.cmpi sge, %add3A_238, %ge3A_241 : i32
      %convert_element_type3A_243 = arith.extui %ge3A_242 : i1 to i32
      %cond3A_244 = arith.constant 0 : i32
      %cond3A_245 = arith.cmpi ne, %convert_element_type3A_243, %cond3A_244 : i32
      scf.if %cond3A_245 {
        %mul3A_311 = arith.constant 4 : i32
        %mul3A_312 = arith.muli %add3A, %mul3A_311 : i32
        %dma_wait3A_313 = arith.constant 0 : i32
        %dma_wait3A_314 = arith.constant 0 : i32
        %dma_wait3A_315 = arith.constant 0 : i32
        %dma_wait3A_316 = arith.constant 0 : i32
        %dma_wait3A_317 = arith.constant 0 : i32
        %dma_wait3A_318 = tpu.memref_slice %arg7[%rem3A_240, %dma_wait3A_314, %dma_wait3A_315, %dma_wait3A_316, %dma_wait3A_317] : memref<3x4x4x8x128xf32, #tpu.memory_space<vmem>> -> memref<1x4x4x8x128xf32, #tpu.memory_space<vmem>>
        %dma_wait3A_319 = tpu.memref_squeeze %dma_wait3A_318 : memref<1x4x4x8x128xf32, #tpu.memory_space<vmem>> -> memref<4x4x8x128xf32, #tpu.memory_space<vmem>>
        %dma_wait3A_320 = arith.constant 0 : i32
        %dma_wait3A_321 = arith.constant 0 : i32
        %dma_wait3A_322 = arith.constant 0 : i32
        %dma_wait3A_323 = tpu.memref_slice %arg4[%dma_wait3A_313, %dma_wait3A_320, %mul3A_312, %dma_wait3A_321, %dma_wait3A_322] : memref<26x8x128x8x128xf32, #tpu.memory_space<hbm>> -> memref<1x4x4x8x128xf32, #tpu.memory_space<hbm>>
        %dma_wait3A_324 = tpu.memref_squeeze %dma_wait3A_323 : memref<1x4x4x8x128xf32, #tpu.memory_space<hbm>> -> memref<4x4x8x128xf32, #tpu.memory_space<hbm>>
        %dma_wait3A_325 = arith.constant 0 : i32
        %dma_wait3A_326 = arith.constant 0 : i32
        %dma_wait3A_327 = arith.constant 0 : i32
        %dma_wait3A_328 = tpu.memref_slice %arg4[%dma_wait3A_313, %dma_wait3A_325, %mul3A_312, %dma_wait3A_326, %dma_wait3A_327] : memref<26x8x128x8x128xf32, #tpu.memory_space<hbm>> -> memref<1x4x4x8x128xf32, #tpu.memory_space<hbm>>
        %dma_wait3A_329 = tpu.memref_squeeze %dma_wait3A_328 : memref<1x4x4x8x128xf32, #tpu.memory_space<hbm>> -> memref<4x4x8x128xf32, #tpu.memory_space<hbm>>
        %dma_wait3A_330 = arith.constant 0 : i32
        %dma_wait3A_331 = arith.constant 0 : i32
        %dma_wait3A_332 = arith.constant 0 : i32
        %dma_wait3A_333 = arith.constant 0 : i32
        %dma_wait3A_334 = tpu.memref_slice %arg7[%rem3A_240, %dma_wait3A_330, %dma_wait3A_331, %dma_wait3A_332, %dma_wait3A_333] : memref<3x4x4x8x128xf32, #tpu.memory_space<vmem>> -> memref<1x4x4x8x128xf32, #tpu.memory_space<vmem>>
        %dma_wait3A_335 = tpu.memref_squeeze %dma_wait3A_334 : memref<1x4x4x8x128xf32, #tpu.memory_space<vmem>> -> memref<4x4x8x128xf32, #tpu.memory_space<vmem>>
        tpu.wait_dma2 semaphore(%arg10 : memref<!tpu.dma_semaphore, #tpu.memory_space<semaphore_mem>>) src(%dma_wait3A_335 : memref<4x4x8x128xf32, #tpu.memory_space<vmem>>) dst(%dma_wait3A_329 : memref<4x4x8x128xf32, #tpu.memory_space<hbm>>)
      } else {
      }
      %parallel_loop3A_246 = arith.constant 0 : i32
      %parallel_loop3A_247 = arith.constant 32 : i32
      %parallel_loop3A_248 = arith.constant 1 : i32
      scf.for %parallel_loop3A_311 = %parallel_loop3A_246 to %parallel_loop3A_247 step %parallel_loop3A_248  : i32 {
        %parallel_loop3A_312 = arith.constant 8 : i32
        %parallel_loop3A_313 = arith.divsi %parallel_loop3A_311, %parallel_loop3A_312 : i32
        %parallel_loop3A_314 = arith.constant 0 : i32
        %parallel_loop3A_315 = arith.cmpi sgt, %parallel_loop3A_311, %parallel_loop3A_314 : i32
        %parallel_loop3A_316 = arith.extui %parallel_loop3A_315 : i1 to i32
        %parallel_loop3A_317 = arith.constant 0 : i32
        %parallel_loop3A_318 = arith.cmpi slt, %parallel_loop3A_311, %parallel_loop3A_317 : i32
        %parallel_loop3A_319 = arith.extui %parallel_loop3A_318 : i1 to i32
        %parallel_loop3A_320 = arith.subi %parallel_loop3A_316, %parallel_loop3A_319 : i32
        %parallel_loop3A_321 = arith.constant 0 : i32
        %parallel_loop3A_322 = arith.cmpi sgt, %parallel_loop3A_312, %parallel_loop3A_321 : i32
        %parallel_loop3A_323 = arith.extui %parallel_loop3A_322 : i1 to i32
        %parallel_loop3A_324 = arith.constant 0 : i32
        %parallel_loop3A_325 = arith.cmpi slt, %parallel_loop3A_312, %parallel_loop3A_324 : i32
        %parallel_loop3A_326 = arith.extui %parallel_loop3A_325 : i1 to i32
        %parallel_loop3A_327 = arith.subi %parallel_loop3A_323, %parallel_loop3A_326 : i32
        %parallel_loop3A_328 = arith.cmpi ne, %parallel_loop3A_320, %parallel_loop3A_327 : i32
        %parallel_loop3A_329 = arith.remsi %parallel_loop3A_311, %parallel_loop3A_312 : i32
        %parallel_loop3A_330 = arith.constant 0 : i32
        %parallel_loop3A_331 = arith.cmpi ne, %parallel_loop3A_329, %parallel_loop3A_330 : i32
        %parallel_loop3A_332 = arith.andi %parallel_loop3A_328, %parallel_loop3A_331 : i1
        %parallel_loop3A_333 = arith.constant 1 : i32
        %parallel_loop3A_334 = arith.subi %parallel_loop3A_313, %parallel_loop3A_333 : i32
        %parallel_loop3A_335 = arith.select %parallel_loop3A_332, %parallel_loop3A_334, %parallel_loop3A_313 : i32
        %parallel_loop3A_336 = arith.constant 8 : i32
        %parallel_loop3A_337 = arith.constant 0 : i32
        %parallel_loop3A_338 = arith.cmpi eq, %parallel_loop3A_336, %parallel_loop3A_337 : i32
        %parallel_loop3A_339 = arith.constant 1 : i32
        %parallel_loop3A_340 = arith.select %parallel_loop3A_338, %parallel_loop3A_339, %parallel_loop3A_336 : i32
        %parallel_loop3A_341 = arith.remsi %parallel_loop3A_311, %parallel_loop3A_340 : i32
        %parallel_loop3A_342 = arith.constant 0 : i32
        %parallel_loop3A_343 = arith.cmpi ne, %parallel_loop3A_341, %parallel_loop3A_342 : i32
        %parallel_loop3A_344 = arith.constant 0 : i32
        %parallel_loop3A_345 = arith.cmpi slt, %parallel_loop3A_341, %parallel_loop3A_344 : i32
        %parallel_loop3A_346 = arith.constant 0 : i32
        %parallel_loop3A_347 = arith.cmpi slt, %parallel_loop3A_340, %parallel_loop3A_346 : i32
        %parallel_loop3A_348 = arith.xori %parallel_loop3A_345, %parallel_loop3A_347 : i1
        %parallel_loop3A_349 = arith.andi %parallel_loop3A_348, %parallel_loop3A_343 : i1
        %parallel_loop3A_350 = arith.addi %parallel_loop3A_341, %parallel_loop3A_340 : i32
        %parallel_loop3A_351 = arith.select %parallel_loop3A_349, %parallel_loop3A_350, %parallel_loop3A_341 : i32
        %parallel_loop3A_352 = arith.constant 16 : i32
        %parallel_loop3A_353 = arith.muli %parallel_loop3A_351, %parallel_loop3A_352 : i32
        %parallel_loop3A_354 = arith.constant 16 : i32
        %parallel_loop3A_355 = arith.muli %parallel_loop3A_311, %parallel_loop3A_354 : i32
        %parallel_loop3A_356 = arith.index_cast %add3A_209 : i32 to index
        %parallel_loop3A_357 = arith.index_cast %parallel_loop3A_355 : i32 to index
        %parallel_loop3A_358 = tpu.vector_load %arg5[%parallel_loop3A_356, %parallel_loop3A_357] {strides = array<i32>} : memref<26x512xi32, #tpu.memory_space<vmem>>, vector<16xi32>,
        %parallel_loop3A_359 = arith.constant 1 : i32
        %parallel_loop3A_360 = arith.constant 0 : i32
        %parallel_loop3A_361 = arith.constant 0 : i32
        %parallel_loop3A_362 = tpu.memref_slice %arg6[%parallel_loop3A_359, %parallel_loop3A_360, %parallel_loop3A_361] : memref<2x64x128xf32, #tpu.memory_space<vmem>> -> memref<1x1x128xf32, #tpu.memory_space<vmem>>
        %parallel_loop3A_363 = tpu.memref_squeeze %parallel_loop3A_362 : memref<1x1x128xf32, #tpu.memory_space<vmem>> -> memref<128xf32, #tpu.memory_space<vmem>>
        %parallel_loop3A_364 = tpu.vector_load_idx %parallel_loop3A_363[%parallel_loop3A_358] : memref<128xf32, #tpu.memory_space<vmem>>[vector<16xi32>], vector<16xf32>,
        %parallel_loop3A_365 = arith.constant 0 : i32
        %parallel_loop3A_366 = arith.constant 0 : i32
        %parallel_loop3A_367 = arith.index_cast %rem3A_240 : i32 to index
        %parallel_loop3A_368 = arith.index_cast %parallel_loop3A_365 : i32 to index
        %parallel_loop3A_369 = arith.index_cast %parallel_loop3A_335 : i32 to index
        %parallel_loop3A_370 = arith.index_cast %parallel_loop3A_366 : i32 to index
        %parallel_loop3A_371 = arith.index_cast %parallel_loop3A_353 : i32 to index
        %parallel_loop3A_372 = tpu.vector_load %arg7[%parallel_loop3A_367, %parallel_loop3A_368, %parallel_loop3A_369, %parallel_loop3A_370, %parallel_loop3A_371] {strides = array<i32>} : memref<3x4x4x8x128xf32, #tpu.memory_space<vmem>>, vector<16xf32>,
        tpu.vector_store %arg7[%parallel_loop3A_367, %parallel_loop3A_368, %parallel_loop3A_369, %parallel_loop3A_370, %parallel_loop3A_371], %parallel_loop3A_364 {strides = array<i32>} : memref<3x4x4x8x128xf32, #tpu.memory_space<vmem>>, vector<16xf32>,
        %parallel_loop3A_373 = arith.constant 1 : i32
        %parallel_loop3A_374 = arith.constant 1 : i32
        %parallel_loop3A_375 = arith.constant 0 : i32
        %parallel_loop3A_376 = tpu.memref_slice %arg6[%parallel_loop3A_373, %parallel_loop3A_374, %parallel_loop3A_375] : memref<2x64x128xf32, #tpu.memory_space<vmem>> -> memref<1x1x128xf32, #tpu.memory_space<vmem>>
        %parallel_loop3A_377 = tpu.memref_squeeze %parallel_loop3A_376 : memref<1x1x128xf32, #tpu.memory_space<vmem>> -> memref<128xf32, #tpu.memory_space<vmem>>
        %parallel_loop3A_378 = tpu.vector_load_idx %parallel_loop3A_377[%parallel_loop3A_358] : memref<128xf32, #tpu.memory_space<vmem>>[vector<16xi32>], vector<16xf32>,
        %parallel_loop3A_379 = arith.constant 0 : i32
        %parallel_loop3A_380 = arith.constant 1 : i32
        %parallel_loop3A_381 = arith.index_cast %rem3A_240 : i32 to index
        %parallel_loop3A_382 = arith.index_cast %parallel_loop3A_379 : i32 to index
        %parallel_loop3A_383 = arith.index_cast %parallel_loop3A_335 : i32 to index
        %parallel_loop3A_384 = arith.index_cast %parallel_loop3A_380 : i32 to index
        %parallel_loop3A_385 = arith.index_cast %parallel_loop3A_353 : i32 to index
        %parallel_loop3A_386 = tpu.vector_load %arg7[%parallel_loop3A_381, %parallel_loop3A_382, %parallel_loop3A_383, %parallel_loop3A_384, %parallel_loop3A_385] {strides = array<i32>} : memref<3x4x4x8x128xf32, #tpu.memory_space<vmem>>, vector<16xf32>,
        tpu.vector_store %arg7[%parallel_loop3A_381, %parallel_loop3A_382, %parallel_loop3A_383, %parallel_loop3A_384, %parallel_loop3A_385], %parallel_loop3A_378 {strides = array<i32>} : memref<3x4x4x8x128xf32, #tpu.memory_space<vmem>>, vector<16xf32>,
        %parallel_loop3A_387 = arith.constant 1 : i32
        %parallel_loop3A_388 = arith.constant 2 : i32
        %parallel_loop3A_389 = arith.constant 0 : i32
        %parallel_loop3A_390 = tpu.memref_slice %arg6[%parallel_loop3A_387, %parallel_loop3A_388, %parallel_loop3A_389] : memref<2x64x128xf32, #tpu.memory_space<vmem>> -> memref<1x1x128xf32, #tpu.memory_space<vmem>>
        %parallel_loop3A_391 = tpu.memref_squeeze %parallel_loop3A_390 : memref<1x1x128xf32, #tpu.memory_space<vmem>> -> memref<128xf32, #tpu.memory_space<vmem>>
        %parallel_loop3A_392 = tpu.vector_load_idx %parallel_loop3A_391[%parallel_loop3A_358] : memref<128xf32, #tpu.memory_space<vmem>>[vector<16xi32>], vector<16xf32>,
        %parallel_loop3A_393 = arith.constant 0 : i32
        %parallel_loop3A_394 = arith.constant 2 : i32
        %parallel_loop3A_395 = arith.index_cast %rem3A_240 : i32 to index
        %parallel_loop3A_396 = arith.index_cast %parallel_loop3A_393 : i32 to index
        %parallel_loop3A_397 = arith.index_cast %parallel_loop3A_335 : i32 to index
        %parallel_loop3A_398 = arith.index_cast %parallel_loop3A_394 : i32 to index
        %parallel_loop3A_399 = arith.index_cast %parallel_loop3A_353 : i32 to index
        %parallel_loop3A_400 = tpu.vector_load %arg7[%parallel_loop3A_395, %parallel_loop3A_396, %parallel_loop3A_397, %parallel_loop3A_398, %parallel_loop3A_399] {strides = array<i32>} : memref<3x4x4x8x128xf32, #tpu.memory_space<vmem>>, vector<16xf32>,
        tpu.vector_store %arg7[%parallel_loop3A_395, %parallel_loop3A_396, %parallel_loop3A_397, %parallel_loop3A_398, %parallel_loop3A_399], %parallel_loop3A_392 {strides = array<i32>} : memref<3x4x4x8x128xf32, #tpu.memory_space<vmem>>, vector<16xf32>,
        %parallel_loop3A_401 = arith.constant 1 : i32
        %parallel_loop3A_402 = arith.constant 3 : i32
        %parallel_loop3A_403 = arith.constant 0 : i32
        %parallel_loop3A_404 = tpu.memref_slice %arg6[%parallel_loop3A_401, %parallel_loop3A_402, %parallel_loop3A_403] : memref<2x64x128xf32, #tpu.memory_space<vmem>> -> memref<1x1x128xf32, #tpu.memory_space<vmem>>
        %parallel_loop3A_405 = tpu.memref_squeeze %parallel_loop3A_404 : memref<1x1x128xf32, #tpu.memory_space<vmem>> -> memref<128xf32, #tpu.memory_space<vmem>>
        %parallel_loop3A_406 = tpu.vector_load_idx %parallel_loop3A_405[%parallel_loop3A_358] : memref<128xf32, #tpu.memory_space<vmem>>[vector<16xi32>], vector<16xf32>,
        %parallel_loop3A_407 = arith.constant 0 : i32
        %parallel_loop3A_408 = arith.constant 3 : i32
        %parallel_loop3A_409 = arith.index_cast %rem3A_240 : i32 to index
        %parallel_loop3A_410 = arith.index_cast %parallel_loop3A_407 : i32 to index
        %parallel_loop3A_411 = arith.index_cast %parallel_loop3A_335 : i32 to index
        %parallel_loop3A_412 = arith.index_cast %parallel_loop3A_408 : i32 to index
        %parallel_loop3A_413 = arith.index_cast %parallel_loop3A_353 : i32 to index
        %parallel_loop3A_414 = tpu.vector_load %arg7[%parallel_loop3A_409, %parallel_loop3A_410, %parallel_loop3A_411, %parallel_loop3A_412, %parallel_loop3A_413] {strides = array<i32>} : memref<3x4x4x8x128xf32, #tpu.memory_space<vmem>>, vector<16xf32>,
        tpu.vector_store %arg7[%parallel_loop3A_409, %parallel_loop3A_410, %parallel_loop3A_411, %parallel_loop3A_412, %parallel_loop3A_413], %parallel_loop3A_406 {strides = array<i32>} : memref<3x4x4x8x128xf32, #tpu.memory_space<vmem>>, vector<16xf32>,
        %parallel_loop3A_415 = arith.constant 1 : i32
        %parallel_loop3A_416 = arith.constant 4 : i32
        %parallel_loop3A_417 = arith.constant 0 : i32
        %parallel_loop3A_418 = tpu.memref_slice %arg6[%parallel_loop3A_415, %parallel_loop3A_416, %parallel_loop3A_417] : memref<2x64x128xf32, #tpu.memory_space<vmem>> -> memref<1x1x128xf32, #tpu.memory_space<vmem>>
        %parallel_loop3A_419 = tpu.memref_squeeze %parallel_loop3A_418 : memref<1x1x128xf32, #tpu.memory_space<vmem>> -> memref<128xf32, #tpu.memory_space<vmem>>
        %parallel_loop3A_420 = tpu.vector_load_idx %parallel_loop3A_419[%parallel_loop3A_358] : memref<128xf32, #tpu.memory_space<vmem>>[vector<16xi32>], vector<16xf32>,
        %parallel_loop3A_421 = arith.constant 0 : i32
        %parallel_loop3A_422 = arith.constant 4 : i32
        %parallel_loop3A_423 = arith.index_cast %rem3A_240 : i32 to index
        %parallel_loop3A_424 = arith.index_cast %parallel_loop3A_421 : i32 to index
        %parallel_loop3A_425 = arith.index_cast %parallel_loop3A_335 : i32 to index
        %parallel_loop3A_426 = arith.index_cast %parallel_loop3A_422 : i32 to index
        %parallel_loop3A_427 = arith.index_cast %parallel_loop3A_353 : i32 to index
        %parallel_loop3A_428 = tpu.vector_load %arg7[%parallel_loop3A_423, %parallel_loop3A_424, %parallel_loop3A_425, %parallel_loop3A_426, %parallel_loop3A_427] {strides = array<i32>} : memref<3x4x4x8x128xf32, #tpu.memory_space<vmem>>, vector<16xf32>,
        tpu.vector_store %arg7[%parallel_loop3A_423, %parallel_loop3A_424, %parallel_loop3A_425, %parallel_loop3A_426, %parallel_loop3A_427], %parallel_loop3A_420 {strides = array<i32>} : memref<3x4x4x8x128xf32, #tpu.memory_space<vmem>>, vector<16xf32>,
        %parallel_loop3A_429 = arith.constant 1 : i32
        %parallel_loop3A_430 = arith.constant 5 : i32
        %parallel_loop3A_431 = arith.constant 0 : i32
        %parallel_loop3A_432 = tpu.memref_slice %arg6[%parallel_loop3A_429, %parallel_loop3A_430, %parallel_loop3A_431] : memref<2x64x128xf32, #tpu.memory_space<vmem>> -> memref<1x1x128xf32, #tpu.memory_space<vmem>>
        %parallel_loop3A_433 = tpu.memref_squeeze %parallel_loop3A_432 : memref<1x1x128xf32, #tpu.memory_space<vmem>> -> memref<128xf32, #tpu.memory_space<vmem>>
        %parallel_loop3A_434 = tpu.vector_load_idx %parallel_loop3A_433[%parallel_loop3A_358] : memref<128xf32, #tpu.memory_space<vmem>>[vector<16xi32>], vector<16xf32>,
        %parallel_loop3A_435 = arith.constant 0 : i32
        %parallel_loop3A_436 = arith.constant 5 : i32
        %parallel_loop3A_437 = arith.index_cast %rem3A_240 : i32 to index
        %parallel_loop3A_438 = arith.index_cast %parallel_loop3A_435 : i32 to index
        %parallel_loop3A_439 = arith.index_cast %parallel_loop3A_335 : i32 to index
        %parallel_loop3A_440 = arith.index_cast %parallel_loop3A_436 : i32 to index
        %parallel_loop3A_441 = arith.index_cast %parallel_loop3A_353 : i32 to index
        %parallel_loop3A_442 = tpu.vector_load %arg7[%parallel_loop3A_437, %parallel_loop3A_438, %parallel_loop3A_439, %parallel_loop3A_440, %parallel_loop3A_441] {strides = array<i32>} : memref<3x4x4x8x128xf32, #tpu.memory_space<vmem>>, vector<16xf32>,
        tpu.vector_store %arg7[%parallel_loop3A_437, %parallel_loop3A_438, %parallel_loop3A_439, %parallel_loop3A_440, %parallel_loop3A_441], %parallel_loop3A_434 {strides = array<i32>} : memref<3x4x4x8x128xf32, #tpu.memory_space<vmem>>, vector<16xf32>,
        %parallel_loop3A_443 = arith.constant 1 : i32
        %parallel_loop3A_444 = arith.constant 6 : i32
        %parallel_loop3A_445 = arith.constant 0 : i32
        %parallel_loop3A_446 = tpu.memref_slice %arg6[%parallel_loop3A_443, %parallel_loop3A_444, %parallel_loop3A_445] : memref<2x64x128xf32, #tpu.memory_space<vmem>> -> memref<1x1x128xf32, #tpu.memory_space<vmem>>
        %parallel_loop3A_447 = tpu.memref_squeeze %parallel_loop3A_446 : memref<1x1x128xf32, #tpu.memory_space<vmem>> -> memref<128xf32, #tpu.memory_space<vmem>>
        %parallel_loop3A_448 = tpu.vector_load_idx %parallel_loop3A_447[%parallel_loop3A_358] : memref<128xf32, #tpu.memory_space<vmem>>[vector<16xi32>], vector<16xf32>,
        %parallel_loop3A_449 = arith.constant 0 : i32
        %parallel_loop3A_450 = arith.constant 6 : i32
        %parallel_loop3A_451 = arith.index_cast %rem3A_240 : i32 to index
        %parallel_loop3A_452 = arith.index_cast %parallel_loop3A_449 : i32 to index
        %parallel_loop3A_453 = arith.index_cast %parallel_loop3A_335 : i32 to index
        %parallel_loop3A_454 = arith.index_cast %parallel_loop3A_450 : i32 to index
        %parallel_loop3A_455 = arith.index_cast %parallel_loop3A_353 : i32 to index
        %parallel_loop3A_456 = tpu.vector_load %arg7[%parallel_loop3A_451, %parallel_loop3A_452, %parallel_loop3A_453, %parallel_loop3A_454, %parallel_loop3A_455] {strides = array<i32>} : memref<3x4x4x8x128xf32, #tpu.memory_space<vmem>>, vector<16xf32>,
        tpu.vector_store %arg7[%parallel_loop3A_451, %parallel_loop3A_452, %parallel_loop3A_453, %parallel_loop3A_454, %parallel_loop3A_455], %parallel_loop3A_448 {strides = array<i32>} : memref<3x4x4x8x128xf32, #tpu.memory_space<vmem>>, vector<16xf32>,
        %parallel_loop3A_457 = arith.constant 1 : i32
        %parallel_loop3A_458 = arith.constant 7 : i32
        %parallel_loop3A_459 = arith.constant 0 : i32
        %parallel_loop3A_460 = tpu.memref_slice %arg6[%parallel_loop3A_457, %parallel_loop3A_458, %parallel_loop3A_459] : memref<2x64x128xf32, #tpu.memory_space<vmem>> -> memref<1x1x128xf32, #tpu.memory_space<vmem>>
        %parallel_loop3A_461 = tpu.memref_squeeze %parallel_loop3A_460 : memref<1x1x128xf32, #tpu.memory_space<vmem>> -> memref<128xf32, #tpu.memory_space<vmem>>
        %parallel_loop3A_462 = tpu.vector_load_idx %parallel_loop3A_461[%parallel_loop3A_358] : memref<128xf32, #tpu.memory_space<vmem>>[vector<16xi32>], vector<16xf32>,
        %parallel_loop3A_463 = arith.constant 0 : i32
        %parallel_loop3A_464 = arith.constant 7 : i32
        %parallel_loop3A_465 = arith.index_cast %rem3A_240 : i32 to index
        %parallel_loop3A_466 = arith.index_cast %parallel_loop3A_463 : i32 to index
        %parallel_loop3A_467 = arith.index_cast %parallel_loop3A_335 : i32 to index
        %parallel_loop3A_468 = arith.index_cast %parallel_loop3A_464 : i32 to index
        %parallel_loop3A_469 = arith.index_cast %parallel_loop3A_353 : i32 to index
        %parallel_loop3A_470 = tpu.vector_load %arg7[%parallel_loop3A_465, %parallel_loop3A_466, %parallel_loop3A_467, %parallel_loop3A_468, %parallel_loop3A_469] {strides = array<i32>} : memref<3x4x4x8x128xf32, #tpu.memory_space<vmem>>, vector<16xf32>,
        tpu.vector_store %arg7[%parallel_loop3A_465, %parallel_loop3A_466, %parallel_loop3A_467, %parallel_loop3A_468, %parallel_loop3A_469], %parallel_loop3A_462 {strides = array<i32>} : memref<3x4x4x8x128xf32, #tpu.memory_space<vmem>>, vector<16xf32>,
        %parallel_loop3A_471 = arith.constant 1 : i32
        %parallel_loop3A_472 = arith.constant 8 : i32
        %parallel_loop3A_473 = arith.constant 0 : i32
        %parallel_loop3A_474 = tpu.memref_slice %arg6[%parallel_loop3A_471, %parallel_loop3A_472, %parallel_loop3A_473] : memref<2x64x128xf32, #tpu.memory_space<vmem>> -> memref<1x1x128xf32, #tpu.memory_space<vmem>>
        %parallel_loop3A_475 = tpu.memref_squeeze %parallel_loop3A_474 : memref<1x1x128xf32, #tpu.memory_space<vmem>> -> memref<128xf32, #tpu.memory_space<vmem>>
        %parallel_loop3A_476 = tpu.vector_load_idx %parallel_loop3A_475[%parallel_loop3A_358] : memref<128xf32, #tpu.memory_space<vmem>>[vector<16xi32>], vector<16xf32>,
        %parallel_loop3A_477 = arith.constant 1 : i32
        %parallel_loop3A_478 = arith.constant 0 : i32
        %parallel_loop3A_479 = arith.index_cast %rem3A_240 : i32 to index
        %parallel_loop3A_480 = arith.index_cast %parallel_loop3A_477 : i32 to index
        %parallel_loop3A_481 = arith.index_cast %parallel_loop3A_335 : i32 to index
        %parallel_loop3A_482 = arith.index_cast %parallel_loop3A_478 : i32 to index
        %parallel_loop3A_483 = arith.index_cast %parallel_loop3A_353 : i32 to index
        %parallel_loop3A_484 = tpu.vector_load %arg7[%parallel_loop3A_479, %parallel_loop3A_480, %parallel_loop3A_481, %parallel_loop3A_482, %parallel_loop3A_483] {strides = array<i32>} : memref<3x4x4x8x128xf32, #tpu.memory_space<vmem>>, vector<16xf32>,
        tpu.vector_store %arg7[%parallel_loop3A_479, %parallel_loop3A_480, %parallel_loop3A_481, %parallel_loop3A_482, %parallel_loop3A_483], %parallel_loop3A_476 {strides = array<i32>} : memref<3x4x4x8x128xf32, #tpu.memory_space<vmem>>, vector<16xf32>,
        %parallel_loop3A_485 = arith.constant 1 : i32
        %parallel_loop3A_486 = arith.constant 9 : i32
        %parallel_loop3A_487 = arith.constant 0 : i32
        %parallel_loop3A_488 = tpu.memref_slice %arg6[%parallel_loop3A_485, %parallel_loop3A_486, %parallel_loop3A_487] : memref<2x64x128xf32, #tpu.memory_space<vmem>> -> memref<1x1x128xf32, #tpu.memory_space<vmem>>
        %parallel_loop3A_489 = tpu.memref_squeeze %parallel_loop3A_488 : memref<1x1x128xf32, #tpu.memory_space<vmem>> -> memref<128xf32, #tpu.memory_space<vmem>>
        %parallel_loop3A_490 = tpu.vector_load_idx %parallel_loop3A_489[%parallel_loop3A_358] : memref<128xf32, #tpu.memory_space<vmem>>[vector<16xi32>], vector<16xf32>,
        %parallel_loop3A_491 = arith.constant 1 : i32
        %parallel_loop3A_492 = arith.constant 1 : i32
        %parallel_loop3A_493 = arith.index_cast %rem3A_240 : i32 to index
        %parallel_loop3A_494 = arith.index_cast %parallel_loop3A_491 : i32 to index
        %parallel_loop3A_495 = arith.index_cast %parallel_loop3A_335 : i32 to index
        %parallel_loop3A_496 = arith.index_cast %parallel_loop3A_492 : i32 to index
        %parallel_loop3A_497 = arith.index_cast %parallel_loop3A_353 : i32 to index
        %parallel_loop3A_498 = tpu.vector_load %arg7[%parallel_loop3A_493, %parallel_loop3A_494, %parallel_loop3A_495, %parallel_loop3A_496, %parallel_loop3A_497] {strides = array<i32>} : memref<3x4x4x8x128xf32, #tpu.memory_space<vmem>>, vector<16xf32>,
        tpu.vector_store %arg7[%parallel_loop3A_493, %parallel_loop3A_494, %parallel_loop3A_495, %parallel_loop3A_496, %parallel_loop3A_497], %parallel_loop3A_490 {strides = array<i32>} : memref<3x4x4x8x128xf32, #tpu.memory_space<vmem>>, vector<16xf32>,
        %parallel_loop3A_499 = arith.constant 1 : i32
        %parallel_loop3A_500 = arith.constant 10 : i32
        %parallel_loop3A_501 = arith.constant 0 : i32
        %parallel_loop3A_502 = tpu.memref_slice %arg6[%parallel_loop3A_499, %parallel_loop3A_500, %parallel_loop3A_501] : memref<2x64x128xf32, #tpu.memory_space<vmem>> -> memref<1x1x128xf32, #tpu.memory_space<vmem>>
        %parallel_loop3A_503 = tpu.memref_squeeze %parallel_loop3A_502 : memref<1x1x128xf32, #tpu.memory_space<vmem>> -> memref<128xf32, #tpu.memory_space<vmem>>
        %parallel_loop3A_504 = tpu.vector_load_idx %parallel_loop3A_503[%parallel_loop3A_358] : memref<128xf32, #tpu.memory_space<vmem>>[vector<16xi32>], vector<16xf32>,
        %parallel_loop3A_505 = arith.constant 1 : i32
        %parallel_loop3A_506 = arith.constant 2 : i32
        %parallel_loop3A_507 = arith.index_cast %rem3A_240 : i32 to index
        %parallel_loop3A_508 = arith.index_cast %parallel_loop3A_505 : i32 to index
        %parallel_loop3A_509 = arith.index_cast %parallel_loop3A_335 : i32 to index
        %parallel_loop3A_510 = arith.index_cast %parallel_loop3A_506 : i32 to index
        %parallel_loop3A_511 = arith.index_cast %parallel_loop3A_353 : i32 to index
        %parallel_loop3A_512 = tpu.vector_load %arg7[%parallel_loop3A_507, %parallel_loop3A_508, %parallel_loop3A_509, %parallel_loop3A_510, %parallel_loop3A_511] {strides = array<i32>} : memref<3x4x4x8x128xf32, #tpu.memory_space<vmem>>, vector<16xf32>,
        tpu.vector_store %arg7[%parallel_loop3A_507, %parallel_loop3A_508, %parallel_loop3A_509, %parallel_loop3A_510, %parallel_loop3A_511], %parallel_loop3A_504 {strides = array<i32>} : memref<3x4x4x8x128xf32, #tpu.memory_space<vmem>>, vector<16xf32>,
        %parallel_loop3A_513 = arith.constant 1 : i32
        %parallel_loop3A_514 = arith.constant 11 : i32
        %parallel_loop3A_515 = arith.constant 0 : i32
        %parallel_loop3A_516 = tpu.memref_slice %arg6[%parallel_loop3A_513, %parallel_loop3A_514, %parallel_loop3A_515] : memref<2x64x128xf32, #tpu.memory_space<vmem>> -> memref<1x1x128xf32, #tpu.memory_space<vmem>>
        %parallel_loop3A_517 = tpu.memref_squeeze %parallel_loop3A_516 : memref<1x1x128xf32, #tpu.memory_space<vmem>> -> memref<128xf32, #tpu.memory_space<vmem>>
        %parallel_loop3A_518 = tpu.vector_load_idx %parallel_loop3A_517[%parallel_loop3A_358] : memref<128xf32, #tpu.memory_space<vmem>>[vector<16xi32>], vector<16xf32>,
        %parallel_loop3A_519 = arith.constant 1 : i32
        %parallel_loop3A_520 = arith.constant 3 : i32
        %parallel_loop3A_521 = arith.index_cast %rem3A_240 : i32 to index
        %parallel_loop3A_522 = arith.index_cast %parallel_loop3A_519 : i32 to index
        %parallel_loop3A_523 = arith.index_cast %parallel_loop3A_335 : i32 to index
        %parallel_loop3A_524 = arith.index_cast %parallel_loop3A_520 : i32 to index
        %parallel_loop3A_525 = arith.index_cast %parallel_loop3A_353 : i32 to index
        %parallel_loop3A_526 = tpu.vector_load %arg7[%parallel_loop3A_521, %parallel_loop3A_522, %parallel_loop3A_523, %parallel_loop3A_524, %parallel_loop3A_525] {strides = array<i32>} : memref<3x4x4x8x128xf32, #tpu.memory_space<vmem>>, vector<16xf32>,
        tpu.vector_store %arg7[%parallel_loop3A_521, %parallel_loop3A_522, %parallel_loop3A_523, %parallel_loop3A_524, %parallel_loop3A_525], %parallel_loop3A_518 {strides = array<i32>} : memref<3x4x4x8x128xf32, #tpu.memory_space<vmem>>, vector<16xf32>,
        %parallel_loop3A_527 = arith.constant 1 : i32
        %parallel_loop3A_528 = arith.constant 12 : i32
        %parallel_loop3A_529 = arith.constant 0 : i32
        %parallel_loop3A_530 = tpu.memref_slice %arg6[%parallel_loop3A_527, %parallel_loop3A_528, %parallel_loop3A_529] : memref<2x64x128xf32, #tpu.memory_space<vmem>> -> memref<1x1x128xf32, #tpu.memory_space<vmem>>
        %parallel_loop3A_531 = tpu.memref_squeeze %parallel_loop3A_530 : memref<1x1x128xf32, #tpu.memory_space<vmem>> -> memref<128xf32, #tpu.memory_space<vmem>>
        %parallel_loop3A_532 = tpu.vector_load_idx %parallel_loop3A_531[%parallel_loop3A_358] : memref<128xf32, #tpu.memory_space<vmem>>[vector<16xi32>], vector<16xf32>,
        %parallel_loop3A_533 = arith.constant 1 : i32
        %parallel_loop3A_534 = arith.constant 4 : i32
        %parallel_loop3A_535 = arith.index_cast %rem3A_240 : i32 to index
        %parallel_loop3A_536 = arith.index_cast %parallel_loop3A_533 : i32 to index
        %parallel_loop3A_537 = arith.index_cast %parallel_loop3A_335 : i32 to index
        %parallel_loop3A_538 = arith.index_cast %parallel_loop3A_534 : i32 to index
        %parallel_loop3A_539 = arith.index_cast %parallel_loop3A_353 : i32 to index
        %parallel_loop3A_540 = tpu.vector_load %arg7[%parallel_loop3A_535, %parallel_loop3A_536, %parallel_loop3A_537, %parallel_loop3A_538, %parallel_loop3A_539] {strides = array<i32>} : memref<3x4x4x8x128xf32, #tpu.memory_space<vmem>>, vector<16xf32>,
        tpu.vector_store %arg7[%parallel_loop3A_535, %parallel_loop3A_536, %parallel_loop3A_537, %parallel_loop3A_538, %parallel_loop3A_539], %parallel_loop3A_532 {strides = array<i32>} : memref<3x4x4x8x128xf32, #tpu.memory_space<vmem>>, vector<16xf32>,
        %parallel_loop3A_541 = arith.constant 1 : i32
        %parallel_loop3A_542 = arith.constant 13 : i32
        %parallel_loop3A_543 = arith.constant 0 : i32
        %parallel_loop3A_544 = tpu.memref_slice %arg6[%parallel_loop3A_541, %parallel_loop3A_542, %parallel_loop3A_543] : memref<2x64x128xf32, #tpu.memory_space<vmem>> -> memref<1x1x128xf32, #tpu.memory_space<vmem>>
        %parallel_loop3A_545 = tpu.memref_squeeze %parallel_loop3A_544 : memref<1x1x128xf32, #tpu.memory_space<vmem>> -> memref<128xf32, #tpu.memory_space<vmem>>
        %parallel_loop3A_546 = tpu.vector_load_idx %parallel_loop3A_545[%parallel_loop3A_358] : memref<128xf32, #tpu.memory_space<vmem>>[vector<16xi32>], vector<16xf32>,
        %parallel_loop3A_547 = arith.constant 1 : i32
        %parallel_loop3A_548 = arith.constant 5 : i32
        %parallel_loop3A_549 = arith.index_cast %rem3A_240 : i32 to index
        %parallel_loop3A_550 = arith.index_cast %parallel_loop3A_547 : i32 to index
        %parallel_loop3A_551 = arith.index_cast %parallel_loop3A_335 : i32 to index
        %parallel_loop3A_552 = arith.index_cast %parallel_loop3A_548 : i32 to index
        %parallel_loop3A_553 = arith.index_cast %parallel_loop3A_353 : i32 to index
        %parallel_loop3A_554 = tpu.vector_load %arg7[%parallel_loop3A_549, %parallel_loop3A_550, %parallel_loop3A_551, %parallel_loop3A_552, %parallel_loop3A_553] {strides = array<i32>} : memref<3x4x4x8x128xf32, #tpu.memory_space<vmem>>, vector<16xf32>,
        tpu.vector_store %arg7[%parallel_loop3A_549, %parallel_loop3A_550, %parallel_loop3A_551, %parallel_loop3A_552, %parallel_loop3A_553], %parallel_loop3A_546 {strides = array<i32>} : memref<3x4x4x8x128xf32, #tpu.memory_space<vmem>>, vector<16xf32>,
        %parallel_loop3A_555 = arith.constant 1 : i32
        %parallel_loop3A_556 = arith.constant 14 : i32
        %parallel_loop3A_557 = arith.constant 0 : i32
        %parallel_loop3A_558 = tpu.memref_slice %arg6[%parallel_loop3A_555, %parallel_loop3A_556, %parallel_loop3A_557] : memref<2x64x128xf32, #tpu.memory_space<vmem>> -> memref<1x1x128xf32, #tpu.memory_space<vmem>>
        %parallel_loop3A_559 = tpu.memref_squeeze %parallel_loop3A_558 : memref<1x1x128xf32, #tpu.memory_space<vmem>> -> memref<128xf32, #tpu.memory_space<vmem>>
        %parallel_loop3A_560 = tpu.vector_load_idx %parallel_loop3A_559[%parallel_loop3A_358] : memref<128xf32, #tpu.memory_space<vmem>>[vector<16xi32>], vector<16xf32>,
        %parallel_loop3A_561 = arith.constant 1 : i32
        %parallel_loop3A_562 = arith.constant 6 : i32
        %parallel_loop3A_563 = arith.index_cast %rem3A_240 : i32 to index
        %parallel_loop3A_564 = arith.index_cast %parallel_loop3A_561 : i32 to index
        %parallel_loop3A_565 = arith.index_cast %parallel_loop3A_335 : i32 to index
        %parallel_loop3A_566 = arith.index_cast %parallel_loop3A_562 : i32 to index
        %parallel_loop3A_567 = arith.index_cast %parallel_loop3A_353 : i32 to index
        %parallel_loop3A_568 = tpu.vector_load %arg7[%parallel_loop3A_563, %parallel_loop3A_564, %parallel_loop3A_565, %parallel_loop3A_566, %parallel_loop3A_567] {strides = array<i32>} : memref<3x4x4x8x128xf32, #tpu.memory_space<vmem>>, vector<16xf32>,
        tpu.vector_store %arg7[%parallel_loop3A_563, %parallel_loop3A_564, %parallel_loop3A_565, %parallel_loop3A_566, %parallel_loop3A_567], %parallel_loop3A_560 {strides = array<i32>} : memref<3x4x4x8x128xf32, #tpu.memory_space<vmem>>, vector<16xf32>,
        %parallel_loop3A_569 = arith.constant 1 : i32
        %parallel_loop3A_570 = arith.constant 15 : i32
        %parallel_loop3A_571 = arith.constant 0 : i32
        %parallel_loop3A_572 = tpu.memref_slice %arg6[%parallel_loop3A_569, %parallel_loop3A_570, %parallel_loop3A_571] : memref<2x64x128xf32, #tpu.memory_space<vmem>> -> memref<1x1x128xf32, #tpu.memory_space<vmem>>
        %parallel_loop3A_573 = tpu.memref_squeeze %parallel_loop3A_572 : memref<1x1x128xf32, #tpu.memory_space<vmem>> -> memref<128xf32, #tpu.memory_space<vmem>>
        %parallel_loop3A_574 = tpu.vector_load_idx %parallel_loop3A_573[%parallel_loop3A_358] : memref<128xf32, #tpu.memory_space<vmem>>[vector<16xi32>], vector<16xf32>,
        %parallel_loop3A_575 = arith.constant 1 : i32
        %parallel_loop3A_576 = arith.constant 7 : i32
        %parallel_loop3A_577 = arith.index_cast %rem3A_240 : i32 to index
        %parallel_loop3A_578 = arith.index_cast %parallel_loop3A_575 : i32 to index
        %parallel_loop3A_579 = arith.index_cast %parallel_loop3A_335 : i32 to index
        %parallel_loop3A_580 = arith.index_cast %parallel_loop3A_576 : i32 to index
        %parallel_loop3A_581 = arith.index_cast %parallel_loop3A_353 : i32 to index
        %parallel_loop3A_582 = tpu.vector_load %arg7[%parallel_loop3A_577, %parallel_loop3A_578, %parallel_loop3A_579, %parallel_loop3A_580, %parallel_loop3A_581] {strides = array<i32>} : memref<3x4x4x8x128xf32, #tpu.memory_space<vmem>>, vector<16xf32>,
        tpu.vector_store %arg7[%parallel_loop3A_577, %parallel_loop3A_578, %parallel_loop3A_579, %parallel_loop3A_580, %parallel_loop3A_581], %parallel_loop3A_574 {strides = array<i32>} : memref<3x4x4x8x128xf32, #tpu.memory_space<vmem>>, vector<16xf32>,
        %parallel_loop3A_583 = arith.constant 1 : i32
        %parallel_loop3A_584 = arith.constant 16 : i32
        %parallel_loop3A_585 = arith.constant 0 : i32
        %parallel_loop3A_586 = tpu.memref_slice %arg6[%parallel_loop3A_583, %parallel_loop3A_584, %parallel_loop3A_585] : memref<2x64x128xf32, #tpu.memory_space<vmem>> -> memref<1x1x128xf32, #tpu.memory_space<vmem>>
        %parallel_loop3A_587 = tpu.memref_squeeze %parallel_loop3A_586 : memref<1x1x128xf32, #tpu.memory_space<vmem>> -> memref<128xf32, #tpu.memory_space<vmem>>
        %parallel_loop3A_588 = tpu.vector_load_idx %parallel_loop3A_587[%parallel_loop3A_358] : memref<128xf32, #tpu.memory_space<vmem>>[vector<16xi32>], vector<16xf32>,
        %parallel_loop3A_589 = arith.constant 2 : i32
        %parallel_loop3A_590 = arith.constant 0 : i32
        %parallel_loop3A_591 = arith.index_cast %rem3A_240 : i32 to index
        %parallel_loop3A_592 = arith.index_cast %parallel_loop3A_589 : i32 to index
        %parallel_loop3A_593 = arith.index_cast %parallel_loop3A_335 : i32 to index
        %parallel_loop3A_594 = arith.index_cast %parallel_loop3A_590 : i32 to index
        %parallel_loop3A_595 = arith.index_cast %parallel_loop3A_353 : i32 to index
        %parallel_loop3A_596 = tpu.vector_load %arg7[%parallel_loop3A_591, %parallel_loop3A_592, %parallel_loop3A_593, %parallel_loop3A_594, %parallel_loop3A_595] {strides = array<i32>} : memref<3x4x4x8x128xf32, #tpu.memory_space<vmem>>, vector<16xf32>,
        tpu.vector_store %arg7[%parallel_loop3A_591, %parallel_loop3A_592, %parallel_loop3A_593, %parallel_loop3A_594, %parallel_loop3A_595], %parallel_loop3A_588 {strides = array<i32>} : memref<3x4x4x8x128xf32, #tpu.memory_space<vmem>>, vector<16xf32>,
        %parallel_loop3A_597 = arith.constant 1 : i32
        %parallel_loop3A_598 = arith.constant 17 : i32
        %parallel_loop3A_599 = arith.constant 0 : i32
        %parallel_loop3A_600 = tpu.memref_slice %arg6[%parallel_loop3A_597, %parallel_loop3A_598, %parallel_loop3A_599] : memref<2x64x128xf32, #tpu.memory_space<vmem>> -> memref<1x1x128xf32, #tpu.memory_space<vmem>>
        %parallel_loop3A_601 = tpu.memref_squeeze %parallel_loop3A_600 : memref<1x1x128xf32, #tpu.memory_space<vmem>> -> memref<128xf32, #tpu.memory_space<vmem>>
        %parallel_loop3A_602 = tpu.vector_load_idx %parallel_loop3A_601[%parallel_loop3A_358] : memref<128xf32, #tpu.memory_space<vmem>>[vector<16xi32>], vector<16xf32>,
        %parallel_loop3A_603 = arith.constant 2 : i32
        %parallel_loop3A_604 = arith.constant 1 : i32
        %parallel_loop3A_605 = arith.index_cast %rem3A_240 : i32 to index
        %parallel_loop3A_606 = arith.index_cast %parallel_loop3A_603 : i32 to index
        %parallel_loop3A_607 = arith.index_cast %parallel_loop3A_335 : i32 to index
        %parallel_loop3A_608 = arith.index_cast %parallel_loop3A_604 : i32 to index
        %parallel_loop3A_609 = arith.index_cast %parallel_loop3A_353 : i32 to index
        %parallel_loop3A_610 = tpu.vector_load %arg7[%parallel_loop3A_605, %parallel_loop3A_606, %parallel_loop3A_607, %parallel_loop3A_608, %parallel_loop3A_609] {strides = array<i32>} : memref<3x4x4x8x128xf32, #tpu.memory_space<vmem>>, vector<16xf32>,
        tpu.vector_store %arg7[%parallel_loop3A_605, %parallel_loop3A_606, %parallel_loop3A_607, %parallel_loop3A_608, %parallel_loop3A_609], %parallel_loop3A_602 {strides = array<i32>} : memref<3x4x4x8x128xf32, #tpu.memory_space<vmem>>, vector<16xf32>,
        %parallel_loop3A_611 = arith.constant 1 : i32
        %parallel_loop3A_612 = arith.constant 18 : i32
        %parallel_loop3A_613 = arith.constant 0 : i32
        %parallel_loop3A_614 = tpu.memref_slice %arg6[%parallel_loop3A_611, %parallel_loop3A_612, %parallel_loop3A_613] : memref<2x64x128xf32, #tpu.memory_space<vmem>> -> memref<1x1x128xf32, #tpu.memory_space<vmem>>
        %parallel_loop3A_615 = tpu.memref_squeeze %parallel_loop3A_614 : memref<1x1x128xf32, #tpu.memory_space<vmem>> -> memref<128xf32, #tpu.memory_space<vmem>>
        %parallel_loop3A_616 = tpu.vector_load_idx %parallel_loop3A_615[%parallel_loop3A_358] : memref<128xf32, #tpu.memory_space<vmem>>[vector<16xi32>], vector<16xf32>,
        %parallel_loop3A_617 = arith.constant 2 : i32
        %parallel_loop3A_618 = arith.constant 2 : i32
        %parallel_loop3A_619 = arith.index_cast %rem3A_240 : i32 to index
        %parallel_loop3A_620 = arith.index_cast %parallel_loop3A_617 : i32 to index
        %parallel_loop3A_621 = arith.index_cast %parallel_loop3A_335 : i32 to index
        %parallel_loop3A_622 = arith.index_cast %parallel_loop3A_618 : i32 to index
        %parallel_loop3A_623 = arith.index_cast %parallel_loop3A_353 : i32 to index
        %parallel_loop3A_624 = tpu.vector_load %arg7[%parallel_loop3A_619, %parallel_loop3A_620, %parallel_loop3A_621, %parallel_loop3A_622, %parallel_loop3A_623] {strides = array<i32>} : memref<3x4x4x8x128xf32, #tpu.memory_space<vmem>>, vector<16xf32>,
        tpu.vector_store %arg7[%parallel_loop3A_619, %parallel_loop3A_620, %parallel_loop3A_621, %parallel_loop3A_622, %parallel_loop3A_623], %parallel_loop3A_616 {strides = array<i32>} : memref<3x4x4x8x128xf32, #tpu.memory_space<vmem>>, vector<16xf32>,
        %parallel_loop3A_625 = arith.constant 1 : i32
        %parallel_loop3A_626 = arith.constant 19 : i32
        %parallel_loop3A_627 = arith.constant 0 : i32
        %parallel_loop3A_628 = tpu.memref_slice %arg6[%parallel_loop3A_625, %parallel_loop3A_626, %parallel_loop3A_627] : memref<2x64x128xf32, #tpu.memory_space<vmem>> -> memref<1x1x128xf32, #tpu.memory_space<vmem>>
        %parallel_loop3A_629 = tpu.memref_squeeze %parallel_loop3A_628 : memref<1x1x128xf32, #tpu.memory_space<vmem>> -> memref<128xf32, #tpu.memory_space<vmem>>
        %parallel_loop3A_630 = tpu.vector_load_idx %parallel_loop3A_629[%parallel_loop3A_358] : memref<128xf32, #tpu.memory_space<vmem>>[vector<16xi32>], vector<16xf32>,
        %parallel_loop3A_631 = arith.constant 2 : i32
        %parallel_loop3A_632 = arith.constant 3 : i32
        %parallel_loop3A_633 = arith.index_cast %rem3A_240 : i32 to index
        %parallel_loop3A_634 = arith.index_cast %parallel_loop3A_631 : i32 to index
        %parallel_loop3A_635 = arith.index_cast %parallel_loop3A_335 : i32 to index
        %parallel_loop3A_636 = arith.index_cast %parallel_loop3A_632 : i32 to index
        %parallel_loop3A_637 = arith.index_cast %parallel_loop3A_353 : i32 to index
        %parallel_loop3A_638 = tpu.vector_load %arg7[%parallel_loop3A_633, %parallel_loop3A_634, %parallel_loop3A_635, %parallel_loop3A_636, %parallel_loop3A_637] {strides = array<i32>} : memref<3x4x4x8x128xf32, #tpu.memory_space<vmem>>, vector<16xf32>,
        tpu.vector_store %arg7[%parallel_loop3A_633, %parallel_loop3A_634, %parallel_loop3A_635, %parallel_loop3A_636, %parallel_loop3A_637], %parallel_loop3A_630 {strides = array<i32>} : memref<3x4x4x8x128xf32, #tpu.memory_space<vmem>>, vector<16xf32>,
        %parallel_loop3A_639 = arith.constant 1 : i32
        %parallel_loop3A_640 = arith.constant 20 : i32
        %parallel_loop3A_641 = arith.constant 0 : i32
        %parallel_loop3A_642 = tpu.memref_slice %arg6[%parallel_loop3A_639, %parallel_loop3A_640, %parallel_loop3A_641] : memref<2x64x128xf32, #tpu.memory_space<vmem>> -> memref<1x1x128xf32, #tpu.memory_space<vmem>>
        %parallel_loop3A_643 = tpu.memref_squeeze %parallel_loop3A_642 : memref<1x1x128xf32, #tpu.memory_space<vmem>> -> memref<128xf32, #tpu.memory_space<vmem>>
        %parallel_loop3A_644 = tpu.vector_load_idx %parallel_loop3A_643[%parallel_loop3A_358] : memref<128xf32, #tpu.memory_space<vmem>>[vector<16xi32>], vector<16xf32>,
        %parallel_loop3A_645 = arith.constant 2 : i32
        %parallel_loop3A_646 = arith.constant 4 : i32
        %parallel_loop3A_647 = arith.index_cast %rem3A_240 : i32 to index
        %parallel_loop3A_648 = arith.index_cast %parallel_loop3A_645 : i32 to index
        %parallel_loop3A_649 = arith.index_cast %parallel_loop3A_335 : i32 to index
        %parallel_loop3A_650 = arith.index_cast %parallel_loop3A_646 : i32 to index
        %parallel_loop3A_651 = arith.index_cast %parallel_loop3A_353 : i32 to index
        %parallel_loop3A_652 = tpu.vector_load %arg7[%parallel_loop3A_647, %parallel_loop3A_648, %parallel_loop3A_649, %parallel_loop3A_650, %parallel_loop3A_651] {strides = array<i32>} : memref<3x4x4x8x128xf32, #tpu.memory_space<vmem>>, vector<16xf32>,
        tpu.vector_store %arg7[%parallel_loop3A_647, %parallel_loop3A_648, %parallel_loop3A_649, %parallel_loop3A_650, %parallel_loop3A_651], %parallel_loop3A_644 {strides = array<i32>} : memref<3x4x4x8x128xf32, #tpu.memory_space<vmem>>, vector<16xf32>,
        %parallel_loop3A_653 = arith.constant 1 : i32
        %parallel_loop3A_654 = arith.constant 21 : i32
        %parallel_loop3A_655 = arith.constant 0 : i32
        %parallel_loop3A_656 = tpu.memref_slice %arg6[%parallel_loop3A_653, %parallel_loop3A_654, %parallel_loop3A_655] : memref<2x64x128xf32, #tpu.memory_space<vmem>> -> memref<1x1x128xf32, #tpu.memory_space<vmem>>
        %parallel_loop3A_657 = tpu.memref_squeeze %parallel_loop3A_656 : memref<1x1x128xf32, #tpu.memory_space<vmem>> -> memref<128xf32, #tpu.memory_space<vmem>>
        %parallel_loop3A_658 = tpu.vector_load_idx %parallel_loop3A_657[%parallel_loop3A_358] : memref<128xf32, #tpu.memory_space<vmem>>[vector<16xi32>], vector<16xf32>,
        %parallel_loop3A_659 = arith.constant 2 : i32
        %parallel_loop3A_660 = arith.constant 5 : i32
        %parallel_loop3A_661 = arith.index_cast %rem3A_240 : i32 to index
        %parallel_loop3A_662 = arith.index_cast %parallel_loop3A_659 : i32 to index
        %parallel_loop3A_663 = arith.index_cast %parallel_loop3A_335 : i32 to index
        %parallel_loop3A_664 = arith.index_cast %parallel_loop3A_660 : i32 to index
        %parallel_loop3A_665 = arith.index_cast %parallel_loop3A_353 : i32 to index
        %parallel_loop3A_666 = tpu.vector_load %arg7[%parallel_loop3A_661, %parallel_loop3A_662, %parallel_loop3A_663, %parallel_loop3A_664, %parallel_loop3A_665] {strides = array<i32>} : memref<3x4x4x8x128xf32, #tpu.memory_space<vmem>>, vector<16xf32>,
        tpu.vector_store %arg7[%parallel_loop3A_661, %parallel_loop3A_662, %parallel_loop3A_663, %parallel_loop3A_664, %parallel_loop3A_665], %parallel_loop3A_658 {strides = array<i32>} : memref<3x4x4x8x128xf32, #tpu.memory_space<vmem>>, vector<16xf32>,
        %parallel_loop3A_667 = arith.constant 1 : i32
        %parallel_loop3A_668 = arith.constant 22 : i32
        %parallel_loop3A_669 = arith.constant 0 : i32
        %parallel_loop3A_670 = tpu.memref_slice %arg6[%parallel_loop3A_667, %parallel_loop3A_668, %parallel_loop3A_669] : memref<2x64x128xf32, #tpu.memory_space<vmem>> -> memref<1x1x128xf32, #tpu.memory_space<vmem>>
        %parallel_loop3A_671 = tpu.memref_squeeze %parallel_loop3A_670 : memref<1x1x128xf32, #tpu.memory_space<vmem>> -> memref<128xf32, #tpu.memory_space<vmem>>
        %parallel_loop3A_672 = tpu.vector_load_idx %parallel_loop3A_671[%parallel_loop3A_358] : memref<128xf32, #tpu.memory_space<vmem>>[vector<16xi32>], vector<16xf32>,
        %parallel_loop3A_673 = arith.constant 2 : i32
        %parallel_loop3A_674 = arith.constant 6 : i32
        %parallel_loop3A_675 = arith.index_cast %rem3A_240 : i32 to index
        %parallel_loop3A_676 = arith.index_cast %parallel_loop3A_673 : i32 to index
        %parallel_loop3A_677 = arith.index_cast %parallel_loop3A_335 : i32 to index
        %parallel_loop3A_678 = arith.index_cast %parallel_loop3A_674 : i32 to index
        %parallel_loop3A_679 = arith.index_cast %parallel_loop3A_353 : i32 to index
        %parallel_loop3A_680 = tpu.vector_load %arg7[%parallel_loop3A_675, %parallel_loop3A_676, %parallel_loop3A_677, %parallel_loop3A_678, %parallel_loop3A_679] {strides = array<i32>} : memref<3x4x4x8x128xf32, #tpu.memory_space<vmem>>, vector<16xf32>,
        tpu.vector_store %arg7[%parallel_loop3A_675, %parallel_loop3A_676, %parallel_loop3A_677, %parallel_loop3A_678, %parallel_loop3A_679], %parallel_loop3A_672 {strides = array<i32>} : memref<3x4x4x8x128xf32, #tpu.memory_space<vmem>>, vector<16xf32>,
        %parallel_loop3A_681 = arith.constant 1 : i32
        %parallel_loop3A_682 = arith.constant 23 : i32
        %parallel_loop3A_683 = arith.constant 0 : i32
        %parallel_loop3A_684 = tpu.memref_slice %arg6[%parallel_loop3A_681, %parallel_loop3A_682, %parallel_loop3A_683] : memref<2x64x128xf32, #tpu.memory_space<vmem>> -> memref<1x1x128xf32, #tpu.memory_space<vmem>>
        %parallel_loop3A_685 = tpu.memref_squeeze %parallel_loop3A_684 : memref<1x1x128xf32, #tpu.memory_space<vmem>> -> memref<128xf32, #tpu.memory_space<vmem>>
        %parallel_loop3A_686 = tpu.vector_load_idx %parallel_loop3A_685[%parallel_loop3A_358] : memref<128xf32, #tpu.memory_space<vmem>>[vector<16xi32>], vector<16xf32>,
        %parallel_loop3A_687 = arith.constant 2 : i32
        %parallel_loop3A_688 = arith.constant 7 : i32
        %parallel_loop3A_689 = arith.index_cast %rem3A_240 : i32 to index
        %parallel_loop3A_690 = arith.index_cast %parallel_loop3A_687 : i32 to index
        %parallel_loop3A_691 = arith.index_cast %parallel_loop3A_335 : i32 to index
        %parallel_loop3A_692 = arith.index_cast %parallel_loop3A_688 : i32 to index
        %parallel_loop3A_693 = arith.index_cast %parallel_loop3A_353 : i32 to index
        %parallel_loop3A_694 = tpu.vector_load %arg7[%parallel_loop3A_689, %parallel_loop3A_690, %parallel_loop3A_691, %parallel_loop3A_692, %parallel_loop3A_693] {strides = array<i32>} : memref<3x4x4x8x128xf32, #tpu.memory_space<vmem>>, vector<16xf32>,
        tpu.vector_store %arg7[%parallel_loop3A_689, %parallel_loop3A_690, %parallel_loop3A_691, %parallel_loop3A_692, %parallel_loop3A_693], %parallel_loop3A_686 {strides = array<i32>} : memref<3x4x4x8x128xf32, #tpu.memory_space<vmem>>, vector<16xf32>,
        %parallel_loop3A_695 = arith.constant 1 : i32
        %parallel_loop3A_696 = arith.constant 24 : i32
        %parallel_loop3A_697 = arith.constant 0 : i32
        %parallel_loop3A_698 = tpu.memref_slice %arg6[%parallel_loop3A_695, %parallel_loop3A_696, %parallel_loop3A_697] : memref<2x64x128xf32, #tpu.memory_space<vmem>> -> memref<1x1x128xf32, #tpu.memory_space<vmem>>
        %parallel_loop3A_699 = tpu.memref_squeeze %parallel_loop3A_698 : memref<1x1x128xf32, #tpu.memory_space<vmem>> -> memref<128xf32, #tpu.memory_space<vmem>>
        %parallel_loop3A_700 = tpu.vector_load_idx %parallel_loop3A_699[%parallel_loop3A_358] : memref<128xf32, #tpu.memory_space<vmem>>[vector<16xi32>], vector<16xf32>,
        %parallel_loop3A_701 = arith.constant 3 : i32
        %parallel_loop3A_702 = arith.constant 0 : i32
        %parallel_loop3A_703 = arith.index_cast %rem3A_240 : i32 to index
        %parallel_loop3A_704 = arith.index_cast %parallel_loop3A_701 : i32 to index
        %parallel_loop3A_705 = arith.index_cast %parallel_loop3A_335 : i32 to index
        %parallel_loop3A_706 = arith.index_cast %parallel_loop3A_702 : i32 to index
        %parallel_loop3A_707 = arith.index_cast %parallel_loop3A_353 : i32 to index
        %parallel_loop3A_708 = tpu.vector_load %arg7[%parallel_loop3A_703, %parallel_loop3A_704, %parallel_loop3A_705, %parallel_loop3A_706, %parallel_loop3A_707] {strides = array<i32>} : memref<3x4x4x8x128xf32, #tpu.memory_space<vmem>>, vector<16xf32>,
        tpu.vector_store %arg7[%parallel_loop3A_703, %parallel_loop3A_704, %parallel_loop3A_705, %parallel_loop3A_706, %parallel_loop3A_707], %parallel_loop3A_700 {strides = array<i32>} : memref<3x4x4x8x128xf32, #tpu.memory_space<vmem>>, vector<16xf32>,
        %parallel_loop3A_709 = arith.constant 1 : i32
        %parallel_loop3A_710 = arith.constant 25 : i32
        %parallel_loop3A_711 = arith.constant 0 : i32
        %parallel_loop3A_712 = tpu.memref_slice %arg6[%parallel_loop3A_709, %parallel_loop3A_710, %parallel_loop3A_711] : memref<2x64x128xf32, #tpu.memory_space<vmem>> -> memref<1x1x128xf32, #tpu.memory_space<vmem>>
        %parallel_loop3A_713 = tpu.memref_squeeze %parallel_loop3A_712 : memref<1x1x128xf32, #tpu.memory_space<vmem>> -> memref<128xf32, #tpu.memory_space<vmem>>
        %parallel_loop3A_714 = tpu.vector_load_idx %parallel_loop3A_713[%parallel_loop3A_358] : memref<128xf32, #tpu.memory_space<vmem>>[vector<16xi32>], vector<16xf32>,
        %parallel_loop3A_715 = arith.constant 3 : i32
        %parallel_loop3A_716 = arith.constant 1 : i32
        %parallel_loop3A_717 = arith.index_cast %rem3A_240 : i32 to index
        %parallel_loop3A_718 = arith.index_cast %parallel_loop3A_715 : i32 to index
        %parallel_loop3A_719 = arith.index_cast %parallel_loop3A_335 : i32 to index
        %parallel_loop3A_720 = arith.index_cast %parallel_loop3A_716 : i32 to index
        %parallel_loop3A_721 = arith.index_cast %parallel_loop3A_353 : i32 to index
        %parallel_loop3A_722 = tpu.vector_load %arg7[%parallel_loop3A_717, %parallel_loop3A_718, %parallel_loop3A_719, %parallel_loop3A_720, %parallel_loop3A_721] {strides = array<i32>} : memref<3x4x4x8x128xf32, #tpu.memory_space<vmem>>, vector<16xf32>,
        tpu.vector_store %arg7[%parallel_loop3A_717, %parallel_loop3A_718, %parallel_loop3A_719, %parallel_loop3A_720, %parallel_loop3A_721], %parallel_loop3A_714 {strides = array<i32>} : memref<3x4x4x8x128xf32, #tpu.memory_space<vmem>>, vector<16xf32>,
        %parallel_loop3A_723 = arith.constant 1 : i32
        %parallel_loop3A_724 = arith.constant 26 : i32
        %parallel_loop3A_725 = arith.constant 0 : i32
        %parallel_loop3A_726 = tpu.memref_slice %arg6[%parallel_loop3A_723, %parallel_loop3A_724, %parallel_loop3A_725] : memref<2x64x128xf32, #tpu.memory_space<vmem>> -> memref<1x1x128xf32, #tpu.memory_space<vmem>>
        %parallel_loop3A_727 = tpu.memref_squeeze %parallel_loop3A_726 : memref<1x1x128xf32, #tpu.memory_space<vmem>> -> memref<128xf32, #tpu.memory_space<vmem>>
        %parallel_loop3A_728 = tpu.vector_load_idx %parallel_loop3A_727[%parallel_loop3A_358] : memref<128xf32, #tpu.memory_space<vmem>>[vector<16xi32>], vector<16xf32>,
        %parallel_loop3A_729 = arith.constant 3 : i32
        %parallel_loop3A_730 = arith.constant 2 : i32
        %parallel_loop3A_731 = arith.index_cast %rem3A_240 : i32 to index
        %parallel_loop3A_732 = arith.index_cast %parallel_loop3A_729 : i32 to index
        %parallel_loop3A_733 = arith.index_cast %parallel_loop3A_335 : i32 to index
        %parallel_loop3A_734 = arith.index_cast %parallel_loop3A_730 : i32 to index
        %parallel_loop3A_735 = arith.index_cast %parallel_loop3A_353 : i32 to index
        %parallel_loop3A_736 = tpu.vector_load %arg7[%parallel_loop3A_731, %parallel_loop3A_732, %parallel_loop3A_733, %parallel_loop3A_734, %parallel_loop3A_735] {strides = array<i32>} : memref<3x4x4x8x128xf32, #tpu.memory_space<vmem>>, vector<16xf32>,
        tpu.vector_store %arg7[%parallel_loop3A_731, %parallel_loop3A_732, %parallel_loop3A_733, %parallel_loop3A_734, %parallel_loop3A_735], %parallel_loop3A_728 {strides = array<i32>} : memref<3x4x4x8x128xf32, #tpu.memory_space<vmem>>, vector<16xf32>,
        %parallel_loop3A_737 = arith.constant 1 : i32
        %parallel_loop3A_738 = arith.constant 27 : i32
        %parallel_loop3A_739 = arith.constant 0 : i32
        %parallel_loop3A_740 = tpu.memref_slice %arg6[%parallel_loop3A_737, %parallel_loop3A_738, %parallel_loop3A_739] : memref<2x64x128xf32, #tpu.memory_space<vmem>> -> memref<1x1x128xf32, #tpu.memory_space<vmem>>
        %parallel_loop3A_741 = tpu.memref_squeeze %parallel_loop3A_740 : memref<1x1x128xf32, #tpu.memory_space<vmem>> -> memref<128xf32, #tpu.memory_space<vmem>>
        %parallel_loop3A_742 = tpu.vector_load_idx %parallel_loop3A_741[%parallel_loop3A_358] : memref<128xf32, #tpu.memory_space<vmem>>[vector<16xi32>], vector<16xf32>,
        %parallel_loop3A_743 = arith.constant 3 : i32
        %parallel_loop3A_744 = arith.constant 3 : i32
        %parallel_loop3A_745 = arith.index_cast %rem3A_240 : i32 to index
        %parallel_loop3A_746 = arith.index_cast %parallel_loop3A_743 : i32 to index
        %parallel_loop3A_747 = arith.index_cast %parallel_loop3A_335 : i32 to index
        %parallel_loop3A_748 = arith.index_cast %parallel_loop3A_744 : i32 to index
        %parallel_loop3A_749 = arith.index_cast %parallel_loop3A_353 : i32 to index
        %parallel_loop3A_750 = tpu.vector_load %arg7[%parallel_loop3A_745, %parallel_loop3A_746, %parallel_loop3A_747, %parallel_loop3A_748, %parallel_loop3A_749] {strides = array<i32>} : memref<3x4x4x8x128xf32, #tpu.memory_space<vmem>>, vector<16xf32>,
        tpu.vector_store %arg7[%parallel_loop3A_745, %parallel_loop3A_746, %parallel_loop3A_747, %parallel_loop3A_748, %parallel_loop3A_749], %parallel_loop3A_742 {strides = array<i32>} : memref<3x4x4x8x128xf32, #tpu.memory_space<vmem>>, vector<16xf32>,
        %parallel_loop3A_751 = arith.constant 1 : i32
        %parallel_loop3A_752 = arith.constant 28 : i32
        %parallel_loop3A_753 = arith.constant 0 : i32
        %parallel_loop3A_754 = tpu.memref_slice %arg6[%parallel_loop3A_751, %parallel_loop3A_752, %parallel_loop3A_753] : memref<2x64x128xf32, #tpu.memory_space<vmem>> -> memref<1x1x128xf32, #tpu.memory_space<vmem>>
        %parallel_loop3A_755 = tpu.memref_squeeze %parallel_loop3A_754 : memref<1x1x128xf32, #tpu.memory_space<vmem>> -> memref<128xf32, #tpu.memory_space<vmem>>
        %parallel_loop3A_756 = tpu.vector_load_idx %parallel_loop3A_755[%parallel_loop3A_358] : memref<128xf32, #tpu.memory_space<vmem>>[vector<16xi32>], vector<16xf32>,
        %parallel_loop3A_757 = arith.constant 3 : i32
        %parallel_loop3A_758 = arith.constant 4 : i32
        %parallel_loop3A_759 = arith.index_cast %rem3A_240 : i32 to index
        %parallel_loop3A_760 = arith.index_cast %parallel_loop3A_757 : i32 to index
        %parallel_loop3A_761 = arith.index_cast %parallel_loop3A_335 : i32 to index
        %parallel_loop3A_762 = arith.index_cast %parallel_loop3A_758 : i32 to index
        %parallel_loop3A_763 = arith.index_cast %parallel_loop3A_353 : i32 to index
        %parallel_loop3A_764 = tpu.vector_load %arg7[%parallel_loop3A_759, %parallel_loop3A_760, %parallel_loop3A_761, %parallel_loop3A_762, %parallel_loop3A_763] {strides = array<i32>} : memref<3x4x4x8x128xf32, #tpu.memory_space<vmem>>, vector<16xf32>,
        tpu.vector_store %arg7[%parallel_loop3A_759, %parallel_loop3A_760, %parallel_loop3A_761, %parallel_loop3A_762, %parallel_loop3A_763], %parallel_loop3A_756 {strides = array<i32>} : memref<3x4x4x8x128xf32, #tpu.memory_space<vmem>>, vector<16xf32>,
        %parallel_loop3A_765 = arith.constant 1 : i32
        %parallel_loop3A_766 = arith.constant 29 : i32
        %parallel_loop3A_767 = arith.constant 0 : i32
        %parallel_loop3A_768 = tpu.memref_slice %arg6[%parallel_loop3A_765, %parallel_loop3A_766, %parallel_loop3A_767] : memref<2x64x128xf32, #tpu.memory_space<vmem>> -> memref<1x1x128xf32, #tpu.memory_space<vmem>>
        %parallel_loop3A_769 = tpu.memref_squeeze %parallel_loop3A_768 : memref<1x1x128xf32, #tpu.memory_space<vmem>> -> memref<128xf32, #tpu.memory_space<vmem>>
        %parallel_loop3A_770 = tpu.vector_load_idx %parallel_loop3A_769[%parallel_loop3A_358] : memref<128xf32, #tpu.memory_space<vmem>>[vector<16xi32>], vector<16xf32>,
        %parallel_loop3A_771 = arith.constant 3 : i32
        %parallel_loop3A_772 = arith.constant 5 : i32
        %parallel_loop3A_773 = arith.index_cast %rem3A_240 : i32 to index
        %parallel_loop3A_774 = arith.index_cast %parallel_loop3A_771 : i32 to index
        %parallel_loop3A_775 = arith.index_cast %parallel_loop3A_335 : i32 to index
        %parallel_loop3A_776 = arith.index_cast %parallel_loop3A_772 : i32 to index
        %parallel_loop3A_777 = arith.index_cast %parallel_loop3A_353 : i32 to index
        %parallel_loop3A_778 = tpu.vector_load %arg7[%parallel_loop3A_773, %parallel_loop3A_774, %parallel_loop3A_775, %parallel_loop3A_776, %parallel_loop3A_777] {strides = array<i32>} : memref<3x4x4x8x128xf32, #tpu.memory_space<vmem>>, vector<16xf32>,
        tpu.vector_store %arg7[%parallel_loop3A_773, %parallel_loop3A_774, %parallel_loop3A_775, %parallel_loop3A_776, %parallel_loop3A_777], %parallel_loop3A_770 {strides = array<i32>} : memref<3x4x4x8x128xf32, #tpu.memory_space<vmem>>, vector<16xf32>,
        %parallel_loop3A_779 = arith.constant 1 : i32
        %parallel_loop3A_780 = arith.constant 30 : i32
        %parallel_loop3A_781 = arith.constant 0 : i32
        %parallel_loop3A_782 = tpu.memref_slice %arg6[%parallel_loop3A_779, %parallel_loop3A_780, %parallel_loop3A_781] : memref<2x64x128xf32, #tpu.memory_space<vmem>> -> memref<1x1x128xf32, #tpu.memory_space<vmem>>
        %parallel_loop3A_783 = tpu.memref_squeeze %parallel_loop3A_782 : memref<1x1x128xf32, #tpu.memory_space<vmem>> -> memref<128xf32, #tpu.memory_space<vmem>>
        %parallel_loop3A_784 = tpu.vector_load_idx %parallel_loop3A_783[%parallel_loop3A_358] : memref<128xf32, #tpu.memory_space<vmem>>[vector<16xi32>], vector<16xf32>,
        %parallel_loop3A_785 = arith.constant 3 : i32
        %parallel_loop3A_786 = arith.constant 6 : i32
        %parallel_loop3A_787 = arith.index_cast %rem3A_240 : i32 to index
        %parallel_loop3A_788 = arith.index_cast %parallel_loop3A_785 : i32 to index
        %parallel_loop3A_789 = arith.index_cast %parallel_loop3A_335 : i32 to index
        %parallel_loop3A_790 = arith.index_cast %parallel_loop3A_786 : i32 to index
        %parallel_loop3A_791 = arith.index_cast %parallel_loop3A_353 : i32 to index
        %parallel_loop3A_792 = tpu.vector_load %arg7[%parallel_loop3A_787, %parallel_loop3A_788, %parallel_loop3A_789, %parallel_loop3A_790, %parallel_loop3A_791] {strides = array<i32>} : memref<3x4x4x8x128xf32, #tpu.memory_space<vmem>>, vector<16xf32>,
        tpu.vector_store %arg7[%parallel_loop3A_787, %parallel_loop3A_788, %parallel_loop3A_789, %parallel_loop3A_790, %parallel_loop3A_791], %parallel_loop3A_784 {strides = array<i32>} : memref<3x4x4x8x128xf32, #tpu.memory_space<vmem>>, vector<16xf32>,
        %parallel_loop3A_793 = arith.constant 1 : i32
        %parallel_loop3A_794 = arith.constant 31 : i32
        %parallel_loop3A_795 = arith.constant 0 : i32
        %parallel_loop3A_796 = tpu.memref_slice %arg6[%parallel_loop3A_793, %parallel_loop3A_794, %parallel_loop3A_795] : memref<2x64x128xf32, #tpu.memory_space<vmem>> -> memref<1x1x128xf32, #tpu.memory_space<vmem>>
        %parallel_loop3A_797 = tpu.memref_squeeze %parallel_loop3A_796 : memref<1x1x128xf32, #tpu.memory_space<vmem>> -> memref<128xf32, #tpu.memory_space<vmem>>
        %parallel_loop3A_798 = tpu.vector_load_idx %parallel_loop3A_797[%parallel_loop3A_358] : memref<128xf32, #tpu.memory_space<vmem>>[vector<16xi32>], vector<16xf32>,
        %parallel_loop3A_799 = arith.constant 3 : i32
        %parallel_loop3A_800 = arith.constant 7 : i32
        %parallel_loop3A_801 = arith.index_cast %rem3A_240 : i32 to index
        %parallel_loop3A_802 = arith.index_cast %parallel_loop3A_799 : i32 to index
        %parallel_loop3A_803 = arith.index_cast %parallel_loop3A_335 : i32 to index
        %parallel_loop3A_804 = arith.index_cast %parallel_loop3A_800 : i32 to index
        %parallel_loop3A_805 = arith.index_cast %parallel_loop3A_353 : i32 to index
        %parallel_loop3A_806 = tpu.vector_load %arg7[%parallel_loop3A_801, %parallel_loop3A_802, %parallel_loop3A_803, %parallel_loop3A_804, %parallel_loop3A_805] {strides = array<i32>} : memref<3x4x4x8x128xf32, #tpu.memory_space<vmem>>, vector<16xf32>,
        tpu.vector_store %arg7[%parallel_loop3A_801, %parallel_loop3A_802, %parallel_loop3A_803, %parallel_loop3A_804, %parallel_loop3A_805], %parallel_loop3A_798 {strides = array<i32>} : memref<3x4x4x8x128xf32, #tpu.memory_space<vmem>>, vector<16xf32>,
      } {sc.loop_unroll_factor = 1 : i64, sc.parallel_access}
      %mul3A_249 = arith.constant 4 : i32
      %mul3A_250 = arith.muli %add3A, %mul3A_249 : i32
      %dma_start3A_251 = arith.constant 0 : i32
      %dma_start3A_252 = arith.constant 0 : i32
      %dma_start3A_253 = arith.constant 0 : i32
      %dma_start3A_254 = arith.constant 0 : i32
      %dma_start3A_255 = tpu.memref_slice %arg7[%rem3A_240, %dma_start3A_251, %dma_start3A_252, %dma_start3A_253, %dma_start3A_254] : memref<3x4x4x8x128xf32, #tpu.memory_space<vmem>> -> memref<1x4x4x8x128xf32, #tpu.memory_space<vmem>>
      %dma_start3A_256 = tpu.memref_squeeze %dma_start3A_255 : memref<1x4x4x8x128xf32, #tpu.memory_space<vmem>> -> memref<4x4x8x128xf32, #tpu.memory_space<vmem>>
      %dma_start3A_257 = arith.constant 0 : i32
      %dma_start3A_258 = arith.constant 0 : i32
      %dma_start3A_259 = arith.constant 0 : i32
      %dma_start3A_260 = tpu.memref_slice %arg4[%add3A_209, %dma_start3A_257, %mul3A_250, %dma_start3A_258, %dma_start3A_259] : memref<26x8x128x8x128xf32, #tpu.memory_space<hbm>> -> memref<1x4x4x8x128xf32, #tpu.memory_space<hbm>>
      %dma_start3A_261 = tpu.memref_squeeze %dma_start3A_260 : memref<1x4x4x8x128xf32, #tpu.memory_space<hbm>> -> memref<4x4x8x128xf32, #tpu.memory_space<hbm>>
      %dma_start3A_262 = arith.constant 0 : i32
      %dma_start3A_263 = arith.constant 0 : i32
      %dma_start3A_264 = arith.constant 0 : i32
      %dma_start3A_265 = tpu.memref_slice %arg4[%add3A_209, %dma_start3A_262, %mul3A_250, %dma_start3A_263, %dma_start3A_264] : memref<26x8x128x8x128xf32, #tpu.memory_space<hbm>> -> memref<1x4x4x8x128xf32, #tpu.memory_space<hbm>>
      %dma_start3A_266 = tpu.memref_squeeze %dma_start3A_265 : memref<1x4x4x8x128xf32, #tpu.memory_space<hbm>> -> memref<4x4x8x128xf32, #tpu.memory_space<hbm>>
      %dma_start3A_267 = arith.constant 0 : i32
      %dma_start3A_268 = arith.constant 0 : i32
      %dma_start3A_269 = arith.constant 0 : i32
      %dma_start3A_270 = arith.constant 0 : i32
      %dma_start3A_271 = tpu.memref_slice %arg7[%rem3A_240, %dma_start3A_267, %dma_start3A_268, %dma_start3A_269, %dma_start3A_270] : memref<3x4x4x8x128xf32, #tpu.memory_space<vmem>> -> memref<1x4x4x8x128xf32, #tpu.memory_space<vmem>>
      %dma_start3A_272 = tpu.memref_squeeze %dma_start3A_271 : memref<1x4x4x8x128xf32, #tpu.memory_space<vmem>> -> memref<4x4x8x128xf32, #tpu.memory_space<vmem>>
      tpu.enqueue_dma source(%dma_start3A_272 : memref<4x4x8x128xf32, #tpu.memory_space<vmem>>) target(%dma_start3A_266 : memref<4x4x8x128xf32, #tpu.memory_space<hbm>>) target_semaphore(%arg10 : memref<!tpu.dma_semaphore, #tpu.memory_space<semaphore_mem>>)
      %mul3A_273 = arith.constant 2 : i32
      %mul3A_274 = arith.muli %add3A_209, %mul3A_273 : i32
      %add3A_275 = arith.constant 1 : i32
      %add3A_276 = arith.addi %mul3A_274, %add3A_275 : i32
      %rem3A_277 = arith.constant 3 : i32
      %rem3A_278 = arith.remsi %add3A_276, %rem3A_277 : i32
      %ge3A_279 = arith.constant 3 : i32
      %ge3A_280 = arith.cmpi sge, %add3A_276, %ge3A_279 : i32
      %convert_element_type3A_281 = arith.extui %ge3A_280 : i1 to i32
      %cond3A_282 = arith.constant 0 : i32
      %cond3A_283 = arith.cmpi ne, %convert_element_type3A_281, %cond3A_282 : i32
      scf.if %cond3A_283 {
        %mul3A_311 = arith.constant 4 : i32
        %mul3A_312 = arith.muli %add3A, %mul3A_311 : i32
        %dma_wait3A_313 = arith.constant 0 : i32
        %dma_wait3A_314 = arith.constant 0 : i32
        %dma_wait3A_315 = arith.constant 0 : i32
        %dma_wait3A_316 = arith.constant 0 : i32
        %dma_wait3A_317 = arith.constant 0 : i32
        %dma_wait3A_318 = tpu.memref_slice %arg7[%rem3A_278, %dma_wait3A_314, %dma_wait3A_315, %dma_wait3A_316, %dma_wait3A_317] : memref<3x4x4x8x128xf32, #tpu.memory_space<vmem>> -> memref<1x4x4x8x128xf32, #tpu.memory_space<vmem>>
        %dma_wait3A_319 = tpu.memref_squeeze %dma_wait3A_318 : memref<1x4x4x8x128xf32, #tpu.memory_space<vmem>> -> memref<4x4x8x128xf32, #tpu.memory_space<vmem>>
        %dma_wait3A_320 = arith.constant 0 : i32
        %dma_wait3A_321 = arith.constant 0 : i32
        %dma_wait3A_322 = arith.constant 0 : i32
        %dma_wait3A_323 = tpu.memref_slice %arg4[%dma_wait3A_313, %dma_wait3A_320, %mul3A_312, %dma_wait3A_321, %dma_wait3A_322] : memref<26x8x128x8x128xf32, #tpu.memory_space<hbm>> -> memref<1x4x4x8x128xf32, #tpu.memory_space<hbm>>
        %dma_wait3A_324 = tpu.memref_squeeze %dma_wait3A_323 : memref<1x4x4x8x128xf32, #tpu.memory_space<hbm>> -> memref<4x4x8x128xf32, #tpu.memory_space<hbm>>
        %dma_wait3A_325 = arith.constant 0 : i32
        %dma_wait3A_326 = arith.constant 0 : i32
        %dma_wait3A_327 = arith.constant 0 : i32
        %dma_wait3A_328 = tpu.memref_slice %arg4[%dma_wait3A_313, %dma_wait3A_325, %mul3A_312, %dma_wait3A_326, %dma_wait3A_327] : memref<26x8x128x8x128xf32, #tpu.memory_space<hbm>> -> memref<1x4x4x8x128xf32, #tpu.memory_space<hbm>>
        %dma_wait3A_329 = tpu.memref_squeeze %dma_wait3A_328 : memref<1x4x4x8x128xf32, #tpu.memory_space<hbm>> -> memref<4x4x8x128xf32, #tpu.memory_space<hbm>>
        %dma_wait3A_330 = arith.constant 0 : i32
        %dma_wait3A_331 = arith.constant 0 : i32
        %dma_wait3A_332 = arith.constant 0 : i32
        %dma_wait3A_333 = arith.constant 0 : i32
        %dma_wait3A_334 = tpu.memref_slice %arg7[%rem3A_278, %dma_wait3A_330, %dma_wait3A_331, %dma_wait3A_332, %dma_wait3A_333] : memref<3x4x4x8x128xf32, #tpu.memory_space<vmem>> -> memref<1x4x4x8x128xf32, #tpu.memory_space<vmem>>
        %dma_wait3A_335 = tpu.memref_squeeze %dma_wait3A_334 : memref<1x4x4x8x128xf32, #tpu.memory_space<vmem>> -> memref<4x4x8x128xf32, #tpu.memory_space<vmem>>
        tpu.wait_dma2 semaphore(%arg10 : memref<!tpu.dma_semaphore, #tpu.memory_space<semaphore_mem>>) src(%dma_wait3A_335 : memref<4x4x8x128xf32, #tpu.memory_space<vmem>>) dst(%dma_wait3A_329 : memref<4x4x8x128xf32, #tpu.memory_space<hbm>>)
      } else {
      }
      %parallel_loop3A_284 = arith.constant 0 : i32
      %parallel_loop3A_285 = arith.constant 32 : i32
      %parallel_loop3A_286 = arith.constant 1 : i32
      scf.for %parallel_loop3A_311 = %parallel_loop3A_284 to %parallel_loop3A_285 step %parallel_loop3A_286  : i32 {
        %parallel_loop3A_312 = arith.constant 8 : i32
        %parallel_loop3A_313 = arith.divsi %parallel_loop3A_311, %parallel_loop3A_312 : i32
        %parallel_loop3A_314 = arith.constant 0 : i32
        %parallel_loop3A_315 = arith.cmpi sgt, %parallel_loop3A_311, %parallel_loop3A_314 : i32
        %parallel_loop3A_316 = arith.extui %parallel_loop3A_315 : i1 to i32
        %parallel_loop3A_317 = arith.constant 0 : i32
        %parallel_loop3A_318 = arith.cmpi slt, %parallel_loop3A_311, %parallel_loop3A_317 : i32
        %parallel_loop3A_319 = arith.extui %parallel_loop3A_318 : i1 to i32
        %parallel_loop3A_320 = arith.subi %parallel_loop3A_316, %parallel_loop3A_319 : i32
        %parallel_loop3A_321 = arith.constant 0 : i32
        %parallel_loop3A_322 = arith.cmpi sgt, %parallel_loop3A_312, %parallel_loop3A_321 : i32
        %parallel_loop3A_323 = arith.extui %parallel_loop3A_322 : i1 to i32
        %parallel_loop3A_324 = arith.constant 0 : i32
        %parallel_loop3A_325 = arith.cmpi slt, %parallel_loop3A_312, %parallel_loop3A_324 : i32
        %parallel_loop3A_326 = arith.extui %parallel_loop3A_325 : i1 to i32
        %parallel_loop3A_327 = arith.subi %parallel_loop3A_323, %parallel_loop3A_326 : i32
        %parallel_loop3A_328 = arith.cmpi ne, %parallel_loop3A_320, %parallel_loop3A_327 : i32
        %parallel_loop3A_329 = arith.remsi %parallel_loop3A_311, %parallel_loop3A_312 : i32
        %parallel_loop3A_330 = arith.constant 0 : i32
        %parallel_loop3A_331 = arith.cmpi ne, %parallel_loop3A_329, %parallel_loop3A_330 : i32
        %parallel_loop3A_332 = arith.andi %parallel_loop3A_328, %parallel_loop3A_331 : i1
        %parallel_loop3A_333 = arith.constant 1 : i32
        %parallel_loop3A_334 = arith.subi %parallel_loop3A_313, %parallel_loop3A_333 : i32
        %parallel_loop3A_335 = arith.select %parallel_loop3A_332, %parallel_loop3A_334, %parallel_loop3A_313 : i32
        %parallel_loop3A_336 = arith.constant 8 : i32
        %parallel_loop3A_337 = arith.constant 0 : i32
        %parallel_loop3A_338 = arith.cmpi eq, %parallel_loop3A_336, %parallel_loop3A_337 : i32
        %parallel_loop3A_339 = arith.constant 1 : i32
        %parallel_loop3A_340 = arith.select %parallel_loop3A_338, %parallel_loop3A_339, %parallel_loop3A_336 : i32
        %parallel_loop3A_341 = arith.remsi %parallel_loop3A_311, %parallel_loop3A_340 : i32
        %parallel_loop3A_342 = arith.constant 0 : i32
        %parallel_loop3A_343 = arith.cmpi ne, %parallel_loop3A_341, %parallel_loop3A_342 : i32
        %parallel_loop3A_344 = arith.constant 0 : i32
        %parallel_loop3A_345 = arith.cmpi slt, %parallel_loop3A_341, %parallel_loop3A_344 : i32
        %parallel_loop3A_346 = arith.constant 0 : i32
        %parallel_loop3A_347 = arith.cmpi slt, %parallel_loop3A_340, %parallel_loop3A_346 : i32
        %parallel_loop3A_348 = arith.xori %parallel_loop3A_345, %parallel_loop3A_347 : i1
        %parallel_loop3A_349 = arith.andi %parallel_loop3A_348, %parallel_loop3A_343 : i1
        %parallel_loop3A_350 = arith.addi %parallel_loop3A_341, %parallel_loop3A_340 : i32
        %parallel_loop3A_351 = arith.select %parallel_loop3A_349, %parallel_loop3A_350, %parallel_loop3A_341 : i32
        %parallel_loop3A_352 = arith.constant 16 : i32
        %parallel_loop3A_353 = arith.muli %parallel_loop3A_351, %parallel_loop3A_352 : i32
        %parallel_loop3A_354 = arith.constant 16 : i32
        %parallel_loop3A_355 = arith.muli %parallel_loop3A_311, %parallel_loop3A_354 : i32
        %parallel_loop3A_356 = arith.index_cast %add3A_209 : i32 to index
        %parallel_loop3A_357 = arith.index_cast %parallel_loop3A_355 : i32 to index
        %parallel_loop3A_358 = tpu.vector_load %arg5[%parallel_loop3A_356, %parallel_loop3A_357] {strides = array<i32>} : memref<26x512xi32, #tpu.memory_space<vmem>>, vector<16xi32>,
        %parallel_loop3A_359 = arith.constant 1 : i32
        %parallel_loop3A_360 = arith.constant 32 : i32
        %parallel_loop3A_361 = arith.constant 0 : i32
        %parallel_loop3A_362 = tpu.memref_slice %arg6[%parallel_loop3A_359, %parallel_loop3A_360, %parallel_loop3A_361] : memref<2x64x128xf32, #tpu.memory_space<vmem>> -> memref<1x1x128xf32, #tpu.memory_space<vmem>>
        %parallel_loop3A_363 = tpu.memref_squeeze %parallel_loop3A_362 : memref<1x1x128xf32, #tpu.memory_space<vmem>> -> memref<128xf32, #tpu.memory_space<vmem>>
        %parallel_loop3A_364 = tpu.vector_load_idx %parallel_loop3A_363[%parallel_loop3A_358] : memref<128xf32, #tpu.memory_space<vmem>>[vector<16xi32>], vector<16xf32>,
        %parallel_loop3A_365 = arith.constant 0 : i32
        %parallel_loop3A_366 = arith.constant 0 : i32
        %parallel_loop3A_367 = arith.index_cast %rem3A_278 : i32 to index
        %parallel_loop3A_368 = arith.index_cast %parallel_loop3A_365 : i32 to index
        %parallel_loop3A_369 = arith.index_cast %parallel_loop3A_335 : i32 to index
        %parallel_loop3A_370 = arith.index_cast %parallel_loop3A_366 : i32 to index
        %parallel_loop3A_371 = arith.index_cast %parallel_loop3A_353 : i32 to index
        %parallel_loop3A_372 = tpu.vector_load %arg7[%parallel_loop3A_367, %parallel_loop3A_368, %parallel_loop3A_369, %parallel_loop3A_370, %parallel_loop3A_371] {strides = array<i32>} : memref<3x4x4x8x128xf32, #tpu.memory_space<vmem>>, vector<16xf32>,
        tpu.vector_store %arg7[%parallel_loop3A_367, %parallel_loop3A_368, %parallel_loop3A_369, %parallel_loop3A_370, %parallel_loop3A_371], %parallel_loop3A_364 {strides = array<i32>} : memref<3x4x4x8x128xf32, #tpu.memory_space<vmem>>, vector<16xf32>,
        %parallel_loop3A_373 = arith.constant 1 : i32
        %parallel_loop3A_374 = arith.constant 33 : i32
        %parallel_loop3A_375 = arith.constant 0 : i32
        %parallel_loop3A_376 = tpu.memref_slice %arg6[%parallel_loop3A_373, %parallel_loop3A_374, %parallel_loop3A_375] : memref<2x64x128xf32, #tpu.memory_space<vmem>> -> memref<1x1x128xf32, #tpu.memory_space<vmem>>
        %parallel_loop3A_377 = tpu.memref_squeeze %parallel_loop3A_376 : memref<1x1x128xf32, #tpu.memory_space<vmem>> -> memref<128xf32, #tpu.memory_space<vmem>>
        %parallel_loop3A_378 = tpu.vector_load_idx %parallel_loop3A_377[%parallel_loop3A_358] : memref<128xf32, #tpu.memory_space<vmem>>[vector<16xi32>], vector<16xf32>,
        %parallel_loop3A_379 = arith.constant 0 : i32
        %parallel_loop3A_380 = arith.constant 1 : i32
        %parallel_loop3A_381 = arith.index_cast %rem3A_278 : i32 to index
        %parallel_loop3A_382 = arith.index_cast %parallel_loop3A_379 : i32 to index
        %parallel_loop3A_383 = arith.index_cast %parallel_loop3A_335 : i32 to index
        %parallel_loop3A_384 = arith.index_cast %parallel_loop3A_380 : i32 to index
        %parallel_loop3A_385 = arith.index_cast %parallel_loop3A_353 : i32 to index
        %parallel_loop3A_386 = tpu.vector_load %arg7[%parallel_loop3A_381, %parallel_loop3A_382, %parallel_loop3A_383, %parallel_loop3A_384, %parallel_loop3A_385] {strides = array<i32>} : memref<3x4x4x8x128xf32, #tpu.memory_space<vmem>>, vector<16xf32>,
        tpu.vector_store %arg7[%parallel_loop3A_381, %parallel_loop3A_382, %parallel_loop3A_383, %parallel_loop3A_384, %parallel_loop3A_385], %parallel_loop3A_378 {strides = array<i32>} : memref<3x4x4x8x128xf32, #tpu.memory_space<vmem>>, vector<16xf32>,
        %parallel_loop3A_387 = arith.constant 1 : i32
        %parallel_loop3A_388 = arith.constant 34 : i32
        %parallel_loop3A_389 = arith.constant 0 : i32
        %parallel_loop3A_390 = tpu.memref_slice %arg6[%parallel_loop3A_387, %parallel_loop3A_388, %parallel_loop3A_389] : memref<2x64x128xf32, #tpu.memory_space<vmem>> -> memref<1x1x128xf32, #tpu.memory_space<vmem>>
        %parallel_loop3A_391 = tpu.memref_squeeze %parallel_loop3A_390 : memref<1x1x128xf32, #tpu.memory_space<vmem>> -> memref<128xf32, #tpu.memory_space<vmem>>
        %parallel_loop3A_392 = tpu.vector_load_idx %parallel_loop3A_391[%parallel_loop3A_358] : memref<128xf32, #tpu.memory_space<vmem>>[vector<16xi32>], vector<16xf32>,
        %parallel_loop3A_393 = arith.constant 0 : i32
        %parallel_loop3A_394 = arith.constant 2 : i32
        %parallel_loop3A_395 = arith.index_cast %rem3A_278 : i32 to index
        %parallel_loop3A_396 = arith.index_cast %parallel_loop3A_393 : i32 to index
        %parallel_loop3A_397 = arith.index_cast %parallel_loop3A_335 : i32 to index
        %parallel_loop3A_398 = arith.index_cast %parallel_loop3A_394 : i32 to index
        %parallel_loop3A_399 = arith.index_cast %parallel_loop3A_353 : i32 to index
        %parallel_loop3A_400 = tpu.vector_load %arg7[%parallel_loop3A_395, %parallel_loop3A_396, %parallel_loop3A_397, %parallel_loop3A_398, %parallel_loop3A_399] {strides = array<i32>} : memref<3x4x4x8x128xf32, #tpu.memory_space<vmem>>, vector<16xf32>,
        tpu.vector_store %arg7[%parallel_loop3A_395, %parallel_loop3A_396, %parallel_loop3A_397, %parallel_loop3A_398, %parallel_loop3A_399], %parallel_loop3A_392 {strides = array<i32>} : memref<3x4x4x8x128xf32, #tpu.memory_space<vmem>>, vector<16xf32>,
        %parallel_loop3A_401 = arith.constant 1 : i32
        %parallel_loop3A_402 = arith.constant 35 : i32
        %parallel_loop3A_403 = arith.constant 0 : i32
        %parallel_loop3A_404 = tpu.memref_slice %arg6[%parallel_loop3A_401, %parallel_loop3A_402, %parallel_loop3A_403] : memref<2x64x128xf32, #tpu.memory_space<vmem>> -> memref<1x1x128xf32, #tpu.memory_space<vmem>>
        %parallel_loop3A_405 = tpu.memref_squeeze %parallel_loop3A_404 : memref<1x1x128xf32, #tpu.memory_space<vmem>> -> memref<128xf32, #tpu.memory_space<vmem>>
        %parallel_loop3A_406 = tpu.vector_load_idx %parallel_loop3A_405[%parallel_loop3A_358] : memref<128xf32, #tpu.memory_space<vmem>>[vector<16xi32>], vector<16xf32>,
        %parallel_loop3A_407 = arith.constant 0 : i32
        %parallel_loop3A_408 = arith.constant 3 : i32
        %parallel_loop3A_409 = arith.index_cast %rem3A_278 : i32 to index
        %parallel_loop3A_410 = arith.index_cast %parallel_loop3A_407 : i32 to index
        %parallel_loop3A_411 = arith.index_cast %parallel_loop3A_335 : i32 to index
        %parallel_loop3A_412 = arith.index_cast %parallel_loop3A_408 : i32 to index
        %parallel_loop3A_413 = arith.index_cast %parallel_loop3A_353 : i32 to index
        %parallel_loop3A_414 = tpu.vector_load %arg7[%parallel_loop3A_409, %parallel_loop3A_410, %parallel_loop3A_411, %parallel_loop3A_412, %parallel_loop3A_413] {strides = array<i32>} : memref<3x4x4x8x128xf32, #tpu.memory_space<vmem>>, vector<16xf32>,
        tpu.vector_store %arg7[%parallel_loop3A_409, %parallel_loop3A_410, %parallel_loop3A_411, %parallel_loop3A_412, %parallel_loop3A_413], %parallel_loop3A_406 {strides = array<i32>} : memref<3x4x4x8x128xf32, #tpu.memory_space<vmem>>, vector<16xf32>,
        %parallel_loop3A_415 = arith.constant 1 : i32
        %parallel_loop3A_416 = arith.constant 36 : i32
        %parallel_loop3A_417 = arith.constant 0 : i32
        %parallel_loop3A_418 = tpu.memref_slice %arg6[%parallel_loop3A_415, %parallel_loop3A_416, %parallel_loop3A_417] : memref<2x64x128xf32, #tpu.memory_space<vmem>> -> memref<1x1x128xf32, #tpu.memory_space<vmem>>
        %parallel_loop3A_419 = tpu.memref_squeeze %parallel_loop3A_418 : memref<1x1x128xf32, #tpu.memory_space<vmem>> -> memref<128xf32, #tpu.memory_space<vmem>>
        %parallel_loop3A_420 = tpu.vector_load_idx %parallel_loop3A_419[%parallel_loop3A_358] : memref<128xf32, #tpu.memory_space<vmem>>[vector<16xi32>], vector<16xf32>,
        %parallel_loop3A_421 = arith.constant 0 : i32
        %parallel_loop3A_422 = arith.constant 4 : i32
        %parallel_loop3A_423 = arith.index_cast %rem3A_278 : i32 to index
        %parallel_loop3A_424 = arith.index_cast %parallel_loop3A_421 : i32 to index
        %parallel_loop3A_425 = arith.index_cast %parallel_loop3A_335 : i32 to index
        %parallel_loop3A_426 = arith.index_cast %parallel_loop3A_422 : i32 to index
        %parallel_loop3A_427 = arith.index_cast %parallel_loop3A_353 : i32 to index
        %parallel_loop3A_428 = tpu.vector_load %arg7[%parallel_loop3A_423, %parallel_loop3A_424, %parallel_loop3A_425, %parallel_loop3A_426, %parallel_loop3A_427] {strides = array<i32>} : memref<3x4x4x8x128xf32, #tpu.memory_space<vmem>>, vector<16xf32>,
        tpu.vector_store %arg7[%parallel_loop3A_423, %parallel_loop3A_424, %parallel_loop3A_425, %parallel_loop3A_426, %parallel_loop3A_427], %parallel_loop3A_420 {strides = array<i32>} : memref<3x4x4x8x128xf32, #tpu.memory_space<vmem>>, vector<16xf32>,
        %parallel_loop3A_429 = arith.constant 1 : i32
        %parallel_loop3A_430 = arith.constant 37 : i32
        %parallel_loop3A_431 = arith.constant 0 : i32
        %parallel_loop3A_432 = tpu.memref_slice %arg6[%parallel_loop3A_429, %parallel_loop3A_430, %parallel_loop3A_431] : memref<2x64x128xf32, #tpu.memory_space<vmem>> -> memref<1x1x128xf32, #tpu.memory_space<vmem>>
        %parallel_loop3A_433 = tpu.memref_squeeze %parallel_loop3A_432 : memref<1x1x128xf32, #tpu.memory_space<vmem>> -> memref<128xf32, #tpu.memory_space<vmem>>
        %parallel_loop3A_434 = tpu.vector_load_idx %parallel_loop3A_433[%parallel_loop3A_358] : memref<128xf32, #tpu.memory_space<vmem>>[vector<16xi32>], vector<16xf32>,
        %parallel_loop3A_435 = arith.constant 0 : i32
        %parallel_loop3A_436 = arith.constant 5 : i32
        %parallel_loop3A_437 = arith.index_cast %rem3A_278 : i32 to index
        %parallel_loop3A_438 = arith.index_cast %parallel_loop3A_435 : i32 to index
        %parallel_loop3A_439 = arith.index_cast %parallel_loop3A_335 : i32 to index
        %parallel_loop3A_440 = arith.index_cast %parallel_loop3A_436 : i32 to index
        %parallel_loop3A_441 = arith.index_cast %parallel_loop3A_353 : i32 to index
        %parallel_loop3A_442 = tpu.vector_load %arg7[%parallel_loop3A_437, %parallel_loop3A_438, %parallel_loop3A_439, %parallel_loop3A_440, %parallel_loop3A_441] {strides = array<i32>} : memref<3x4x4x8x128xf32, #tpu.memory_space<vmem>>, vector<16xf32>,
        tpu.vector_store %arg7[%parallel_loop3A_437, %parallel_loop3A_438, %parallel_loop3A_439, %parallel_loop3A_440, %parallel_loop3A_441], %parallel_loop3A_434 {strides = array<i32>} : memref<3x4x4x8x128xf32, #tpu.memory_space<vmem>>, vector<16xf32>,
        %parallel_loop3A_443 = arith.constant 1 : i32
        %parallel_loop3A_444 = arith.constant 38 : i32
        %parallel_loop3A_445 = arith.constant 0 : i32
        %parallel_loop3A_446 = tpu.memref_slice %arg6[%parallel_loop3A_443, %parallel_loop3A_444, %parallel_loop3A_445] : memref<2x64x128xf32, #tpu.memory_space<vmem>> -> memref<1x1x128xf32, #tpu.memory_space<vmem>>
        %parallel_loop3A_447 = tpu.memref_squeeze %parallel_loop3A_446 : memref<1x1x128xf32, #tpu.memory_space<vmem>> -> memref<128xf32, #tpu.memory_space<vmem>>
        %parallel_loop3A_448 = tpu.vector_load_idx %parallel_loop3A_447[%parallel_loop3A_358] : memref<128xf32, #tpu.memory_space<vmem>>[vector<16xi32>], vector<16xf32>,
        %parallel_loop3A_449 = arith.constant 0 : i32
        %parallel_loop3A_450 = arith.constant 6 : i32
        %parallel_loop3A_451 = arith.index_cast %rem3A_278 : i32 to index
        %parallel_loop3A_452 = arith.index_cast %parallel_loop3A_449 : i32 to index
        %parallel_loop3A_453 = arith.index_cast %parallel_loop3A_335 : i32 to index
        %parallel_loop3A_454 = arith.index_cast %parallel_loop3A_450 : i32 to index
        %parallel_loop3A_455 = arith.index_cast %parallel_loop3A_353 : i32 to index
        %parallel_loop3A_456 = tpu.vector_load %arg7[%parallel_loop3A_451, %parallel_loop3A_452, %parallel_loop3A_453, %parallel_loop3A_454, %parallel_loop3A_455] {strides = array<i32>} : memref<3x4x4x8x128xf32, #tpu.memory_space<vmem>>, vector<16xf32>,
        tpu.vector_store %arg7[%parallel_loop3A_451, %parallel_loop3A_452, %parallel_loop3A_453, %parallel_loop3A_454, %parallel_loop3A_455], %parallel_loop3A_448 {strides = array<i32>} : memref<3x4x4x8x128xf32, #tpu.memory_space<vmem>>, vector<16xf32>,
        %parallel_loop3A_457 = arith.constant 1 : i32
        %parallel_loop3A_458 = arith.constant 39 : i32
        %parallel_loop3A_459 = arith.constant 0 : i32
        %parallel_loop3A_460 = tpu.memref_slice %arg6[%parallel_loop3A_457, %parallel_loop3A_458, %parallel_loop3A_459] : memref<2x64x128xf32, #tpu.memory_space<vmem>> -> memref<1x1x128xf32, #tpu.memory_space<vmem>>
        %parallel_loop3A_461 = tpu.memref_squeeze %parallel_loop3A_460 : memref<1x1x128xf32, #tpu.memory_space<vmem>> -> memref<128xf32, #tpu.memory_space<vmem>>
        %parallel_loop3A_462 = tpu.vector_load_idx %parallel_loop3A_461[%parallel_loop3A_358] : memref<128xf32, #tpu.memory_space<vmem>>[vector<16xi32>], vector<16xf32>,
        %parallel_loop3A_463 = arith.constant 0 : i32
        %parallel_loop3A_464 = arith.constant 7 : i32
        %parallel_loop3A_465 = arith.index_cast %rem3A_278 : i32 to index
        %parallel_loop3A_466 = arith.index_cast %parallel_loop3A_463 : i32 to index
        %parallel_loop3A_467 = arith.index_cast %parallel_loop3A_335 : i32 to index
        %parallel_loop3A_468 = arith.index_cast %parallel_loop3A_464 : i32 to index
        %parallel_loop3A_469 = arith.index_cast %parallel_loop3A_353 : i32 to index
        %parallel_loop3A_470 = tpu.vector_load %arg7[%parallel_loop3A_465, %parallel_loop3A_466, %parallel_loop3A_467, %parallel_loop3A_468, %parallel_loop3A_469] {strides = array<i32>} : memref<3x4x4x8x128xf32, #tpu.memory_space<vmem>>, vector<16xf32>,
        tpu.vector_store %arg7[%parallel_loop3A_465, %parallel_loop3A_466, %parallel_loop3A_467, %parallel_loop3A_468, %parallel_loop3A_469], %parallel_loop3A_462 {strides = array<i32>} : memref<3x4x4x8x128xf32, #tpu.memory_space<vmem>>, vector<16xf32>,
        %parallel_loop3A_471 = arith.constant 1 : i32
        %parallel_loop3A_472 = arith.constant 40 : i32
        %parallel_loop3A_473 = arith.constant 0 : i32
        %parallel_loop3A_474 = tpu.memref_slice %arg6[%parallel_loop3A_471, %parallel_loop3A_472, %parallel_loop3A_473] : memref<2x64x128xf32, #tpu.memory_space<vmem>> -> memref<1x1x128xf32, #tpu.memory_space<vmem>>
        %parallel_loop3A_475 = tpu.memref_squeeze %parallel_loop3A_474 : memref<1x1x128xf32, #tpu.memory_space<vmem>> -> memref<128xf32, #tpu.memory_space<vmem>>
        %parallel_loop3A_476 = tpu.vector_load_idx %parallel_loop3A_475[%parallel_loop3A_358] : memref<128xf32, #tpu.memory_space<vmem>>[vector<16xi32>], vector<16xf32>,
        %parallel_loop3A_477 = arith.constant 1 : i32
        %parallel_loop3A_478 = arith.constant 0 : i32
        %parallel_loop3A_479 = arith.index_cast %rem3A_278 : i32 to index
        %parallel_loop3A_480 = arith.index_cast %parallel_loop3A_477 : i32 to index
        %parallel_loop3A_481 = arith.index_cast %parallel_loop3A_335 : i32 to index
        %parallel_loop3A_482 = arith.index_cast %parallel_loop3A_478 : i32 to index
        %parallel_loop3A_483 = arith.index_cast %parallel_loop3A_353 : i32 to index
        %parallel_loop3A_484 = tpu.vector_load %arg7[%parallel_loop3A_479, %parallel_loop3A_480, %parallel_loop3A_481, %parallel_loop3A_482, %parallel_loop3A_483] {strides = array<i32>} : memref<3x4x4x8x128xf32, #tpu.memory_space<vmem>>, vector<16xf32>,
        tpu.vector_store %arg7[%parallel_loop3A_479, %parallel_loop3A_480, %parallel_loop3A_481, %parallel_loop3A_482, %parallel_loop3A_483], %parallel_loop3A_476 {strides = array<i32>} : memref<3x4x4x8x128xf32, #tpu.memory_space<vmem>>, vector<16xf32>,
        %parallel_loop3A_485 = arith.constant 1 : i32
        %parallel_loop3A_486 = arith.constant 41 : i32
        %parallel_loop3A_487 = arith.constant 0 : i32
        %parallel_loop3A_488 = tpu.memref_slice %arg6[%parallel_loop3A_485, %parallel_loop3A_486, %parallel_loop3A_487] : memref<2x64x128xf32, #tpu.memory_space<vmem>> -> memref<1x1x128xf32, #tpu.memory_space<vmem>>
        %parallel_loop3A_489 = tpu.memref_squeeze %parallel_loop3A_488 : memref<1x1x128xf32, #tpu.memory_space<vmem>> -> memref<128xf32, #tpu.memory_space<vmem>>
        %parallel_loop3A_490 = tpu.vector_load_idx %parallel_loop3A_489[%parallel_loop3A_358] : memref<128xf32, #tpu.memory_space<vmem>>[vector<16xi32>], vector<16xf32>,
        %parallel_loop3A_491 = arith.constant 1 : i32
        %parallel_loop3A_492 = arith.constant 1 : i32
        %parallel_loop3A_493 = arith.index_cast %rem3A_278 : i32 to index
        %parallel_loop3A_494 = arith.index_cast %parallel_loop3A_491 : i32 to index
        %parallel_loop3A_495 = arith.index_cast %parallel_loop3A_335 : i32 to index
        %parallel_loop3A_496 = arith.index_cast %parallel_loop3A_492 : i32 to index
        %parallel_loop3A_497 = arith.index_cast %parallel_loop3A_353 : i32 to index
        %parallel_loop3A_498 = tpu.vector_load %arg7[%parallel_loop3A_493, %parallel_loop3A_494, %parallel_loop3A_495, %parallel_loop3A_496, %parallel_loop3A_497] {strides = array<i32>} : memref<3x4x4x8x128xf32, #tpu.memory_space<vmem>>, vector<16xf32>,
        tpu.vector_store %arg7[%parallel_loop3A_493, %parallel_loop3A_494, %parallel_loop3A_495, %parallel_loop3A_496, %parallel_loop3A_497], %parallel_loop3A_490 {strides = array<i32>} : memref<3x4x4x8x128xf32, #tpu.memory_space<vmem>>, vector<16xf32>,
        %parallel_loop3A_499 = arith.constant 1 : i32
        %parallel_loop3A_500 = arith.constant 42 : i32
        %parallel_loop3A_501 = arith.constant 0 : i32
        %parallel_loop3A_502 = tpu.memref_slice %arg6[%parallel_loop3A_499, %parallel_loop3A_500, %parallel_loop3A_501] : memref<2x64x128xf32, #tpu.memory_space<vmem>> -> memref<1x1x128xf32, #tpu.memory_space<vmem>>
        %parallel_loop3A_503 = tpu.memref_squeeze %parallel_loop3A_502 : memref<1x1x128xf32, #tpu.memory_space<vmem>> -> memref<128xf32, #tpu.memory_space<vmem>>
        %parallel_loop3A_504 = tpu.vector_load_idx %parallel_loop3A_503[%parallel_loop3A_358] : memref<128xf32, #tpu.memory_space<vmem>>[vector<16xi32>], vector<16xf32>,
        %parallel_loop3A_505 = arith.constant 1 : i32
        %parallel_loop3A_506 = arith.constant 2 : i32
        %parallel_loop3A_507 = arith.index_cast %rem3A_278 : i32 to index
        %parallel_loop3A_508 = arith.index_cast %parallel_loop3A_505 : i32 to index
        %parallel_loop3A_509 = arith.index_cast %parallel_loop3A_335 : i32 to index
        %parallel_loop3A_510 = arith.index_cast %parallel_loop3A_506 : i32 to index
        %parallel_loop3A_511 = arith.index_cast %parallel_loop3A_353 : i32 to index
        %parallel_loop3A_512 = tpu.vector_load %arg7[%parallel_loop3A_507, %parallel_loop3A_508, %parallel_loop3A_509, %parallel_loop3A_510, %parallel_loop3A_511] {strides = array<i32>} : memref<3x4x4x8x128xf32, #tpu.memory_space<vmem>>, vector<16xf32>,
        tpu.vector_store %arg7[%parallel_loop3A_507, %parallel_loop3A_508, %parallel_loop3A_509, %parallel_loop3A_510, %parallel_loop3A_511], %parallel_loop3A_504 {strides = array<i32>} : memref<3x4x4x8x128xf32, #tpu.memory_space<vmem>>, vector<16xf32>,
        %parallel_loop3A_513 = arith.constant 1 : i32
        %parallel_loop3A_514 = arith.constant 43 : i32
        %parallel_loop3A_515 = arith.constant 0 : i32
        %parallel_loop3A_516 = tpu.memref_slice %arg6[%parallel_loop3A_513, %parallel_loop3A_514, %parallel_loop3A_515] : memref<2x64x128xf32, #tpu.memory_space<vmem>> -> memref<1x1x128xf32, #tpu.memory_space<vmem>>
        %parallel_loop3A_517 = tpu.memref_squeeze %parallel_loop3A_516 : memref<1x1x128xf32, #tpu.memory_space<vmem>> -> memref<128xf32, #tpu.memory_space<vmem>>
        %parallel_loop3A_518 = tpu.vector_load_idx %parallel_loop3A_517[%parallel_loop3A_358] : memref<128xf32, #tpu.memory_space<vmem>>[vector<16xi32>], vector<16xf32>,
        %parallel_loop3A_519 = arith.constant 1 : i32
        %parallel_loop3A_520 = arith.constant 3 : i32
        %parallel_loop3A_521 = arith.index_cast %rem3A_278 : i32 to index
        %parallel_loop3A_522 = arith.index_cast %parallel_loop3A_519 : i32 to index
        %parallel_loop3A_523 = arith.index_cast %parallel_loop3A_335 : i32 to index
        %parallel_loop3A_524 = arith.index_cast %parallel_loop3A_520 : i32 to index
        %parallel_loop3A_525 = arith.index_cast %parallel_loop3A_353 : i32 to index
        %parallel_loop3A_526 = tpu.vector_load %arg7[%parallel_loop3A_521, %parallel_loop3A_522, %parallel_loop3A_523, %parallel_loop3A_524, %parallel_loop3A_525] {strides = array<i32>} : memref<3x4x4x8x128xf32, #tpu.memory_space<vmem>>, vector<16xf32>,
        tpu.vector_store %arg7[%parallel_loop3A_521, %parallel_loop3A_522, %parallel_loop3A_523, %parallel_loop3A_524, %parallel_loop3A_525], %parallel_loop3A_518 {strides = array<i32>} : memref<3x4x4x8x128xf32, #tpu.memory_space<vmem>>, vector<16xf32>,
        %parallel_loop3A_527 = arith.constant 1 : i32
        %parallel_loop3A_528 = arith.constant 44 : i32
        %parallel_loop3A_529 = arith.constant 0 : i32
        %parallel_loop3A_530 = tpu.memref_slice %arg6[%parallel_loop3A_527, %parallel_loop3A_528, %parallel_loop3A_529] : memref<2x64x128xf32, #tpu.memory_space<vmem>> -> memref<1x1x128xf32, #tpu.memory_space<vmem>>
        %parallel_loop3A_531 = tpu.memref_squeeze %parallel_loop3A_530 : memref<1x1x128xf32, #tpu.memory_space<vmem>> -> memref<128xf32, #tpu.memory_space<vmem>>
        %parallel_loop3A_532 = tpu.vector_load_idx %parallel_loop3A_531[%parallel_loop3A_358] : memref<128xf32, #tpu.memory_space<vmem>>[vector<16xi32>], vector<16xf32>,
        %parallel_loop3A_533 = arith.constant 1 : i32
        %parallel_loop3A_534 = arith.constant 4 : i32
        %parallel_loop3A_535 = arith.index_cast %rem3A_278 : i32 to index
        %parallel_loop3A_536 = arith.index_cast %parallel_loop3A_533 : i32 to index
        %parallel_loop3A_537 = arith.index_cast %parallel_loop3A_335 : i32 to index
        %parallel_loop3A_538 = arith.index_cast %parallel_loop3A_534 : i32 to index
        %parallel_loop3A_539 = arith.index_cast %parallel_loop3A_353 : i32 to index
        %parallel_loop3A_540 = tpu.vector_load %arg7[%parallel_loop3A_535, %parallel_loop3A_536, %parallel_loop3A_537, %parallel_loop3A_538, %parallel_loop3A_539] {strides = array<i32>} : memref<3x4x4x8x128xf32, #tpu.memory_space<vmem>>, vector<16xf32>,
        tpu.vector_store %arg7[%parallel_loop3A_535, %parallel_loop3A_536, %parallel_loop3A_537, %parallel_loop3A_538, %parallel_loop3A_539], %parallel_loop3A_532 {strides = array<i32>} : memref<3x4x4x8x128xf32, #tpu.memory_space<vmem>>, vector<16xf32>,
        %parallel_loop3A_541 = arith.constant 1 : i32
        %parallel_loop3A_542 = arith.constant 45 : i32
        %parallel_loop3A_543 = arith.constant 0 : i32
        %parallel_loop3A_544 = tpu.memref_slice %arg6[%parallel_loop3A_541, %parallel_loop3A_542, %parallel_loop3A_543] : memref<2x64x128xf32, #tpu.memory_space<vmem>> -> memref<1x1x128xf32, #tpu.memory_space<vmem>>
        %parallel_loop3A_545 = tpu.memref_squeeze %parallel_loop3A_544 : memref<1x1x128xf32, #tpu.memory_space<vmem>> -> memref<128xf32, #tpu.memory_space<vmem>>
        %parallel_loop3A_546 = tpu.vector_load_idx %parallel_loop3A_545[%parallel_loop3A_358] : memref<128xf32, #tpu.memory_space<vmem>>[vector<16xi32>], vector<16xf32>,
        %parallel_loop3A_547 = arith.constant 1 : i32
        %parallel_loop3A_548 = arith.constant 5 : i32
        %parallel_loop3A_549 = arith.index_cast %rem3A_278 : i32 to index
        %parallel_loop3A_550 = arith.index_cast %parallel_loop3A_547 : i32 to index
        %parallel_loop3A_551 = arith.index_cast %parallel_loop3A_335 : i32 to index
        %parallel_loop3A_552 = arith.index_cast %parallel_loop3A_548 : i32 to index
        %parallel_loop3A_553 = arith.index_cast %parallel_loop3A_353 : i32 to index
        %parallel_loop3A_554 = tpu.vector_load %arg7[%parallel_loop3A_549, %parallel_loop3A_550, %parallel_loop3A_551, %parallel_loop3A_552, %parallel_loop3A_553] {strides = array<i32>} : memref<3x4x4x8x128xf32, #tpu.memory_space<vmem>>, vector<16xf32>,
        tpu.vector_store %arg7[%parallel_loop3A_549, %parallel_loop3A_550, %parallel_loop3A_551, %parallel_loop3A_552, %parallel_loop3A_553], %parallel_loop3A_546 {strides = array<i32>} : memref<3x4x4x8x128xf32, #tpu.memory_space<vmem>>, vector<16xf32>,
        %parallel_loop3A_555 = arith.constant 1 : i32
        %parallel_loop3A_556 = arith.constant 46 : i32
        %parallel_loop3A_557 = arith.constant 0 : i32
        %parallel_loop3A_558 = tpu.memref_slice %arg6[%parallel_loop3A_555, %parallel_loop3A_556, %parallel_loop3A_557] : memref<2x64x128xf32, #tpu.memory_space<vmem>> -> memref<1x1x128xf32, #tpu.memory_space<vmem>>
        %parallel_loop3A_559 = tpu.memref_squeeze %parallel_loop3A_558 : memref<1x1x128xf32, #tpu.memory_space<vmem>> -> memref<128xf32, #tpu.memory_space<vmem>>
        %parallel_loop3A_560 = tpu.vector_load_idx %parallel_loop3A_559[%parallel_loop3A_358] : memref<128xf32, #tpu.memory_space<vmem>>[vector<16xi32>], vector<16xf32>,
        %parallel_loop3A_561 = arith.constant 1 : i32
        %parallel_loop3A_562 = arith.constant 6 : i32
        %parallel_loop3A_563 = arith.index_cast %rem3A_278 : i32 to index
        %parallel_loop3A_564 = arith.index_cast %parallel_loop3A_561 : i32 to index
        %parallel_loop3A_565 = arith.index_cast %parallel_loop3A_335 : i32 to index
        %parallel_loop3A_566 = arith.index_cast %parallel_loop3A_562 : i32 to index
        %parallel_loop3A_567 = arith.index_cast %parallel_loop3A_353 : i32 to index
        %parallel_loop3A_568 = tpu.vector_load %arg7[%parallel_loop3A_563, %parallel_loop3A_564, %parallel_loop3A_565, %parallel_loop3A_566, %parallel_loop3A_567] {strides = array<i32>} : memref<3x4x4x8x128xf32, #tpu.memory_space<vmem>>, vector<16xf32>,
        tpu.vector_store %arg7[%parallel_loop3A_563, %parallel_loop3A_564, %parallel_loop3A_565, %parallel_loop3A_566, %parallel_loop3A_567], %parallel_loop3A_560 {strides = array<i32>} : memref<3x4x4x8x128xf32, #tpu.memory_space<vmem>>, vector<16xf32>,
        %parallel_loop3A_569 = arith.constant 1 : i32
        %parallel_loop3A_570 = arith.constant 47 : i32
        %parallel_loop3A_571 = arith.constant 0 : i32
        %parallel_loop3A_572 = tpu.memref_slice %arg6[%parallel_loop3A_569, %parallel_loop3A_570, %parallel_loop3A_571] : memref<2x64x128xf32, #tpu.memory_space<vmem>> -> memref<1x1x128xf32, #tpu.memory_space<vmem>>
        %parallel_loop3A_573 = tpu.memref_squeeze %parallel_loop3A_572 : memref<1x1x128xf32, #tpu.memory_space<vmem>> -> memref<128xf32, #tpu.memory_space<vmem>>
        %parallel_loop3A_574 = tpu.vector_load_idx %parallel_loop3A_573[%parallel_loop3A_358] : memref<128xf32, #tpu.memory_space<vmem>>[vector<16xi32>], vector<16xf32>,
        %parallel_loop3A_575 = arith.constant 1 : i32
        %parallel_loop3A_576 = arith.constant 7 : i32
        %parallel_loop3A_577 = arith.index_cast %rem3A_278 : i32 to index
        %parallel_loop3A_578 = arith.index_cast %parallel_loop3A_575 : i32 to index
        %parallel_loop3A_579 = arith.index_cast %parallel_loop3A_335 : i32 to index
        %parallel_loop3A_580 = arith.index_cast %parallel_loop3A_576 : i32 to index
        %parallel_loop3A_581 = arith.index_cast %parallel_loop3A_353 : i32 to index
        %parallel_loop3A_582 = tpu.vector_load %arg7[%parallel_loop3A_577, %parallel_loop3A_578, %parallel_loop3A_579, %parallel_loop3A_580, %parallel_loop3A_581] {strides = array<i32>} : memref<3x4x4x8x128xf32, #tpu.memory_space<vmem>>, vector<16xf32>,
        tpu.vector_store %arg7[%parallel_loop3A_577, %parallel_loop3A_578, %parallel_loop3A_579, %parallel_loop3A_580, %parallel_loop3A_581], %parallel_loop3A_574 {strides = array<i32>} : memref<3x4x4x8x128xf32, #tpu.memory_space<vmem>>, vector<16xf32>,
        %parallel_loop3A_583 = arith.constant 1 : i32
        %parallel_loop3A_584 = arith.constant 48 : i32
        %parallel_loop3A_585 = arith.constant 0 : i32
        %parallel_loop3A_586 = tpu.memref_slice %arg6[%parallel_loop3A_583, %parallel_loop3A_584, %parallel_loop3A_585] : memref<2x64x128xf32, #tpu.memory_space<vmem>> -> memref<1x1x128xf32, #tpu.memory_space<vmem>>
        %parallel_loop3A_587 = tpu.memref_squeeze %parallel_loop3A_586 : memref<1x1x128xf32, #tpu.memory_space<vmem>> -> memref<128xf32, #tpu.memory_space<vmem>>
        %parallel_loop3A_588 = tpu.vector_load_idx %parallel_loop3A_587[%parallel_loop3A_358] : memref<128xf32, #tpu.memory_space<vmem>>[vector<16xi32>], vector<16xf32>,
        %parallel_loop3A_589 = arith.constant 2 : i32
        %parallel_loop3A_590 = arith.constant 0 : i32
        %parallel_loop3A_591 = arith.index_cast %rem3A_278 : i32 to index
        %parallel_loop3A_592 = arith.index_cast %parallel_loop3A_589 : i32 to index
        %parallel_loop3A_593 = arith.index_cast %parallel_loop3A_335 : i32 to index
        %parallel_loop3A_594 = arith.index_cast %parallel_loop3A_590 : i32 to index
        %parallel_loop3A_595 = arith.index_cast %parallel_loop3A_353 : i32 to index
        %parallel_loop3A_596 = tpu.vector_load %arg7[%parallel_loop3A_591, %parallel_loop3A_592, %parallel_loop3A_593, %parallel_loop3A_594, %parallel_loop3A_595] {strides = array<i32>} : memref<3x4x4x8x128xf32, #tpu.memory_space<vmem>>, vector<16xf32>,
        tpu.vector_store %arg7[%parallel_loop3A_591, %parallel_loop3A_592, %parallel_loop3A_593, %parallel_loop3A_594, %parallel_loop3A_595], %parallel_loop3A_588 {strides = array<i32>} : memref<3x4x4x8x128xf32, #tpu.memory_space<vmem>>, vector<16xf32>,
        %parallel_loop3A_597 = arith.constant 1 : i32
        %parallel_loop3A_598 = arith.constant 49 : i32
        %parallel_loop3A_599 = arith.constant 0 : i32
        %parallel_loop3A_600 = tpu.memref_slice %arg6[%parallel_loop3A_597, %parallel_loop3A_598, %parallel_loop3A_599] : memref<2x64x128xf32, #tpu.memory_space<vmem>> -> memref<1x1x128xf32, #tpu.memory_space<vmem>>
        %parallel_loop3A_601 = tpu.memref_squeeze %parallel_loop3A_600 : memref<1x1x128xf32, #tpu.memory_space<vmem>> -> memref<128xf32, #tpu.memory_space<vmem>>
        %parallel_loop3A_602 = tpu.vector_load_idx %parallel_loop3A_601[%parallel_loop3A_358] : memref<128xf32, #tpu.memory_space<vmem>>[vector<16xi32>], vector<16xf32>,
        %parallel_loop3A_603 = arith.constant 2 : i32
        %parallel_loop3A_604 = arith.constant 1 : i32
        %parallel_loop3A_605 = arith.index_cast %rem3A_278 : i32 to index
        %parallel_loop3A_606 = arith.index_cast %parallel_loop3A_603 : i32 to index
        %parallel_loop3A_607 = arith.index_cast %parallel_loop3A_335 : i32 to index
        %parallel_loop3A_608 = arith.index_cast %parallel_loop3A_604 : i32 to index
        %parallel_loop3A_609 = arith.index_cast %parallel_loop3A_353 : i32 to index
        %parallel_loop3A_610 = tpu.vector_load %arg7[%parallel_loop3A_605, %parallel_loop3A_606, %parallel_loop3A_607, %parallel_loop3A_608, %parallel_loop3A_609] {strides = array<i32>} : memref<3x4x4x8x128xf32, #tpu.memory_space<vmem>>, vector<16xf32>,
        tpu.vector_store %arg7[%parallel_loop3A_605, %parallel_loop3A_606, %parallel_loop3A_607, %parallel_loop3A_608, %parallel_loop3A_609], %parallel_loop3A_602 {strides = array<i32>} : memref<3x4x4x8x128xf32, #tpu.memory_space<vmem>>, vector<16xf32>,
        %parallel_loop3A_611 = arith.constant 1 : i32
        %parallel_loop3A_612 = arith.constant 50 : i32
        %parallel_loop3A_613 = arith.constant 0 : i32
        %parallel_loop3A_614 = tpu.memref_slice %arg6[%parallel_loop3A_611, %parallel_loop3A_612, %parallel_loop3A_613] : memref<2x64x128xf32, #tpu.memory_space<vmem>> -> memref<1x1x128xf32, #tpu.memory_space<vmem>>
        %parallel_loop3A_615 = tpu.memref_squeeze %parallel_loop3A_614 : memref<1x1x128xf32, #tpu.memory_space<vmem>> -> memref<128xf32, #tpu.memory_space<vmem>>
        %parallel_loop3A_616 = tpu.vector_load_idx %parallel_loop3A_615[%parallel_loop3A_358] : memref<128xf32, #tpu.memory_space<vmem>>[vector<16xi32>], vector<16xf32>,
        %parallel_loop3A_617 = arith.constant 2 : i32
        %parallel_loop3A_618 = arith.constant 2 : i32
        %parallel_loop3A_619 = arith.index_cast %rem3A_278 : i32 to index
        %parallel_loop3A_620 = arith.index_cast %parallel_loop3A_617 : i32 to index
        %parallel_loop3A_621 = arith.index_cast %parallel_loop3A_335 : i32 to index
        %parallel_loop3A_622 = arith.index_cast %parallel_loop3A_618 : i32 to index
        %parallel_loop3A_623 = arith.index_cast %parallel_loop3A_353 : i32 to index
        %parallel_loop3A_624 = tpu.vector_load %arg7[%parallel_loop3A_619, %parallel_loop3A_620, %parallel_loop3A_621, %parallel_loop3A_622, %parallel_loop3A_623] {strides = array<i32>} : memref<3x4x4x8x128xf32, #tpu.memory_space<vmem>>, vector<16xf32>,
        tpu.vector_store %arg7[%parallel_loop3A_619, %parallel_loop3A_620, %parallel_loop3A_621, %parallel_loop3A_622, %parallel_loop3A_623], %parallel_loop3A_616 {strides = array<i32>} : memref<3x4x4x8x128xf32, #tpu.memory_space<vmem>>, vector<16xf32>,
        %parallel_loop3A_625 = arith.constant 1 : i32
        %parallel_loop3A_626 = arith.constant 51 : i32
        %parallel_loop3A_627 = arith.constant 0 : i32
        %parallel_loop3A_628 = tpu.memref_slice %arg6[%parallel_loop3A_625, %parallel_loop3A_626, %parallel_loop3A_627] : memref<2x64x128xf32, #tpu.memory_space<vmem>> -> memref<1x1x128xf32, #tpu.memory_space<vmem>>
        %parallel_loop3A_629 = tpu.memref_squeeze %parallel_loop3A_628 : memref<1x1x128xf32, #tpu.memory_space<vmem>> -> memref<128xf32, #tpu.memory_space<vmem>>
        %parallel_loop3A_630 = tpu.vector_load_idx %parallel_loop3A_629[%parallel_loop3A_358] : memref<128xf32, #tpu.memory_space<vmem>>[vector<16xi32>], vector<16xf32>,
        %parallel_loop3A_631 = arith.constant 2 : i32
        %parallel_loop3A_632 = arith.constant 3 : i32
        %parallel_loop3A_633 = arith.index_cast %rem3A_278 : i32 to index
        %parallel_loop3A_634 = arith.index_cast %parallel_loop3A_631 : i32 to index
        %parallel_loop3A_635 = arith.index_cast %parallel_loop3A_335 : i32 to index
        %parallel_loop3A_636 = arith.index_cast %parallel_loop3A_632 : i32 to index
        %parallel_loop3A_637 = arith.index_cast %parallel_loop3A_353 : i32 to index
        %parallel_loop3A_638 = tpu.vector_load %arg7[%parallel_loop3A_633, %parallel_loop3A_634, %parallel_loop3A_635, %parallel_loop3A_636, %parallel_loop3A_637] {strides = array<i32>} : memref<3x4x4x8x128xf32, #tpu.memory_space<vmem>>, vector<16xf32>,
        tpu.vector_store %arg7[%parallel_loop3A_633, %parallel_loop3A_634, %parallel_loop3A_635, %parallel_loop3A_636, %parallel_loop3A_637], %parallel_loop3A_630 {strides = array<i32>} : memref<3x4x4x8x128xf32, #tpu.memory_space<vmem>>, vector<16xf32>,
        %parallel_loop3A_639 = arith.constant 1 : i32
        %parallel_loop3A_640 = arith.constant 52 : i32
        %parallel_loop3A_641 = arith.constant 0 : i32
        %parallel_loop3A_642 = tpu.memref_slice %arg6[%parallel_loop3A_639, %parallel_loop3A_640, %parallel_loop3A_641] : memref<2x64x128xf32, #tpu.memory_space<vmem>> -> memref<1x1x128xf32, #tpu.memory_space<vmem>>
        %parallel_loop3A_643 = tpu.memref_squeeze %parallel_loop3A_642 : memref<1x1x128xf32, #tpu.memory_space<vmem>> -> memref<128xf32, #tpu.memory_space<vmem>>
        %parallel_loop3A_644 = tpu.vector_load_idx %parallel_loop3A_643[%parallel_loop3A_358] : memref<128xf32, #tpu.memory_space<vmem>>[vector<16xi32>], vector<16xf32>,
        %parallel_loop3A_645 = arith.constant 2 : i32
        %parallel_loop3A_646 = arith.constant 4 : i32
        %parallel_loop3A_647 = arith.index_cast %rem3A_278 : i32 to index
        %parallel_loop3A_648 = arith.index_cast %parallel_loop3A_645 : i32 to index
        %parallel_loop3A_649 = arith.index_cast %parallel_loop3A_335 : i32 to index
        %parallel_loop3A_650 = arith.index_cast %parallel_loop3A_646 : i32 to index
        %parallel_loop3A_651 = arith.index_cast %parallel_loop3A_353 : i32 to index
        %parallel_loop3A_652 = tpu.vector_load %arg7[%parallel_loop3A_647, %parallel_loop3A_648, %parallel_loop3A_649, %parallel_loop3A_650, %parallel_loop3A_651] {strides = array<i32>} : memref<3x4x4x8x128xf32, #tpu.memory_space<vmem>>, vector<16xf32>,
        tpu.vector_store %arg7[%parallel_loop3A_647, %parallel_loop3A_648, %parallel_loop3A_649, %parallel_loop3A_650, %parallel_loop3A_651], %parallel_loop3A_644 {strides = array<i32>} : memref<3x4x4x8x128xf32, #tpu.memory_space<vmem>>, vector<16xf32>,
        %parallel_loop3A_653 = arith.constant 1 : i32
        %parallel_loop3A_654 = arith.constant 53 : i32
        %parallel_loop3A_655 = arith.constant 0 : i32
        %parallel_loop3A_656 = tpu.memref_slice %arg6[%parallel_loop3A_653, %parallel_loop3A_654, %parallel_loop3A_655] : memref<2x64x128xf32, #tpu.memory_space<vmem>> -> memref<1x1x128xf32, #tpu.memory_space<vmem>>
        %parallel_loop3A_657 = tpu.memref_squeeze %parallel_loop3A_656 : memref<1x1x128xf32, #tpu.memory_space<vmem>> -> memref<128xf32, #tpu.memory_space<vmem>>
        %parallel_loop3A_658 = tpu.vector_load_idx %parallel_loop3A_657[%parallel_loop3A_358] : memref<128xf32, #tpu.memory_space<vmem>>[vector<16xi32>], vector<16xf32>,
        %parallel_loop3A_659 = arith.constant 2 : i32
        %parallel_loop3A_660 = arith.constant 5 : i32
        %parallel_loop3A_661 = arith.index_cast %rem3A_278 : i32 to index
        %parallel_loop3A_662 = arith.index_cast %parallel_loop3A_659 : i32 to index
        %parallel_loop3A_663 = arith.index_cast %parallel_loop3A_335 : i32 to index
        %parallel_loop3A_664 = arith.index_cast %parallel_loop3A_660 : i32 to index
        %parallel_loop3A_665 = arith.index_cast %parallel_loop3A_353 : i32 to index
        %parallel_loop3A_666 = tpu.vector_load %arg7[%parallel_loop3A_661, %parallel_loop3A_662, %parallel_loop3A_663, %parallel_loop3A_664, %parallel_loop3A_665] {strides = array<i32>} : memref<3x4x4x8x128xf32, #tpu.memory_space<vmem>>, vector<16xf32>,
        tpu.vector_store %arg7[%parallel_loop3A_661, %parallel_loop3A_662, %parallel_loop3A_663, %parallel_loop3A_664, %parallel_loop3A_665], %parallel_loop3A_658 {strides = array<i32>} : memref<3x4x4x8x128xf32, #tpu.memory_space<vmem>>, vector<16xf32>,
        %parallel_loop3A_667 = arith.constant 1 : i32
        %parallel_loop3A_668 = arith.constant 54 : i32
        %parallel_loop3A_669 = arith.constant 0 : i32
        %parallel_loop3A_670 = tpu.memref_slice %arg6[%parallel_loop3A_667, %parallel_loop3A_668, %parallel_loop3A_669] : memref<2x64x128xf32, #tpu.memory_space<vmem>> -> memref<1x1x128xf32, #tpu.memory_space<vmem>>
        %parallel_loop3A_671 = tpu.memref_squeeze %parallel_loop3A_670 : memref<1x1x128xf32, #tpu.memory_space<vmem>> -> memref<128xf32, #tpu.memory_space<vmem>>
        %parallel_loop3A_672 = tpu.vector_load_idx %parallel_loop3A_671[%parallel_loop3A_358] : memref<128xf32, #tpu.memory_space<vmem>>[vector<16xi32>], vector<16xf32>,
        %parallel_loop3A_673 = arith.constant 2 : i32
        %parallel_loop3A_674 = arith.constant 6 : i32
        %parallel_loop3A_675 = arith.index_cast %rem3A_278 : i32 to index
        %parallel_loop3A_676 = arith.index_cast %parallel_loop3A_673 : i32 to index
        %parallel_loop3A_677 = arith.index_cast %parallel_loop3A_335 : i32 to index
        %parallel_loop3A_678 = arith.index_cast %parallel_loop3A_674 : i32 to index
        %parallel_loop3A_679 = arith.index_cast %parallel_loop3A_353 : i32 to index
        %parallel_loop3A_680 = tpu.vector_load %arg7[%parallel_loop3A_675, %parallel_loop3A_676, %parallel_loop3A_677, %parallel_loop3A_678, %parallel_loop3A_679] {strides = array<i32>} : memref<3x4x4x8x128xf32, #tpu.memory_space<vmem>>, vector<16xf32>,
        tpu.vector_store %arg7[%parallel_loop3A_675, %parallel_loop3A_676, %parallel_loop3A_677, %parallel_loop3A_678, %parallel_loop3A_679], %parallel_loop3A_672 {strides = array<i32>} : memref<3x4x4x8x128xf32, #tpu.memory_space<vmem>>, vector<16xf32>,
        %parallel_loop3A_681 = arith.constant 1 : i32
        %parallel_loop3A_682 = arith.constant 55 : i32
        %parallel_loop3A_683 = arith.constant 0 : i32
        %parallel_loop3A_684 = tpu.memref_slice %arg6[%parallel_loop3A_681, %parallel_loop3A_682, %parallel_loop3A_683] : memref<2x64x128xf32, #tpu.memory_space<vmem>> -> memref<1x1x128xf32, #tpu.memory_space<vmem>>
        %parallel_loop3A_685 = tpu.memref_squeeze %parallel_loop3A_684 : memref<1x1x128xf32, #tpu.memory_space<vmem>> -> memref<128xf32, #tpu.memory_space<vmem>>
        %parallel_loop3A_686 = tpu.vector_load_idx %parallel_loop3A_685[%parallel_loop3A_358] : memref<128xf32, #tpu.memory_space<vmem>>[vector<16xi32>], vector<16xf32>,
        %parallel_loop3A_687 = arith.constant 2 : i32
        %parallel_loop3A_688 = arith.constant 7 : i32
        %parallel_loop3A_689 = arith.index_cast %rem3A_278 : i32 to index
        %parallel_loop3A_690 = arith.index_cast %parallel_loop3A_687 : i32 to index
        %parallel_loop3A_691 = arith.index_cast %parallel_loop3A_335 : i32 to index
        %parallel_loop3A_692 = arith.index_cast %parallel_loop3A_688 : i32 to index
        %parallel_loop3A_693 = arith.index_cast %parallel_loop3A_353 : i32 to index
        %parallel_loop3A_694 = tpu.vector_load %arg7[%parallel_loop3A_689, %parallel_loop3A_690, %parallel_loop3A_691, %parallel_loop3A_692, %parallel_loop3A_693] {strides = array<i32>} : memref<3x4x4x8x128xf32, #tpu.memory_space<vmem>>, vector<16xf32>,
        tpu.vector_store %arg7[%parallel_loop3A_689, %parallel_loop3A_690, %parallel_loop3A_691, %parallel_loop3A_692, %parallel_loop3A_693], %parallel_loop3A_686 {strides = array<i32>} : memref<3x4x4x8x128xf32, #tpu.memory_space<vmem>>, vector<16xf32>,
        %parallel_loop3A_695 = arith.constant 1 : i32
        %parallel_loop3A_696 = arith.constant 56 : i32
        %parallel_loop3A_697 = arith.constant 0 : i32
        %parallel_loop3A_698 = tpu.memref_slice %arg6[%parallel_loop3A_695, %parallel_loop3A_696, %parallel_loop3A_697] : memref<2x64x128xf32, #tpu.memory_space<vmem>> -> memref<1x1x128xf32, #tpu.memory_space<vmem>>
        %parallel_loop3A_699 = tpu.memref_squeeze %parallel_loop3A_698 : memref<1x1x128xf32, #tpu.memory_space<vmem>> -> memref<128xf32, #tpu.memory_space<vmem>>
        %parallel_loop3A_700 = tpu.vector_load_idx %parallel_loop3A_699[%parallel_loop3A_358] : memref<128xf32, #tpu.memory_space<vmem>>[vector<16xi32>], vector<16xf32>,
        %parallel_loop3A_701 = arith.constant 3 : i32
        %parallel_loop3A_702 = arith.constant 0 : i32
        %parallel_loop3A_703 = arith.index_cast %rem3A_278 : i32 to index
        %parallel_loop3A_704 = arith.index_cast %parallel_loop3A_701 : i32 to index
        %parallel_loop3A_705 = arith.index_cast %parallel_loop3A_335 : i32 to index
        %parallel_loop3A_706 = arith.index_cast %parallel_loop3A_702 : i32 to index
        %parallel_loop3A_707 = arith.index_cast %parallel_loop3A_353 : i32 to index
        %parallel_loop3A_708 = tpu.vector_load %arg7[%parallel_loop3A_703, %parallel_loop3A_704, %parallel_loop3A_705, %parallel_loop3A_706, %parallel_loop3A_707] {strides = array<i32>} : memref<3x4x4x8x128xf32, #tpu.memory_space<vmem>>, vector<16xf32>,
        tpu.vector_store %arg7[%parallel_loop3A_703, %parallel_loop3A_704, %parallel_loop3A_705, %parallel_loop3A_706, %parallel_loop3A_707], %parallel_loop3A_700 {strides = array<i32>} : memref<3x4x4x8x128xf32, #tpu.memory_space<vmem>>, vector<16xf32>,
        %parallel_loop3A_709 = arith.constant 1 : i32
        %parallel_loop3A_710 = arith.constant 57 : i32
        %parallel_loop3A_711 = arith.constant 0 : i32
        %parallel_loop3A_712 = tpu.memref_slice %arg6[%parallel_loop3A_709, %parallel_loop3A_710, %parallel_loop3A_711] : memref<2x64x128xf32, #tpu.memory_space<vmem>> -> memref<1x1x128xf32, #tpu.memory_space<vmem>>
        %parallel_loop3A_713 = tpu.memref_squeeze %parallel_loop3A_712 : memref<1x1x128xf32, #tpu.memory_space<vmem>> -> memref<128xf32, #tpu.memory_space<vmem>>
        %parallel_loop3A_714 = tpu.vector_load_idx %parallel_loop3A_713[%parallel_loop3A_358] : memref<128xf32, #tpu.memory_space<vmem>>[vector<16xi32>], vector<16xf32>,
        %parallel_loop3A_715 = arith.constant 3 : i32
        %parallel_loop3A_716 = arith.constant 1 : i32
        %parallel_loop3A_717 = arith.index_cast %rem3A_278 : i32 to index
        %parallel_loop3A_718 = arith.index_cast %parallel_loop3A_715 : i32 to index
        %parallel_loop3A_719 = arith.index_cast %parallel_loop3A_335 : i32 to index
        %parallel_loop3A_720 = arith.index_cast %parallel_loop3A_716 : i32 to index
        %parallel_loop3A_721 = arith.index_cast %parallel_loop3A_353 : i32 to index
        %parallel_loop3A_722 = tpu.vector_load %arg7[%parallel_loop3A_717, %parallel_loop3A_718, %parallel_loop3A_719, %parallel_loop3A_720, %parallel_loop3A_721] {strides = array<i32>} : memref<3x4x4x8x128xf32, #tpu.memory_space<vmem>>, vector<16xf32>,
        tpu.vector_store %arg7[%parallel_loop3A_717, %parallel_loop3A_718, %parallel_loop3A_719, %parallel_loop3A_720, %parallel_loop3A_721], %parallel_loop3A_714 {strides = array<i32>} : memref<3x4x4x8x128xf32, #tpu.memory_space<vmem>>, vector<16xf32>,
        %parallel_loop3A_723 = arith.constant 1 : i32
        %parallel_loop3A_724 = arith.constant 58 : i32
        %parallel_loop3A_725 = arith.constant 0 : i32
        %parallel_loop3A_726 = tpu.memref_slice %arg6[%parallel_loop3A_723, %parallel_loop3A_724, %parallel_loop3A_725] : memref<2x64x128xf32, #tpu.memory_space<vmem>> -> memref<1x1x128xf32, #tpu.memory_space<vmem>>
        %parallel_loop3A_727 = tpu.memref_squeeze %parallel_loop3A_726 : memref<1x1x128xf32, #tpu.memory_space<vmem>> -> memref<128xf32, #tpu.memory_space<vmem>>
        %parallel_loop3A_728 = tpu.vector_load_idx %parallel_loop3A_727[%parallel_loop3A_358] : memref<128xf32, #tpu.memory_space<vmem>>[vector<16xi32>], vector<16xf32>,
        %parallel_loop3A_729 = arith.constant 3 : i32
        %parallel_loop3A_730 = arith.constant 2 : i32
        %parallel_loop3A_731 = arith.index_cast %rem3A_278 : i32 to index
        %parallel_loop3A_732 = arith.index_cast %parallel_loop3A_729 : i32 to index
        %parallel_loop3A_733 = arith.index_cast %parallel_loop3A_335 : i32 to index
        %parallel_loop3A_734 = arith.index_cast %parallel_loop3A_730 : i32 to index
        %parallel_loop3A_735 = arith.index_cast %parallel_loop3A_353 : i32 to index
        %parallel_loop3A_736 = tpu.vector_load %arg7[%parallel_loop3A_731, %parallel_loop3A_732, %parallel_loop3A_733, %parallel_loop3A_734, %parallel_loop3A_735] {strides = array<i32>} : memref<3x4x4x8x128xf32, #tpu.memory_space<vmem>>, vector<16xf32>,
        tpu.vector_store %arg7[%parallel_loop3A_731, %parallel_loop3A_732, %parallel_loop3A_733, %parallel_loop3A_734, %parallel_loop3A_735], %parallel_loop3A_728 {strides = array<i32>} : memref<3x4x4x8x128xf32, #tpu.memory_space<vmem>>, vector<16xf32>,
        %parallel_loop3A_737 = arith.constant 1 : i32
        %parallel_loop3A_738 = arith.constant 59 : i32
        %parallel_loop3A_739 = arith.constant 0 : i32
        %parallel_loop3A_740 = tpu.memref_slice %arg6[%parallel_loop3A_737, %parallel_loop3A_738, %parallel_loop3A_739] : memref<2x64x128xf32, #tpu.memory_space<vmem>> -> memref<1x1x128xf32, #tpu.memory_space<vmem>>
        %parallel_loop3A_741 = tpu.memref_squeeze %parallel_loop3A_740 : memref<1x1x128xf32, #tpu.memory_space<vmem>> -> memref<128xf32, #tpu.memory_space<vmem>>
        %parallel_loop3A_742 = tpu.vector_load_idx %parallel_loop3A_741[%parallel_loop3A_358] : memref<128xf32, #tpu.memory_space<vmem>>[vector<16xi32>], vector<16xf32>,
        %parallel_loop3A_743 = arith.constant 3 : i32
        %parallel_loop3A_744 = arith.constant 3 : i32
        %parallel_loop3A_745 = arith.index_cast %rem3A_278 : i32 to index
        %parallel_loop3A_746 = arith.index_cast %parallel_loop3A_743 : i32 to index
        %parallel_loop3A_747 = arith.index_cast %parallel_loop3A_335 : i32 to index
        %parallel_loop3A_748 = arith.index_cast %parallel_loop3A_744 : i32 to index
        %parallel_loop3A_749 = arith.index_cast %parallel_loop3A_353 : i32 to index
        %parallel_loop3A_750 = tpu.vector_load %arg7[%parallel_loop3A_745, %parallel_loop3A_746, %parallel_loop3A_747, %parallel_loop3A_748, %parallel_loop3A_749] {strides = array<i32>} : memref<3x4x4x8x128xf32, #tpu.memory_space<vmem>>, vector<16xf32>,
        tpu.vector_store %arg7[%parallel_loop3A_745, %parallel_loop3A_746, %parallel_loop3A_747, %parallel_loop3A_748, %parallel_loop3A_749], %parallel_loop3A_742 {strides = array<i32>} : memref<3x4x4x8x128xf32, #tpu.memory_space<vmem>>, vector<16xf32>,
        %parallel_loop3A_751 = arith.constant 1 : i32
        %parallel_loop3A_752 = arith.constant 60 : i32
        %parallel_loop3A_753 = arith.constant 0 : i32
        %parallel_loop3A_754 = tpu.memref_slice %arg6[%parallel_loop3A_751, %parallel_loop3A_752, %parallel_loop3A_753] : memref<2x64x128xf32, #tpu.memory_space<vmem>> -> memref<1x1x128xf32, #tpu.memory_space<vmem>>
        %parallel_loop3A_755 = tpu.memref_squeeze %parallel_loop3A_754 : memref<1x1x128xf32, #tpu.memory_space<vmem>> -> memref<128xf32, #tpu.memory_space<vmem>>
        %parallel_loop3A_756 = tpu.vector_load_idx %parallel_loop3A_755[%parallel_loop3A_358] : memref<128xf32, #tpu.memory_space<vmem>>[vector<16xi32>], vector<16xf32>,
        %parallel_loop3A_757 = arith.constant 3 : i32
        %parallel_loop3A_758 = arith.constant 4 : i32
        %parallel_loop3A_759 = arith.index_cast %rem3A_278 : i32 to index
        %parallel_loop3A_760 = arith.index_cast %parallel_loop3A_757 : i32 to index
        %parallel_loop3A_761 = arith.index_cast %parallel_loop3A_335 : i32 to index
        %parallel_loop3A_762 = arith.index_cast %parallel_loop3A_758 : i32 to index
        %parallel_loop3A_763 = arith.index_cast %parallel_loop3A_353 : i32 to index
        %parallel_loop3A_764 = tpu.vector_load %arg7[%parallel_loop3A_759, %parallel_loop3A_760, %parallel_loop3A_761, %parallel_loop3A_762, %parallel_loop3A_763] {strides = array<i32>} : memref<3x4x4x8x128xf32, #tpu.memory_space<vmem>>, vector<16xf32>,
        tpu.vector_store %arg7[%parallel_loop3A_759, %parallel_loop3A_760, %parallel_loop3A_761, %parallel_loop3A_762, %parallel_loop3A_763], %parallel_loop3A_756 {strides = array<i32>} : memref<3x4x4x8x128xf32, #tpu.memory_space<vmem>>, vector<16xf32>,
        %parallel_loop3A_765 = arith.constant 1 : i32
        %parallel_loop3A_766 = arith.constant 61 : i32
        %parallel_loop3A_767 = arith.constant 0 : i32
        %parallel_loop3A_768 = tpu.memref_slice %arg6[%parallel_loop3A_765, %parallel_loop3A_766, %parallel_loop3A_767] : memref<2x64x128xf32, #tpu.memory_space<vmem>> -> memref<1x1x128xf32, #tpu.memory_space<vmem>>
        %parallel_loop3A_769 = tpu.memref_squeeze %parallel_loop3A_768 : memref<1x1x128xf32, #tpu.memory_space<vmem>> -> memref<128xf32, #tpu.memory_space<vmem>>
        %parallel_loop3A_770 = tpu.vector_load_idx %parallel_loop3A_769[%parallel_loop3A_358] : memref<128xf32, #tpu.memory_space<vmem>>[vector<16xi32>], vector<16xf32>,
        %parallel_loop3A_771 = arith.constant 3 : i32
        %parallel_loop3A_772 = arith.constant 5 : i32
        %parallel_loop3A_773 = arith.index_cast %rem3A_278 : i32 to index
        %parallel_loop3A_774 = arith.index_cast %parallel_loop3A_771 : i32 to index
        %parallel_loop3A_775 = arith.index_cast %parallel_loop3A_335 : i32 to index
        %parallel_loop3A_776 = arith.index_cast %parallel_loop3A_772 : i32 to index
        %parallel_loop3A_777 = arith.index_cast %parallel_loop3A_353 : i32 to index
        %parallel_loop3A_778 = tpu.vector_load %arg7[%parallel_loop3A_773, %parallel_loop3A_774, %parallel_loop3A_775, %parallel_loop3A_776, %parallel_loop3A_777] {strides = array<i32>} : memref<3x4x4x8x128xf32, #tpu.memory_space<vmem>>, vector<16xf32>,
        tpu.vector_store %arg7[%parallel_loop3A_773, %parallel_loop3A_774, %parallel_loop3A_775, %parallel_loop3A_776, %parallel_loop3A_777], %parallel_loop3A_770 {strides = array<i32>} : memref<3x4x4x8x128xf32, #tpu.memory_space<vmem>>, vector<16xf32>,
        %parallel_loop3A_779 = arith.constant 1 : i32
        %parallel_loop3A_780 = arith.constant 62 : i32
        %parallel_loop3A_781 = arith.constant 0 : i32
        %parallel_loop3A_782 = tpu.memref_slice %arg6[%parallel_loop3A_779, %parallel_loop3A_780, %parallel_loop3A_781] : memref<2x64x128xf32, #tpu.memory_space<vmem>> -> memref<1x1x128xf32, #tpu.memory_space<vmem>>
        %parallel_loop3A_783 = tpu.memref_squeeze %parallel_loop3A_782 : memref<1x1x128xf32, #tpu.memory_space<vmem>> -> memref<128xf32, #tpu.memory_space<vmem>>
        %parallel_loop3A_784 = tpu.vector_load_idx %parallel_loop3A_783[%parallel_loop3A_358] : memref<128xf32, #tpu.memory_space<vmem>>[vector<16xi32>], vector<16xf32>,
        %parallel_loop3A_785 = arith.constant 3 : i32
        %parallel_loop3A_786 = arith.constant 6 : i32
        %parallel_loop3A_787 = arith.index_cast %rem3A_278 : i32 to index
        %parallel_loop3A_788 = arith.index_cast %parallel_loop3A_785 : i32 to index
        %parallel_loop3A_789 = arith.index_cast %parallel_loop3A_335 : i32 to index
        %parallel_loop3A_790 = arith.index_cast %parallel_loop3A_786 : i32 to index
        %parallel_loop3A_791 = arith.index_cast %parallel_loop3A_353 : i32 to index
        %parallel_loop3A_792 = tpu.vector_load %arg7[%parallel_loop3A_787, %parallel_loop3A_788, %parallel_loop3A_789, %parallel_loop3A_790, %parallel_loop3A_791] {strides = array<i32>} : memref<3x4x4x8x128xf32, #tpu.memory_space<vmem>>, vector<16xf32>,
        tpu.vector_store %arg7[%parallel_loop3A_787, %parallel_loop3A_788, %parallel_loop3A_789, %parallel_loop3A_790, %parallel_loop3A_791], %parallel_loop3A_784 {strides = array<i32>} : memref<3x4x4x8x128xf32, #tpu.memory_space<vmem>>, vector<16xf32>,
        %parallel_loop3A_793 = arith.constant 1 : i32
        %parallel_loop3A_794 = arith.constant 63 : i32
        %parallel_loop3A_795 = arith.constant 0 : i32
        %parallel_loop3A_796 = tpu.memref_slice %arg6[%parallel_loop3A_793, %parallel_loop3A_794, %parallel_loop3A_795] : memref<2x64x128xf32, #tpu.memory_space<vmem>> -> memref<1x1x128xf32, #tpu.memory_space<vmem>>
        %parallel_loop3A_797 = tpu.memref_squeeze %parallel_loop3A_796 : memref<1x1x128xf32, #tpu.memory_space<vmem>> -> memref<128xf32, #tpu.memory_space<vmem>>
        %parallel_loop3A_798 = tpu.vector_load_idx %parallel_loop3A_797[%parallel_loop3A_358] : memref<128xf32, #tpu.memory_space<vmem>>[vector<16xi32>], vector<16xf32>,
        %parallel_loop3A_799 = arith.constant 3 : i32
        %parallel_loop3A_800 = arith.constant 7 : i32
        %parallel_loop3A_801 = arith.index_cast %rem3A_278 : i32 to index
        %parallel_loop3A_802 = arith.index_cast %parallel_loop3A_799 : i32 to index
        %parallel_loop3A_803 = arith.index_cast %parallel_loop3A_335 : i32 to index
        %parallel_loop3A_804 = arith.index_cast %parallel_loop3A_800 : i32 to index
        %parallel_loop3A_805 = arith.index_cast %parallel_loop3A_353 : i32 to index
        %parallel_loop3A_806 = tpu.vector_load %arg7[%parallel_loop3A_801, %parallel_loop3A_802, %parallel_loop3A_803, %parallel_loop3A_804, %parallel_loop3A_805] {strides = array<i32>} : memref<3x4x4x8x128xf32, #tpu.memory_space<vmem>>, vector<16xf32>,
        tpu.vector_store %arg7[%parallel_loop3A_801, %parallel_loop3A_802, %parallel_loop3A_803, %parallel_loop3A_804, %parallel_loop3A_805], %parallel_loop3A_798 {strides = array<i32>} : memref<3x4x4x8x128xf32, #tpu.memory_space<vmem>>, vector<16xf32>,
      } {sc.loop_unroll_factor = 1 : i64, sc.parallel_access}
      %mul3A_287 = arith.constant 4 : i32
      %mul3A_288 = arith.muli %add3A, %mul3A_287 : i32
      %dma_start3A_289 = arith.constant 0 : i32
      %dma_start3A_290 = arith.constant 0 : i32
      %dma_start3A_291 = arith.constant 0 : i32
      %dma_start3A_292 = arith.constant 0 : i32
      %dma_start3A_293 = tpu.memref_slice %arg7[%rem3A_278, %dma_start3A_289, %dma_start3A_290, %dma_start3A_291, %dma_start3A_292] : memref<3x4x4x8x128xf32, #tpu.memory_space<vmem>> -> memref<1x4x4x8x128xf32, #tpu.memory_space<vmem>>
      %dma_start3A_294 = tpu.memref_squeeze %dma_start3A_293 : memref<1x4x4x8x128xf32, #tpu.memory_space<vmem>> -> memref<4x4x8x128xf32, #tpu.memory_space<vmem>>
      %dma_start3A_295 = arith.constant 4 : i32
      %dma_start3A_296 = arith.constant 0 : i32
      %dma_start3A_297 = arith.constant 0 : i32
      %dma_start3A_298 = tpu.memref_slice %arg4[%add3A_209, %dma_start3A_295, %mul3A_288, %dma_start3A_296, %dma_start3A_297] : memref<26x8x128x8x128xf32, #tpu.memory_space<hbm>> -> memref<1x4x4x8x128xf32, #tpu.memory_space<hbm>>
      %dma_start3A_299 = tpu.memref_squeeze %dma_start3A_298 : memref<1x4x4x8x128xf32, #tpu.memory_space<hbm>> -> memref<4x4x8x128xf32, #tpu.memory_space<hbm>>
      %dma_start3A_300 = arith.constant 4 : i32
      %dma_start3A_301 = arith.constant 0 : i32
      %dma_start3A_302 = arith.constant 0 : i32
      %dma_start3A_303 = tpu.memref_slice %arg4[%add3A_209, %dma_start3A_300, %mul3A_288, %dma_start3A_301, %dma_start3A_302] : memref<26x8x128x8x128xf32, #tpu.memory_space<hbm>> -> memref<1x4x4x8x128xf32, #tpu.memory_space<hbm>>
      %dma_start3A_304 = tpu.memref_squeeze %dma_start3A_303 : memref<1x4x4x8x128xf32, #tpu.memory_space<hbm>> -> memref<4x4x8x128xf32, #tpu.memory_space<hbm>>
      %dma_start3A_305 = arith.constant 0 : i32
      %dma_start3A_306 = arith.constant 0 : i32
      %dma_start3A_307 = arith.constant 0 : i32
      %dma_start3A_308 = arith.constant 0 : i32
      %dma_start3A_309 = tpu.memref_slice %arg7[%rem3A_278, %dma_start3A_305, %dma_start3A_306, %dma_start3A_307, %dma_start3A_308] : memref<3x4x4x8x128xf32, #tpu.memory_space<vmem>> -> memref<1x4x4x8x128xf32, #tpu.memory_space<vmem>>
      %dma_start3A_310 = tpu.memref_squeeze %dma_start3A_309 : memref<1x4x4x8x128xf32, #tpu.memory_space<vmem>> -> memref<4x4x8x128xf32, #tpu.memory_space<vmem>>
      tpu.enqueue_dma source(%dma_start3A_310 : memref<4x4x8x128xf32, #tpu.memory_space<vmem>>) target(%dma_start3A_304 : memref<4x4x8x128xf32, #tpu.memory_space<hbm>>) target_semaphore(%arg10 : memref<!tpu.dma_semaphore, #tpu.memory_space<semaphore_mem>>)
    }
    %scan3A_26 = arith.constant 13 : i32
    %mul3A_27 = arith.constant 4 : i32
    %mul3A_28 = arith.muli %add3A, %mul3A_27 : i32
    %dma_wait3A = arith.constant 0 : i32
    %dma_wait3A_29 = arith.constant 0 : i32
    %dma_wait3A_30 = arith.constant 0 : i32
    %dma_wait3A_31 = arith.constant 0 : i32
    %dma_wait3A_32 = arith.constant 0 : i32
    %dma_wait3A_33 = arith.constant 0 : i32
    %dma_wait3A_34 = tpu.memref_slice %arg7[%dma_wait3A, %dma_wait3A_30, %dma_wait3A_31, %dma_wait3A_32, %dma_wait3A_33] : memref<3x4x4x8x128xf32, #tpu.memory_space<vmem>> -> memref<1x4x4x8x128xf32, #tpu.memory_space<vmem>>
    %dma_wait3A_35 = tpu.memref_squeeze %dma_wait3A_34 : memref<1x4x4x8x128xf32, #tpu.memory_space<vmem>> -> memref<4x4x8x128xf32, #tpu.memory_space<vmem>>
    %dma_wait3A_36 = arith.constant 0 : i32
    %dma_wait3A_37 = arith.constant 0 : i32
    %dma_wait3A_38 = arith.constant 0 : i32
    %dma_wait3A_39 = tpu.memref_slice %arg4[%dma_wait3A_29, %dma_wait3A_36, %mul3A_28, %dma_wait3A_37, %dma_wait3A_38] : memref<26x8x128x8x128xf32, #tpu.memory_space<hbm>> -> memref<1x4x4x8x128xf32, #tpu.memory_space<hbm>>
    %dma_wait3A_40 = tpu.memref_squeeze %dma_wait3A_39 : memref<1x4x4x8x128xf32, #tpu.memory_space<hbm>> -> memref<4x4x8x128xf32, #tpu.memory_space<hbm>>
    %dma_wait3A_41 = arith.constant 0 : i32
    %dma_wait3A_42 = arith.constant 0 : i32
    %dma_wait3A_43 = arith.constant 0 : i32
    %dma_wait3A_44 = tpu.memref_slice %arg4[%dma_wait3A_29, %dma_wait3A_41, %mul3A_28, %dma_wait3A_42, %dma_wait3A_43] : memref<26x8x128x8x128xf32, #tpu.memory_space<hbm>> -> memref<1x4x4x8x128xf32, #tpu.memory_space<hbm>>
    %dma_wait3A_45 = tpu.memref_squeeze %dma_wait3A_44 : memref<1x4x4x8x128xf32, #tpu.memory_space<hbm>> -> memref<4x4x8x128xf32, #tpu.memory_space<hbm>>
    %dma_wait3A_46 = arith.constant 0 : i32
    %dma_wait3A_47 = arith.constant 0 : i32
    %dma_wait3A_48 = arith.constant 0 : i32
    %dma_wait3A_49 = arith.constant 0 : i32
    %dma_wait3A_50 = tpu.memref_slice %arg7[%dma_wait3A, %dma_wait3A_46, %dma_wait3A_47, %dma_wait3A_48, %dma_wait3A_49] : memref<3x4x4x8x128xf32, #tpu.memory_space<vmem>> -> memref<1x4x4x8x128xf32, #tpu.memory_space<vmem>>
    %dma_wait3A_51 = tpu.memref_squeeze %dma_wait3A_50 : memref<1x4x4x8x128xf32, #tpu.memory_space<vmem>> -> memref<4x4x8x128xf32, #tpu.memory_space<vmem>>
    tpu.wait_dma2 semaphore(%arg10 : memref<!tpu.dma_semaphore, #tpu.memory_space<semaphore_mem>>) src(%dma_wait3A_51 : memref<4x4x8x128xf32, #tpu.memory_space<vmem>>) dst(%dma_wait3A_45 : memref<4x4x8x128xf32, #tpu.memory_space<hbm>>)
    %mul3A_52 = arith.constant 4 : i32
    %mul3A_53 = arith.muli %add3A, %mul3A_52 : i32
    %dma_wait3A_54 = arith.constant 0 : i32
    %dma_wait3A_55 = arith.constant 0 : i32
    %dma_wait3A_56 = arith.constant 0 : i32
    %dma_wait3A_57 = arith.constant 0 : i32
    %dma_wait3A_58 = arith.constant 0 : i32
    %dma_wait3A_59 = arith.constant 0 : i32
    %dma_wait3A_60 = tpu.memref_slice %arg7[%dma_wait3A_54, %dma_wait3A_56, %dma_wait3A_57, %dma_wait3A_58, %dma_wait3A_59] : memref<3x4x4x8x128xf32, #tpu.memory_space<vmem>> -> memref<1x4x4x8x128xf32, #tpu.memory_space<vmem>>
    %dma_wait3A_61 = tpu.memref_squeeze %dma_wait3A_60 : memref<1x4x4x8x128xf32, #tpu.memory_space<vmem>> -> memref<4x4x8x128xf32, #tpu.memory_space<vmem>>
    %dma_wait3A_62 = arith.constant 0 : i32
    %dma_wait3A_63 = arith.constant 0 : i32
    %dma_wait3A_64 = arith.constant 0 : i32
    %dma_wait3A_65 = tpu.memref_slice %arg4[%dma_wait3A_55, %dma_wait3A_62, %mul3A_53, %dma_wait3A_63, %dma_wait3A_64] : memref<26x8x128x8x128xf32, #tpu.memory_space<hbm>> -> memref<1x4x4x8x128xf32, #tpu.memory_space<hbm>>
    %dma_wait3A_66 = tpu.memref_squeeze %dma_wait3A_65 : memref<1x4x4x8x128xf32, #tpu.memory_space<hbm>> -> memref<4x4x8x128xf32, #tpu.memory_space<hbm>>
    %dma_wait3A_67 = arith.constant 0 : i32
    %dma_wait3A_68 = arith.constant 0 : i32
    %dma_wait3A_69 = arith.constant 0 : i32
    %dma_wait3A_70 = tpu.memref_slice %arg4[%dma_wait3A_55, %dma_wait3A_67, %mul3A_53, %dma_wait3A_68, %dma_wait3A_69] : memref<26x8x128x8x128xf32, #tpu.memory_space<hbm>> -> memref<1x4x4x8x128xf32, #tpu.memory_space<hbm>>
    %dma_wait3A_71 = tpu.memref_squeeze %dma_wait3A_70 : memref<1x4x4x8x128xf32, #tpu.memory_space<hbm>> -> memref<4x4x8x128xf32, #tpu.memory_space<hbm>>
    %dma_wait3A_72 = arith.constant 0 : i32
    %dma_wait3A_73 = arith.constant 0 : i32
    %dma_wait3A_74 = arith.constant 0 : i32
    %dma_wait3A_75 = arith.constant 0 : i32
    %dma_wait3A_76 = tpu.memref_slice %arg7[%dma_wait3A_54, %dma_wait3A_72, %dma_wait3A_73, %dma_wait3A_74, %dma_wait3A_75] : memref<3x4x4x8x128xf32, #tpu.memory_space<vmem>> -> memref<1x4x4x8x128xf32, #tpu.memory_space<vmem>>
    %dma_wait3A_77 = tpu.memref_squeeze %dma_wait3A_76 : memref<1x4x4x8x128xf32, #tpu.memory_space<vmem>> -> memref<4x4x8x128xf32, #tpu.memory_space<vmem>>
    tpu.wait_dma2 semaphore(%arg10 : memref<!tpu.dma_semaphore, #tpu.memory_space<semaphore_mem>>) src(%dma_wait3A_77 : memref<4x4x8x128xf32, #tpu.memory_space<vmem>>) dst(%dma_wait3A_71 : memref<4x4x8x128xf32, #tpu.memory_space<hbm>>)
    %mul3A_78 = arith.constant 4 : i32
    %mul3A_79 = arith.muli %add3A, %mul3A_78 : i32
    %dma_wait3A_80 = arith.constant 0 : i32
    %dma_wait3A_81 = arith.constant 0 : i32
    %dma_wait3A_82 = arith.constant 0 : i32
    %dma_wait3A_83 = arith.constant 0 : i32
    %dma_wait3A_84 = arith.constant 0 : i32
    %dma_wait3A_85 = arith.constant 0 : i32
    %dma_wait3A_86 = tpu.memref_slice %arg7[%dma_wait3A_80, %dma_wait3A_82, %dma_wait3A_83, %dma_wait3A_84, %dma_wait3A_85] : memref<3x4x4x8x128xf32, #tpu.memory_space<vmem>> -> memref<1x4x4x8x128xf32, #tpu.memory_space<vmem>>
    %dma_wait3A_87 = tpu.memref_squeeze %dma_wait3A_86 : memref<1x4x4x8x128xf32, #tpu.memory_space<vmem>> -> memref<4x4x8x128xf32, #tpu.memory_space<vmem>>
    %dma_wait3A_88 = arith.constant 0 : i32
    %dma_wait3A_89 = arith.constant 0 : i32
    %dma_wait3A_90 = arith.constant 0 : i32
    %dma_wait3A_91 = tpu.memref_slice %arg4[%dma_wait3A_81, %dma_wait3A_88, %mul3A_79, %dma_wait3A_89, %dma_wait3A_90] : memref<26x8x128x8x128xf32, #tpu.memory_space<hbm>> -> memref<1x4x4x8x128xf32, #tpu.memory_space<hbm>>
    %dma_wait3A_92 = tpu.memref_squeeze %dma_wait3A_91 : memref<1x4x4x8x128xf32, #tpu.memory_space<hbm>> -> memref<4x4x8x128xf32, #tpu.memory_space<hbm>>
    %dma_wait3A_93 = arith.constant 0 : i32
    %dma_wait3A_94 = arith.constant 0 : i32
    %dma_wait3A_95 = arith.constant 0 : i32
    %dma_wait3A_96 = tpu.memref_slice %arg4[%dma_wait3A_81, %dma_wait3A_93, %mul3A_79, %dma_wait3A_94, %dma_wait3A_95] : memref<26x8x128x8x128xf32, #tpu.memory_space<hbm>> -> memref<1x4x4x8x128xf32, #tpu.memory_space<hbm>>
    %dma_wait3A_97 = tpu.memref_squeeze %dma_wait3A_96 : memref<1x4x4x8x128xf32, #tpu.memory_space<hbm>> -> memref<4x4x8x128xf32, #tpu.memory_space<hbm>>
    %dma_wait3A_98 = arith.constant 0 : i32
    %dma_wait3A_99 = arith.constant 0 : i32
    %dma_wait3A_100 = arith.constant 0 : i32
    %dma_wait3A_101 = arith.constant 0 : i32
    %dma_wait3A_102 = tpu.memref_slice %arg7[%dma_wait3A_80, %dma_wait3A_98, %dma_wait3A_99, %dma_wait3A_100, %dma_wait3A_101] : memref<3x4x4x8x128xf32, #tpu.memory_space<vmem>> -> memref<1x4x4x8x128xf32, #tpu.memory_space<vmem>>
    %dma_wait3A_103 = tpu.memref_squeeze %dma_wait3A_102 : memref<1x4x4x8x128xf32, #tpu.memory_space<vmem>> -> memref<4x4x8x128xf32, #tpu.memory_space<vmem>>
    tpu.wait_dma2 semaphore(%arg10 : memref<!tpu.dma_semaphore, #tpu.memory_space<semaphore_mem>>) src(%dma_wait3A_103 : memref<4x4x8x128xf32, #tpu.memory_space<vmem>>) dst(%dma_wait3A_97 : memref<4x4x8x128xf32, #tpu.memory_space<hbm>>)
    return
  }
}

</mosaic_0001>

<sc_bundles>
// kernel: kernel.3.cloned.1.call-start
scs
__scs_entry_jumppad:
0x0: {  	(pc) =	sbr.rel $0x88, $3  }
0x1: {  	(tag) =	ssettag $0x0;
	lr =	simm.s32 $0x1  }
0x2: {  	[smem:$0x3F9F] =	sst lr;
	_ =	strace $0xD0000000  }
0x3: {  	_ = 	snop  }
0x4: {  	_ = 	snop  }
0x5: {  	_ = 	snop  }
0x6: {  	_ = 	snop  }
0x7: {  	_ = 	snop  }
__scs_overlays_trampoline_lowered:
0x8: {  	[smem:$0x3FAE] =	sst s0  }
0x9: {  	[smem:$0x3FAF] =	sst s1  }
0xa: {  	[smem:$0x3FB0] =	sst s2  }
0xb: {  	[smem:$0x3FB1] =	sst s3  }
0xc: {  	[smem:$0x3FB2] =	sst s4  }
0xd: {  	[smem:$0x3FB3] =	sst s5  }
0xe: {  	[smem:$0x3FB4] =	sst s6  }
0xf: {  	[smem:$0x3FB5] =	sst s7  }
0x10: {  	[smem:$0x3FB6] =	sst s8  }
0x11: {  	[smem:$0x3FB7] =	sst s9;
	s0 =	simm.s32 @!p0 $0x0  }
0x12: {  	s1 =	sld [smem:$0x3F9D];
	s0 =	simm.s32 @p0 $0x1  }
0x13: {  	[smem:$0x3FB8] =	sst s0;
	s0 =	simm.s32 @!p1 $0x0  }
0x14: {  	s2 =	sld [smem:$0x3F9C];
	s0 =	simm.s32 @p1 $0x1  }
0x15: {  	[smem:$0x3FB9] =	sst s0;
	s0 =	simm.s32 @!p2 $0x0  }
0x16: {  	s3 =	sld [smem:$0x3FDB];
	s0 =	simm.s32 @p2 $0x1  }
0x17: {  	s4 =	simm.s32 $0x1BF5;
	[smem:$0x3FBB] =	sst s0  }
0x18: {  	s0 =	sld [smem:$0x3F9E];
	_ =	swait.ge [sflag:s4], $0x0  }
0x19: {  	s7 =	sld [smem:$0x3F9F]  }
0x1a: {  	s8 =	sadd.s32 $0xFFFFE003, lr  }
0x1b: {  	s9 =	sadd.s32 $0xFFFFFEF7, lr;
	s5 =	simm.s32 $0xFFFFFFFF;
	p2 =	slt.u32 s8, $0xFFFFF086  }
0x1c: {  	p1 =	slt.u32 s9, $0xF7A;
	s5 =	simm.s32 @!p2 $0x0  }
0x1d: {  	s5 =	simm.s32 @p1 $0x1;
	p0 =	seq.s32 s7, s2  }
0x1e: {  	s7 =	smul.u32 @!p0 $0xF7A, s2;
	p2 =	seq.s32 @!p0 s5, $0x0  }
0x1f: {  	s9 =	smul.u32 $0xF7A, s1;
	s8 =	simm.s32 @!p0 $0x1BF5;
	p2 =	por !p2, p0  }
0x20: {  	[sflag:s8] =	ssyncset.s32 @!p0 $0xFFFFF086;
	s6 =	sadd.s32 @!p0 s3, s7;
	s7 =	simm.s32 @!p0 $0x108  }
0x21: {  	s3 =	sadd.s32 s3, s9;
	s6 =	sadd.s32 @!p0 $0x88, s6;
	s7 =	simm.s32 @p2 $0x1082  }
0x22: {  	[simem:s7], [sflag:s8] =	dma.local @!p0 [hbm:s6], $0xF7A  }
0x23: {  	s9 =	sor.u32 $0xD0000000, s2;
	s6 =	simm.s32 $0x108;
	_ =	swait.ge @!p0 [sflag:s8], $0x0  }
0x24: {  	s3 =	sadd.s32 $0x88, s3;
	s6 =	simm.s32 @!p1 $0x1082;
	[sflag:s4] =	ssyncset.s32 $0xFFFFF086  }
0x25: {  	[simem:s6], [sflag:s4] =	dma.local [hbm:s3], $0xF7A  }
0x26: {  	[smem:$0x3F9F] =	sst s1;
	(tag) =	ssettag s2;
	_ =	strace s9  }
0x27: {  	s1 =	sld [smem:$0x3FAF]  }
0x28: {  	s2 =	sld [smem:$0x3FB0]  }
0x29: {  	s4 =	sld [smem:$0x3FB2]  }
0x2a: {  	p0 =	seq.s32 s5, $0x0;
	s5 =	sld [smem:$0x3FB3]  }
0x2b: {  	s6 =	sld [smem:$0x3FB4]  }
0x2c: {  	s7 =	sld [smem:$0x3FB5]  }
0x2d: {  	s3 =	simm.s32 $0x108;
	s8 =	sld [smem:$0x3FB6]  }
0x2e: {  	s3 =	simm.s32 @!p0 $0x1082;
	s9 =	sld [smem:$0x3FB7]  }
0x2f: {  	lr =	sadd.s32 s0, s3;
	s0 =	sld [smem:$0x3FAE]  }
0x30: {  	s3 =	sld [smem:$0x3FB1]  }
0x31: {  	[smem:$0x3FBA] =	sst s10  }
0x32: {  	s10 =	sld [smem:$0x3FB8];
	_ =	sdelay $0x3  }
0x33: {  	p0 =	seq.s32 s10, $0x1;
	s10 =	sld [smem:$0x3FBA];
	_ =	sdelay $0x3  }
0x34: {  	[smem:$0x3FBA] =	sst s10  }
0x35: {  	s10 =	sld [smem:$0x3FB9];
	_ =	sdelay $0x3  }
0x36: {  	p1 =	seq.s32 s10, $0x1;
	s10 =	sld [smem:$0x3FBA];
	_ =	sdelay $0x3  }
0x37: {  	[smem:$0x3FBA] =	sst s10  }
0x38: {  	s10 =	sld [smem:$0x3FBB]  }
0x39: {  	_ = 	snop;
	(pc) =	sbr.ind lr, $3  }
0x3a: {  	_ = 	snop  }
0x3b: {  	_ = 	snop  }
0x3c: {  	p2 =	seq.s32 s10, $0x1;
	s10 =	sld [smem:$0x3FBA]  }
0x3d: {  	_ =	shalt  }
0x3e: {  	_ =	shalt  }
0x3f: {  	_ =	shalt  }
0x40: {  	_ =	shalt  }
0x41: {  	_ =	shalt  }
0x42: {  	_ =	shalt  }
0x43: {  	_ =	shalt  }
0x44: {  	_ =	shalt  }
0x45: {  	_ =	shalt  }
0x46: {  	_ =	shalt  }
0x47: {  	_ =	shalt  }
0x48: {  	_ =	shalt  }
0x49: {  	_ =	shalt  }
0x4a: {  	_ =	shalt  }
0x4b: {  	_ =	shalt  }
0x4c: {  	_ =	shalt  }
0x4d: {  	_ =	shalt  }
0x4e: {  	_ =	shalt  }
0x4f: {  	_ =	shalt  }
0x50: {  	_ =	shalt  }
0x51: {  	_ =	shalt  }
0x52: {  	_ =	shalt  }
0x53: {  	_ =	shalt  }
0x54: {  	_ =	shalt  }
0x55: {  	_ =	shalt  }
0x56: {  	_ =	shalt  }
0x57: {  	_ =	shalt  }
0x58: {  	_ =	shalt  }
0x59: {  	_ =	shalt  }
0x5a: {  	_ =	shalt  }
0x5b: {  	_ =	shalt  }
0x5c: {  	_ =	shalt  }
0x5d: {  	_ =	shalt  }
0x5e: {  	_ =	shalt  }
0x5f: {  	_ =	shalt  }
0x60: {  	_ =	shalt  }
0x61: {  	_ =	shalt  }
0x62: {  	_ =	shalt  }
0x63: {  	_ =	shalt  }
0x64: {  	_ =	shalt  }
0x65: {  	_ =	shalt  }
0x66: {  	_ =	shalt  }
0x67: {  	_ =	shalt  }
0x68: {  	_ =	shalt  }
0x69: {  	_ =	shalt  }
0x6a: {  	_ =	shalt  }
0x6b: {  	_ =	shalt  }
0x6c: {  	_ =	shalt  }
0x6d: {  	_ =	shalt  }
0x6e: {  	_ =	shalt  }
0x6f: {  	_ =	shalt  }
0x70: {  	_ =	shalt  }
0x71: {  	_ =	shalt  }
0x72: {  	_ =	shalt  }
0x73: {  	_ =	shalt  }
0x74: {  	_ =	shalt  }
0x75: {  	_ =	shalt  }
0x76: {  	_ =	shalt  }
0x77: {  	_ =	shalt  }
0x78: {  	_ =	shalt  }
0x79: {  	_ =	shalt  }
0x7a: {  	_ =	shalt  }
0x7b: {  	_ =	shalt  }
0x7c: {  	_ =	shalt  }
0x7d: {  	_ =	shalt  }
0x7e: {  	_ =	shalt  }
0x7f: {  	_ =	shalt  }
0x80: {  	_ =	shalt  }
0x81: {  	_ =	shalt  }
0x82: {  	_ =	shalt  }
0x83: {  	_ =	shalt  }
0x84: {  	_ =	shalt  }
0x85: {  	_ =	shalt  }
0x86: {  	_ =	shalt  }
0x87: {  	_ =	shalt  }
.Lfunc_end0:
.L_simem_size_0:
called_computation_lowered:
.L_overlay_start_0:
0x88: {  	s2 =	sld [smem:$0x3FD9]  }
0x89: {  	s3 =	sld [smem:$0x3FFE];
	_ =	sdelay $0x1  }
0x8a: {  	s1 =	srdreg.scid  }
0x8b: {  	s0 =	sand.u32 $0x1, s1  }
0x8c: {  	s17 =	sshll.u32 s0, $0xA;
	s2 =	sadd.s32 s3, s2  }
0x8d: {  	s2 =	sadd.s32 s2, s17  }
0x8e: {  	[smem:$0x3FC6] =	sst s2  }
0x8f: {  	_ = 	snop  }
0x90: {  	s2 =	sld [smem:$0x3FD0];
	(tm) =	ssettm $0x1  }
0x91: {  	s18 =	sld [smem:$0x3FFB];
	_ =	sdelay $0x3  }
0x92: {  	_ =	strace s18  }
0x93: {  	s3 =	sld [smem:$0x3FFC];
	_ =	sdelay $0x3  }
0x94: {  	_ =	strace s3  }
0x95: {  	s3 =	sld [smem:$0x3FFD];
	_ =	sdelay $0x3  }
0x96: {  	_ =	strace s3  }
0x97: {  	_ =	strace $0x8FFFFFFF  }
0x98: {  	s19 =	sld [smem:$0x3FDB];
	_ =	sdelay $0x1  }
0x99: {  	s4 =	simm.s32 $_scs_section_size  }
0x9a: {  	s5 =	simm.s32 $_size__tile_overlayer_lowered;
	s6 =	simm.s32 $_tile_overlayer_lowered  }
0x9b: {  	s22 =	simm.s32 $0x1BFF;
	s21 =	sshll.u32 s6, $0x1;
	s3 =	sadd.s32 s4, s19  }
0x9c: {  	s7 =	simm.s32 $0x0;
	s20 =	sshll.u32 s5, $0x1;
	s5 =	sadd.s32 s21, s3  }
0x9d: {  	[timem:s7], [sflag:s22] =	dma.local [hbm:s5], s20  }
0x9e: {  	_ =	swait.ge [sflag:s22], s20  }
0x9f: {  	s4 =	ssub.s32 $0x0, s20;
	[sflag:s22] =	ssyncset.done $0x0  }
0xa0: {  	[sflag:s22] =	ssyncadd.s32 s4;
	_ =	sdelay $0x1  }
0xa1: {  	s23 =	simm.s32 $0x1B8B  }
0xa2: {  	_ =	swait.ge [sflag:s23], $0x1  }
0xa3: {  	[sflag:s23] =	ssyncset.done $0x0  }
0xa4: {  	s25 =	simm.s32 $0x1B8E;
	s24 =	sld [smem:$0x3FFE];
	[sflag:s23] =	ssyncadd.s32 $0xFFFFFFFF  }
0xa5: {  	s26 =	simm.s32 $execute0_lowered;
	[smem:$0x3FD2] =	sst s25  }
0xa6: {  	s5 =	sshll.u32 s26, $0x1;
	_ =	strace $0x80000046;
	[dreg:$0x1] =	wrdreg $0xFFFFFFFF  }
0xa7: {  	s28 =	simm.s32 $_size_execute0_lowered;
	s3 =	sadd.s32 s3, s5;
	[dreg:$0x0] =	wrdreg $0x0  }
0xa8: {  	s5 =	sshll.u32 s28, $0x1;
	[dreg:$0x2] =	wrdreg s3  }
0xa9: {  	[dreg:$0x3] =	wrdreg s5  }
0xaa: {  	[dreg:$0x4] =	wrdreg $0xC0  }
0xab: {  	_ =	task [dreg:s7], $0x5FFFF  }
0xac: {  	[dreg:$0x1] =	wrdreg $0xFFFFFFFF  }
0xad: {  	[dreg:$0x0] =	wrdreg $0x60  }
0xae: {  	[dreg:$0x2] =	wrdreg s24  }
0xaf: {  	[dreg:$0x3] =	wrdreg s2  }
0xb0: {  	[dreg:$0x4] =	wrdreg $0x134000  }
0xb1: {  	[dreg:$0x5] =	wrdreg $0x9  }
0xb2: {  	_ =	task.clear_ibuf [dreg:s7], $0x6FFFF;
	_ =	strace $0x90000046  }
0xb3: {  	s29 =	simm.s32 $0x9;
	_ =	strace $0x80000048  }
0xb4: {  	_ =	swait.ge [sflag:s29], $0x1  }
0xb5: {  	[sflag:s29] =	ssyncadd.s32 $0xFFFFFFFF  }
0xb6: {  	_ =	strace $0x90000048  }
0xb7: {  	_ =	sfence  }
0xb8: {  	s30 =	sld [smem:$0x0];
	_ =	sdelay $0x2  }
0xb9: {  	s31 =	sshll.u32 s1, $0xD;
	s1 =	sshrl.u32 s1, $0x2  }
0xba: {  	s3 =	sand.u32 $0x4000, s31;
	s1 =	sadd.s32 s1, s30  }
0xbb: {  	s0 =	sor.u32 s3, s0;
	s1 =	sshll.u32 s1, $0x11  }
0xbc: {  	s0 =	sor.u32 s1, s0  }
0xbd: {  	s0 =	sadd.s32 $0x8F2B, s0  }
0xbe: {  	[sflag:s0] =	ssyncadd.remote.s32 $0x1  }
0xbf: {  	_ =	sfence.sel $0xFFFF  }
0xc0: {  	[dreg:$0x0] =	wrdreg $0xFFFFFFFF;
	(pc) =	sbr.abs _section_cstart, $3  }
0xc1: {  	[dreg:$0x1] =	wrdreg $0xFFFFFFFF  }
0xc2: {  	_ =	task.clear_ibuf [dreg:s7], $0x2FFFF;
	_ =	strace $0x9FFFFFFF  }
0xc3: {  	(tm) =	ssettm $0x7FFFFFFF  }
tec
execute0_lowered:
.L_overlay_start_1:
0x0: {  	(tag) =	ssettag $0x1  }
0x1: {  	s0 =	rddreg [dreg:$0x0]  }
0x2: {  	s6 =	rddreg [dreg:$0x1]  }
0x3: {  	s7 =	rddreg [dreg:$0x2];
	s1 =	simm.s32 $0x0  }
0x4: {  	s26 =	simm.s32 $0x3480;
	[smem:$0x7FF] =	sst s1  }
0x5: {  	s30 =	simm.s32 $0x3500;
	_ =	strace $0x80000047;
	[dreg:$0x4] =	wrdreg s26  }
0x6: {  	s31 =	simm.s32 $0x3580;
	[dreg:$0x5] =	wrdreg s30  }
0x7: {  	s2 =	simm.s32 $0x3600;
	[dreg:$0x6] =	wrdreg s31  }
0x8: {  	s3 =	simm.s32 $0x3680;
	[dreg:$0x7] =	wrdreg s2  }
0x9: {  	s4 =	simm.s32 $0x3700;
	[dreg:$0x8] =	wrdreg s3  }
0xa: {  	s5 =	simm.s32 $0x3780;
	[dreg:$0x9] =	wrdreg s4  }
0xb: {  	s8 =	simm.s32 $0x3800;
	[dreg:$0xa] =	wrdreg s5  }
0xc: {  	s9 =	simm.s32 $0x3880;
	[dreg:$0xb] =	wrdreg s8  }
0xd: {  	s10 =	simm.s32 $0x3900;
	[dreg:$0xc] =	wrdreg s9  }
0xe: {  	s11 =	simm.s32 $0x3980;
	[dreg:$0xd] =	wrdreg s10  }
0xf: {  	s12 =	simm.s32 $0x4400;
	[dreg:$0xe] =	wrdreg s11  }
0x10: {  	s13 =	simm.s32 $0x4480;
	[dreg:$0xf] =	wrdreg s12  }
0x11: {  	s14 =	simm.s32 $0x4500;
	[dreg:$0x10] =	wrdreg s13  }
0x12: {  	s15 =	simm.s32 $0x4580;
	[dreg:$0x11] =	wrdreg s14  }
0x13: {  	s16 =	simm.s32 $0x4600;
	[dreg:$0x12] =	wrdreg s15  }
0x14: {  	s17 =	simm.s32 $0x4680;
	[dreg:$0x13] =	wrdreg s16  }
0x15: {  	s18 =	simm.s32 $0x4700;
	[dreg:$0x14] =	wrdreg s17  }
0x16: {  	s19 =	simm.s32 $0x4780;
	[dreg:$0x15] =	wrdreg s18  }
0x17: {  	s20 =	simm.s32 $0x4800;
	[dreg:$0x16] =	wrdreg s19  }
0x18: {  	s21 =	simm.s32 $0x4880;
	[dreg:$0x17] =	wrdreg s20  }
0x19: {  	s22 =	simm.s32 $0x4900;
	[dreg:$0x18] =	wrdreg s21  }
0x1a: {  	s24 =	simm.s32 $0x5480;
	[dreg:$0x19] =	wrdreg s22  }
0x1b: {  	s25 =	simm.s32 $0x5500;
	[dreg:$0x1a] =	wrdreg s24  }
0x1c: {  	[dreg:$0x1b] =	wrdreg s25;
	s26 =	simm.s32 $0x5580  }
0x1d: {  	s31 =	simm.s32 $0x5600;
	[dreg:$0x1c] =	wrdreg s26  }
0x1e: {  	s9 =	sadd.s32 $0x10000, s6;
	[dreg:$0x1d] =	wrdreg s31  }
0x1f: {  	s8 =	simm.s32 $0x5680;
	[smem:$0x7EB] =	sst s9  }
0x20: {  	s28 =	simm.s32 $0x3D00;
	s10 =	simm.s32 $0x5700;
	[dreg:$0x1e] =	wrdreg s8  }
0x21: {  	s29 =	simm.s32 $0x3F80;
	s11 =	simm.s32 $0x5780;
	[dreg:$0x1f] =	wrdreg s10  }
0x22: {  	s2 =	srdreg.scid;
	s12 =	simm.s32 $0x5800;
	[smem:$0x7ED] =	sst s11  }
0x23: {  	s3 =	stileid.u32;
	s13 =	simm.s32 $0x5880;
	[smem:$0x7EF] =	sst s12  }
0x24: {  	s17 =	simm.s32 $0x4000;
	s14 =	simm.s32 $0x5900;
	[smem:$0x7F0] =	sst s13  }
0x25: {  	s15 =	simm.s32 $0x5980;
	s16 =	simm.s32 $0x6400;
	[smem:$0x7F1] =	sst s14  }
0x26: {  	s6 =	simm.s32 $0x1;
	s18 =	simm.s32 $0x6480;
	[smem:$0x7F2] =	sst s15  }
0x27: {  	s19 =	simm.s32 $0x6500;
	s20 =	simm.s32 $0x6580;
	[smem:$0x7F3] =	sst s16  }
0x28: {  	s21 =	simm.s32 $0x6600;
	s22 =	simm.s32 $0x6680;
	[smem:$0x7F4] =	sst s18  }
0x29: {  	s24 =	simm.s32 $0x6700;
	s25 =	simm.s32 $0x6780;
	[smem:$0x7F5] =	sst s19  }
0x2a: {  	s2 =	sand.u32 $0x1, s2;
	s4 =	sshll.u32 s3, $0x1;
	[smem:$0x7F6] =	sst s20  }
0x2b: {  	p0 =	sne.s32 s3, $0x0;
	s12 =	simm.s32 $0x3400;
	[smem:$0x7F7] =	sst s21  }
0x2c: {  	s14 =	simm.s32 $0x3A00;
	s15 =	simm.s32 $0x3A80;
	[smem:$0x7F8] =	sst s22  }
0x2d: {  	s13 =	simm.s32 $0x3B00;
	s21 =	simm.s32 $0x3C00;
	[smem:$0x7F9] =	sst s24  }
0x2e: {  	s16 =	simm.s32 $0x3C80;
	[smem:$0x7FA] =	sst s25;
	s26 =	simm.s32 $0x6800  }
0x2f: {  	s18 =	simm.s32 $0x3D80;
	s31 =	simm.s32 $0x6900;
	s25 =	simm.s32 $0x3E00  }
0x30: {  	s22 =	simm.s32 $0x3E80;
	s19 =	simm.s32 $0x3F00;
	s4 =	sor.u32 s2, s4  }
0x31: {  	s23 =	ssub.s32 $0x2, s2;
	[smem:$0x7FB] =	sst s26;
	s5 =	sshll.u32 s4, $0x6  }
0x32: {  	[smem:$0x7FD] =	sst s31;
	s5 =	sadd.s32 s5, s0;
	s0 =	sadd.s32 $0xD600, s0  }
0x33: {  	s2 =	sshrl.u32 s23, $0x1;
	[smem:$0x7E8] =	sst s0;
	s30 =	sadd.s32 $0x600, s5  }
0x34: {  	s1 =	ssub.s32 s23, s2;
	s5 =	sshll.u32 s4, $0xC;
	[smem:$0x7E9] =	sst s30  }
0x35: {  	s24 =	simm.s32 $0x4100;
	s1 =	smax.u32 s1, $0x1;
	[smem:$0x7EA] =	sst s5  }
0x36: {  	s20 =	simm.s32 $0x4180;
	[smem:$0x7EC] =	sst s1;
	s1 =	sshrl.u32 @!p0 s7, $0x3  }
0x37: {  	s26 =	simm.s32 $0x4080;
	s30 =	simm.s32 $0x6880;
	[smem:$0x7EE] =	sst s1  }
0x38: {  	s23 =	simm.s32 $0x3B80;
	s2 =	simm.s32 $0x0;
	[smem:$0x7FC] =	sst s30  }
.LBB2_1:
0x39: {  	[smem:$0x7E6] =	sst s2  }
0x3a: {  	s2 =	sld [smem:$0x7E8]  }
0x3b: {  	s5 =	sld [smem:$0x7EE];
	_ =	sdelay $0x1  }
0x3c: {  	s1 =	simm.s32 @!p0 $0x1C03  }
0x3d: {  	[spmem:s5], [sflag:s1] =	dma.local @!p0 [hbm:s2], $0x6800  }
0x3e: {  	s1 =	simm.s32 @!p0 $0x3  }
0x3f: {  	_ =	swait.ge @!p0 [sflag:s1], $0x6800  }
0x40: {  	s3 =	simm.s32 $0x200;
	s11 =	sld [smem:$0x7E9]  }
0x41: {  	s10 =	simm.s32 $0x0;
	s0 =	simm.s32 $0x200;
	[sflag:s1] =	ssyncset.done @!p0 $0x0  }
0x42: {  	s30 =	simm.s32 $0x3;
	[smem:$0x7E7] =	sst s0;
	[sflag:s1] =	ssyncadd.s32 @!p0 $0xFFFF9800  }
0x43: {  	[tilespmem:s10], [sflag:$0x3] =	stream.strided.gather [hbm4b:s11+s3], $0x3400, s17, s3, $0x38;
	[tilespmem:$0x16800] =	vst v63  }
0x44: {  	_ =	swait.ge [sflag:s30], $0x3400  }
0x45: {  	[sflag:s30] =	ssyncset.done $0x0  }
0x46: {  	[sflag:s30] =	ssyncadd.s32 $0xFFFFCC00  }
0x47: {  	[bflag:$0x0] =	sbarrier.arrive $0xFFFF  }
0x48: {  	s4 =	simm.s32 $0x0;
	s3 =	simm.s32 $0x0;
	s31 =	rddreg [dreg:$0x2]  }
0x49: {  	[tilespmem:s12], [sflag:$0x1] =	stream.linear.gather [spmem:s31], $0x2000, $0x38;
	[tilespmem:$0x16800] =	vst v63  }
.LBB2_2:
0x4a: {  	_ =	swait.ge [sflag:s6], $0x2000  }
0x4b: {  	s0 =	sshllo.u32 s4, $0x1;
	[sflag:s6] =	ssyncset.done $0x0  }
0x4c: {  	s1 =	sshll.u32 s0, $0xD;
	[sflag:s6] =	ssyncadd.s32 $0xFFFFE000  }
0x4d: {  	s1 =	sand.u32 $0x3FFFE000, s1;
	s2 =	rddreg [dreg:$0x2]  }
0x4e: {  	s8 =	simm.s32 $0x5400;
	p1 =	seq.s32 s4, $0x0;
	s1 =	sadd.s32 s1, s2  }
0x4f: {  	[tilespmem:s8], [sflag:$0x1] =	stream.linear.gather [spmem:s1], $0x2000, $0x38;
	[tilespmem:$0x16800] =	vst v63  }
0x50: {  	[smem:$0x7DC] =	sst s0;
	s1 =	simm.s32 @!p1 $0x2  }
0x51: {  	_ =	swait.ge @!p1 [sflag:s1], $0x4000  }
0x52: {  	[sflag:s1] =	ssyncset.done @!p1 $0x0  }
0x53: {  	[sflag:s1] =	ssyncadd.s32 @!p1 $0xFFFFC000  }
0x54: {  	v2 =	vld [tilespmem:s3+$0x0]  }
0x55: {  	s9 =	smul.u32 $0x2AC, s4;
	_ =	sdelay $0x1  }
0x56: {  	s1 =	sshrl.u32 s9, $0x9  }
0x57: {  	s1 =	sand.u32 $0x7F, s1  }
0x58: {  	s1 =	smul.u32 $0x3, s1  }
0x59: {  	s10 =	sshll.u32 s4, $0x2;
	[smem:$0x7DD] =	sst s4  }
0x5a: {  	[smem:$0x7DE] =	sst s10;
	s1 =	ssub.s32 s10, s1  }
0x5b: {  	s1 =	sand.u32 $0xFF, s1;
	v0 =	vld.idx.msk [tilespmem:v2+s12+$0x0], $0xffff  }
0x5c: {  	s11 =	simm.s32 $0x0;
	s1 =	sshll.u32 s1, $0xE  }
0x5d: {  	s0 =	sand.u32 $0xC00, s11;
	s4 =	sadd.s32 $0x7400, s1  }
0x5e: {  	s2 =	sand.u32 $0x70, s11;
	s1 =	sadd.s32 s0, s4  }
0x5f: {  	s2 =	sadd.s32 s2, s1  }
0x60: {  	s5 =	rddreg [dreg:$0x4];
	[tilespmem:s2+$0x0] =	vst v0  }
0x61: {  	v0 =	vld.idx.msk [tilespmem:v2+s5+$0x0], $0xffff;
	_ =	sdelay $0x4  }
0x62: {  	s5 =	rddreg [dreg:$0x5];
	[tilespmem:s2+$0x80] =	vst v0  }
0x63: {  	v0 =	vld.idx.msk [tilespmem:v2+s5+$0x0], $0xffff;
	_ =	sdelay $0x4  }
0x64: {  	s6 =	rddreg [dreg:$0x6];
	[tilespmem:s2+$0x100] =	vst v0  }
0x65: {  	s0 =	sadd.s32 $0x10, s3;
	v1 =	vld.idx.msk [tilespmem:v2+s6+$0x0], $0xffff;
	[smem:$0x7DF] =	sst s3  }
0x66: {  	v0 =	vld [tilespmem:s0+$0x0];
	_ =	sdelay $0x4  }
0x67: {  	s7 =	rddreg [dreg:$0x7];
	[tilespmem:s2+$0x180] =	vst v1  }
0x68: {  	v1 =	vld.idx.msk [tilespmem:v2+s7+$0x0], $0xffff;
	_ =	sdelay $0x1  }
0x69: {  	v3 =	vld.idx.msk [tilespmem:v0+s12+$0x0], $0xffff  }
0x6a: {  	s9 =	simm.s32 $0x80  }
0x6b: {  	s11 =	simm.s32 $0x10;
	s10 =	sand.u32 $0xC00, s9  }
0x6c: {  	s1 =	sadd.s32 s10, s4;
	s5 =	sand.u32 $0x70, s11;
	s8 =	rddreg [dreg:$0x8];
	[tilespmem:s2+$0x200] =	vst v1  }
0x6d: {  	s11 =	sadd.s32 s5, s1;
	v1 =	vld.idx.msk [tilespmem:v2+s8+$0x0], $0xffff  }
0x6e: {  	s3 =	rddreg [dreg:$0x4];
	[tilespmem:s11+$0x0] =	vst v3  }
0x6f: {  	v3 =	vld.idx.msk [tilespmem:v0+s3+$0x0], $0xffff;
	_ =	sdelay $0x2  }
0x70: {  	s7 =	rddreg [dreg:$0x9];
	[tilespmem:s2+$0x280] =	vst v1  }
0x71: {  	v1 =	vld.idx.msk [tilespmem:v2+s7+$0x0], $0xffff  }
0x72: {  	s8 =	rddreg [dreg:$0x5];
	[tilespmem:s11+$0x80] =	vst v3  }
0x73: {  	v3 =	vld.idx.msk [tilespmem:v0+s8+$0x0], $0xffff;
	_ =	sdelay $0x2  }
0x74: {  	s9 =	rddreg [dreg:$0xa];
	[tilespmem:s2+$0x300] =	vst v1  }
0x75: {  	v4 =	vld.idx.msk [tilespmem:v2+s9+$0x0], $0xffff  }
0x76: {  	s10 =	rddreg [dreg:$0x6];
	[tilespmem:s11+$0x100] =	vst v3  }
0x77: {  	[smem:$0x7E0] =	sst s0  }
0x78: {  	v3 =	vld.idx.msk [tilespmem:v0+s10+$0x0], $0xffff  }
0x79: {  	s0 =	sadd.s32 $0x10, s0  }
0x7a: {  	s3 =	rddreg [dreg:$0xb];
	v1 =	vld [tilespmem:s0+$0x0];
	[tilespmem:s2+$0x380] =	vst v4  }
0x7b: {  	v4 =	vld.idx.msk [tilespmem:v2+s3+$0x0], $0xffff;
	_ =	sdelay $0x1  }
0x7c: {  	s5 =	rddreg [dreg:$0x7];
	[tilespmem:s11+$0x180] =	vst v3  }
0x7d: {  	v3 =	vld.idx.msk [tilespmem:v0+s5+$0x0], $0xffff;
	_ =	sdelay $0x1  }
0x7e: {  	s6 =	rddreg [dreg:$0xc];
	[tilespmem:s2+$0x1000] =	vst v4  }
0x7f: {  	v4 =	vld.idx.msk [tilespmem:v2+s6+$0x0], $0xffff  }
0x80: {  	v5 =	vld.idx.msk [tilespmem:v1+s12+$0x0], $0xffff  }
0x81: {  	s8 =	simm.s32 $0x100;
	s7 =	rddreg [dreg:$0x8];
	[tilespmem:s11+$0x200] =	vst v3  }
0x82: {  	s10 =	sand.u32 $0xC00, s8;
	s3 =	simm.s32 $0x20;
	v3 =	vld.idx.msk [tilespmem:v0+s7+$0x0], $0xffff  }
0x83: {  	s1 =	sadd.s32 s10, s4;
	s5 =	sand.u32 $0x70, s3  }
0x84: {  	s1 =	sadd.s32 s5, s1;
	s9 =	rddreg [dreg:$0xd];
	[tilespmem:s2+$0x1080] =	vst v4  }
0x85: {  	s7 =	rddreg [dreg:$0x4];
	[tilespmem:s1+$0x0] =	vst v5;
	v4 =	vld.idx.msk [tilespmem:v2+s9+$0x0], $0xffff  }
0x86: {  	v5 =	vld.idx.msk [tilespmem:v1+s7+$0x0], $0xffff  }
0x87: {  	s6 =	rddreg [dreg:$0x9];
	[tilespmem:s11+$0x280] =	vst v3  }
0x88: {  	v3 =	vld.idx.msk [tilespmem:v0+s6+$0x0], $0xffff;
	_ =	sdelay $0x1  }
0x89: {  	s7 =	rddreg [dreg:$0xe];
	[tilespmem:s2+$0x1100] =	vst v4  }
0x8a: {  	s8 =	rddreg [dreg:$0x5];
	[tilespmem:s1+$0x80] =	vst v5;
	v4 =	vld.idx.msk [tilespmem:v2+s7+$0x0], $0xffff  }
0x8b: {  	v5 =	vld.idx.msk [tilespmem:v1+s8+$0x0], $0xffff  }
0x8c: {  	s9 =	rddreg [dreg:$0xa];
	[tilespmem:s11+$0x300] =	vst v3  }
0x8d: {  	v3 =	vld.idx.msk [tilespmem:v0+s9+$0x0], $0xffff;
	_ =	sdelay $0x1  }
0x8e: {  	[tilespmem:s2+$0x1180] =	vst v4  }
0x8f: {  	s10 =	rddreg [dreg:$0x6];
	[tilespmem:s1+$0x100] =	vst v5;
	v4 =	vld.idx.msk [tilespmem:v2+s14+$0x0], $0xffff  }
0x90: {  	v5 =	vld.idx.msk [tilespmem:v1+s10+$0x0], $0xffff  }
0x91: {  	s3 =	rddreg [dreg:$0xb];
	[tilespmem:s11+$0x380] =	vst v3  }
0x92: {  	[smem:$0x7E1] =	sst s0  }
0x93: {  	s0 =	sadd.s32 $0x10, s0;
	v6 =	vld.idx.msk [tilespmem:v0+s3+$0x0], $0xffff  }
0x94: {  	v3 =	vld [tilespmem:s0+$0x0];
	[tilespmem:s2+$0x1200] =	vst v4  }
0x95: {  	s6 =	rddreg [dreg:$0x7];
	[tilespmem:s1+$0x180] =	vst v5;
	v4 =	vld.idx.msk [tilespmem:v2+s15+$0x0], $0xffff  }
0x96: {  	v5 =	vld.idx.msk [tilespmem:v1+s6+$0x0], $0xffff;
	_ =	sdelay $0x2  }
0x97: {  	s7 =	rddreg [dreg:$0xc];
	[tilespmem:s11+$0x1000] =	vst v6  }
0x98: {  	v6 =	vld.idx.msk [tilespmem:v0+s7+$0x0], $0xffff;
	[tilespmem:s2+$0x1280] =	vst v4  }
0x99: {  	s8 =	rddreg [dreg:$0x8];
	[tilespmem:s1+$0x200] =	vst v5;
	v4 =	vld.idx.msk [tilespmem:v2+s13+$0x0], $0xffff  }
0x9a: {  	v5 =	vld.idx.msk [tilespmem:v1+s8+$0x0], $0xffff  }
0x9b: {  	v7 =	vld.idx.msk [tilespmem:v3+s12+$0x0], $0xffff  }
0x9c: {  	s9 =	simm.s32 $0x180  }
0x9d: {  	s10 =	sand.u32 $0xC00, s9;
	s3 =	simm.s32 $0x30;
	s6 =	rddreg [dreg:$0xd];
	[tilespmem:s11+$0x1080] =	vst v6  }
0x9e: {  	s5 =	sadd.s32 s10, s4;
	s7 =	sand.u32 $0x70, s3;
	v6 =	vld.idx.msk [tilespmem:v0+s6+$0x0], $0xffff;
	[tilespmem:s2+$0x1300] =	vst v4  }
0x9f: {  	s6 =	sadd.s32 s7, s5;
	s7 =	rddreg [dreg:$0x9];
	[tilespmem:s1+$0x280] =	vst v5;
	v4 =	vld.idx.msk [tilespmem:v2+s23+$0x0], $0xffff  }
0xa0: {  	s8 =	rddreg [dreg:$0x4];
	[tilespmem:s6+$0x0] =	vst v7;
	v5 =	vld.idx.msk [tilespmem:v1+s7+$0x0], $0xffff  }
0xa1: {  	v7 =	vld.idx.msk [tilespmem:v3+s8+$0x0], $0xffff;
	_ =	sdelay $0x1  }
0xa2: {  	s9 =	rddreg [dreg:$0xe];
	[tilespmem:s11+$0x1100] =	vst v6  }
0xa3: {  	v6 =	vld.idx.msk [tilespmem:v0+s9+$0x0], $0xffff;
	[tilespmem:s2+$0x1380] =	vst v4  }
0xa4: {  	s3 =	rddreg [dreg:$0xa];
	[tilespmem:s1+$0x300] =	vst v5;
	v4 =	vld.idx.msk [tilespmem:v2+s21+$0x0], $0xffff  }
0xa5: {  	s10 =	rddreg [dreg:$0x5];
	[tilespmem:s6+$0x80] =	vst v7;
	v5 =	vld.idx.msk [tilespmem:v1+s3+$0x0], $0xffff  }
0xa6: {  	v7 =	vld.idx.msk [tilespmem:v3+s10+$0x0], $0xffff;
	_ =	sdelay $0x1  }
0xa7: {  	[tilespmem:s11+$0x1180] =	vst v6  }
0xa8: {  	[tilespmem:s2+$0x2000] =	vst v4  }
0xa9: {  	s9 =	rddreg [dreg:$0xb];
	v6 =	vld.idx.msk [tilespmem:v0+s14+$0x0], $0xffff;
	[tilespmem:s1+$0x380] =	vst v5  }
0xaa: {  	s8 =	rddreg [dreg:$0x6];
	[tilespmem:s6+$0x100] =	vst v7;
	v7 =	vld.idx.msk [tilespmem:v2+s16+$0x0], $0xffff  }
0xab: {  	v8 =	vld.idx.msk [tilespmem:v3+s8+$0x0], $0xffff;
	[smem:$0x7E2] =	sst s0  }
0xac: {  	s0 =	sadd.s32 $0x10, s0;
	v5 =	vld.idx.msk [tilespmem:v1+s9+$0x0], $0xffff  }
0xad: {  	v4 =	vld [tilespmem:s0+$0x0];
	_ =	sdelay $0x1  }
0xae: {  	[tilespmem:s11+$0x1200] =	vst v6  }
0xaf: {  	v6 =	vld.idx.msk [tilespmem:v0+s15+$0x0], $0xffff;
	[tilespmem:s2+$0x2080] =	vst v7  }
0xb0: {  	s10 =	rddreg [dreg:$0x7];
	[tilespmem:s6+$0x180] =	vst v8;
	v7 =	vld.idx.msk [tilespmem:v2+s28+$0x0], $0xffff  }
0xb1: {  	s3 =	rddreg [dreg:$0xc];
	v8 =	vld.idx.msk [tilespmem:v3+s10+$0x0], $0xffff;
	[tilespmem:s1+$0x1000] =	vst v5  }
0xb2: {  	v5 =	vld.idx.msk [tilespmem:v1+s3+$0x0], $0xffff;
	_ =	sdelay $0x1  }
0xb3: {  	[tilespmem:s11+$0x1280] =	vst v6;
	v9 =	vld.idx.msk [tilespmem:v4+s12+$0x0], $0xffff  }
0xb4: {  	s9 =	simm.s32 $0x200;
	v6 =	vld.idx.msk [tilespmem:v0+s13+$0x0], $0xffff;
	[tilespmem:s2+$0x2100] =	vst v7  }
0xb5: {  	s8 =	rddreg [dreg:$0x8];
	s10 =	sand.u32 $0xC00, s9;
	s3 =	simm.s32 $0x40;
	[tilespmem:s6+$0x200] =	vst v8;
	v7 =	vld.idx.msk [tilespmem:v2+s18+$0x0], $0xffff  }
0xb6: {  	s7 =	rddreg [dreg:$0xd];
	s5 =	sadd.s32 s10, s4;
	v8 =	vld.idx.msk [tilespmem:v3+s8+$0x0], $0xffff;
	[tilespmem:s1+$0x1080] =	vst v5;
	s8 =	sand.u32 $0x70, s3  }
0xb7: {  	v5 =	vld.idx.msk [tilespmem:v1+s7+$0x0], $0xffff;
	s7 =	sadd.s32 s8, s5  }
0xb8: {  	s10 =	rddreg [dreg:$0x4];
	[tilespmem:s7+$0x0] =	vst v9  }
0xb9: {  	[tilespmem:s11+$0x1300] =	vst v6;
	v9 =	vld.idx.msk [tilespmem:v4+s10+$0x0], $0xffff  }
0xba: {  	v6 =	vld.idx.msk [tilespmem:v0+s23+$0x0], $0xffff;
	[tilespmem:s2+$0x2180] =	vst v7  }
0xbb: {  	s9 =	rddreg [dreg:$0x9];
	[tilespmem:s6+$0x280] =	vst v8;
	v7 =	vld.idx.msk [tilespmem:v2+s25+$0x0], $0xffff  }
0xbc: {  	s10 =	rddreg [dreg:$0xe];
	v8 =	vld.idx.msk [tilespmem:v3+s9+$0x0], $0xffff;
	[tilespmem:s1+$0x1100] =	vst v5  }
0xbd: {  	v5 =	vld.idx.msk [tilespmem:v1+s10+$0x0], $0xffff  }
0xbe: {  	s3 =	rddreg [dreg:$0x5];
	[tilespmem:s7+$0x80] =	vst v9  }
0xbf: {  	[tilespmem:s11+$0x1380] =	vst v6  }
0xc0: {  	v6 =	vld.idx.msk [tilespmem:v0+s21+$0x0], $0xffff;
	[tilespmem:s2+$0x2200] =	vst v7  }
0xc1: {  	s9 =	rddreg [dreg:$0xa];
	v10 =	vld.idx.msk [tilespmem:v4+s3+$0x0], $0xffff;
	[tilespmem:s6+$0x300] =	vst v8  }
0xc2: {  	v7 =	vld.idx.msk [tilespmem:v2+s22+$0x0], $0xffff;
	[tilespmem:s1+$0x1180] =	vst v5  }
0xc3: {  	v8 =	vld.idx.msk [tilespmem:v3+s9+$0x0], $0xffff;
	[smem:$0x7E3] =	sst s0  }
0xc4: {  	s0 =	sadd.s32 $0x10, s0;
	v5 =	vld.idx.msk [tilespmem:v1+s14+$0x0], $0xffff  }
0xc5: {  	v9 =	vld [tilespmem:s0+$0x0];
	[tilespmem:s11+$0x2000] =	vst v6  }
0xc6: {  	s10 =	rddreg [dreg:$0x6];
	[tilespmem:s7+$0x100] =	vst v10;
	v6 =	vld.idx.msk [tilespmem:v0+s16+$0x0], $0xffff  }
0xc7: {  	v11 =	vld.idx.msk [tilespmem:v4+s10+$0x0], $0xffff;
	[tilespmem:s2+$0x2280] =	vst v7  }
0xc8: {  	s3 =	rddreg [dreg:$0xb];
	[tilespmem:s6+$0x380] =	vst v8;
	v7 =	vld.idx.msk [tilespmem:v2+s19+$0x0], $0xffff  }
0xc9: {  	v8 =	vld.idx.msk [tilespmem:v3+s3+$0x0], $0xffff;
	[tilespmem:s1+$0x1200] =	vst v5  }
0xca: {  	[smem:$0x7E4] =	sst s0  }
0xcb: {  	v5 =	vld.idx.msk [tilespmem:v1+s15+$0x0], $0xffff;
	[tilespmem:s11+$0x2080] =	vst v6  }
0xcc: {  	s8 =	rddreg [dreg:$0x7];
	[tilespmem:s7+$0x180] =	vst v11;
	v6 =	vld.idx.msk [tilespmem:v0+s28+$0x0], $0xffff  }
0xcd: {  	v11 =	vld.idx.msk [tilespmem:v4+s8+$0x0], $0xffff;
	[tilespmem:s2+$0x2300] =	vst v7  }
0xce: {  	s9 =	rddreg [dreg:$0xc];
	[tilespmem:s6+$0x1000] =	vst v8;
	v7 =	vld.idx.msk [tilespmem:v2+s29+$0x0], $0xffff  }
0xcf: {  	v8 =	vld.idx.msk [tilespmem:v3+s9+$0x0], $0xffff  }
0xd0: {  	v12 =	vld.idx.msk [tilespmem:v9+s12+$0x0], $0xffff;
	[tilespmem:s1+$0x1280] =	vst v5  }
0xd1: {  	s12 =	simm.s32 $0x280;
	v5 =	vld.idx.msk [tilespmem:v1+s13+$0x0], $0xffff;
	[tilespmem:s11+$0x2100] =	vst v6  }
0xd2: {  	s10 =	rddreg [dreg:$0x8];
	s8 =	simm.s32 $0x50;
	[tilespmem:s7+$0x200] =	vst v11;
	v6 =	vld.idx.msk [tilespmem:v0+s18+$0x0], $0xffff;
	s18 =	sand.u32 $0xC00, s12  }
0xd3: {  	s3 =	sand.u32 $0x70, s8;
	v11 =	vld.idx.msk [tilespmem:v4+s10+$0x0], $0xffff;
	[tilespmem:s2+$0x2380] =	vst v7;
	s5 =	sadd.s32 s18, s4  }
0xd4: {  	s13 =	rddreg [dreg:$0xd];
	[tilespmem:s6+$0x1080] =	vst v8;
	v7 =	vld.idx.msk [tilespmem:v2+s17+$0x0], $0xffff;
	s5 =	sadd.s32 s3, s5  }
0xd5: {  	s9 =	smov.u32 s4;
	s4 =	rddreg [dreg:$0x4];
	v8 =	vld.idx.msk [tilespmem:v3+s13+$0x0], $0xffff;
	[tilespmem:s5+$0x0] =	vst v12  }
0xd6: {  	[tilespmem:s1+$0x1300] =	vst v5;
	v12 =	vld.idx.msk [tilespmem:v9+s4+$0x0], $0xffff  }
0xd7: {  	v5 =	vld.idx.msk [tilespmem:v1+s23+$0x0], $0xffff;
	[tilespmem:s11+$0x2180] =	vst v6  }
0xd8: {  	s12 =	rddreg [dreg:$0x9];
	[tilespmem:s7+$0x280] =	vst v11;
	v6 =	vld.idx.msk [tilespmem:v0+s25+$0x0], $0xffff  }
0xd9: {  	v11 =	vld.idx.msk [tilespmem:v4+s12+$0x0], $0xffff;
	[tilespmem:s2+$0x3000] =	vst v7  }
0xda: {  	s13 =	rddreg [dreg:$0xe];
	[tilespmem:s6+$0x1100] =	vst v8;
	v7 =	vld.idx.msk [tilespmem:v2+s26+$0x0], $0xffff  }
0xdb: {  	s18 =	rddreg [dreg:$0x5];
	v8 =	vld.idx.msk [tilespmem:v3+s13+$0x0], $0xffff;
	[tilespmem:s5+$0x80] =	vst v12  }
0xdc: {  	[tilespmem:s1+$0x1380] =	vst v5;
	v12 =	vld.idx.msk [tilespmem:v9+s18+$0x0], $0xffff  }
0xdd: {  	v5 =	vld.idx.msk [tilespmem:v1+s21+$0x0], $0xffff;
	[tilespmem:s11+$0x2200] =	vst v6  }
0xde: {  	s23 =	rddreg [dreg:$0xa];
	[tilespmem:s7+$0x300] =	vst v11;
	v6 =	vld.idx.msk [tilespmem:v0+s22+$0x0], $0xffff  }
0xdf: {  	v11 =	vld.idx.msk [tilespmem:v4+s23+$0x0], $0xffff;
	[tilespmem:s2+$0x3080] =	vst v7  }
0xe0: {  	[tilespmem:s6+$0x1180] =	vst v8;
	v7 =	vld.idx.msk [tilespmem:v2+s24+$0x0], $0xffff  }
0xe1: {  	s30 =	simm.s32 $0x4180;
	s0 =	sadd.s32 $0x10, s0;
	s25 =	rddreg [dreg:$0x6];
	v8 =	vld.idx.msk [tilespmem:v3+s14+$0x0], $0xffff;
	[tilespmem:s5+$0x100] =	vst v12  }
0xe2: {  	s31 =	simm.s32 $0x3B00;
	v10 =	vld [tilespmem:s0+$0x0];
	s28 =	simm.s32 $0x4080;
	s29 =	simm.s32 $0x4100;
	[tilespmem:s1+$0x2000] =	vst v5  }
0xe3: {  	s10 =	sadd.s32 $0x10, s0;
	s3 =	simm.s32 $0x4300;
	s4 =	simm.s32 $0x4380;
	v19 =	vld.idx.msk [tilespmem:v9+s25+$0x0], $0xffff;
	[tilespmem:s11+$0x2280] =	vst v6  }
0xe4: {  	s12 =	simm.s32 $0x380;
	s13 =	simm.s32 $0x300;
	s26 =	rddreg [dreg:$0xb];
	v18 =	vld.idx.msk [tilespmem:v1+s16+$0x0], $0xffff;
	[tilespmem:s7+$0x380] =	vst v11  }
0xe5: {  	s18 =	simm.s32 $0x3B80;
	s21 =	simm.s32 $0x3D00;
	s23 =	simm.s32 $0x3E00;
	v16 =	vld.idx.msk [tilespmem:v0+s19+$0x0], $0xffff;
	[tilespmem:s2+$0x3100] =	vst v7  }
0xe6: {  	s22 =	simm.s32 $0x3D80;
	s24 =	simm.s32 $0x3E80;
	s14 =	rddreg [dreg:$0x7];
	v15 =	vld.idx.msk [tilespmem:v4+s26+$0x0], $0xffff;
	[tilespmem:s6+$0x1200] =	vst v8  }
0xe7: {  	v13 =	vmov v9;
	v14 =	vmov v10;
	s25 =	simm.s32 $0x3F00;
	s26 =	simm.s32 $0x3F80;
	v7 =	vmov v9;
	v17 =	vld.idx.msk [tilespmem:v2+s20+$0x0], $0xffff;
	[smem:$0x7E5] =	sst s0  }
0xe8: {  	v12 =	vmovc v3;
	v5 =	vmovc v10;
	v6 =	vmov v4;
	v11 =	vmov v1;
	s19 =	simm.s32 $0x3C00;
	s20 =	simm.s32 $0x3C80;
	v8 =	vmov v3;
	s0 =	simm.s32 $0x3A00;
	v20 =	vld.idx.msk [tilespmem:v3+s15+$0x0], $0xffff  }
.LBB2_3:
0xe9: {  	v21 =	vmovc v3;
	v3 =	vmov v4;
	v4 =	vmov v9;
	v9 =	vmov v10;
	v10 =	vld [tilespmem:s10+$0x0];
	[tilespmem:s1+$0x2080] =	vst v18  }
0xea: {  	[tilespmem:s5+$0x180] =	vst v19  }
0xeb: {  	s15 =	smov.u32 s2;
	s2 =	smov.u32 s11;
	v18 =	vld.idx.msk [tilespmem:v1+s21+$0x0], $0xffff  }
0xec: {  	s11 =	smov.u32 s1;
	s1 =	smov.u32 s6;
	s6 =	smov.u32 s7;
	v19 =	vld.idx.msk [tilespmem:v7+s14+$0x0], $0xffff;
	[tilespmem:s2+$0x2300] =	vst v16  }
0xed: {  	[tilespmem:s6+$0x1000] =	vst v15  }
0xee: {  	s16 =	rddreg [dreg:$0xc];
	v15 =	vld.idx.msk [tilespmem:v0+s26+$0x0], $0xffff  }
0xef: {  	v16 =	vld.idx.msk [tilespmem:v6+s16+$0x0], $0xffff;
	[tilespmem:s15+$0x3180] =	vst v17  }
0xf0: {  	s14 =	simm.s32 $0x4200;
	[tilespmem:s1+$0x1280] =	vst v20  }
0xf1: {  	v17 =	vld.idx.msk [tilespmem:v2+s14+$0x0], $0xffff  }
0xf2: {  	s16 =	simm.s32 $0x3400;
	v20 =	vld.idx.msk [tilespmem:v8+s31+$0x0], $0xffff  }
0xf3: {  	s7 =	smov.u32 s5;
	v22 =	vld.idx.msk [tilespmem:v5+s16+$0x0], $0xffff;
	[tilespmem:s11+$0x2100] =	vst v18  }
0xf4: {  	[tilespmem:s7+$0x200] =	vst v19  }
0xf5: {  	s5 =	rddreg [dreg:$0x8];
	v18 =	vld.idx.msk [tilespmem:v1+s22+$0x0], $0xffff  }
0xf6: {  	v19 =	vld.idx.msk [tilespmem:v7+s5+$0x0], $0xffff;
	[tilespmem:s2+$0x2380] =	vst v15  }
0xf7: {  	[tilespmem:s6+$0x1080] =	vst v16  }
0xf8: {  	s8 =	sadd.s32 $0x10, s8;
	s14 =	rddreg [dreg:$0xd];
	s5 =	sand.u32 $0xC00, s13;
	v15 =	vld.idx.msk [tilespmem:v0+s17+$0x0], $0xffff  }
0xf9: {  	s16 =	sand.u32 $0x70, s8;
	s5 =	sadd.s32 s5, s9;
	v16 =	vld.idx.msk [tilespmem:v6+s14+$0x0], $0xffff;
	[tilespmem:s15+$0x3200] =	vst v17  }
0xfa: {  	[tilespmem:s1+$0x1300] =	vst v20;
	s5 =	sadd.s32 s16, s5;
	s16 =	simm.s32 $0x4280  }
0xfb: {  	v17 =	vld.idx.msk [tilespmem:v2+s16+$0x0], $0xffff;
	[tilespmem:s5+$0x0] =	vst v22  }
0xfc: {  	s17 =	rddreg [dreg:$0x4];
	v20 =	vld.idx.msk [tilespmem:v8+s18+$0x0], $0xffff  }
0xfd: {  	v22 =	vld.idx.msk [tilespmem:v5+s17+$0x0], $0xffff;
	[tilespmem:s11+$0x2180] =	vst v18  }
0xfe: {  	[tilespmem:s7+$0x280] =	vst v19  }
0xff: {  	s14 =	rddreg [dreg:$0x9];
	v18 =	vld.idx.msk [tilespmem:v1+s23+$0x0], $0xffff  }
0x100: {  	v19 =	vld.idx.msk [tilespmem:v7+s14+$0x0], $0xffff;
	[tilespmem:s2+$0x3000] =	vst v15  }
0x101: {  	[tilespmem:s6+$0x1100] =	vst v16  }
0x102: {  	s16 =	rddreg [dreg:$0xe];
	v15 =	vld.idx.msk [tilespmem:v0+s28+$0x0], $0xffff  }
0x103: {  	v16 =	vld.idx.msk [tilespmem:v6+s16+$0x0], $0xffff;
	[tilespmem:s15+$0x3280] =	vst v17  }
0x104: {  	[tilespmem:s1+$0x1380] =	vst v20  }
0x105: {  	v17 =	vld.idx.msk [tilespmem:v2+s3+$0x0], $0xffff;
	[tilespmem:s5+$0x80] =	vst v22  }
0x106: {  	s14 =	rddreg [dreg:$0x5];
	v20 =	vld.idx.msk [tilespmem:v8+s19+$0x0], $0xffff  }
0x107: {  	v22 =	vld.idx.msk [tilespmem:v5+s14+$0x0], $0xffff;
	[tilespmem:s11+$0x2200] =	vst v18  }
0x108: {  	[tilespmem:s7+$0x300] =	vst v19  }
0x109: {  	s16 =	rddreg [dreg:$0xa];
	v23 =	vld.idx.msk [tilespmem:v1+s24+$0x0], $0xffff  }
0x10a: {  	v24 =	vld.idx.msk [tilespmem:v7+s16+$0x0], $0xffff;
	[tilespmem:s2+$0x3080] =	vst v15  }
0x10b: {  	[tilespmem:s6+$0x1180] =	vst v16  }
0x10c: {  	v25 =	vld.idx.msk [tilespmem:v0+s29+$0x0], $0xffff  }
0x10d: {  	v26 =	vld.idx.msk [tilespmem:v6+s0+$0x0], $0xffff;
	[tilespmem:s15+$0x3300] =	vst v17  }
0x10e: {  	[tilespmem:s1+$0x2000] =	vst v20  }
0x10f: {  	v27 =	vld.idx.msk [tilespmem:v2+s4+$0x0], $0xffff;
	[tilespmem:s5+$0x100] =	vst v22  }
0x110: {  	s14 =	rddreg [dreg:$0x6];
	v18 =	vld.idx.msk [tilespmem:v12+s20+$0x0], $0xffff  }
0x111: {  	v2 =	vmov v0;
	v19 =	vld.idx.msk [tilespmem:v14+s14+$0x0], $0xffff;
	[tilespmem:s11+$0x2280] =	vst v23  }
0x112: {  	p2 =	sne.s32 s12, $0xF80;
	v0 =	vmov v1;
	v1 =	vmov v8;
	v8 =	vmov v6;
	[tilespmem:s7+$0x380] =	vst v24  }
.Ltmp0:
0x113: {  	s16 =	rddreg [dreg:$0xb];
	v16 =	vld.idx.msk [tilespmem:v11+s25+$0x0], $0xffff;
	(pc) =	sbr.rel @p2 .LBB2_3-.Ltmp0, $4  }
0x114: {  	v15 =	vld.idx.msk [tilespmem:v13+s16+$0x0], $0xffff;
	[tilespmem:s2+$0x3100] =	vst v25  }
0x115: {  	[tilespmem:s6+$0x1200] =	vst v26  }
0x116: {  	s10 =	sadd.s32 $0x10, s10;
	s13 =	smov.u32 s12;
	v6 =	vmov v7;
	v7 =	vmov v5;
	s16 =	simm.s32 $0x3A80;
	v17 =	vld.idx.msk [tilespmem:v2+s30+$0x0], $0xffff  }
0x117: {  	s12 =	sadd.s32 $0x80, s12;
	s17 =	simm.s32 $0x4000;
	v5 =	vmovc v10;
	v12 =	vmovc v3;
	v14 =	vmov v10;
	s14 =	rddreg [dreg:$0x7];
	v11 =	vmov v21;
	v13 =	vmov v9;
	v20 =	vld.idx.msk [tilespmem:v8+s16+$0x0], $0xffff;
	[tilespmem:s15+$0x3380] =	vst v27  }
0x118: {  	_ =	sdelay $0x2  }
0x119: {  	[tilespmem:s11+$0x2300] =	vst v16;
	s4 =	simm.s32 $0x3F80  }
0x11a: {  	s10 =	rddreg [dreg:$0xc];
	s3 =	simm.s32 $0x3400;
	[tilespmem:s7+$0x1000] =	vst v15;
	v15 =	vld.idx.msk [tilespmem:v0+s4+$0x0], $0xffff  }
0x11b: {  	s20 =	simm.s32 $0x3B00;
	v21 =	vld.idx.msk [tilespmem:v5+s3+$0x0], $0xffff;
	[tilespmem:s6+$0x1280] =	vst v20  }
0x11c: {  	v20 =	vld.idx.msk [tilespmem:v8+s20+$0x0], $0xffff  }
0x11d: {  	s26 =	sand.u32 $0xC00, s13;
	s8 =	sadd.s32 $0x10, s8;
	v16 =	vld.idx.msk [tilespmem:v6+s10+$0x0], $0xffff  }
0x11e: {  	s8 =	sand.u32 $0x70, s8;
	s10 =	sadd.s32 s26, s9  }
0x11f: {  	s18 =	sadd.s32 s8, s10;
	[tilespmem:s11+$0x2380] =	vst v15  }
0x120: {  	s3 =	rddreg [dreg:$0x4];
	[tilespmem:s18+$0x0] =	vst v21  }
0x121: {  	[tilespmem:s6+$0x1300] =	vst v20;
	v20 =	vld.idx.msk [tilespmem:v5+s3+$0x0], $0xffff  }
0x122: {  	s12 =	rddreg [dreg:$0xd];
	[tilespmem:s7+$0x1080] =	vst v16;
	v16 =	vld.idx.msk [tilespmem:v0+s17+$0x0], $0xffff;
	_ =	sdelay $0x3  }
0x123: {  	s13 =	rddreg [dreg:$0x5];
	[tilespmem:s18+$0x80] =	vst v20  }
0x124: {  	[tilespmem:s11+$0x3000] =	vst v16;
	v16 =	vld.idx.msk [tilespmem:v5+s13+$0x0], $0xffff;
	_ =	sdelay $0x2  }
0x125: {  	[tilespmem:s1+$0x2080] =	vst v18;
	s21 =	simm.s32 $0x3D00  }
0x126: {  	[tilespmem:s5+$0x180] =	vst v19;
	v18 =	vld.idx.msk [tilespmem:v1+s21+$0x0], $0xffff  }
0x127: {  	v19 =	vld.idx.msk [tilespmem:v7+s14+$0x0], $0xffff;
	s22 =	rddreg [dreg:$0x6];
	[tilespmem:s18+$0x100] =	vst v16  }
0x128: {  	v14 =	vld.idx.msk [tilespmem:v14+s22+$0x0], $0xffff  }
0x129: {  	s0 =	simm.s32 $0x4200;
	[tilespmem:s2+$0x3180] =	vst v17  }
0x12a: {  	v17 =	vld.idx.msk [tilespmem:v2+s0+$0x0], $0xffff  }
0x12b: {  	s15 =	simm.s32 $0x3D80;
	[tilespmem:s1+$0x2100] =	vst v18  }
0x12c: {  	s25 =	rddreg [dreg:$0x8];
	[tilespmem:s5+$0x200] =	vst v19;
	v18 =	vld.idx.msk [tilespmem:v1+s15+$0x0], $0xffff  }
0x12d: {  	v19 =	vld.idx.msk [tilespmem:v7+s25+$0x0], $0xffff;
	s23 =	rddreg [dreg:$0x7];
	[tilespmem:s18+$0x180] =	vst v14  }
0x12e: {  	v14 =	vld.idx.msk [tilespmem:v5+s23+$0x0], $0xffff  }
0x12f: {  	s14 =	simm.s32 $0x4280;
	v22 =	vld.idx.msk [tilespmem:v6+s12+$0x0], $0xffff;
	[tilespmem:s2+$0x3200] =	vst v17  }
0x130: {  	s19 =	simm.s32 $0x3B80;
	v15 =	vld.idx.msk [tilespmem:v2+s14+$0x0], $0xffff  }
0x131: {  	s3 =	simm.s32 $0x3E00;
	v17 =	vld.idx.msk [tilespmem:v8+s19+$0x0], $0xffff;
	[tilespmem:s1+$0x2180] =	vst v18  }
0x132: {  	s12 =	rddreg [dreg:$0x9];
	[tilespmem:s5+$0x280] =	vst v19;
	v18 =	vld.idx.msk [tilespmem:v1+s3+$0x0], $0xffff  }
0x133: {  	v19 =	vld.idx.msk [tilespmem:v7+s12+$0x0], $0xffff;
	s24 =	rddreg [dreg:$0x8];
	[tilespmem:s18+$0x200] =	vst v14  }
0x134: {  	s10 =	rddreg [dreg:$0xe];
	v14 =	vld.idx.msk [tilespmem:v5+s24+$0x0], $0xffff;
	_ =	sdelay $0x4  }
0x135: {  	s8 =	rddreg [dreg:$0x9];
	[tilespmem:s18+$0x280] =	vst v14  }
0x136: {  	v14 =	vld.idx.msk [tilespmem:v5+s8+$0x0], $0xffff;
	_ =	sdelay $0x2  }
0x137: {  	s25 =	rddreg [dreg:$0xa];
	[tilespmem:s5+$0x300] =	vst v19  }
0x138: {  	v16 =	vld.idx.msk [tilespmem:v7+s25+$0x0], $0xffff  }
0x139: {  	s26 =	rddreg [dreg:$0xa];
	[tilespmem:s18+$0x300] =	vst v14  }
0x13a: {  	v14 =	vld.idx.msk [tilespmem:v5+s26+$0x0], $0xffff;
	_ =	sdelay $0x2  }
0x13b: {  	s13 =	rddreg [dreg:$0xb];
	[tilespmem:s5+$0x380] =	vst v16  }
0x13c: {  	v13 =	vld.idx.msk [tilespmem:v13+s13+$0x0], $0xffff  }
0x13d: {  	s22 =	rddreg [dreg:$0xb];
	[tilespmem:s18+$0x380] =	vst v14  }
0x13e: {  	v14 =	vld.idx.msk [tilespmem:v10+s22+$0x0], $0xffff;
	_ =	sdelay $0x2  }
0x13f: {  	s23 =	rddreg [dreg:$0xc];
	[tilespmem:s5+$0x1000] =	vst v13  }
0x140: {  	v13 =	vld.idx.msk [tilespmem:v7+s23+$0x0], $0xffff  }
0x141: {  	s24 =	rddreg [dreg:$0xc];
	[tilespmem:s18+$0x1000] =	vst v14  }
0x142: {  	v14 =	vld.idx.msk [tilespmem:v5+s24+$0x0], $0xffff;
	_ =	sdelay $0x2  }
0x143: {  	s25 =	rddreg [dreg:$0xd];
	[tilespmem:s5+$0x1080] =	vst v13  }
0x144: {  	v13 =	vld.idx.msk [tilespmem:v7+s25+$0x0], $0xffff  }
0x145: {  	s26 =	rddreg [dreg:$0xd];
	[tilespmem:s18+$0x1080] =	vst v14  }
0x146: {  	[tilespmem:s7+$0x1100] =	vst v22;
	v14 =	vld.idx.msk [tilespmem:v5+s26+$0x0], $0xffff  }
0x147: {  	v16 =	vld.idx.msk [tilespmem:v6+s10+$0x0], $0xffff;
	_ =	sdelay $0x1  }
0x148: {  	s13 =	rddreg [dreg:$0xe];
	[tilespmem:s5+$0x1100] =	vst v13  }
0x149: {  	v13 =	vld.idx.msk [tilespmem:v7+s13+$0x0], $0xffff  }
0x14a: {  	s22 =	rddreg [dreg:$0xe];
	[tilespmem:s18+$0x1100] =	vst v14  }
0x14b: {  	[tilespmem:s7+$0x1180] =	vst v16;
	s23 =	simm.s32 $0x3A00;
	v14 =	vld.idx.msk [tilespmem:v5+s22+$0x0], $0xffff  }
0x14c: {  	v16 =	vld.idx.msk [tilespmem:v6+s23+$0x0], $0xffff;
	_ =	sdelay $0x1  }
0x14d: {  	[tilespmem:s5+$0x1180] =	vst v13  }
0x14e: {  	v13 =	vld.idx.msk [tilespmem:v7+s23+$0x0], $0xffff  }
0x14f: {  	[tilespmem:s18+$0x1180] =	vst v14  }
0x150: {  	[tilespmem:s7+$0x1200] =	vst v16;
	v14 =	vld.idx.msk [tilespmem:v5+s23+$0x0], $0xffff  }
0x151: {  	v16 =	vld.idx.msk [tilespmem:v6+s16+$0x0], $0xffff;
	_ =	sdelay $0x1  }
0x152: {  	[tilespmem:s5+$0x1200] =	vst v13  }
0x153: {  	v13 =	vld.idx.msk [tilespmem:v7+s16+$0x0], $0xffff  }
0x154: {  	[tilespmem:s18+$0x1200] =	vst v14  }
0x155: {  	[tilespmem:s7+$0x1280] =	vst v16;
	v14 =	vld.idx.msk [tilespmem:v5+s16+$0x0], $0xffff  }
0x156: {  	v16 =	vld.idx.msk [tilespmem:v6+s20+$0x0], $0xffff;
	_ =	sdelay $0x1  }
0x157: {  	[tilespmem:s5+$0x1280] =	vst v13  }
0x158: {  	v13 =	vld.idx.msk [tilespmem:v7+s20+$0x0], $0xffff  }
0x159: {  	[tilespmem:s18+$0x1280] =	vst v14  }
0x15a: {  	[tilespmem:s7+$0x1300] =	vst v16;
	v14 =	vld.idx.msk [tilespmem:v5+s20+$0x0], $0xffff  }
0x15b: {  	v16 =	vld.idx.msk [tilespmem:v6+s19+$0x0], $0xffff  }
0x15c: {  	[tilespmem:s6+$0x1380] =	vst v17;
	s24 =	simm.s32 $0x3C00  }
0x15d: {  	v17 =	vld.idx.msk [tilespmem:v8+s24+$0x0], $0xffff;
	[tilespmem:s5+$0x1300] =	vst v13  }
0x15e: {  	v13 =	vld.idx.msk [tilespmem:v7+s19+$0x0], $0xffff  }
0x15f: {  	[tilespmem:s18+$0x1300] =	vst v14  }
0x160: {  	[tilespmem:s7+$0x1380] =	vst v16;
	v14 =	vld.idx.msk [tilespmem:v5+s19+$0x0], $0xffff  }
0x161: {  	v16 =	vld.idx.msk [tilespmem:v6+s24+$0x0], $0xffff  }
0x162: {  	s25 =	simm.s32 $0x3C80;
	[tilespmem:s6+$0x2000] =	vst v17  }
0x163: {  	v12 =	vld.idx.msk [tilespmem:v12+s25+$0x0], $0xffff;
	[tilespmem:s5+$0x1380] =	vst v13  }
0x164: {  	v13 =	vld.idx.msk [tilespmem:v7+s24+$0x0], $0xffff  }
0x165: {  	[tilespmem:s18+$0x1380] =	vst v14  }
0x166: {  	[tilespmem:s7+$0x2000] =	vst v16;
	v14 =	vld.idx.msk [tilespmem:v5+s24+$0x0], $0xffff  }
0x167: {  	v16 =	vld.idx.msk [tilespmem:v4+s25+$0x0], $0xffff  }
0x168: {  	[tilespmem:s6+$0x2080] =	vst v12  }
0x169: {  	v12 =	vld.idx.msk [tilespmem:v8+s21+$0x0], $0xffff;
	[tilespmem:s5+$0x2000] =	vst v13  }
0x16a: {  	v13 =	vld.idx.msk [tilespmem:v9+s25+$0x0], $0xffff  }
0x16b: {  	[tilespmem:s18+$0x2000] =	vst v14  }
0x16c: {  	[tilespmem:s7+$0x2080] =	vst v16;
	v14 =	vld.idx.msk [tilespmem:v10+s25+$0x0], $0xffff  }
0x16d: {  	v16 =	vld.idx.msk [tilespmem:v6+s21+$0x0], $0xffff  }
0x16e: {  	[tilespmem:s6+$0x2100] =	vst v12  }
0x16f: {  	v12 =	vld.idx.msk [tilespmem:v8+s15+$0x0], $0xffff;
	[tilespmem:s5+$0x2080] =	vst v13  }
0x170: {  	v13 =	vld.idx.msk [tilespmem:v7+s21+$0x0], $0xffff  }
0x171: {  	[tilespmem:s18+$0x2080] =	vst v14  }
0x172: {  	[tilespmem:s7+$0x2100] =	vst v16;
	v14 =	vld.idx.msk [tilespmem:v5+s21+$0x0], $0xffff  }
0x173: {  	v16 =	vld.idx.msk [tilespmem:v6+s15+$0x0], $0xffff  }
0x174: {  	[tilespmem:s6+$0x2180] =	vst v12  }
0x175: {  	v12 =	vld.idx.msk [tilespmem:v8+s3+$0x0], $0xffff;
	[tilespmem:s5+$0x2100] =	vst v13  }
0x176: {  	v13 =	vld.idx.msk [tilespmem:v7+s15+$0x0], $0xffff  }
0x177: {  	[tilespmem:s18+$0x2100] =	vst v14  }
0x178: {  	[tilespmem:s7+$0x2180] =	vst v16;
	v14 =	vld.idx.msk [tilespmem:v5+s15+$0x0], $0xffff  }
0x179: {  	[tilespmem:s1+$0x2200] =	vst v18;
	s26 =	simm.s32 $0x3E80;
	v16 =	vld.idx.msk [tilespmem:v6+s3+$0x0], $0xffff  }
0x17a: {  	v17 =	vld.idx.msk [tilespmem:v1+s26+$0x0], $0xffff;
	[tilespmem:s6+$0x2200] =	vst v12  }
0x17b: {  	v12 =	vld.idx.msk [tilespmem:v8+s26+$0x0], $0xffff;
	[tilespmem:s5+$0x2180] =	vst v13  }
0x17c: {  	v13 =	vld.idx.msk [tilespmem:v7+s3+$0x0], $0xffff  }
0x17d: {  	[tilespmem:s18+$0x2180] =	vst v14  }
0x17e: {  	[tilespmem:s7+$0x2200] =	vst v16;
	v14 =	vld.idx.msk [tilespmem:v5+s3+$0x0], $0xffff  }
0x17f: {  	s8 =	simm.s32 $0x3F00;
	[tilespmem:s1+$0x2280] =	vst v17;
	v16 =	vld.idx.msk [tilespmem:v6+s26+$0x0], $0xffff  }
0x180: {  	v11 =	vld.idx.msk [tilespmem:v11+s8+$0x0], $0xffff;
	[tilespmem:s6+$0x2280] =	vst v12  }
0x181: {  	v3 =	vld.idx.msk [tilespmem:v3+s8+$0x0], $0xffff;
	[tilespmem:s5+$0x2200] =	vst v13  }
0x182: {  	v13 =	vld.idx.msk [tilespmem:v7+s26+$0x0], $0xffff  }
0x183: {  	[tilespmem:s18+$0x2200] =	vst v14  }
0x184: {  	[tilespmem:s7+$0x2280] =	vst v16;
	v14 =	vld.idx.msk [tilespmem:v5+s26+$0x0], $0xffff  }
0x185: {  	[tilespmem:s1+$0x2300] =	vst v11;
	v4 =	vld.idx.msk [tilespmem:v4+s8+$0x0], $0xffff  }
0x186: {  	v11 =	vld.idx.msk [tilespmem:v1+s4+$0x0], $0xffff;
	[tilespmem:s6+$0x2300] =	vst v3  }
0x187: {  	v3 =	vld.idx.msk [tilespmem:v8+s4+$0x0], $0xffff;
	[tilespmem:s5+$0x2280] =	vst v13  }
0x188: {  	[tilespmem:s2+$0x3280] =	vst v15;
	s10 =	simm.s32 $0x4300;
	v9 =	vld.idx.msk [tilespmem:v9+s8+$0x0], $0xffff  }
0x189: {  	v12 =	vld.idx.msk [tilespmem:v2+s10+$0x0], $0xffff;
	[tilespmem:s18+$0x2280] =	vst v14  }
0x18a: {  	[tilespmem:s7+$0x2300] =	vst v4;
	v10 =	vld.idx.msk [tilespmem:v10+s8+$0x0], $0xffff  }
0x18b: {  	[tilespmem:s1+$0x2380] =	vst v11;
	v4 =	vld.idx.msk [tilespmem:v6+s4+$0x0], $0xffff  }
0x18c: {  	v11 =	vld.idx.msk [tilespmem:v1+s17+$0x0], $0xffff;
	[tilespmem:s6+$0x2380] =	vst v3  }
0x18d: {  	v3 =	vld.idx.msk [tilespmem:v8+s17+$0x0], $0xffff;
	[tilespmem:s5+$0x2300] =	vst v9  }
0x18e: {  	s12 =	simm.s32 $0x4380;
	[tilespmem:s2+$0x3300] =	vst v12;
	v9 =	vld.idx.msk [tilespmem:v7+s4+$0x0], $0xffff  }
0x18f: {  	v2 =	vld.idx.msk [tilespmem:v2+s12+$0x0], $0xffff;
	[tilespmem:s18+$0x2300] =	vst v10  }
0x190: {  	[tilespmem:s7+$0x2380] =	vst v4;
	v10 =	vld.idx.msk [tilespmem:v5+s4+$0x0], $0xffff  }
0x191: {  	s13 =	simm.s32 $0x4080;
	[tilespmem:s1+$0x3000] =	vst v11;
	v4 =	vld.idx.msk [tilespmem:v6+s17+$0x0], $0xffff  }
0x192: {  	v11 =	vld.idx.msk [tilespmem:v1+s13+$0x0], $0xffff;
	[tilespmem:s6+$0x3000] =	vst v3  }
0x193: {  	v3 =	vld.idx.msk [tilespmem:v8+s13+$0x0], $0xffff;
	[tilespmem:s5+$0x2380] =	vst v9  }
0x194: {  	[tilespmem:s2+$0x3380] =	vst v2;
	v9 =	vld.idx.msk [tilespmem:v7+s17+$0x0], $0xffff  }
0x195: {  	[tilespmem:s18+$0x2380] =	vst v10;
	v10 =	vld.idx.msk [tilespmem:v0+s13+$0x0], $0xffff  }
0x196: {  	[tilespmem:s7+$0x3000] =	vst v4;
	v2 =	vld.idx.msk [tilespmem:v5+s17+$0x0], $0xffff  }
0x197: {  	[tilespmem:s1+$0x3080] =	vst v11;
	s15 =	simm.s32 $0x4100;
	v4 =	vld.idx.msk [tilespmem:v6+s13+$0x0], $0xffff  }
0x198: {  	[tilespmem:s6+$0x3080] =	vst v3;
	v11 =	vld.idx.msk [tilespmem:v1+s15+$0x0], $0xffff  }
0x199: {  	v3 =	vld.idx.msk [tilespmem:v8+s15+$0x0], $0xffff;
	[tilespmem:s5+$0x3000] =	vst v9  }
0x19a: {  	v9 =	vld.idx.msk [tilespmem:v7+s13+$0x0], $0xffff;
	[tilespmem:s11+$0x3080] =	vst v10  }
0x19b: {  	[tilespmem:s18+$0x3000] =	vst v2;
	v10 =	vld.idx.msk [tilespmem:v0+s15+$0x0], $0xffff  }
0x19c: {  	[tilespmem:s7+$0x3080] =	vst v4;
	v2 =	vld.idx.msk [tilespmem:v5+s13+$0x0], $0xffff  }
0x19d: {  	s16 =	simm.s32 $0x4180;
	[tilespmem:s1+$0x3100] =	vst v11;
	v4 =	vld.idx.msk [tilespmem:v6+s15+$0x0], $0xffff  }
0x19e: {  	[tilespmem:s6+$0x3100] =	vst v3;
	v11 =	vld.idx.msk [tilespmem:v1+s16+$0x0], $0xffff  }
0x19f: {  	v3 =	vld.idx.msk [tilespmem:v8+s16+$0x0], $0xffff;
	[tilespmem:s5+$0x3080] =	vst v9  }
0x1a0: {  	v9 =	vld.idx.msk [tilespmem:v7+s15+$0x0], $0xffff;
	[tilespmem:s11+$0x3100] =	vst v10  }
0x1a1: {  	[tilespmem:s18+$0x3080] =	vst v2;
	v10 =	vld.idx.msk [tilespmem:v0+s16+$0x0], $0xffff  }
0x1a2: {  	[tilespmem:s7+$0x3100] =	vst v4;
	v2 =	vld.idx.msk [tilespmem:v5+s15+$0x0], $0xffff  }
0x1a3: {  	[tilespmem:s1+$0x3180] =	vst v11;
	v4 =	vld.idx.msk [tilespmem:v6+s16+$0x0], $0xffff  }
0x1a4: {  	[tilespmem:s6+$0x3180] =	vst v3;
	v11 =	vld.idx.msk [tilespmem:v1+s0+$0x0], $0xffff  }
0x1a5: {  	v3 =	vld.idx.msk [tilespmem:v8+s0+$0x0], $0xffff;
	[tilespmem:s5+$0x3100] =	vst v9  }
0x1a6: {  	v9 =	vld.idx.msk [tilespmem:v7+s16+$0x0], $0xffff;
	[tilespmem:s11+$0x3180] =	vst v10  }
0x1a7: {  	[tilespmem:s18+$0x3100] =	vst v2;
	v10 =	vld.idx.msk [tilespmem:v0+s0+$0x0], $0xffff  }
0x1a8: {  	[tilespmem:s7+$0x3180] =	vst v4;
	v2 =	vld.idx.msk [tilespmem:v5+s16+$0x0], $0xffff  }
0x1a9: {  	[tilespmem:s1+$0x3200] =	vst v11;
	v4 =	vld.idx.msk [tilespmem:v6+s0+$0x0], $0xffff  }
0x1aa: {  	[tilespmem:s6+$0x3200] =	vst v3;
	v11 =	vld.idx.msk [tilespmem:v1+s14+$0x0], $0xffff  }
0x1ab: {  	v3 =	vld.idx.msk [tilespmem:v8+s14+$0x0], $0xffff;
	[tilespmem:s5+$0x3180] =	vst v9  }
0x1ac: {  	v9 =	vld.idx.msk [tilespmem:v7+s0+$0x0], $0xffff;
	[tilespmem:s11+$0x3200] =	vst v10  }
0x1ad: {  	[tilespmem:s18+$0x3180] =	vst v2;
	v10 =	vld.idx.msk [tilespmem:v0+s14+$0x0], $0xffff  }
0x1ae: {  	[tilespmem:s7+$0x3200] =	vst v4;
	v2 =	vld.idx.msk [tilespmem:v5+s0+$0x0], $0xffff  }
0x1af: {  	[tilespmem:s1+$0x3280] =	vst v11;
	v4 =	vld.idx.msk [tilespmem:v6+s14+$0x0], $0xffff  }
0x1b0: {  	[tilespmem:s6+$0x3280] =	vst v3;
	v11 =	vld.idx.msk [tilespmem:v1+s10+$0x0], $0xffff  }
0x1b1: {  	v3 =	vld.idx.msk [tilespmem:v8+s10+$0x0], $0xffff;
	[tilespmem:s5+$0x3200] =	vst v9  }
0x1b2: {  	v9 =	vld.idx.msk [tilespmem:v7+s14+$0x0], $0xffff;
	[tilespmem:s11+$0x3280] =	vst v10  }
0x1b3: {  	[tilespmem:s18+$0x3200] =	vst v2;
	v10 =	vld.idx.msk [tilespmem:v0+s10+$0x0], $0xffff  }
0x1b4: {  	[tilespmem:s7+$0x3280] =	vst v4;
	v2 =	vld.idx.msk [tilespmem:v5+s14+$0x0], $0xffff  }
0x1b5: {  	[tilespmem:s1+$0x3300] =	vst v11;
	v4 =	vld.idx.msk [tilespmem:v6+s10+$0x0], $0xffff  }
0x1b6: {  	[tilespmem:s6+$0x3300] =	vst v3;
	v1 =	vld.idx.msk [tilespmem:v1+s12+$0x0], $0xffff  }
0x1b7: {  	v3 =	vld.idx.msk [tilespmem:v8+s12+$0x0], $0xffff;
	[tilespmem:s5+$0x3280] =	vst v9  }
0x1b8: {  	v9 =	vld.idx.msk [tilespmem:v7+s10+$0x0], $0xffff;
	[tilespmem:s11+$0x3300] =	vst v10  }
0x1b9: {  	[tilespmem:s18+$0x3280] =	vst v2;
	v0 =	vld.idx.msk [tilespmem:v0+s12+$0x0], $0xffff  }
0x1ba: {  	[tilespmem:s7+$0x3300] =	vst v4;
	v2 =	vld.idx.msk [tilespmem:v5+s10+$0x0], $0xffff  }
0x1bb: {  	[tilespmem:s1+$0x3380] =	vst v1;
	v4 =	vld.idx.msk [tilespmem:v6+s12+$0x0], $0xffff  }
0x1bc: {  	[tilespmem:s6+$0x3380] =	vst v3  }
0x1bd: {  	[tilespmem:s5+$0x3300] =	vst v9  }
0x1be: {  	[tilespmem:s11+$0x3380] =	vst v0  }
0x1bf: {  	[tilespmem:s18+$0x3300] =	vst v2  }
0x1c0: {  	v6 =	vld.idx.msk [tilespmem:v7+s12+$0x0], $0xffff;
	s17 =	sld [smem:$0x7DD];
	[tilespmem:s7+$0x3380] =	vst v4  }
0x1c1: {  	v0 =	vld.idx.msk [tilespmem:v5+s12+$0x0], $0xffff;
	s20 =	sld [smem:$0x7EA];
	_ =	sdelay $0x1  }
0x1c2: {  	s19 =	sshll.u32 s17, $0x15  }
0x1c3: {  	s1 =	sor.u32 s20, s19  }
0x1c4: {  	s22 =	rddreg [dreg:$0x1];
	[tilespmem:s5+$0x3380] =	vst v6;
	s21 =	sshrl.u32 s1, $0x3  }
0x1c5: {  	s23 =	simm.s32 $0x1000;
	s24 =	simm.s32 $0x20000;
	[tilespmem:s18+$0x3380] =	vst v0;
	s1 =	sadd.s32 s22, s21  }
0x1c6: {  	[hbm4b:s1+s23] =	stream.strided.scatter [tilespmem:s9], [sflag:$0x2], $0x4000, s24, s23, $0x38;
	[tilespmem:$0x16800] =	vst v63  }
0x1c7: {  	[smem:$0x7DB] =	sst s21;
	s1 =	simm.s32 @!p1 $0x2  }
0x1c8: {  	_ =	swait.ge @!p1 [sflag:s1], $0x4000  }
0x1c9: {  	s25 =	sld [smem:$0x7DF]  }
0x1ca: {  	[sflag:s1] =	ssyncset.done @!p1 $0x0  }
0x1cb: {  	s26 =	sld [smem:$0x7DE];
	[sflag:s1] =	ssyncadd.s32 @!p1 $0xFFFFC000  }
0x1cc: {  	v2 =	vld [tilespmem:s25+$0x0];
	_ =	sdelay $0x1  }
0x1cd: {  	s0 =	sor.u32 $0x1, s26  }
0x1ce: {  	s3 =	smulhi.u32 $0x55555556, s0;
	_ =	sdelay $0x1  }
0x1cf: {  	s2 =	smul.u32 $0x3, s3;
	_ =	sdelay $0x1  }
0x1d0: {  	s4 =	rddreg [dreg:$0xf];
	s1 =	ssub.s32 s0, s2  }
0x1d1: {  	s1 =	sshll.u32 s1, $0xE;
	v0 =	vld.idx.msk [tilespmem:v2+s4+$0x0], $0xffff  }
0x1d2: {  	s5 =	simm.s32 $0x0;
	s1 =	sand.u32 $0x3FFFC000, s1  }
0x1d3: {  	s6 =	sand.u32 $0xC00, s5;
	s23 =	sadd.s32 $0x7400, s1  }
0x1d4: {  	s2 =	sand.u32 $0x70, s5;
	s1 =	sadd.s32 s6, s23  }
0x1d5: {  	s6 =	sadd.s32 s2, s1  }
0x1d6: {  	s7 =	rddreg [dreg:$0x10];
	[tilespmem:s6+$0x0] =	vst v0  }
0x1d7: {  	v0 =	vld.idx.msk [tilespmem:v2+s7+$0x0], $0xffff;
	_ =	sdelay $0x4  }
0x1d8: {  	s8 =	rddreg [dreg:$0x11];
	[tilespmem:s6+$0x80] =	vst v0  }
0x1d9: {  	v0 =	vld.idx.msk [tilespmem:v2+s8+$0x0], $0xffff;
	_ =	sdelay $0x4  }
0x1da: {  	s9 =	rddreg [dreg:$0x12];
	[tilespmem:s6+$0x100] =	vst v0  }
0x1db: {  	s10 =	sld [smem:$0x7E0];
	_ =	sdelay $0x1  }
0x1dc: {  	v1 =	vld.idx.msk [tilespmem:v2+s9+$0x0], $0xffff  }
0x1dd: {  	v0 =	vld [tilespmem:s10+$0x0];
	_ =	sdelay $0x4  }
0x1de: {  	s11 =	rddreg [dreg:$0x13];
	[tilespmem:s6+$0x180] =	vst v1  }
0x1df: {  	v1 =	vld.idx.msk [tilespmem:v2+s11+$0x0], $0xffff  }
0x1e0: {  	s12 =	rddreg [dreg:$0xf]  }
0x1e1: {  	v3 =	vld.idx.msk [tilespmem:v0+s12+$0x0], $0xffff  }
0x1e2: {  	s14 =	simm.s32 $0x80  }
0x1e3: {  	s15 =	simm.s32 $0x10;
	s1 =	sand.u32 $0xC00, s14  }
0x1e4: {  	s2 =	sand.u32 $0x70, s15;
	s1 =	sadd.s32 s1, s23;
	s13 =	rddreg [dreg:$0x14];
	[tilespmem:s6+$0x200] =	vst v1  }
0x1e5: {  	s11 =	sadd.s32 s2, s1;
	v1 =	vld.idx.msk [tilespmem:v2+s13+$0x0], $0xffff  }
0x1e6: {  	s16 =	rddreg [dreg:$0x10];
	[tilespmem:s11+$0x0] =	vst v3  }
0x1e7: {  	v3 =	vld.idx.msk [tilespmem:v0+s16+$0x0], $0xffff;
	_ =	sdelay $0x2  }
0x1e8: {  	s17 =	rddreg [dreg:$0x15];
	[tilespmem:s6+$0x280] =	vst v1  }
0x1e9: {  	v1 =	vld.idx.msk [tilespmem:v2+s17+$0x0], $0xffff  }
0x1ea: {  	s18 =	rddreg [dreg:$0x11];
	[tilespmem:s11+$0x80] =	vst v3  }
0x1eb: {  	v3 =	vld.idx.msk [tilespmem:v0+s18+$0x0], $0xffff;
	_ =	sdelay $0x2  }
0x1ec: {  	s19 =	rddreg [dreg:$0x16];
	[tilespmem:s6+$0x300] =	vst v1  }
0x1ed: {  	v4 =	vld.idx.msk [tilespmem:v2+s19+$0x0], $0xffff  }
0x1ee: {  	s20 =	rddreg [dreg:$0x12];
	[tilespmem:s11+$0x100] =	vst v3  }
0x1ef: {  	v3 =	vld.idx.msk [tilespmem:v0+s20+$0x0], $0xffff;
	s22 =	sld [smem:$0x7E1];
	_ =	sdelay $0x2  }
0x1f0: {  	s21 =	rddreg [dreg:$0x17];
	[tilespmem:s6+$0x380] =	vst v4;
	v1 =	vld [tilespmem:s22+$0x0]  }
0x1f1: {  	v4 =	vld.idx.msk [tilespmem:v2+s21+$0x0], $0xffff  }
0x1f2: {  	s24 =	rddreg [dreg:$0x13];
	[tilespmem:s11+$0x180] =	vst v3  }
0x1f3: {  	v3 =	vld.idx.msk [tilespmem:v0+s24+$0x0], $0xffff;
	_ =	sdelay $0x2  }
0x1f4: {  	s25 =	rddreg [dreg:$0x18];
	[tilespmem:s6+$0x1000] =	vst v4  }
0x1f5: {  	s26 =	rddreg [dreg:$0xf];
	v4 =	vld.idx.msk [tilespmem:v2+s25+$0x0], $0xffff  }
0x1f6: {  	s0 =	rddreg [dreg:$0x14];
	v5 =	vld.idx.msk [tilespmem:v1+s26+$0x0], $0xffff;
	[tilespmem:s11+$0x200] =	vst v3  }
0x1f7: {  	s3 =	simm.s32 $0x100;
	v3 =	vld.idx.msk [tilespmem:v0+s0+$0x0], $0xffff  }
0x1f8: {  	s7 =	simm.s32 $0x20;
	s1 =	sand.u32 $0xC00, s3  }
0x1f9: {  	s2 =	sand.u32 $0x70, s7;
	s1 =	sadd.s32 s1, s23  }
0x1fa: {  	s1 =	sadd.s32 s2, s1;
	s4 =	rddreg [dreg:$0x19];
	[tilespmem:s6+$0x1080] =	vst v4  }
0x1fb: {  	s8 =	rddreg [dreg:$0x10];
	v4 =	vld.idx.msk [tilespmem:v2+s4+$0x0], $0xffff;
	[tilespmem:s1+$0x0] =	vst v5  }
0x1fc: {  	s9 =	rddreg [dreg:$0x15];
	v5 =	vld.idx.msk [tilespmem:v1+s8+$0x0], $0xffff;
	[tilespmem:s11+$0x280] =	vst v3  }
0x1fd: {  	v3 =	vld.idx.msk [tilespmem:v0+s9+$0x0], $0xffff;
	_ =	sdelay $0x2  }
0x1fe: {  	s16 =	simm.s32 $0x4980;
	[tilespmem:s6+$0x1100] =	vst v4  }
0x1ff: {  	s10 =	rddreg [dreg:$0x11];
	v4 =	vld.idx.msk [tilespmem:v2+s16+$0x0], $0xffff;
	[tilespmem:s1+$0x80] =	vst v5  }
0x200: {  	s12 =	rddreg [dreg:$0x16];
	v5 =	vld.idx.msk [tilespmem:v1+s10+$0x0], $0xffff;
	[tilespmem:s11+$0x300] =	vst v3  }
0x201: {  	v3 =	vld.idx.msk [tilespmem:v0+s12+$0x0], $0xffff;
	_ =	sdelay $0x2  }
0x202: {  	s15 =	simm.s32 $0x4A00;
	[tilespmem:s6+$0x1180] =	vst v4  }
0x203: {  	s13 =	rddreg [dreg:$0x12];
	v4 =	vld.idx.msk [tilespmem:v2+s15+$0x0], $0xffff;
	[tilespmem:s1+$0x100] =	vst v5  }
0x204: {  	s14 =	rddreg [dreg:$0x17];
	[tilespmem:s11+$0x380] =	vst v3  }
0x205: {  	v5 =	vld.idx.msk [tilespmem:v1+s13+$0x0], $0xffff;
	s17 =	sld [smem:$0x7E2];
	_ =	sdelay $0x1  }
0x206: {  	v6 =	vld.idx.msk [tilespmem:v0+s14+$0x0], $0xffff  }
0x207: {  	s19 =	simm.s32 $0x4A80;
	[tilespmem:s6+$0x1200] =	vst v4;
	v3 =	vld [tilespmem:s17+$0x0]  }
0x208: {  	v4 =	vld.idx.msk [tilespmem:v2+s19+$0x0], $0xffff  }
0x209: {  	s18 =	rddreg [dreg:$0x13];
	[tilespmem:s1+$0x180] =	vst v5  }
0x20a: {  	v5 =	vld.idx.msk [tilespmem:v1+s18+$0x0], $0xffff;
	_ =	sdelay $0x1  }
0x20b: {  	s20 =	rddreg [dreg:$0x18];
	[tilespmem:s11+$0x1000] =	vst v6  }
0x20c: {  	s12 =	simm.s32 $0x4B00;
	v6 =	vld.idx.msk [tilespmem:v0+s20+$0x0], $0xffff;
	[tilespmem:s6+$0x1280] =	vst v4  }
0x20d: {  	s21 =	rddreg [dreg:$0xf];
	v4 =	vld.idx.msk [tilespmem:v2+s12+$0x0], $0xffff  }
0x20e: {  	s22 =	rddreg [dreg:$0x14];
	[tilespmem:s1+$0x200] =	vst v5;
	v7 =	vld.idx.msk [tilespmem:v3+s21+$0x0], $0xffff  }
0x20f: {  	s25 =	simm.s32 $0x180;
	v5 =	vld.idx.msk [tilespmem:v1+s22+$0x0], $0xffff  }
0x210: {  	s26 =	sand.u32 $0xC00, s25;
	s0 =	simm.s32 $0x30  }
0x211: {  	s5 =	sadd.s32 s26, s23;
	s7 =	sand.u32 $0x70, s0;
	s24 =	rddreg [dreg:$0x19];
	[tilespmem:s11+$0x1080] =	vst v6  }
0x212: {  	s2 =	sadd.s32 s7, s5;
	s17 =	simm.s32 $0x4B80;
	v6 =	vld.idx.msk [tilespmem:v0+s24+$0x0], $0xffff;
	[tilespmem:s6+$0x1300] =	vst v4  }
0x213: {  	s3 =	rddreg [dreg:$0x10];
	v4 =	vld.idx.msk [tilespmem:v2+s17+$0x0], $0xffff;
	[tilespmem:s2+$0x0] =	vst v7  }
0x214: {  	s4 =	rddreg [dreg:$0x15];
	[tilespmem:s1+$0x280] =	vst v5;
	v7 =	vld.idx.msk [tilespmem:v3+s3+$0x0], $0xffff  }
0x215: {  	v5 =	vld.idx.msk [tilespmem:v1+s4+$0x0], $0xffff;
	_ =	sdelay $0x1  }
0x216: {  	[tilespmem:s11+$0x1100] =	vst v6  }
0x217: {  	s21 =	simm.s32 $0x4C00;
	v6 =	vld.idx.msk [tilespmem:v0+s16+$0x0], $0xffff;
	[tilespmem:s6+$0x1380] =	vst v4  }
0x218: {  	s7 =	rddreg [dreg:$0x11];
	v4 =	vld.idx.msk [tilespmem:v2+s21+$0x0], $0xffff;
	[tilespmem:s2+$0x80] =	vst v7  }
0x219: {  	s8 =	rddreg [dreg:$0x16];
	[tilespmem:s1+$0x300] =	vst v5;
	v7 =	vld.idx.msk [tilespmem:v3+s7+$0x0], $0xffff  }
0x21a: {  	v5 =	vld.idx.msk [tilespmem:v1+s8+$0x0], $0xffff;
	_ =	sdelay $0x1  }
0x21b: {  	[tilespmem:s11+$0x1180] =	vst v6  }
0x21c: {  	[tilespmem:s6+$0x2000] =	vst v4  }
0x21d: {  	s9 =	rddreg [dreg:$0x12];
	v6 =	vld.idx.msk [tilespmem:v0+s15+$0x0], $0xffff;
	[tilespmem:s2+$0x100] =	vst v7  }
0x21e: {  	s19 =	simm.s32 $0x4C80;
	s10 =	rddreg [dreg:$0x17];
	[tilespmem:s1+$0x380] =	vst v5  }
0x21f: {  	v7 =	vld.idx.msk [tilespmem:v2+s19+$0x0], $0xffff;
	s13 =	sld [smem:$0x7E3]  }
0x220: {  	v8 =	vld.idx.msk [tilespmem:v3+s9+$0x0], $0xffff  }
0x221: {  	v5 =	vld.idx.msk [tilespmem:v1+s10+$0x0], $0xffff  }
0x222: {  	s0 =	simm.s32 $0x4A80;
	[tilespmem:s11+$0x1200] =	vst v6;
	v4 =	vld [tilespmem:s13+$0x0]  }
0x223: {  	v6 =	vld.idx.msk [tilespmem:v0+s0+$0x0], $0xffff  }
0x224: {  	s3 =	simm.s32 $0x4D00;
	[tilespmem:s6+$0x2080] =	vst v7  }
0x225: {  	s14 =	rddreg [dreg:$0x13];
	[tilespmem:s2+$0x180] =	vst v8;
	v7 =	vld.idx.msk [tilespmem:v2+s3+$0x0], $0xffff  }
0x226: {  	s18 =	rddreg [dreg:$0x18];
	[tilespmem:s1+$0x1000] =	vst v5;
	v8 =	vld.idx.msk [tilespmem:v3+s14+$0x0], $0xffff  }
0x227: {  	v5 =	vld.idx.msk [tilespmem:v1+s18+$0x0], $0xffff  }
0x228: {  	[tilespmem:s11+$0x1280] =	vst v6  }
0x229: {  	s20 =	rddreg [dreg:$0xf];
	v6 =	vld.idx.msk [tilespmem:v0+s12+$0x0], $0xffff  }
0x22a: {  	s13 =	simm.s32 $0x4D80;
	[tilespmem:s6+$0x2100] =	vst v7;
	v9 =	vld.idx.msk [tilespmem:v4+s20+$0x0], $0xffff  }
0x22b: {  	s25 =	simm.s32 $0x200;
	s22 =	rddreg [dreg:$0x14];
	[tilespmem:s2+$0x200] =	vst v8;
	v7 =	vld.idx.msk [tilespmem:v2+s13+$0x0], $0xffff  }
0x22c: {  	s26 =	sand.u32 $0xC00, s25;
	s4 =	simm.s32 $0x40;
	s24 =	rddreg [dreg:$0x19];
	[tilespmem:s1+$0x1080] =	vst v5;
	v8 =	vld.idx.msk [tilespmem:v3+s22+$0x0], $0xffff  }
0x22d: {  	s8 =	sand.u32 $0x70, s4;
	s7 =	sadd.s32 s26, s23;
	v5 =	vld.idx.msk [tilespmem:v1+s24+$0x0], $0xffff  }
0x22e: {  	s7 =	sadd.s32 s8, s7;
	[tilespmem:s11+$0x1300] =	vst v6  }
0x22f: {  	s9 =	rddreg [dreg:$0x10];
	v6 =	vld.idx.msk [tilespmem:v0+s17+$0x0], $0xffff;
	[tilespmem:s7+$0x0] =	vst v9  }
0x230: {  	s22 =	simm.s32 $0x4E00;
	[tilespmem:s6+$0x2180] =	vst v7;
	v9 =	vld.idx.msk [tilespmem:v4+s9+$0x0], $0xffff  }
0x231: {  	s14 =	rddreg [dreg:$0x15];
	[tilespmem:s2+$0x280] =	vst v8;
	v7 =	vld.idx.msk [tilespmem:v2+s22+$0x0], $0xffff  }
0x232: {  	[tilespmem:s1+$0x1100] =	vst v5;
	v8 =	vld.idx.msk [tilespmem:v3+s14+$0x0], $0xffff  }
0x233: {  	v5 =	vld.idx.msk [tilespmem:v1+s16+$0x0], $0xffff  }
0x234: {  	[tilespmem:s11+$0x1380] =	vst v6  }
0x235: {  	s18 =	rddreg [dreg:$0x11];
	v6 =	vld.idx.msk [tilespmem:v0+s21+$0x0], $0xffff;
	[tilespmem:s7+$0x80] =	vst v9  }
0x236: {  	s26 =	simm.s32 $0x4E80;
	[tilespmem:s6+$0x2200] =	vst v7;
	v10 =	vld.idx.msk [tilespmem:v4+s18+$0x0], $0xffff  }
0x237: {  	s20 =	rddreg [dreg:$0x16];
	[tilespmem:s2+$0x300] =	vst v8;
	v7 =	vld.idx.msk [tilespmem:v2+s26+$0x0], $0xffff  }
0x238: {  	[tilespmem:s1+$0x1180] =	vst v5;
	v8 =	vld.idx.msk [tilespmem:v3+s20+$0x0], $0xffff  }
0x239: {  	v5 =	vld.idx.msk [tilespmem:v1+s15+$0x0], $0xffff;
	s25 =	sld [smem:$0x7E4]  }
0x23a: {  	[tilespmem:s11+$0x2000] =	vst v6  }
0x23b: {  	s24 =	rddreg [dreg:$0x12];
	v6 =	vld.idx.msk [tilespmem:v0+s19+$0x0], $0xffff;
	[tilespmem:s7+$0x100] =	vst v10  }
0x23c: {  	v9 =	vld [tilespmem:s25+$0x0];
	[tilespmem:s6+$0x2280] =	vst v7  }
0x23d: {  	s29 =	simm.s32 $0x4F00;
	s4 =	rddreg [dreg:$0x17];
	v11 =	vld.idx.msk [tilespmem:v4+s24+$0x0], $0xffff;
	[tilespmem:s2+$0x380] =	vst v8  }
0x23e: {  	v7 =	vld.idx.msk [tilespmem:v2+s29+$0x0], $0xffff;
	[tilespmem:s1+$0x1200] =	vst v5  }
0x23f: {  	v8 =	vld.idx.msk [tilespmem:v3+s4+$0x0], $0xffff;
	s14 =	sld [smem:$0x7E5]  }
0x240: {  	v5 =	vld.idx.msk [tilespmem:v1+s0+$0x0], $0xffff;
	[tilespmem:s11+$0x2080] =	vst v6  }
0x241: {  	v6 =	vld.idx.msk [tilespmem:v0+s3+$0x0], $0xffff  }
0x242: {  	s8 =	rddreg [dreg:$0x13];
	v10 =	vld [tilespmem:s14+$0x0];
	[tilespmem:s7+$0x180] =	vst v11  }
0x243: {  	s10 =	simm.s32 $0x4F80;
	[tilespmem:s6+$0x2300] =	vst v7;
	v11 =	vld.idx.msk [tilespmem:v4+s8+$0x0], $0xffff  }
0x244: {  	s9 =	rddreg [dreg:$0x18];
	[tilespmem:s2+$0x1000] =	vst v8;
	v7 =	vld.idx.msk [tilespmem:v2+s10+$0x0], $0xffff  }
0x245: {  	s18 =	rddreg [dreg:$0xf];
	v8 =	vld.idx.msk [tilespmem:v3+s9+$0x0], $0xffff  }
0x246: {  	[tilespmem:s1+$0x1280] =	vst v5;
	v12 =	vld.idx.msk [tilespmem:v9+s18+$0x0], $0xffff  }
0x247: {  	s25 =	simm.s32 $0x280;
	v5 =	vld.idx.msk [tilespmem:v1+s12+$0x0], $0xffff;
	[tilespmem:s11+$0x2100] =	vst v6  }
0x248: {  	s5 =	sand.u32 $0xC00, s25;
	s20 =	rddreg [dreg:$0x14];
	s8 =	simm.s32 $0x50;
	v6 =	vld.idx.msk [tilespmem:v0+s13+$0x0], $0xffff;
	[tilespmem:s7+$0x200] =	vst v11  }
0x249: {  	s5 =	sadd.s32 s5, s23;
	s12 =	simm.s32 $0x5000;
	s13 =	sand.u32 $0x70, s8;
	[tilespmem:s6+$0x2380] =	vst v7;
	v11 =	vld.idx.msk [tilespmem:v4+s20+$0x0], $0xffff  }
0x24a: {  	s0 =	rddreg [dreg:$0x19];
	s5 =	sadd.s32 s13, s5;
	[tilespmem:s2+$0x1080] =	vst v8;
	v7 =	vld.idx.msk [tilespmem:v2+s12+$0x0], $0xffff  }
0x24b: {  	s18 =	rddreg [dreg:$0x10];
	[tilespmem:s5+$0x0] =	vst v12;
	v8 =	vld.idx.msk [tilespmem:v3+s0+$0x0], $0xffff  }
0x24c: {  	[tilespmem:s1+$0x1300] =	vst v5;
	v12 =	vld.idx.msk [tilespmem:v9+s18+$0x0], $0xffff  }
0x24d: {  	v5 =	vld.idx.msk [tilespmem:v1+s17+$0x0], $0xffff;
	[tilespmem:s11+$0x2180] =	vst v6  }
0x24e: {  	s9 =	smov.u32 s23;
	s23 =	rddreg [dreg:$0x15];
	v6 =	vld.idx.msk [tilespmem:v0+s22+$0x0], $0xffff;
	[tilespmem:s7+$0x280] =	vst v11  }
0x24f: {  	s25 =	simm.s32 $0x5080;
	[tilespmem:s6+$0x3000] =	vst v7;
	v11 =	vld.idx.msk [tilespmem:v4+s23+$0x0], $0xffff  }
0x250: {  	[tilespmem:s2+$0x1100] =	vst v8;
	v7 =	vld.idx.msk [tilespmem:v2+s25+$0x0], $0xffff  }
0x251: {  	s12 =	rddreg [dreg:$0x11];
	[tilespmem:s5+$0x80] =	vst v12;
	v8 =	vld.idx.msk [tilespmem:v3+s16+$0x0], $0xffff  }
0x252: {  	[tilespmem:s1+$0x1380] =	vst v5;
	v12 =	vld.idx.msk [tilespmem:v9+s12+$0x0], $0xffff  }
0x253: {  	v5 =	vld.idx.msk [tilespmem:v1+s21+$0x0], $0xffff;
	[tilespmem:s11+$0x2200] =	vst v6  }
0x254: {  	s13 =	rddreg [dreg:$0x16];
	v6 =	vld.idx.msk [tilespmem:v0+s26+$0x0], $0xffff;
	[tilespmem:s7+$0x300] =	vst v11  }
0x255: {  	s16 =	simm.s32 $0x5100;
	[tilespmem:s6+$0x3080] =	vst v7;
	v11 =	vld.idx.msk [tilespmem:v4+s13+$0x0], $0xffff  }
0x256: {  	s31 =	simm.s32 $0x4E00;
	s30 =	simm.s32 $0x4980;
	s28 =	simm.s32 $0x4C00;
	[tilespmem:s2+$0x1180] =	vst v8;
	v7 =	vld.idx.msk [tilespmem:v2+s16+$0x0], $0xffff  }
0x257: {  	s24 =	simm.s32 $0x4D80;
	s4 =	simm.s32 $0x4A80;
	s17 =	rddreg [dreg:$0x12];
	[tilespmem:s5+$0x100] =	vst v12;
	v8 =	vld.idx.msk [tilespmem:v3+s15+$0x0], $0xffff  }
0x258: {  	s3 =	simm.s32 $0x4B80;
	s10 =	sadd.s32 $0x10, s14;
	s20 =	simm.s32 $0x5000;
	[tilespmem:s1+$0x2000] =	vst v5;
	v20 =	vld.idx.msk [tilespmem:v9+s17+$0x0], $0xffff  }
0x259: {  	s0 =	simm.s32 $0x5080;
	s22 =	simm.s32 $0x4F00;
	s23 =	simm.s32 $0x4E80;
	v15 =	vld.idx.msk [tilespmem:v1+s19+$0x0], $0xffff;
	[tilespmem:s11+$0x2280] =	vst v6  }
0x25a: {  	s25 =	simm.s32 $0x5100;
	s12 =	simm.s32 $0x380;
	s18 =	rddreg [dreg:$0x17];
	v13 =	vld.idx.msk [tilespmem:v0+s29+$0x0], $0xffff;
	[tilespmem:s7+$0x380] =	vst v11  }
0x25b: {  	s21 =	simm.s32 $0x5180;
	s26 =	simm.s32 $0x4C80;
	s13 =	simm.s32 $0x300;
	[tilespmem:s6+$0x3100] =	vst v7;
	v19 =	vld.idx.msk [tilespmem:v4+s18+$0x0], $0xffff  }
0x25c: {  	v14 =	vmov v9;
	v17 =	vmov v10;
	s14 =	rddreg [dreg:$0x13];
	s19 =	simm.s32 $0x5280;
	s29 =	simm.s32 $0x5380;
	v7 =	vmov v9;
	[tilespmem:s2+$0x1200] =	vst v8;
	v16 =	vld.idx.msk [tilespmem:v2+s21+$0x0], $0xffff  }
0x25d: {  	v12 =	vmovc v3;
	v5 =	vmovc v10;
	v6 =	vmov v4;
	v11 =	vmov v1;
	s18 =	simm.s32 $0x5180;
	v8 =	vmov v3;
	s21 =	simm.s32 $0x5300;
	v18 =	vld.idx.msk [tilespmem:v3+s4+$0x0], $0xffff;
	s4 =	simm.s32 $0x5200  }
.LBB2_5:
0x25e: {  	v21 =	vmovc v3;
	v3 =	vmov v4;
	v4 =	vmov v9;
	v9 =	vmov v10;
	v10 =	vld [tilespmem:s10+$0x0];
	[tilespmem:s1+$0x2080] =	vst v15  }
0x25f: {  	s17 =	simm.s32 $0x4D00;
	[tilespmem:s5+$0x180] =	vst v20  }
0x260: {  	s15 =	smov.u32 s6;
	s6 =	smov.u32 s11;
	v15 =	vld.idx.msk [tilespmem:v1+s17+$0x0], $0xffff  }
0x261: {  	s11 =	smov.u32 s1;
	s1 =	smov.u32 s2;
	s2 =	smov.u32 s7;
	v20 =	vld.idx.msk [tilespmem:v7+s14+$0x0], $0xffff;
	[tilespmem:s6+$0x2300] =	vst v13  }
0x262: {  	[tilespmem:s2+$0x1000] =	vst v19;
	s14 =	simm.s32 $0x4F80  }
0x263: {  	s16 =	rddreg [dreg:$0x18];
	v13 =	vld.idx.msk [tilespmem:v0+s14+$0x0], $0xffff  }
0x264: {  	v19 =	vld.idx.msk [tilespmem:v6+s16+$0x0], $0xffff;
	[tilespmem:s15+$0x3180] =	vst v16  }
0x265: {  	[tilespmem:s1+$0x1280] =	vst v18  }
0x266: {  	s17 =	simm.s32 $0x4B00;
	v16 =	vld.idx.msk [tilespmem:v2+s4+$0x0], $0xffff  }
0x267: {  	s7 =	smov.u32 s5;
	s5 =	rddreg [dreg:$0xf];
	v18 =	vld.idx.msk [tilespmem:v8+s17+$0x0], $0xffff  }
0x268: {  	v22 =	vld.idx.msk [tilespmem:v5+s5+$0x0], $0xffff;
	[tilespmem:s11+$0x2100] =	vst v15  }
0x269: {  	[tilespmem:s7+$0x200] =	vst v20  }
0x26a: {  	s14 =	rddreg [dreg:$0x14];
	v15 =	vld.idx.msk [tilespmem:v1+s24+$0x0], $0xffff  }
0x26b: {  	v20 =	vld.idx.msk [tilespmem:v7+s14+$0x0], $0xffff;
	[tilespmem:s6+$0x2380] =	vst v13  }
0x26c: {  	[tilespmem:s2+$0x1080] =	vst v19  }
0x26d: {  	s8 =	sadd.s32 $0x10, s8;
	s5 =	rddreg [dreg:$0x19];
	s17 =	sand.u32 $0xC00, s13;
	v13 =	vld.idx.msk [tilespmem:v0+s20+$0x0], $0xffff  }
0x26e: {  	s16 =	sand.u32 $0x70, s8;
	s14 =	sadd.s32 s17, s9;
	v19 =	vld.idx.msk [tilespmem:v6+s5+$0x0], $0xffff;
	[tilespmem:s15+$0x3200] =	vst v16  }
0x26f: {  	s5 =	sadd.s32 s16, s14;
	[tilespmem:s1+$0x1300] =	vst v18  }
0x270: {  	v16 =	vld.idx.msk [tilespmem:v2+s19+$0x0], $0xffff;
	[tilespmem:s5+$0x0] =	vst v22  }
0x271: {  	s17 =	rddreg [dreg:$0x10];
	v18 =	vld.idx.msk [tilespmem:v8+s3+$0x0], $0xffff  }
0x272: {  	v22 =	vld.idx.msk [tilespmem:v5+s17+$0x0], $0xffff;
	[tilespmem:s11+$0x2180] =	vst v15  }
0x273: {  	[tilespmem:s7+$0x280] =	vst v20  }
0x274: {  	s16 =	rddreg [dreg:$0x15];
	v15 =	vld.idx.msk [tilespmem:v1+s31+$0x0], $0xffff  }
0x275: {  	v20 =	vld.idx.msk [tilespmem:v7+s16+$0x0], $0xffff;
	[tilespmem:s6+$0x3000] =	vst v13  }
0x276: {  	[tilespmem:s2+$0x1100] =	vst v19  }
0x277: {  	v13 =	vld.idx.msk [tilespmem:v0+s0+$0x0], $0xffff  }
0x278: {  	v19 =	vld.idx.msk [tilespmem:v6+s30+$0x0], $0xffff;
	[tilespmem:s15+$0x3280] =	vst v16  }
0x279: {  	[tilespmem:s1+$0x1380] =	vst v18  }
0x27a: {  	v16 =	vld.idx.msk [tilespmem:v2+s21+$0x0], $0xffff;
	[tilespmem:s5+$0x80] =	vst v22  }
0x27b: {  	s14 =	rddreg [dreg:$0x11];
	v18 =	vld.idx.msk [tilespmem:v8+s28+$0x0], $0xffff  }
0x27c: {  	v22 =	vld.idx.msk [tilespmem:v5+s14+$0x0], $0xffff;
	[tilespmem:s11+$0x2200] =	vst v15  }
0x27d: {  	[tilespmem:s7+$0x300] =	vst v20  }
0x27e: {  	s16 =	rddreg [dreg:$0x16];
	v23 =	vld.idx.msk [tilespmem:v1+s23+$0x0], $0xffff  }
0x27f: {  	v24 =	vld.idx.msk [tilespmem:v7+s16+$0x0], $0xffff;
	[tilespmem:s6+$0x3080] =	vst v13  }
0x280: {  	[tilespmem:s2+$0x1180] =	vst v19  }
0x281: {  	s17 =	simm.s32 $0x4A00;
	v25 =	vld.idx.msk [tilespmem:v0+s25+$0x0], $0xffff  }
0x282: {  	v26 =	vld.idx.msk [tilespmem:v6+s17+$0x0], $0xffff;
	[tilespmem:s15+$0x3300] =	vst v16  }
0x283: {  	[tilespmem:s1+$0x2000] =	vst v18  }
0x284: {  	v27 =	vld.idx.msk [tilespmem:v2+s29+$0x0], $0xffff;
	[tilespmem:s5+$0x100] =	vst v22  }
0x285: {  	s14 =	rddreg [dreg:$0x12];
	v15 =	vld.idx.msk [tilespmem:v12+s26+$0x0], $0xffff  }
0x286: {  	v2 =	vmov v0;
	v20 =	vld.idx.msk [tilespmem:v17+s14+$0x0], $0xffff;
	[tilespmem:s11+$0x2280] =	vst v23  }
0x287: {  	p1 =	sne.s32 s12, $0xF80;
	v0 =	vmov v1;
	v1 =	vmov v8;
	v8 =	vmov v6;
	[tilespmem:s7+$0x380] =	vst v24  }
.Ltmp1:
0x288: {  	s16 =	rddreg [dreg:$0x17];
	v13 =	vld.idx.msk [tilespmem:v11+s22+$0x0], $0xffff;
	(pc) =	sbr.rel @p1 .LBB2_5-.Ltmp1, $4  }
0x289: {  	v19 =	vld.idx.msk [tilespmem:v14+s16+$0x0], $0xffff;
	[tilespmem:s6+$0x3100] =	vst v25  }
0x28a: {  	[tilespmem:s2+$0x1200] =	vst v26  }
0x28b: {  	s10 =	sadd.s32 $0x10, s10;
	v6 =	vmov v7;
	v7 =	vmov v5;
	s16 =	simm.s32 $0x4A80;
	v16 =	vld.idx.msk [tilespmem:v2+s18+$0x0], $0xffff  }
0x28c: {  	s13 =	smov.u32 s12;
	s12 =	sadd.s32 $0x80, s12;
	v5 =	vmovc v10;
	v12 =	vmovc v3;
	v17 =	vmov v10;
	s14 =	rddreg [dreg:$0x13];
	v11 =	vmov v21;
	v14 =	vmov v9;
	v18 =	vld.idx.msk [tilespmem:v8+s16+$0x0], $0xffff;
	[tilespmem:s15+$0x3380] =	vst v27  }
0x28d: {  	_ =	sdelay $0x2  }
0x28e: {  	s10 =	rddreg [dreg:$0xf]  }
0x28f: {  	v21 =	vld.idx.msk [tilespmem:v5+s10+$0x0], $0xffff;
	_ =	sdelay $0x1  }
0x290: {  	s4 =	sand.u32 $0xC00, s13;
	s8 =	sadd.s32 $0x10, s8  }
0x291: {  	s8 =	sand.u32 $0x70, s8;
	s10 =	sadd.s32 s4, s9  }
0x292: {  	s13 =	sadd.s32 s8, s10  }
0x293: {  	s12 =	rddreg [dreg:$0x10];
	[tilespmem:s13+$0x0] =	vst v21  }
0x294: {  	v21 =	vld.idx.msk [tilespmem:v5+s12+$0x0], $0xffff;
	_ =	sdelay $0x4  }
0x295: {  	s12 =	rddreg [dreg:$0x11];
	[tilespmem:s13+$0x80] =	vst v21  }
0x296: {  	v21 =	vld.idx.msk [tilespmem:v5+s12+$0x0], $0xffff;
	_ =	sdelay $0x4  }
0x297: {  	s15 =	rddreg [dreg:$0x12];
	[tilespmem:s13+$0x100] =	vst v21  }
0x298: {  	v17 =	vld.idx.msk [tilespmem:v17+s15+$0x0], $0xffff;
	_ =	sdelay $0x1  }
0x299: {  	[tilespmem:s5+$0x180] =	vst v20  }
0x29a: {  	v20 =	vld.idx.msk [tilespmem:v7+s14+$0x0], $0xffff;
	_ =	sdelay $0x1  }
0x29b: {  	s18 =	rddreg [dreg:$0x13];
	[tilespmem:s13+$0x180] =	vst v17  }
0x29c: {  	v17 =	vld.idx.msk [tilespmem:v5+s18+$0x0], $0xffff;
	_ =	sdelay $0x1  }
0x29d: {  	s19 =	rddreg [dreg:$0x14];
	[tilespmem:s5+$0x200] =	vst v20  }
0x29e: {  	v20 =	vld.idx.msk [tilespmem:v7+s19+$0x0], $0xffff;
	_ =	sdelay $0x1  }
0x29f: {  	s20 =	rddreg [dreg:$0x14];
	[tilespmem:s13+$0x200] =	vst v17  }
0x2a0: {  	v17 =	vld.idx.msk [tilespmem:v5+s20+$0x0], $0xffff;
	_ =	sdelay $0x1  }
0x2a1: {  	s21 =	rddreg [dreg:$0x15];
	[tilespmem:s5+$0x280] =	vst v20  }
0x2a2: {  	v20 =	vld.idx.msk [tilespmem:v7+s21+$0x0], $0xffff;
	_ =	sdelay $0x1  }
0x2a3: {  	s22 =	rddreg [dreg:$0x15];
	[tilespmem:s13+$0x280] =	vst v17  }
0x2a4: {  	v17 =	vld.idx.msk [tilespmem:v5+s22+$0x0], $0xffff;
	_ =	sdelay $0x1  }
0x2a5: {  	s23 =	rddreg [dreg:$0x16];
	[tilespmem:s5+$0x300] =	vst v20  }
0x2a6: {  	v20 =	vld.idx.msk [tilespmem:v7+s23+$0x0], $0xffff;
	_ =	sdelay $0x1  }
0x2a7: {  	s24 =	rddreg [dreg:$0x16];
	[tilespmem:s13+$0x300] =	vst v17  }
0x2a8: {  	v17 =	vld.idx.msk [tilespmem:v5+s24+$0x0], $0xffff;
	_ =	sdelay $0x1  }
0x2a9: {  	s25 =	rddreg [dreg:$0x17];
	[tilespmem:s5+$0x380] =	vst v20  }
0x2aa: {  	v14 =	vld.idx.msk [tilespmem:v14+s25+$0x0], $0xffff;
	_ =	sdelay $0x1  }
0x2ab: {  	s26 =	rddreg [dreg:$0x17];
	[tilespmem:s13+$0x380] =	vst v17  }
0x2ac: {  	v17 =	vld.idx.msk [tilespmem:v10+s26+$0x0], $0xffff  }
0x2ad: {  	s28 =	rddreg [dreg:$0x18];
	[tilespmem:s7+$0x1000] =	vst v19  }
0x2ae: {  	v19 =	vld.idx.msk [tilespmem:v6+s28+$0x0], $0xffff;
	s29 =	rddreg [dreg:$0x18];
	[tilespmem:s5+$0x1000] =	vst v14  }
0x2af: {  	v14 =	vld.idx.msk [tilespmem:v7+s29+$0x0], $0xffff;
	_ =	sdelay $0x1  }
0x2b0: {  	s30 =	rddreg [dreg:$0x18];
	[tilespmem:s13+$0x1000] =	vst v17  }
0x2b1: {  	v17 =	vld.idx.msk [tilespmem:v5+s30+$0x0], $0xffff  }
0x2b2: {  	s31 =	rddreg [dreg:$0x19];
	[tilespmem:s7+$0x1080] =	vst v19  }
0x2b3: {  	v19 =	vld.idx.msk [tilespmem:v6+s31+$0x0], $0xffff;
	s0 =	rddreg [dreg:$0x19];
	[tilespmem:s5+$0x1080] =	vst v14  }
0x2b4: {  	v14 =	vld.idx.msk [tilespmem:v7+s0+$0x0], $0xffff;
	_ =	sdelay $0x1  }
0x2b5: {  	s3 =	rddreg [dreg:$0x19];
	[tilespmem:s13+$0x1080] =	vst v17  }
0x2b6: {  	v17 =	vld.idx.msk [tilespmem:v5+s3+$0x0], $0xffff  }
0x2b7: {  	s4 =	simm.s32 $0x4980;
	[tilespmem:s7+$0x1100] =	vst v19  }
0x2b8: {  	v19 =	vld.idx.msk [tilespmem:v6+s4+$0x0], $0xffff;
	[tilespmem:s5+$0x1100] =	vst v14  }
0x2b9: {  	v14 =	vld.idx.msk [tilespmem:v7+s4+$0x0], $0xffff;
	_ =	sdelay $0x1  }
0x2ba: {  	[tilespmem:s13+$0x1100] =	vst v17  }
0x2bb: {  	v17 =	vld.idx.msk [tilespmem:v5+s4+$0x0], $0xffff  }
0x2bc: {  	[tilespmem:s7+$0x1180] =	vst v19  }
0x2bd: {  	v19 =	vld.idx.msk [tilespmem:v6+s17+$0x0], $0xffff;
	[tilespmem:s5+$0x1180] =	vst v14  }
0x2be: {  	v14 =	vld.idx.msk [tilespmem:v7+s17+$0x0], $0xffff;
	_ =	sdelay $0x1  }
0x2bf: {  	[tilespmem:s13+$0x1180] =	vst v17  }
0x2c0: {  	v17 =	vld.idx.msk [tilespmem:v5+s17+$0x0], $0xffff  }
0x2c1: {  	[tilespmem:s7+$0x1200] =	vst v19  }
0x2c2: {  	v19 =	vld.idx.msk [tilespmem:v6+s16+$0x0], $0xffff;
	[tilespmem:s5+$0x1200] =	vst v14  }
0x2c3: {  	v14 =	vld.idx.msk [tilespmem:v7+s16+$0x0], $0xffff;
	_ =	sdelay $0x1  }
0x2c4: {  	[tilespmem:s13+$0x1200] =	vst v17  }
0x2c5: {  	[tilespmem:s2+$0x1280] =	vst v18;
	s4 =	simm.s32 $0x4B00;
	v17 =	vld.idx.msk [tilespmem:v5+s16+$0x0], $0xffff  }
0x2c6: {  	[tilespmem:s7+$0x1280] =	vst v19;
	v18 =	vld.idx.msk [tilespmem:v8+s4+$0x0], $0xffff  }
0x2c7: {  	[tilespmem:s5+$0x1280] =	vst v14;
	v19 =	vld.idx.msk [tilespmem:v6+s4+$0x0], $0xffff  }
0x2c8: {  	v14 =	vld.idx.msk [tilespmem:v7+s4+$0x0], $0xffff;
	_ =	sdelay $0x1  }
0x2c9: {  	[tilespmem:s13+$0x1280] =	vst v17  }
0x2ca: {  	s3 =	simm.s32 $0x4B80;
	[tilespmem:s2+$0x1300] =	vst v18;
	v17 =	vld.idx.msk [tilespmem:v5+s4+$0x0], $0xffff  }
0x2cb: {  	[tilespmem:s7+$0x1300] =	vst v19;
	v18 =	vld.idx.msk [tilespmem:v8+s3+$0x0], $0xffff  }
0x2cc: {  	[tilespmem:s5+$0x1300] =	vst v14;
	v19 =	vld.idx.msk [tilespmem:v6+s3+$0x0], $0xffff  }
0x2cd: {  	v14 =	vld.idx.msk [tilespmem:v7+s3+$0x0], $0xffff;
	_ =	sdelay $0x1  }
0x2ce: {  	[tilespmem:s13+$0x1300] =	vst v17  }
0x2cf: {  	s10 =	simm.s32 $0x4C00;
	[tilespmem:s2+$0x1380] =	vst v18;
	v17 =	vld.idx.msk [tilespmem:v5+s3+$0x0], $0xffff  }
0x2d0: {  	[tilespmem:s7+$0x1380] =	vst v19;
	v18 =	vld.idx.msk [tilespmem:v8+s10+$0x0], $0xffff  }
0x2d1: {  	[tilespmem:s5+$0x1380] =	vst v14;
	v19 =	vld.idx.msk [tilespmem:v6+s10+$0x0], $0xffff  }
0x2d2: {  	v14 =	vld.idx.msk [tilespmem:v7+s10+$0x0], $0xffff;
	_ =	sdelay $0x1  }
0x2d3: {  	[tilespmem:s13+$0x1380] =	vst v17  }
0x2d4: {  	s12 =	simm.s32 $0x4C80;
	[tilespmem:s2+$0x2000] =	vst v18;
	v17 =	vld.idx.msk [tilespmem:v5+s10+$0x0], $0xffff  }
0x2d5: {  	[tilespmem:s7+$0x2000] =	vst v19;
	v12 =	vld.idx.msk [tilespmem:v12+s12+$0x0], $0xffff  }
0x2d6: {  	[tilespmem:s5+$0x2000] =	vst v14;
	v47 =	vld.idx.msk [tilespmem:v4+s12+$0x0], $0xffff  }
0x2d7: {  	v14 =	vld.idx.msk [tilespmem:v9+s12+$0x0], $0xffff;
	_ =	sdelay $0x1  }
0x2d8: {  	[tilespmem:s13+$0x2000] =	vst v17  }
0x2d9: {  	s15 =	simm.s32 $0x4D00;
	[tilespmem:s2+$0x2080] =	vst v12;
	v48 =	vld.idx.msk [tilespmem:v10+s12+$0x0], $0xffff  }
0x2da: {  	[tilespmem:s7+$0x2080] =	vst v47;
	v12 =	vld.idx.msk [tilespmem:v8+s15+$0x0], $0xffff  }
0x2db: {  	[tilespmem:s5+$0x2080] =	vst v14;
	v18 =	vld.idx.msk [tilespmem:v6+s15+$0x0], $0xffff  }
0x2dc: {  	[tilespmem:s1+$0x2080] =	vst v15;
	v14 =	vld.idx.msk [tilespmem:v7+s15+$0x0], $0xffff  }
0x2dd: {  	s14 =	simm.s32 $0x5200;
	[tilespmem:s6+$0x3180] =	vst v16;
	v50 =	vld.idx.msk [tilespmem:v1+s15+$0x0], $0xffff  }
0x2de: {  	v49 =	vld.idx.msk [tilespmem:v2+s14+$0x0], $0xffff;
	[tilespmem:s13+$0x2080] =	vst v48  }
0x2df: {  	s17 =	simm.s32 $0x4D80;
	[tilespmem:s2+$0x2100] =	vst v12;
	v51 =	vld.idx.msk [tilespmem:v5+s15+$0x0], $0xffff  }
0x2e0: {  	[tilespmem:s7+$0x2100] =	vst v18;
	v12 =	vld.idx.msk [tilespmem:v8+s17+$0x0], $0xffff  }
0x2e1: {  	[tilespmem:s5+$0x2100] =	vst v14;
	v18 =	vld.idx.msk [tilespmem:v6+s17+$0x0], $0xffff  }
0x2e2: {  	[tilespmem:s1+$0x2100] =	vst v50;
	v14 =	vld.idx.msk [tilespmem:v7+s17+$0x0], $0xffff  }
0x2e3: {  	[tilespmem:s11+$0x2300] =	vst v13;
	s23 =	simm.s32 $0x4F80;
	v17 =	vld.idx.msk [tilespmem:v1+s17+$0x0], $0xffff  }
0x2e4: {  	v59 =	vld.idx.msk [tilespmem:v0+s23+$0x0], $0xffff;
	[tilespmem:s13+$0x2100] =	vst v51  }
0x2e5: {  	s19 =	simm.s32 $0x4E00;
	[tilespmem:s2+$0x2180] =	vst v12;
	v15 =	vld.idx.msk [tilespmem:v5+s17+$0x0], $0xffff  }
0x2e6: {  	[tilespmem:s7+$0x2180] =	vst v18;
	v12 =	vld.idx.msk [tilespmem:v8+s19+$0x0], $0xffff  }
0x2e7: {  	[tilespmem:s5+$0x2180] =	vst v14;
	v18 =	vld.idx.msk [tilespmem:v6+s19+$0x0], $0xffff  }
0x2e8: {  	v14 =	vld.idx.msk [tilespmem:v7+s19+$0x0], $0xffff;
	[tilespmem:s1+$0x2180] =	vst v17  }
0x2e9: {  	[tilespmem:s6+$0x3200] =	vst v49;
	s16 =	simm.s32 $0x5280;
	v17 =	vld.idx.msk [tilespmem:v1+s19+$0x0], $0xffff  }
0x2ea: {  	v52 =	vld.idx.msk [tilespmem:v2+s16+$0x0], $0xffff;
	[tilespmem:s13+$0x2180] =	vst v15  }
0x2eb: {  	s21 =	simm.s32 $0x4E80;
	[tilespmem:s2+$0x2200] =	vst v12;
	v15 =	vld.idx.msk [tilespmem:v5+s19+$0x0], $0xffff  }
0x2ec: {  	[tilespmem:s7+$0x2200] =	vst v18;
	v12 =	vld.idx.msk [tilespmem:v8+s21+$0x0], $0xffff  }
0x2ed: {  	[tilespmem:s5+$0x2200] =	vst v14;
	v55 =	vld.idx.msk [tilespmem:v6+s21+$0x0], $0xffff  }
0x2ee: {  	v14 =	vld.idx.msk [tilespmem:v7+s21+$0x0], $0xffff;
	[tilespmem:s1+$0x2200] =	vst v17  }
0x2ef: {  	s18 =	simm.s32 $0x5300;
	[tilespmem:s6+$0x3280] =	vst v52;
	v54 =	vld.idx.msk [tilespmem:v1+s21+$0x0], $0xffff  }
0x2f0: {  	v16 =	vld.idx.msk [tilespmem:v2+s18+$0x0], $0xffff;
	[tilespmem:s13+$0x2200] =	vst v15  }
0x2f1: {  	s22 =	simm.s32 $0x4F00;
	[tilespmem:s2+$0x2280] =	vst v12;
	v56 =	vld.idx.msk [tilespmem:v5+s21+$0x0], $0xffff  }
0x2f2: {  	[tilespmem:s7+$0x2280] =	vst v55;
	v3 =	vld.idx.msk [tilespmem:v3+s22+$0x0], $0xffff  }
0x2f3: {  	[tilespmem:s5+$0x2280] =	vst v14;
	v57 =	vld.idx.msk [tilespmem:v4+s22+$0x0], $0xffff  }
0x2f4: {  	v58 =	vld.idx.msk [tilespmem:v9+s22+$0x0], $0xffff;
	[tilespmem:s1+$0x2280] =	vst v54  }
0x2f5: {  	s20 =	simm.s32 $0x5380;
	[tilespmem:s6+$0x3300] =	vst v16;
	v11 =	vld.idx.msk [tilespmem:v11+s22+$0x0], $0xffff  }
0x2f6: {  	v53 =	vld.idx.msk [tilespmem:v2+s20+$0x0], $0xffff;
	[tilespmem:s13+$0x2280] =	vst v56  }
0x2f7: {  	[tilespmem:s2+$0x2300] =	vst v3;
	v2 =	vld.idx.msk [tilespmem:v10+s22+$0x0], $0xffff  }
0x2f8: {  	[tilespmem:s7+$0x2300] =	vst v57;
	v3 =	vld.idx.msk [tilespmem:v8+s23+$0x0], $0xffff  }
0x2f9: {  	[tilespmem:s5+$0x2300] =	vst v58;
	v4 =	vld.idx.msk [tilespmem:v6+s23+$0x0], $0xffff  }
0x2fa: {  	v9 =	vld.idx.msk [tilespmem:v7+s23+$0x0], $0xffff;
	[tilespmem:s1+$0x2300] =	vst v11  }
0x2fb: {  	[tilespmem:s11+$0x2380] =	vst v59;
	v11 =	vld.idx.msk [tilespmem:v1+s23+$0x0], $0xffff  }
0x2fc: {  	[tilespmem:s13+$0x2300] =	vst v2  }
0x2fd: {  	s24 =	simm.s32 $0x5000;
	[tilespmem:s2+$0x2380] =	vst v3;
	v2 =	vld.idx.msk [tilespmem:v5+s23+$0x0], $0xffff  }
0x2fe: {  	[tilespmem:s7+$0x2380] =	vst v4;
	v3 =	vld.idx.msk [tilespmem:v8+s24+$0x0], $0xffff  }
0x2ff: {  	[tilespmem:s5+$0x2380] =	vst v9;
	v4 =	vld.idx.msk [tilespmem:v6+s24+$0x0], $0xffff  }
0x300: {  	v9 =	vld.idx.msk [tilespmem:v7+s24+$0x0], $0xffff;
	[tilespmem:s1+$0x2380] =	vst v11  }
0x301: {  	[tilespmem:s6+$0x3380] =	vst v53;
	v11 =	vld.idx.msk [tilespmem:v1+s24+$0x0], $0xffff  }
0x302: {  	v10 =	vld.idx.msk [tilespmem:v0+s24+$0x0], $0xffff;
	[tilespmem:s13+$0x2380] =	vst v2  }
0x303: {  	s0 =	simm.s32 $0x5080;
	[tilespmem:s2+$0x3000] =	vst v3;
	v2 =	vld.idx.msk [tilespmem:v5+s24+$0x0], $0xffff  }
0x304: {  	[tilespmem:s7+$0x3000] =	vst v4;
	v3 =	vld.idx.msk [tilespmem:v8+s0+$0x0], $0xffff  }
0x305: {  	[tilespmem:s5+$0x3000] =	vst v9;
	v4 =	vld.idx.msk [tilespmem:v6+s0+$0x0], $0xffff  }
0x306: {  	v9 =	vld.idx.msk [tilespmem:v7+s0+$0x0], $0xffff;
	[tilespmem:s1+$0x3000] =	vst v11  }
0x307: {  	[tilespmem:s11+$0x3000] =	vst v10;
	v11 =	vld.idx.msk [tilespmem:v1+s0+$0x0], $0xffff  }
0x308: {  	v10 =	vld.idx.msk [tilespmem:v0+s0+$0x0], $0xffff;
	[tilespmem:s13+$0x3000] =	vst v2  }
0x309: {  	s25 =	simm.s32 $0x5100;
	[tilespmem:s2+$0x3080] =	vst v3;
	v2 =	vld.idx.msk [tilespmem:v5+s0+$0x0], $0xffff  }
0x30a: {  	[tilespmem:s7+$0x3080] =	vst v4;
	v3 =	vld.idx.msk [tilespmem:v8+s25+$0x0], $0xffff  }
0x30b: {  	[tilespmem:s5+$0x3080] =	vst v9;
	v4 =	vld.idx.msk [tilespmem:v6+s25+$0x0], $0xffff  }
0x30c: {  	v9 =	vld.idx.msk [tilespmem:v7+s25+$0x0], $0xffff;
	[tilespmem:s1+$0x3080] =	vst v11  }
0x30d: {  	[tilespmem:s11+$0x3080] =	vst v10;
	v11 =	vld.idx.msk [tilespmem:v1+s25+$0x0], $0xffff  }
0x30e: {  	v10 =	vld.idx.msk [tilespmem:v0+s25+$0x0], $0xffff;
	[tilespmem:s13+$0x3080] =	vst v2  }
0x30f: {  	s26 =	simm.s32 $0x5180;
	[tilespmem:s2+$0x3100] =	vst v3;
	v2 =	vld.idx.msk [tilespmem:v5+s25+$0x0], $0xffff  }
0x310: {  	[tilespmem:s7+$0x3100] =	vst v4;
	v3 =	vld.idx.msk [tilespmem:v8+s26+$0x0], $0xffff  }
0x311: {  	[tilespmem:s5+$0x3100] =	vst v9;
	v4 =	vld.idx.msk [tilespmem:v6+s26+$0x0], $0xffff  }
0x312: {  	v9 =	vld.idx.msk [tilespmem:v7+s26+$0x0], $0xffff;
	[tilespmem:s1+$0x3100] =	vst v11  }
0x313: {  	[tilespmem:s11+$0x3100] =	vst v10;
	v11 =	vld.idx.msk [tilespmem:v1+s26+$0x0], $0xffff  }
0x314: {  	v10 =	vld.idx.msk [tilespmem:v0+s26+$0x0], $0xffff;
	[tilespmem:s13+$0x3100] =	vst v2  }
0x315: {  	[tilespmem:s2+$0x3180] =	vst v3;
	v2 =	vld.idx.msk [tilespmem:v5+s26+$0x0], $0xffff  }
0x316: {  	[tilespmem:s7+$0x3180] =	vst v4;
	v3 =	vld.idx.msk [tilespmem:v8+s14+$0x0], $0xffff  }
0x317: {  	[tilespmem:s5+$0x3180] =	vst v9;
	v4 =	vld.idx.msk [tilespmem:v6+s14+$0x0], $0xffff  }
0x318: {  	v9 =	vld.idx.msk [tilespmem:v7+s14+$0x0], $0xffff;
	[tilespmem:s1+$0x3180] =	vst v11  }
0x319: {  	[tilespmem:s11+$0x3180] =	vst v10;
	v11 =	vld.idx.msk [tilespmem:v1+s14+$0x0], $0xffff  }
0x31a: {  	v10 =	vld.idx.msk [tilespmem:v0+s14+$0x0], $0xffff;
	[tilespmem:s13+$0x3180] =	vst v2  }
0x31b: {  	[tilespmem:s2+$0x3200] =	vst v3;
	v2 =	vld.idx.msk [tilespmem:v5+s14+$0x0], $0xffff  }
0x31c: {  	[tilespmem:s7+$0x3200] =	vst v4;
	v3 =	vld.idx.msk [tilespmem:v8+s16+$0x0], $0xffff  }
0x31d: {  	[tilespmem:s5+$0x3200] =	vst v9;
	v4 =	vld.idx.msk [tilespmem:v6+s16+$0x0], $0xffff  }
0x31e: {  	v9 =	vld.idx.msk [tilespmem:v7+s16+$0x0], $0xffff;
	[tilespmem:s1+$0x3200] =	vst v11  }
0x31f: {  	[tilespmem:s11+$0x3200] =	vst v10;
	v11 =	vld.idx.msk [tilespmem:v1+s16+$0x0], $0xffff  }
0x320: {  	v10 =	vld.idx.msk [tilespmem:v0+s16+$0x0], $0xffff;
	[tilespmem:s13+$0x3200] =	vst v2  }
0x321: {  	[tilespmem:s2+$0x3280] =	vst v3;
	v2 =	vld.idx.msk [tilespmem:v5+s16+$0x0], $0xffff  }
0x322: {  	[tilespmem:s7+$0x3280] =	vst v4;
	v3 =	vld.idx.msk [tilespmem:v8+s18+$0x0], $0xffff  }
0x323: {  	[tilespmem:s5+$0x3280] =	vst v9;
	v4 =	vld.idx.msk [tilespmem:v6+s18+$0x0], $0xffff  }
0x324: {  	v9 =	vld.idx.msk [tilespmem:v7+s18+$0x0], $0xffff;
	[tilespmem:s1+$0x3280] =	vst v11  }
0x325: {  	[tilespmem:s11+$0x3280] =	vst v10;
	v11 =	vld.idx.msk [tilespmem:v1+s18+$0x0], $0xffff  }
0x326: {  	v10 =	vld.idx.msk [tilespmem:v0+s18+$0x0], $0xffff;
	[tilespmem:s13+$0x3280] =	vst v2  }
0x327: {  	[tilespmem:s2+$0x3300] =	vst v3;
	v2 =	vld.idx.msk [tilespmem:v5+s18+$0x0], $0xffff  }
0x328: {  	[tilespmem:s7+$0x3300] =	vst v4;
	v3 =	vld.idx.msk [tilespmem:v8+s20+$0x0], $0xffff  }
0x329: {  	[tilespmem:s5+$0x3300] =	vst v9;
	v4 =	vld.idx.msk [tilespmem:v6+s20+$0x0], $0xffff  }
0x32a: {  	v62 =	vld.idx.msk [tilespmem:v7+s20+$0x0], $0xffff;
	[tilespmem:s1+$0x3300] =	vst v11  }
0x32b: {  	[tilespmem:s11+$0x3300] =	vst v10;
	v61 =	vld.idx.msk [tilespmem:v1+s20+$0x0], $0xffff  }
0x32c: {  	v60 =	vld.idx.msk [tilespmem:v0+s20+$0x0], $0xffff;
	[tilespmem:s13+$0x3300] =	vst v2  }
0x32d: {  	[tilespmem:s2+$0x3380] =	vst v3;
	v63 =	vld.idx.msk [tilespmem:v5+s20+$0x0], $0xffff  }
0x32e: {  	[tilespmem:s7+$0x3380] =	vst v4  }
0x32f: {  	[tilespmem:s5+$0x3380] =	vst v62  }
0x330: {  	[tilespmem:s1+$0x3380] =	vst v61  }
0x331: {  	[tilespmem:s11+$0x3380] =	vst v60  }
0x332: {  	[tilespmem:s13+$0x3380] =	vst v63  }
0x333: {  	s1 =	sld [smem:$0x7EB]  }
0x334: {  	s28 =	sld [smem:$0x7DB];
	_ =	sdelay $0x1  }
0x335: {  	s31 =	simm.s32 $0x1;
	s29 =	simm.s32 $0x1000  }
0x336: {  	s30 =	simm.s32 $0x20000;
	s0 =	sld [smem:$0x7DD];
	s1 =	sadd.s32 s28, s1  }
0x337: {  	[hbm4b:s1+s29] =	stream.strided.scatter [tilespmem:s9], [sflag:$0x2], $0x4000, s30, s29, $0x38;
	[tilespmem:$0x16800] =	vst v63  }
0x338: {  	_ =	swait.ge [sflag:s31], $0x2000  }
0x339: {  	p1 =	seq.s32 s0, $0xC;
	[sflag:s31] =	ssyncset.done $0x0  }
0x33a: {  	s1 =	sshll.u32 @!p1 s0, $0xE;
	[sflag:s31] =	ssyncadd.s32 $0xFFFFE000  }
0x33b: {  	s1 =	sand.u32 @!p1 $0x3FFFC000, s1;
	s2 =	rddreg [dreg:$0x2]  }
0x33c: {  	s1 =	sadd.s32 @!p1 s1, s2;
	s2 =	sld [smem:$0x7DC];
	_ =	sdelay $0x2  }
0x33d: {  	p2 =	seq.s32 @!p1 s0, $0x0;
	s3 =	sshll.u32 @!p1 s2, $0x1  }
0x33e: {  	p2 =	por p1, !p2;
	s5 =	smulhi.u32 @!p1 $0x55555556, s3  }
.Ltmp2:
0x33f: {  	s1 =	sadd.s32 @!p1 $0x4000, s1;
	s2 =	simm.s32 @!p1 $0x3400;
	(pc) =	sbr.rel @!p2 .LBB2_7-.Ltmp2, $3  }
0x340: {  	[tilespmem:s2], [sflag:$0x1] =	stream.linear.gather @!p1 [spmem:s1], $0x2000, $0x38;
	[tilespmem:$0x16800] =	vst v63  }
0x341: {  	s1 =	smul.u32 @!p1 $0x3, s5;
	_ =	sdelay $0x1  }
0x342: {  	s1 =	ssub.s32 @!p1 s3, s1  }
.Ltmp3:
0x343: {  	s0 =	simm.s32 $0x2;
	(pc) =	sbr.rel .LBB2_9-.Ltmp3, $4  }
0x344: {  	s1 =	simm.s32 @p1 $0x2;
	s3 =	simm.s32 @p1 $0x32;
	s17 =	simm.s32 $0x5400  }
0x345: {  	s26 =	simm.s32 $0x5F80;
	s28 =	simm.s32 $0x6000;
	_ =	swait.ge [sflag:s0], $0x4000  }
0x346: {  	s29 =	simm.s32 $0x6080;
	s30 =	simm.s32 $0x6100;
	[sflag:s0] =	ssyncset.done $0x0  }
0x347: {  	s14 =	simm.s32 $0x6180;
	[smem:$0x7DA] =	sst s3;
	[sflag:s0] =	ssyncadd.s32 $0xFFFFC000  }
.LBB2_7:
0x348: {  	[smem:$0x7DA] =	sst s3  }
0x349: {  	s17 =	simm.s32 $0x5400;
	s26 =	simm.s32 $0x5F80;
	s28 =	simm.s32 $0x6000  }
0x34a: {  	s29 =	simm.s32 $0x6080;
	s30 =	simm.s32 $0x6100;
	s14 =	simm.s32 $0x6180  }
.LBB2_9:
0x34b: {  	s6 =	sld [smem:$0x7E7];
	_ =	sdelay $0x2  }
0x34c: {  	v2 =	vld [tilespmem:s6+$0x0];
	_ =	sdelay $0x7  }
0x34d: {  	s1 =	sshll.u32 s1, $0xE;
	v0 =	vld.idx.msk [tilespmem:v2+s17+$0x0], $0xffff  }
0x34e: {  	s2 =	simm.s32 $0x0;
	s1 =	sand.u32 $0x3FFFC000, s1  }
0x34f: {  	s3 =	sand.u32 $0xC00, s2;
	s13 =	sadd.s32 $0x7400, s1  }
0x350: {  	s2 =	sand.u32 $0x70, s2;
	s1 =	sadd.s32 s3, s13  }
0x351: {  	s2 =	sadd.s32 s2, s1  }
0x352: {  	s5 =	rddreg [dreg:$0x1a];
	[tilespmem:s2+$0x0] =	vst v0  }
0x353: {  	v0 =	vld.idx.msk [tilespmem:v2+s5+$0x0], $0xffff;
	_ =	sdelay $0x4  }
0x354: {  	s4 =	rddreg [dreg:$0x1b];
	[tilespmem:s2+$0x80] =	vst v0  }
0x355: {  	v0 =	vld.idx.msk [tilespmem:v2+s4+$0x0], $0xffff;
	_ =	sdelay $0x3  }
0x356: {  	s7 =	sadd.s32 $0x10, s6  }
0x357: {  	s5 =	rddreg [dreg:$0x1c];
	[tilespmem:s2+$0x100] =	vst v0;
	v0 =	vld [tilespmem:s7+$0x0]  }
0x358: {  	v1 =	vld.idx.msk [tilespmem:v2+s5+$0x0], $0xffff;
	_ =	sdelay $0x4  }
0x359: {  	s6 =	rddreg [dreg:$0x1d];
	[tilespmem:s2+$0x180] =	vst v1  }
0x35a: {  	v1 =	vld.idx.msk [tilespmem:v2+s6+$0x0], $0xffff  }
0x35b: {  	v3 =	vld.idx.msk [tilespmem:v0+s17+$0x0], $0xffff  }
0x35c: {  	s9 =	simm.s32 $0x80  }
0x35d: {  	s11 =	simm.s32 $0x10;
	s10 =	sand.u32 $0xC00, s9  }
0x35e: {  	s1 =	sadd.s32 s10, s13;
	s5 =	sand.u32 $0x70, s11  }
0x35f: {  	s11 =	sadd.s32 s5, s1;
	s8 =	rddreg [dreg:$0x1e];
	[tilespmem:s2+$0x200] =	vst v1  }
0x360: {  	s12 =	rddreg [dreg:$0x1a];
	v1 =	vld.idx.msk [tilespmem:v2+s8+$0x0], $0xffff;
	[tilespmem:s11+$0x0] =	vst v3  }
0x361: {  	v3 =	vld.idx.msk [tilespmem:v0+s12+$0x0], $0xffff;
	_ =	sdelay $0x3  }
0x362: {  	s15 =	rddreg [dreg:$0x1f];
	[tilespmem:s2+$0x280] =	vst v1  }
0x363: {  	s16 =	rddreg [dreg:$0x1b];
	v1 =	vld.idx.msk [tilespmem:v2+s15+$0x0], $0xffff;
	[tilespmem:s11+$0x80] =	vst v3  }
0x364: {  	v3 =	vld.idx.msk [tilespmem:v0+s16+$0x0], $0xffff;
	_ =	sdelay $0x2  }
0x365: {  	s18 =	sld [smem:$0x7ED]  }
0x366: {  	[tilespmem:s2+$0x300] =	vst v1  }
0x367: {  	s19 =	rddreg [dreg:$0x1c];
	[tilespmem:s11+$0x100] =	vst v3  }
0x368: {  	v4 =	vld.idx.msk [tilespmem:v2+s18+$0x0], $0xffff;
	[smem:$0x7D4] =	sst s7  }
0x369: {  	s8 =	sadd.s32 $0x10, s7;
	v3 =	vld.idx.msk [tilespmem:v0+s19+$0x0], $0xffff  }
0x36a: {  	v1 =	vld [tilespmem:s8+$0x0]  }
0x36b: {  	s20 =	sld [smem:$0x7EF];
	_ =	sdelay $0x1  }
0x36c: {  	[tilespmem:s2+$0x380] =	vst v4  }
0x36d: {  	s21 =	rddreg [dreg:$0x1d];
	v4 =	vld.idx.msk [tilespmem:v2+s20+$0x0], $0xffff;
	[tilespmem:s11+$0x180] =	vst v3  }
0x36e: {  	v3 =	vld.idx.msk [tilespmem:v0+s21+$0x0], $0xffff;
	_ =	sdelay $0x1  }
0x36f: {  	s22 =	sld [smem:$0x7F0]  }
0x370: {  	v5 =	vld.idx.msk [tilespmem:v1+s17+$0x0], $0xffff  }
0x371: {  	s24 =	simm.s32 $0x100;
	[tilespmem:s2+$0x1000] =	vst v4  }
0x372: {  	s0 =	sand.u32 $0xC00, s24;
	s3 =	simm.s32 $0x20;
	s23 =	rddreg [dreg:$0x1e];
	v4 =	vld.idx.msk [tilespmem:v2+s22+$0x0], $0xffff;
	[tilespmem:s11+$0x200] =	vst v3  }
0x373: {  	s5 =	sand.u32 $0x70, s3;
	s1 =	sadd.s32 s0, s13;
	v3 =	vld.idx.msk [tilespmem:v0+s23+$0x0], $0xffff  }
0x374: {  	s4 =	rddreg [dreg:$0x1a];
	s1 =	sadd.s32 s5, s1  }
0x375: {  	s25 =	sld [smem:$0x7F1];
	[tilespmem:s1+$0x0] =	vst v5  }
0x376: {  	v5 =	vld.idx.msk [tilespmem:v1+s4+$0x0], $0xffff  }
0x377: {  	[tilespmem:s2+$0x1080] =	vst v4  }
0x378: {  	s9 =	rddreg [dreg:$0x1f];
	v4 =	vld.idx.msk [tilespmem:v2+s25+$0x0], $0xffff;
	[tilespmem:s11+$0x280] =	vst v3  }
0x379: {  	v3 =	vld.idx.msk [tilespmem:v0+s9+$0x0], $0xffff  }
0x37a: {  	s12 =	rddreg [dreg:$0x1b]  }
0x37b: {  	s10 =	sld [smem:$0x7F2];
	[tilespmem:s1+$0x80] =	vst v5  }
0x37c: {  	s15 =	sld [smem:$0x7ED];
	v5 =	vld.idx.msk [tilespmem:v1+s12+$0x0], $0xffff  }
0x37d: {  	[tilespmem:s2+$0x1100] =	vst v4  }
0x37e: {  	v4 =	vld.idx.msk [tilespmem:v2+s10+$0x0], $0xffff;
	[tilespmem:s11+$0x300] =	vst v3  }
0x37f: {  	v3 =	vld.idx.msk [tilespmem:v0+s15+$0x0], $0xffff;
	_ =	sdelay $0x1  }
0x380: {  	s16 =	rddreg [dreg:$0x1c];
	[tilespmem:s1+$0x100] =	vst v5  }
0x381: {  	v5 =	vld.idx.msk [tilespmem:v1+s16+$0x0], $0xffff  }
0x382: {  	s0 =	simm.s32 $0x5A00;
	s18 =	sld [smem:$0x7EF];
	[tilespmem:s2+$0x1180] =	vst v4  }
0x383: {  	v4 =	vld.idx.msk [tilespmem:v2+s0+$0x0], $0xffff;
	[tilespmem:s11+$0x380] =	vst v3  }
0x384: {  	[smem:$0x7D5] =	sst s8  }
0x385: {  	s10 =	sadd.s32 $0x10, s8;
	v6 =	vld.idx.msk [tilespmem:v0+s18+$0x0], $0xffff  }
0x386: {  	s19 =	rddreg [dreg:$0x1d];
	v3 =	vld [tilespmem:s10+$0x0];
	[tilespmem:s1+$0x180] =	vst v5  }
0x387: {  	v5 =	vld.idx.msk [tilespmem:v1+s19+$0x0], $0xffff  }
0x388: {  	s31 =	simm.s32 $0x5A80;
	[tilespmem:s2+$0x1200] =	vst v4  }
0x389: {  	s20 =	sld [smem:$0x7F0];
	v4 =	vld.idx.msk [tilespmem:v2+s31+$0x0], $0xffff;
	_ =	sdelay $0x1  }
0x38a: {  	[tilespmem:s11+$0x1000] =	vst v6  }
0x38b: {  	s21 =	rddreg [dreg:$0x1e];
	v6 =	vld.idx.msk [tilespmem:v0+s20+$0x0], $0xffff;
	[tilespmem:s1+$0x200] =	vst v5  }
0x38c: {  	v5 =	vld.idx.msk [tilespmem:v1+s21+$0x0], $0xffff  }
0x38d: {  	s4 =	simm.s32 $0x5B00;
	[tilespmem:s2+$0x1280] =	vst v4;
	v7 =	vld.idx.msk [tilespmem:v3+s17+$0x0], $0xffff  }
0x38e: {  	s23 =	simm.s32 $0x180;
	s22 =	sld [smem:$0x7F1];
	v4 =	vld.idx.msk [tilespmem:v2+s4+$0x0], $0xffff  }
0x38f: {  	s24 =	sand.u32 $0xC00, s23;
	s25 =	simm.s32 $0x30  }
0x390: {  	s5 =	sadd.s32 s24, s13;
	s7 =	sand.u32 $0x70, s25;
	[tilespmem:s11+$0x1080] =	vst v6  }
0x391: {  	s6 =	sadd.s32 s7, s5;
	s7 =	rddreg [dreg:$0x1f];
	v6 =	vld.idx.msk [tilespmem:v0+s22+$0x0], $0xffff;
	[tilespmem:s1+$0x280] =	vst v5  }
0x392: {  	s3 =	rddreg [dreg:$0x1a];
	[tilespmem:s6+$0x0] =	vst v7;
	v5 =	vld.idx.msk [tilespmem:v1+s7+$0x0], $0xffff  }
0x393: {  	s19 =	simm.s32 $0x5B80;
	[tilespmem:s2+$0x1300] =	vst v4;
	v7 =	vld.idx.msk [tilespmem:v3+s3+$0x0], $0xffff  }
0x394: {  	s9 =	sld [smem:$0x7F2];
	v4 =	vld.idx.msk [tilespmem:v2+s19+$0x0], $0xffff  }
0x395: {  	s15 =	sld [smem:$0x7ED]  }
0x396: {  	[tilespmem:s11+$0x1100] =	vst v6  }
0x397: {  	v6 =	vld.idx.msk [tilespmem:v0+s9+$0x0], $0xffff;
	[tilespmem:s1+$0x300] =	vst v5  }
0x398: {  	s12 =	rddreg [dreg:$0x1b];
	[tilespmem:s6+$0x80] =	vst v7;
	v5 =	vld.idx.msk [tilespmem:v1+s15+$0x0], $0xffff  }
0x399: {  	s20 =	simm.s32 $0x5C00;
	[tilespmem:s2+$0x1380] =	vst v4;
	v7 =	vld.idx.msk [tilespmem:v3+s12+$0x0], $0xffff  }
0x39a: {  	v4 =	vld.idx.msk [tilespmem:v2+s20+$0x0], $0xffff;
	_ =	sdelay $0x1  }
0x39b: {  	[tilespmem:s11+$0x1180] =	vst v6  }
0x39c: {  	s18 =	sld [smem:$0x7EF];
	v6 =	vld.idx.msk [tilespmem:v0+s0+$0x0], $0xffff;
	[tilespmem:s1+$0x380] =	vst v5  }
0x39d: {  	s16 =	rddreg [dreg:$0x1c];
	[tilespmem:s6+$0x100] =	vst v7  }
0x39e: {  	s25 =	simm.s32 $0x5C80;
	[tilespmem:s2+$0x2000] =	vst v4;
	v8 =	vld.idx.msk [tilespmem:v3+s16+$0x0], $0xffff  }
0x39f: {  	v7 =	vld.idx.msk [tilespmem:v2+s25+$0x0], $0xffff;
	[smem:$0x7D6] =	sst s10  }
0x3a0: {  	s12 =	sadd.s32 $0x10, s10;
	v5 =	vld.idx.msk [tilespmem:v1+s18+$0x0], $0xffff  }
0x3a1: {  	v4 =	vld [tilespmem:s12+$0x0];
	[tilespmem:s11+$0x1200] =	vst v6  }
0x3a2: {  	s23 =	sld [smem:$0x7F0];
	v6 =	vld.idx.msk [tilespmem:v0+s31+$0x0], $0xffff  }
0x3a3: {  	s21 =	rddreg [dreg:$0x1d];
	[tilespmem:s6+$0x180] =	vst v8  }
0x3a4: {  	s22 =	simm.s32 $0x5D00;
	[tilespmem:s2+$0x2080] =	vst v7;
	v8 =	vld.idx.msk [tilespmem:v3+s21+$0x0], $0xffff  }
0x3a5: {  	v7 =	vld.idx.msk [tilespmem:v2+s22+$0x0], $0xffff;
	[tilespmem:s1+$0x1000] =	vst v5  }
0x3a6: {  	v5 =	vld.idx.msk [tilespmem:v1+s23+$0x0], $0xffff  }
0x3a7: {  	[tilespmem:s11+$0x1280] =	vst v6  }
0x3a8: {  	s24 =	rddreg [dreg:$0x1e];
	v6 =	vld.idx.msk [tilespmem:v0+s4+$0x0], $0xffff  }
0x3a9: {  	s3 =	sld [smem:$0x7F1];
	v9 =	vld.idx.msk [tilespmem:v4+s17+$0x0], $0xffff;
	[tilespmem:s6+$0x200] =	vst v8  }
0x3aa: {  	s9 =	simm.s32 $0x5D80;
	s10 =	simm.s32 $0x200;
	[tilespmem:s2+$0x2100] =	vst v7;
	v8 =	vld.idx.msk [tilespmem:v3+s24+$0x0], $0xffff  }
0x3ab: {  	s16 =	simm.s32 $0x40;
	s15 =	sand.u32 $0xC00, s10;
	v7 =	vld.idx.msk [tilespmem:v2+s9+$0x0], $0xffff;
	[tilespmem:s1+$0x1080] =	vst v5  }
0x3ac: {  	s8 =	sand.u32 $0x70, s16;
	s5 =	sadd.s32 s15, s13;
	v5 =	vld.idx.msk [tilespmem:v1+s3+$0x0], $0xffff  }
0x3ad: {  	s18 =	rddreg [dreg:$0x1a];
	s7 =	sadd.s32 s8, s5;
	[tilespmem:s11+$0x1300] =	vst v6  }
0x3ae: {  	s21 =	rddreg [dreg:$0x1f];
	[tilespmem:s7+$0x0] =	vst v9;
	v6 =	vld.idx.msk [tilespmem:v0+s19+$0x0], $0xffff  }
0x3af: {  	s23 =	sld [smem:$0x7F2];
	v9 =	vld.idx.msk [tilespmem:v4+s18+$0x0], $0xffff;
	[tilespmem:s6+$0x280] =	vst v8  }
0x3b0: {  	s24 =	simm.s32 $0x5E00;
	[tilespmem:s2+$0x2180] =	vst v7;
	v8 =	vld.idx.msk [tilespmem:v3+s21+$0x0], $0xffff  }
0x3b1: {  	v7 =	vld.idx.msk [tilespmem:v2+s24+$0x0], $0xffff;
	[tilespmem:s1+$0x1100] =	vst v5  }
0x3b2: {  	v5 =	vld.idx.msk [tilespmem:v1+s23+$0x0], $0xffff  }
0x3b3: {  	s3 =	rddreg [dreg:$0x1b];
	[tilespmem:s11+$0x1380] =	vst v6  }
0x3b4: {  	s10 =	sld [smem:$0x7ED];
	[tilespmem:s7+$0x80] =	vst v9  }
0x3b5: {  	v6 =	vld.idx.msk [tilespmem:v0+s20+$0x0], $0xffff;
	[tilespmem:s6+$0x300] =	vst v8  }
0x3b6: {  	v10 =	vld.idx.msk [tilespmem:v4+s3+$0x0], $0xffff;
	[tilespmem:s2+$0x2200] =	vst v7  }
0x3b7: {  	s18 =	simm.s32 $0x5E80;
	v8 =	vld.idx.msk [tilespmem:v3+s10+$0x0], $0xffff;
	[tilespmem:s1+$0x1180] =	vst v5  }
0x3b8: {  	v7 =	vld.idx.msk [tilespmem:v2+s18+$0x0], $0xffff;
	[smem:$0x7D7] =	sst s12  }
0x3b9: {  	s15 =	sadd.s32 $0x10, s12;
	v5 =	vld.idx.msk [tilespmem:v1+s0+$0x0], $0xffff  }
0x3ba: {  	s21 =	sld [smem:$0x7EF];
	v9 =	vld [tilespmem:s15+$0x0];
	[tilespmem:s11+$0x2000] =	vst v6  }
0x3bb: {  	s16 =	rddreg [dreg:$0x1c];
	[tilespmem:s7+$0x100] =	vst v10;
	v6 =	vld.idx.msk [tilespmem:v0+s25+$0x0], $0xffff  }
0x3bc: {  	v11 =	vld.idx.msk [tilespmem:v4+s16+$0x0], $0xffff;
	[tilespmem:s6+$0x380] =	vst v8  }
0x3bd: {  	s16 =	simm.s32 $0x5F00;
	[tilespmem:s2+$0x2280] =	vst v7;
	v8 =	vld.idx.msk [tilespmem:v3+s21+$0x0], $0xffff  }
0x3be: {  	v7 =	vld.idx.msk [tilespmem:v2+s16+$0x0], $0xffff;
	[tilespmem:s1+$0x1200] =	vst v5  }
0x3bf: {  	[smem:$0x7D8] =	sst s15  }
0x3c0: {  	s3 =	sld [smem:$0x7F0];
	v5 =	vld.idx.msk [tilespmem:v1+s31+$0x0], $0xffff;
	[tilespmem:s11+$0x2080] =	vst v6  }
0x3c1: {  	s23 =	rddreg [dreg:$0x1d];
	[tilespmem:s7+$0x180] =	vst v11;
	v6 =	vld.idx.msk [tilespmem:v0+s22+$0x0], $0xffff  }
0x3c2: {  	v11 =	vld.idx.msk [tilespmem:v4+s23+$0x0], $0xffff;
	[tilespmem:s6+$0x1000] =	vst v8  }
0x3c3: {  	[tilespmem:s2+$0x2300] =	vst v7;
	v8 =	vld.idx.msk [tilespmem:v3+s3+$0x0], $0xffff  }
0x3c4: {  	v7 =	vld.idx.msk [tilespmem:v2+s26+$0x0], $0xffff  }
0x3c5: {  	v12 =	vld.idx.msk [tilespmem:v9+s17+$0x0], $0xffff;
	[tilespmem:s1+$0x1280] =	vst v5  }
0x3c6: {  	s12 =	simm.s32 $0x280;
	s21 =	sld [smem:$0x7F1];
	v5 =	vld.idx.msk [tilespmem:v1+s4+$0x0], $0xffff;
	[tilespmem:s11+$0x2100] =	vst v6  }
0x3c7: {  	s8 =	simm.s32 $0x50;
	s10 =	rddreg [dreg:$0x1e];
	s22 =	sand.u32 $0xC00, s12;
	[tilespmem:s7+$0x200] =	vst v11;
	v6 =	vld.idx.msk [tilespmem:v0+s9+$0x0], $0xffff  }
0x3c8: {  	s23 =	sand.u32 $0x70, s8;
	s5 =	sadd.s32 s22, s13;
	v11 =	vld.idx.msk [tilespmem:v4+s10+$0x0], $0xffff;
	[tilespmem:s6+$0x1080] =	vst v8  }
0x3c9: {  	s5 =	sadd.s32 s23, s5;
	[tilespmem:s2+$0x2380] =	vst v7;
	v8 =	vld.idx.msk [tilespmem:v3+s21+$0x0], $0xffff  }
0x3ca: {  	s3 =	rddreg [dreg:$0x1a];
	[tilespmem:s5+$0x0] =	vst v12;
	v7 =	vld.idx.msk [tilespmem:v2+s28+$0x0], $0xffff  }
0x3cb: {  	v12 =	vld.idx.msk [tilespmem:v9+s3+$0x0], $0xffff;
	[tilespmem:s1+$0x1300] =	vst v5  }
0x3cc: {  	s22 =	sld [smem:$0x7F2];
	v5 =	vld.idx.msk [tilespmem:v1+s19+$0x0], $0xffff;
	[tilespmem:s11+$0x2180] =	vst v6  }
0x3cd: {  	s21 =	rddreg [dreg:$0x1f];
	[tilespmem:s7+$0x280] =	vst v11;
	v6 =	vld.idx.msk [tilespmem:v0+s24+$0x0], $0xffff  }
0x3ce: {  	v11 =	vld.idx.msk [tilespmem:v4+s21+$0x0], $0xffff;
	[tilespmem:s6+$0x1100] =	vst v8  }
0x3cf: {  	[tilespmem:s2+$0x3000] =	vst v7;
	v8 =	vld.idx.msk [tilespmem:v3+s22+$0x0], $0xffff  }
0x3d0: {  	s3 =	rddreg [dreg:$0x1b];
	[tilespmem:s5+$0x80] =	vst v12;
	v7 =	vld.idx.msk [tilespmem:v2+s29+$0x0], $0xffff  }
0x3d1: {  	s9 =	smov.u32 s13;
	s13 =	sld [smem:$0x7ED];
	v12 =	vld.idx.msk [tilespmem:v9+s3+$0x0], $0xffff;
	[tilespmem:s1+$0x1380] =	vst v5  }
0x3d2: {  	v5 =	vld.idx.msk [tilespmem:v1+s20+$0x0], $0xffff;
	[tilespmem:s11+$0x2200] =	vst v6  }
0x3d3: {  	[tilespmem:s7+$0x300] =	vst v11;
	v6 =	vld.idx.msk [tilespmem:v0+s18+$0x0], $0xffff  }
0x3d4: {  	v11 =	vld.idx.msk [tilespmem:v4+s13+$0x0], $0xffff;
	[tilespmem:s6+$0x1180] =	vst v8  }
0x3d5: {  	[tilespmem:s2+$0x3080] =	vst v7;
	v8 =	vld.idx.msk [tilespmem:v3+s0+$0x0], $0xffff  }
0x3d6: {  	s15 =	sadd.s32 $0x10, s15;
	s18 =	rddreg [dreg:$0x1c];
	[tilespmem:s5+$0x100] =	vst v12;
	v7 =	vld.idx.msk [tilespmem:v2+s30+$0x0], $0xffff  }
0x3d7: {  	v10 =	vld [tilespmem:s15+$0x0];
	[tilespmem:s1+$0x2000] =	vst v5  }
0x3d8: {  	s12 =	simm.s32 $0x380;
	s23 =	simm.s32 $0x5E00;
	s22 =	sld [smem:$0x7EF];
	v19 =	vld.idx.msk [tilespmem:v9+s18+$0x0], $0xffff;
	[tilespmem:s11+$0x2280] =	vst v6  }
0x3d9: {  	s4 =	simm.s32 $0x5B80;
	s10 =	sadd.s32 $0x10, s15;
	s19 =	simm.s32 $0x5C00;
	v18 =	vld.idx.msk [tilespmem:v1+s25+$0x0], $0xffff;
	[tilespmem:s7+$0x380] =	vst v11  }
0x3da: {  	s24 =	simm.s32 $0x5E80;
	s21 =	simm.s32 $0x5A00;
	s3 =	simm.s32 $0x6280;
	v16 =	vld.idx.msk [tilespmem:v0+s16+$0x0], $0xffff;
	[tilespmem:s6+$0x1200] =	vst v8  }
0x3db: {  	s20 =	simm.s32 $0x5C80;
	s13 =	simm.s32 $0x300;
	s0 =	simm.s32 $0x5A80;
	v15 =	vld.idx.msk [tilespmem:v4+s22+$0x0], $0xffff;
	[tilespmem:s2+$0x3100] =	vst v7  }
0x3dc: {  	v13 =	vmov v9;
	v14 =	vmov v10;
	s18 =	simm.s32 $0x6380;
	s25 =	simm.s32 $0x5F00;
	v7 =	vmov v9;
	v17 =	vld.idx.msk [tilespmem:v2+s14+$0x0], $0xffff;
	[smem:$0x7D9] =	sst s15  }
0x3dd: {  	v12 =	vmovc v3;
	v5 =	vmovc v10;
	v6 =	vmov v4;
	v11 =	vmov v1;
	v8 =	vmov v3;
	s22 =	simm.s32 $0x6200;
	s14 =	rddreg [dreg:$0x1d];
	v20 =	vld.idx.msk [tilespmem:v3+s31+$0x0], $0xffff;
	s31 =	simm.s32 $0x6300  }
.LBB2_10:
0x3de: {  	v21 =	vmovc v3;
	v3 =	vmov v4;
	v4 =	vmov v9;
	v9 =	vmov v10;
	v10 =	vld [tilespmem:s10+$0x0];
	[tilespmem:s1+$0x2080] =	vst v18  }
0x3df: {  	s15 =	smov.u32 s2;
	s2 =	smov.u32 s11;
	s11 =	simm.s32 $0x5D00;
	[tilespmem:s5+$0x180] =	vst v19  }
0x3e0: {  	s16 =	sld [smem:$0x7F0];
	v18 =	vld.idx.msk [tilespmem:v1+s11+$0x0], $0xffff  }
0x3e1: {  	s11 =	smov.u32 s1;
	s1 =	smov.u32 s6;
	v19 =	vld.idx.msk [tilespmem:v7+s14+$0x0], $0xffff;
	[tilespmem:s2+$0x2300] =	vst v16;
	s6 =	smov.u32 s7  }
0x3e2: {  	[tilespmem:s6+$0x1000] =	vst v15  }
0x3e3: {  	v15 =	vld.idx.msk [tilespmem:v0+s26+$0x0], $0xffff  }
0x3e4: {  	v16 =	vld.idx.msk [tilespmem:v6+s16+$0x0], $0xffff;
	[tilespmem:s15+$0x3180] =	vst v17  }
0x3e5: {  	[tilespmem:s1+$0x1280] =	vst v20  }
0x3e6: {  	s16 =	simm.s32 $0x5B00;
	v17 =	vld.idx.msk [tilespmem:v2+s22+$0x0], $0xffff  }
0x3e7: {  	v20 =	vld.idx.msk [tilespmem:v8+s16+$0x0], $0xffff  }
0x3e8: {  	s7 =	smov.u32 s5;
	v22 =	vld.idx.msk [tilespmem:v5+s17+$0x0], $0xffff;
	[tilespmem:s11+$0x2100] =	vst v18  }
0x3e9: {  	s17 =	simm.s32 $0x5D80;
	[tilespmem:s7+$0x200] =	vst v19  }
0x3ea: {  	s5 =	rddreg [dreg:$0x1e];
	v18 =	vld.idx.msk [tilespmem:v1+s17+$0x0], $0xffff  }
0x3eb: {  	s14 =	sld [smem:$0x7F1];
	v19 =	vld.idx.msk [tilespmem:v7+s5+$0x0], $0xffff;
	[tilespmem:s2+$0x2380] =	vst v15  }
0x3ec: {  	[tilespmem:s6+$0x1080] =	vst v16  }
0x3ed: {  	s8 =	sadd.s32 $0x10, s8;
	s17 =	sand.u32 $0xC00, s13;
	v15 =	vld.idx.msk [tilespmem:v0+s28+$0x0], $0xffff  }
0x3ee: {  	s16 =	sand.u32 $0x70, s8;
	s5 =	sadd.s32 s17, s9;
	v16 =	vld.idx.msk [tilespmem:v6+s14+$0x0], $0xffff;
	[tilespmem:s15+$0x3200] =	vst v17  }
0x3ef: {  	s5 =	sadd.s32 s16, s5;
	[tilespmem:s1+$0x1300] =	vst v20  }
0x3f0: {  	v17 =	vld.idx.msk [tilespmem:v2+s3+$0x0], $0xffff;
	[tilespmem:s5+$0x0] =	vst v22  }
0x3f1: {  	s17 =	rddreg [dreg:$0x1a];
	v20 =	vld.idx.msk [tilespmem:v8+s4+$0x0], $0xffff  }
0x3f2: {  	v22 =	vld.idx.msk [tilespmem:v5+s17+$0x0], $0xffff;
	[tilespmem:s11+$0x2180] =	vst v18  }
0x3f3: {  	[tilespmem:s7+$0x280] =	vst v19  }
0x3f4: {  	s14 =	rddreg [dreg:$0x1f];
	v18 =	vld.idx.msk [tilespmem:v1+s23+$0x0], $0xffff  }
0x3f5: {  	s16 =	sld [smem:$0x7F2];
	v19 =	vld.idx.msk [tilespmem:v7+s14+$0x0], $0xffff;
	[tilespmem:s2+$0x3000] =	vst v15  }
0x3f6: {  	[tilespmem:s6+$0x1100] =	vst v16  }
0x3f7: {  	v15 =	vld.idx.msk [tilespmem:v0+s29+$0x0], $0xffff  }
0x3f8: {  	v16 =	vld.idx.msk [tilespmem:v6+s16+$0x0], $0xffff;
	[tilespmem:s15+$0x3280] =	vst v17  }
0x3f9: {  	[tilespmem:s1+$0x1380] =	vst v20  }
0x3fa: {  	v17 =	vld.idx.msk [tilespmem:v2+s31+$0x0], $0xffff;
	[tilespmem:s5+$0x80] =	vst v22  }
0x3fb: {  	s14 =	rddreg [dreg:$0x1b];
	v20 =	vld.idx.msk [tilespmem:v8+s19+$0x0], $0xffff  }
0x3fc: {  	s16 =	sld [smem:$0x7ED];
	v22 =	vld.idx.msk [tilespmem:v5+s14+$0x0], $0xffff;
	[tilespmem:s11+$0x2200] =	vst v18  }
0x3fd: {  	[tilespmem:s7+$0x300] =	vst v19  }
0x3fe: {  	v23 =	vld.idx.msk [tilespmem:v1+s24+$0x0], $0xffff  }
0x3ff: {  	v24 =	vld.idx.msk [tilespmem:v7+s16+$0x0], $0xffff;
	[tilespmem:s2+$0x3080] =	vst v15  }
0x400: {  	[tilespmem:s6+$0x1180] =	vst v16  }
0x401: {  	v25 =	vld.idx.msk [tilespmem:v0+s30+$0x0], $0xffff  }
0x402: {  	v26 =	vld.idx.msk [tilespmem:v6+s21+$0x0], $0xffff;
	[tilespmem:s15+$0x3300] =	vst v17  }
0x403: {  	[tilespmem:s1+$0x2000] =	vst v20  }
0x404: {  	v27 =	vld.idx.msk [tilespmem:v2+s18+$0x0], $0xffff;
	[tilespmem:s5+$0x100] =	vst v22  }
0x405: {  	s14 =	rddreg [dreg:$0x1c];
	v18 =	vld.idx.msk [tilespmem:v12+s20+$0x0], $0xffff  }
0x406: {  	s16 =	sld [smem:$0x7EF];
	v2 =	vmov v0;
	v19 =	vld.idx.msk [tilespmem:v14+s14+$0x0], $0xffff;
	[tilespmem:s11+$0x2280] =	vst v23  }
0x407: {  	p1 =	sne.s32 s12, $0xF80;
	v0 =	vmov v1;
	v1 =	vmov v8;
	v8 =	vmov v6;
	[tilespmem:s7+$0x380] =	vst v24  }
.Ltmp4:
0x408: {  	v16 =	vld.idx.msk [tilespmem:v11+s25+$0x0], $0xffff;
	(pc) =	sbr.rel @p1 .LBB2_10-.Ltmp4, $4  }
0x409: {  	v15 =	vld.idx.msk [tilespmem:v13+s16+$0x0], $0xffff;
	[tilespmem:s2+$0x3100] =	vst v25  }
0x40a: {  	s16 =	simm.s32 $0x6180;
	[tilespmem:s6+$0x1200] =	vst v26  }
0x40b: {  	s10 =	sadd.s32 $0x10, s10;
	s13 =	smov.u32 s12;
	v6 =	vmov v7;
	v7 =	vmov v5;
	v17 =	vld.idx.msk [tilespmem:v2+s16+$0x0], $0xffff  }
0x40c: {  	s12 =	sadd.s32 $0x80, s12;
	s17 =	simm.s32 $0x5400;
	v5 =	vmovc v10;
	v12 =	vmovc v3;
	v14 =	vmov v10;
	s14 =	rddreg [dreg:$0x1d];
	v11 =	vmov v21;
	v13 =	vmov v9;
	v20 =	vld.idx.msk [tilespmem:v8+s0+$0x0], $0xffff;
	[tilespmem:s15+$0x3380] =	vst v27  }
0x40d: {  	_ =	sdelay $0x2  }
0x40e: {  	[tilespmem:s11+$0x2300] =	vst v16  }
0x40f: {  	s10 =	sld [smem:$0x7F0];
	s15 =	simm.s32 $0x5F80;
	v21 =	vld.idx.msk [tilespmem:v5+s17+$0x0], $0xffff;
	[tilespmem:s7+$0x1000] =	vst v15  }
0x410: {  	s3 =	simm.s32 $0x5B00;
	v15 =	vld.idx.msk [tilespmem:v0+s15+$0x0], $0xffff;
	[tilespmem:s6+$0x1280] =	vst v20  }
0x411: {  	s26 =	sand.u32 $0xC00, s13;
	s8 =	sadd.s32 $0x10, s8;
	v20 =	vld.idx.msk [tilespmem:v8+s3+$0x0], $0xffff  }
0x412: {  	s8 =	sand.u32 $0x70, s8;
	v16 =	vld.idx.msk [tilespmem:v6+s10+$0x0], $0xffff;
	s10 =	sadd.s32 s26, s9  }
0x413: {  	[tilespmem:s5+$0x180] =	vst v19;
	s21 =	sadd.s32 s8, s10  }
0x414: {  	s0 =	rddreg [dreg:$0x1a];
	[tilespmem:s21+$0x0] =	vst v21  }
0x415: {  	v19 =	vld.idx.msk [tilespmem:v7+s14+$0x0], $0xffff;
	[tilespmem:s11+$0x2380] =	vst v15  }
0x416: {  	s14 =	simm.s32 $0x6000;
	[tilespmem:s6+$0x1300] =	vst v20;
	v20 =	vld.idx.msk [tilespmem:v5+s0+$0x0], $0xffff  }
0x417: {  	s12 =	sld [smem:$0x7F1];
	[tilespmem:s7+$0x1080] =	vst v16;
	v16 =	vld.idx.msk [tilespmem:v0+s14+$0x0], $0xffff;
	_ =	sdelay $0x3  }
0x418: {  	s22 =	rddreg [dreg:$0x1b];
	[tilespmem:s21+$0x80] =	vst v20  }
0x419: {  	[tilespmem:s11+$0x3000] =	vst v16;
	v16 =	vld.idx.msk [tilespmem:v5+s22+$0x0], $0xffff;
	_ =	sdelay $0x2  }
0x41a: {  	[tilespmem:s1+$0x2080] =	vst v18;
	s18 =	simm.s32 $0x5D00  }
0x41b: {  	v18 =	vld.idx.msk [tilespmem:v1+s18+$0x0], $0xffff  }
0x41c: {  	s23 =	rddreg [dreg:$0x1c];
	[tilespmem:s21+$0x100] =	vst v16  }
0x41d: {  	v14 =	vld.idx.msk [tilespmem:v14+s23+$0x0], $0xffff  }
0x41e: {  	s20 =	simm.s32 $0x6200;
	[tilespmem:s2+$0x3180] =	vst v17  }
0x41f: {  	v17 =	vld.idx.msk [tilespmem:v2+s20+$0x0], $0xffff  }
0x420: {  	s17 =	simm.s32 $0x5D80;
	[tilespmem:s1+$0x2100] =	vst v18  }
0x421: {  	s25 =	rddreg [dreg:$0x1e];
	[tilespmem:s5+$0x200] =	vst v19;
	v18 =	vld.idx.msk [tilespmem:v1+s17+$0x0], $0xffff  }
0x422: {  	v19 =	vld.idx.msk [tilespmem:v7+s25+$0x0], $0xffff;
	s24 =	rddreg [dreg:$0x1d];
	[tilespmem:s21+$0x180] =	vst v14  }
0x423: {  	v14 =	vld.idx.msk [tilespmem:v5+s24+$0x0], $0xffff  }
0x424: {  	s19 =	simm.s32 $0x6280;
	v22 =	vld.idx.msk [tilespmem:v6+s12+$0x0], $0xffff;
	[tilespmem:s2+$0x3200] =	vst v17  }
0x425: {  	s4 =	simm.s32 $0x5B80;
	v15 =	vld.idx.msk [tilespmem:v2+s19+$0x0], $0xffff  }
0x426: {  	s13 =	simm.s32 $0x5E00;
	v17 =	vld.idx.msk [tilespmem:v8+s4+$0x0], $0xffff;
	[tilespmem:s1+$0x2180] =	vst v18  }
0x427: {  	s12 =	rddreg [dreg:$0x1f];
	[tilespmem:s5+$0x280] =	vst v19;
	v18 =	vld.idx.msk [tilespmem:v1+s13+$0x0], $0xffff  }
0x428: {  	v19 =	vld.idx.msk [tilespmem:v7+s12+$0x0], $0xffff;
	s25 =	rddreg [dreg:$0x1e];
	[tilespmem:s21+$0x200] =	vst v14  }
0x429: {  	s10 =	sld [smem:$0x7F2];
	v14 =	vld.idx.msk [tilespmem:v5+s25+$0x0], $0xffff;
	_ =	sdelay $0x4  }
0x42a: {  	s8 =	rddreg [dreg:$0x1f];
	[tilespmem:s21+$0x280] =	vst v14  }
0x42b: {  	v14 =	vld.idx.msk [tilespmem:v5+s8+$0x0], $0xffff  }
0x42c: {  	s26 =	sld [smem:$0x7ED];
	_ =	sdelay $0x1  }
0x42d: {  	[tilespmem:s5+$0x300] =	vst v19;
	s0 =	sld [smem:$0x7ED]  }
0x42e: {  	v16 =	vld.idx.msk [tilespmem:v7+s26+$0x0], $0xffff  }
0x42f: {  	[tilespmem:s21+$0x300] =	vst v14  }
0x430: {  	v14 =	vld.idx.msk [tilespmem:v5+s0+$0x0], $0xffff  }
0x431: {  	s22 =	sld [smem:$0x7EF];
	_ =	sdelay $0x1  }
0x432: {  	[tilespmem:s5+$0x380] =	vst v16;
	s23 =	sld [smem:$0x7EF]  }
0x433: {  	v13 =	vld.idx.msk [tilespmem:v13+s22+$0x0], $0xffff  }
0x434: {  	[tilespmem:s21+$0x380] =	vst v14  }
0x435: {  	v14 =	vld.idx.msk [tilespmem:v10+s23+$0x0], $0xffff  }
0x436: {  	s24 =	sld [smem:$0x7F0];
	_ =	sdelay $0x1  }
0x437: {  	[tilespmem:s5+$0x1000] =	vst v13;
	s25 =	sld [smem:$0x7F0]  }
0x438: {  	v13 =	vld.idx.msk [tilespmem:v7+s24+$0x0], $0xffff  }
0x439: {  	[tilespmem:s21+$0x1000] =	vst v14  }
0x43a: {  	v14 =	vld.idx.msk [tilespmem:v5+s25+$0x0], $0xffff  }
0x43b: {  	s26 =	sld [smem:$0x7F1];
	_ =	sdelay $0x1  }
0x43c: {  	[tilespmem:s5+$0x1080] =	vst v13;
	s0 =	sld [smem:$0x7F1]  }
0x43d: {  	v13 =	vld.idx.msk [tilespmem:v7+s26+$0x0], $0xffff  }
0x43e: {  	[tilespmem:s21+$0x1080] =	vst v14  }
0x43f: {  	[tilespmem:s7+$0x1100] =	vst v22;
	v14 =	vld.idx.msk [tilespmem:v5+s0+$0x0], $0xffff  }
0x440: {  	v16 =	vld.idx.msk [tilespmem:v6+s10+$0x0], $0xffff;
	s22 =	sld [smem:$0x7F2];
	_ =	sdelay $0x1  }
0x441: {  	[tilespmem:s5+$0x1100] =	vst v13;
	s23 =	sld [smem:$0x7F2]  }
0x442: {  	v13 =	vld.idx.msk [tilespmem:v7+s22+$0x0], $0xffff  }
0x443: {  	[tilespmem:s21+$0x1100] =	vst v14  }
0x444: {  	[tilespmem:s7+$0x1180] =	vst v16;
	s0 =	simm.s32 $0x5A00;
	v14 =	vld.idx.msk [tilespmem:v5+s23+$0x0], $0xffff  }
0x445: {  	v16 =	vld.idx.msk [tilespmem:v6+s0+$0x0], $0xffff;
	_ =	sdelay $0x1  }
0x446: {  	[tilespmem:s5+$0x1180] =	vst v13  }
0x447: {  	v13 =	vld.idx.msk [tilespmem:v7+s0+$0x0], $0xffff  }
0x448: {  	[tilespmem:s21+$0x1180] =	vst v14  }
0x449: {  	s24 =	simm.s32 $0x5A80;
	[tilespmem:s7+$0x1200] =	vst v16;
	v14 =	vld.idx.msk [tilespmem:v5+s0+$0x0], $0xffff  }
0x44a: {  	v16 =	vld.idx.msk [tilespmem:v6+s24+$0x0], $0xffff;
	_ =	sdelay $0x1  }
0x44b: {  	[tilespmem:s5+$0x1200] =	vst v13  }
0x44c: {  	v13 =	vld.idx.msk [tilespmem:v7+s24+$0x0], $0xffff  }
0x44d: {  	[tilespmem:s21+$0x1200] =	vst v14  }
0x44e: {  	[tilespmem:s7+$0x1280] =	vst v16;
	v14 =	vld.idx.msk [tilespmem:v5+s24+$0x0], $0xffff  }
0x44f: {  	v16 =	vld.idx.msk [tilespmem:v6+s3+$0x0], $0xffff;
	_ =	sdelay $0x1  }
0x450: {  	[tilespmem:s5+$0x1280] =	vst v13  }
0x451: {  	v13 =	vld.idx.msk [tilespmem:v7+s3+$0x0], $0xffff  }
0x452: {  	[tilespmem:s21+$0x1280] =	vst v14  }
0x453: {  	[tilespmem:s7+$0x1300] =	vst v16;
	v14 =	vld.idx.msk [tilespmem:v5+s3+$0x0], $0xffff  }
0x454: {  	v16 =	vld.idx.msk [tilespmem:v6+s4+$0x0], $0xffff  }
0x455: {  	[tilespmem:s6+$0x1380] =	vst v17;
	s25 =	simm.s32 $0x5C00  }
0x456: {  	v17 =	vld.idx.msk [tilespmem:v8+s25+$0x0], $0xffff;
	[tilespmem:s5+$0x1300] =	vst v13  }
0x457: {  	v13 =	vld.idx.msk [tilespmem:v7+s4+$0x0], $0xffff  }
0x458: {  	[tilespmem:s21+$0x1300] =	vst v14  }
0x459: {  	[tilespmem:s7+$0x1380] =	vst v16;
	v14 =	vld.idx.msk [tilespmem:v5+s4+$0x0], $0xffff  }
0x45a: {  	v16 =	vld.idx.msk [tilespmem:v6+s25+$0x0], $0xffff  }
0x45b: {  	s26 =	simm.s32 $0x5C80;
	[tilespmem:s6+$0x2000] =	vst v17  }
0x45c: {  	v12 =	vld.idx.msk [tilespmem:v12+s26+$0x0], $0xffff;
	[tilespmem:s5+$0x1380] =	vst v13  }
0x45d: {  	v13 =	vld.idx.msk [tilespmem:v7+s25+$0x0], $0xffff  }
0x45e: {  	[tilespmem:s21+$0x1380] =	vst v14  }
0x45f: {  	[tilespmem:s7+$0x2000] =	vst v16;
	v14 =	vld.idx.msk [tilespmem:v5+s25+$0x0], $0xffff  }
0x460: {  	v16 =	vld.idx.msk [tilespmem:v4+s26+$0x0], $0xffff  }
0x461: {  	[tilespmem:s6+$0x2080] =	vst v12  }
0x462: {  	v12 =	vld.idx.msk [tilespmem:v8+s18+$0x0], $0xffff;
	[tilespmem:s5+$0x2000] =	vst v13  }
0x463: {  	v13 =	vld.idx.msk [tilespmem:v9+s26+$0x0], $0xffff  }
0x464: {  	[tilespmem:s21+$0x2000] =	vst v14  }
0x465: {  	[tilespmem:s7+$0x2080] =	vst v16;
	v14 =	vld.idx.msk [tilespmem:v10+s26+$0x0], $0xffff  }
0x466: {  	v16 =	vld.idx.msk [tilespmem:v6+s18+$0x0], $0xffff  }
0x467: {  	[tilespmem:s6+$0x2100] =	vst v12  }
0x468: {  	v12 =	vld.idx.msk [tilespmem:v8+s17+$0x0], $0xffff;
	[tilespmem:s5+$0x2080] =	vst v13  }
0x469: {  	v13 =	vld.idx.msk [tilespmem:v7+s18+$0x0], $0xffff  }
0x46a: {  	[tilespmem:s21+$0x2080] =	vst v14  }
0x46b: {  	[tilespmem:s7+$0x2100] =	vst v16;
	v14 =	vld.idx.msk [tilespmem:v5+s18+$0x0], $0xffff  }
0x46c: {  	v16 =	vld.idx.msk [tilespmem:v6+s17+$0x0], $0xffff  }
0x46d: {  	[tilespmem:s6+$0x2180] =	vst v12  }
0x46e: {  	v12 =	vld.idx.msk [tilespmem:v8+s13+$0x0], $0xffff;
	[tilespmem:s5+$0x2100] =	vst v13  }
0x46f: {  	v13 =	vld.idx.msk [tilespmem:v7+s17+$0x0], $0xffff  }
0x470: {  	[tilespmem:s21+$0x2100] =	vst v14  }
0x471: {  	[tilespmem:s7+$0x2180] =	vst v16;
	v14 =	vld.idx.msk [tilespmem:v5+s17+$0x0], $0xffff  }
0x472: {  	[tilespmem:s1+$0x2200] =	vst v18;
	s3 =	simm.s32 $0x5E80;
	v16 =	vld.idx.msk [tilespmem:v6+s13+$0x0], $0xffff  }
0x473: {  	[tilespmem:s6+$0x2200] =	vst v12;
	v17 =	vld.idx.msk [tilespmem:v1+s3+$0x0], $0xffff  }
0x474: {  	v12 =	vld.idx.msk [tilespmem:v8+s3+$0x0], $0xffff;
	[tilespmem:s5+$0x2180] =	vst v13  }
0x475: {  	v13 =	vld.idx.msk [tilespmem:v7+s13+$0x0], $0xffff  }
0x476: {  	[tilespmem:s21+$0x2180] =	vst v14  }
0x477: {  	[tilespmem:s7+$0x2200] =	vst v16;
	v14 =	vld.idx.msk [tilespmem:v5+s13+$0x0], $0xffff  }
0x478: {  	[tilespmem:s1+$0x2280] =	vst v17;
	s4 =	simm.s32 $0x5F00;
	v16 =	vld.idx.msk [tilespmem:v6+s3+$0x0], $0xffff  }
0x479: {  	[tilespmem:s6+$0x2280] =	vst v12;
	v11 =	vld.idx.msk [tilespmem:v11+s4+$0x0], $0xffff  }
0x47a: {  	v3 =	vld.idx.msk [tilespmem:v3+s4+$0x0], $0xffff;
	[tilespmem:s5+$0x2200] =	vst v13  }
0x47b: {  	v13 =	vld.idx.msk [tilespmem:v7+s3+$0x0], $0xffff  }
0x47c: {  	[tilespmem:s21+$0x2200] =	vst v14  }
0x47d: {  	[tilespmem:s7+$0x2280] =	vst v16;
	v14 =	vld.idx.msk [tilespmem:v5+s3+$0x0], $0xffff  }
0x47e: {  	[tilespmem:s1+$0x2300] =	vst v11;
	v4 =	vld.idx.msk [tilespmem:v4+s4+$0x0], $0xffff  }
0x47f: {  	[tilespmem:s6+$0x2300] =	vst v3;
	v11 =	vld.idx.msk [tilespmem:v1+s15+$0x0], $0xffff  }
0x480: {  	v3 =	vld.idx.msk [tilespmem:v8+s15+$0x0], $0xffff;
	[tilespmem:s5+$0x2280] =	vst v13  }
0x481: {  	[tilespmem:s2+$0x3280] =	vst v15;
	s8 =	simm.s32 $0x6300;
	v9 =	vld.idx.msk [tilespmem:v9+s4+$0x0], $0xffff  }
0x482: {  	v12 =	vld.idx.msk [tilespmem:v2+s8+$0x0], $0xffff;
	[tilespmem:s21+$0x2280] =	vst v14  }
0x483: {  	[tilespmem:s7+$0x2300] =	vst v4;
	v10 =	vld.idx.msk [tilespmem:v10+s4+$0x0], $0xffff  }
0x484: {  	[tilespmem:s1+$0x2380] =	vst v11;
	v4 =	vld.idx.msk [tilespmem:v6+s15+$0x0], $0xffff  }
0x485: {  	[tilespmem:s6+$0x2380] =	vst v3;
	v11 =	vld.idx.msk [tilespmem:v1+s14+$0x0], $0xffff  }
0x486: {  	v3 =	vld.idx.msk [tilespmem:v8+s14+$0x0], $0xffff;
	[tilespmem:s5+$0x2300] =	vst v9  }
0x487: {  	s10 =	simm.s32 $0x6380;
	[tilespmem:s2+$0x3300] =	vst v12;
	v9 =	vld.idx.msk [tilespmem:v7+s15+$0x0], $0xffff  }
0x488: {  	v2 =	vld.idx.msk [tilespmem:v2+s10+$0x0], $0xffff;
	[tilespmem:s21+$0x2300] =	vst v10  }
0x489: {  	[tilespmem:s7+$0x2380] =	vst v4;
	v10 =	vld.idx.msk [tilespmem:v5+s15+$0x0], $0xffff  }
0x48a: {  	s12 =	simm.s32 $0x6080;
	[tilespmem:s1+$0x3000] =	vst v11;
	v4 =	vld.idx.msk [tilespmem:v6+s14+$0x0], $0xffff  }
0x48b: {  	[tilespmem:s6+$0x3000] =	vst v3;
	v11 =	vld.idx.msk [tilespmem:v1+s12+$0x0], $0xffff  }
0x48c: {  	v3 =	vld.idx.msk [tilespmem:v8+s12+$0x0], $0xffff;
	[tilespmem:s5+$0x2380] =	vst v9  }
0x48d: {  	[tilespmem:s2+$0x3380] =	vst v2;
	v9 =	vld.idx.msk [tilespmem:v7+s14+$0x0], $0xffff  }
0x48e: {  	[tilespmem:s21+$0x2380] =	vst v10;
	v10 =	vld.idx.msk [tilespmem:v0+s12+$0x0], $0xffff  }
0x48f: {  	[tilespmem:s7+$0x3000] =	vst v4;
	v2 =	vld.idx.msk [tilespmem:v5+s14+$0x0], $0xffff  }
0x490: {  	[tilespmem:s1+$0x3080] =	vst v11;
	s13 =	simm.s32 $0x6100;
	v4 =	vld.idx.msk [tilespmem:v6+s12+$0x0], $0xffff  }
0x491: {  	[tilespmem:s6+$0x3080] =	vst v3;
	v11 =	vld.idx.msk [tilespmem:v1+s13+$0x0], $0xffff  }
0x492: {  	v3 =	vld.idx.msk [tilespmem:v8+s13+$0x0], $0xffff;
	[tilespmem:s5+$0x3000] =	vst v9  }
0x493: {  	v9 =	vld.idx.msk [tilespmem:v7+s12+$0x0], $0xffff;
	[tilespmem:s11+$0x3080] =	vst v10  }
0x494: {  	[tilespmem:s21+$0x3000] =	vst v2;
	v10 =	vld.idx.msk [tilespmem:v0+s13+$0x0], $0xffff  }
0x495: {  	[tilespmem:s7+$0x3080] =	vst v4;
	v2 =	vld.idx.msk [tilespmem:v5+s12+$0x0], $0xffff  }
0x496: {  	[tilespmem:s1+$0x3100] =	vst v11;
	v4 =	vld.idx.msk [tilespmem:v6+s13+$0x0], $0xffff  }
0x497: {  	[tilespmem:s6+$0x3100] =	vst v3;
	v11 =	vld.idx.msk [tilespmem:v1+s16+$0x0], $0xffff  }
0x498: {  	v3 =	vld.idx.msk [tilespmem:v8+s16+$0x0], $0xffff;
	[tilespmem:s5+$0x3080] =	vst v9  }
0x499: {  	v9 =	vld.idx.msk [tilespmem:v7+s13+$0x0], $0xffff;
	[tilespmem:s11+$0x3100] =	vst v10  }
0x49a: {  	[tilespmem:s21+$0x3080] =	vst v2;
	v10 =	vld.idx.msk [tilespmem:v0+s16+$0x0], $0xffff  }
0x49b: {  	[tilespmem:s7+$0x3100] =	vst v4;
	v2 =	vld.idx.msk [tilespmem:v5+s13+$0x0], $0xffff  }
0x49c: {  	[tilespmem:s1+$0x3180] =	vst v11;
	v4 =	vld.idx.msk [tilespmem:v6+s16+$0x0], $0xffff  }
0x49d: {  	[tilespmem:s6+$0x3180] =	vst v3;
	v11 =	vld.idx.msk [tilespmem:v1+s20+$0x0], $0xffff  }
0x49e: {  	v3 =	vld.idx.msk [tilespmem:v8+s20+$0x0], $0xffff;
	[tilespmem:s5+$0x3100] =	vst v9  }
0x49f: {  	v9 =	vld.idx.msk [tilespmem:v7+s16+$0x0], $0xffff;
	[tilespmem:s11+$0x3180] =	vst v10  }
0x4a0: {  	[tilespmem:s21+$0x3100] =	vst v2;
	v10 =	vld.idx.msk [tilespmem:v0+s20+$0x0], $0xffff  }
0x4a1: {  	[tilespmem:s7+$0x3180] =	vst v4;
	v2 =	vld.idx.msk [tilespmem:v5+s16+$0x0], $0xffff  }
0x4a2: {  	[tilespmem:s1+$0x3200] =	vst v11;
	v4 =	vld.idx.msk [tilespmem:v6+s20+$0x0], $0xffff  }
0x4a3: {  	[tilespmem:s6+$0x3200] =	vst v3;
	v11 =	vld.idx.msk [tilespmem:v1+s19+$0x0], $0xffff  }
0x4a4: {  	v3 =	vld.idx.msk [tilespmem:v8+s19+$0x0], $0xffff;
	[tilespmem:s5+$0x3180] =	vst v9  }
0x4a5: {  	v9 =	vld.idx.msk [tilespmem:v7+s20+$0x0], $0xffff;
	[tilespmem:s11+$0x3200] =	vst v10  }
0x4a6: {  	[tilespmem:s21+$0x3180] =	vst v2;
	v10 =	vld.idx.msk [tilespmem:v0+s19+$0x0], $0xffff  }
0x4a7: {  	[tilespmem:s7+$0x3200] =	vst v4;
	v2 =	vld.idx.msk [tilespmem:v5+s20+$0x0], $0xffff  }
0x4a8: {  	[tilespmem:s1+$0x3280] =	vst v11;
	v4 =	vld.idx.msk [tilespmem:v6+s19+$0x0], $0xffff  }
0x4a9: {  	[tilespmem:s6+$0x3280] =	vst v3;
	v11 =	vld.idx.msk [tilespmem:v1+s8+$0x0], $0xffff  }
0x4aa: {  	v3 =	vld.idx.msk [tilespmem:v8+s8+$0x0], $0xffff;
	[tilespmem:s5+$0x3200] =	vst v9  }
0x4ab: {  	v9 =	vld.idx.msk [tilespmem:v7+s19+$0x0], $0xffff;
	[tilespmem:s11+$0x3280] =	vst v10  }
0x4ac: {  	[tilespmem:s21+$0x3200] =	vst v2;
	v10 =	vld.idx.msk [tilespmem:v0+s8+$0x0], $0xffff  }
0x4ad: {  	[tilespmem:s7+$0x3280] =	vst v4;
	v2 =	vld.idx.msk [tilespmem:v5+s19+$0x0], $0xffff  }
0x4ae: {  	[tilespmem:s1+$0x3300] =	vst v11;
	v4 =	vld.idx.msk [tilespmem:v6+s8+$0x0], $0xffff  }
0x4af: {  	[tilespmem:s6+$0x3300] =	vst v3;
	v1 =	vld.idx.msk [tilespmem:v1+s10+$0x0], $0xffff  }
0x4b0: {  	v3 =	vld.idx.msk [tilespmem:v8+s10+$0x0], $0xffff;
	[tilespmem:s5+$0x3280] =	vst v9  }
0x4b1: {  	v9 =	vld.idx.msk [tilespmem:v7+s8+$0x0], $0xffff;
	[tilespmem:s11+$0x3300] =	vst v10  }
0x4b2: {  	[tilespmem:s21+$0x3280] =	vst v2;
	v0 =	vld.idx.msk [tilespmem:v0+s10+$0x0], $0xffff  }
0x4b3: {  	[tilespmem:s7+$0x3300] =	vst v4;
	v2 =	vld.idx.msk [tilespmem:v5+s8+$0x0], $0xffff  }
0x4b4: {  	[tilespmem:s1+$0x3380] =	vst v1;
	v4 =	vld.idx.msk [tilespmem:v6+s10+$0x0], $0xffff  }
0x4b5: {  	[tilespmem:s6+$0x3380] =	vst v3  }
0x4b6: {  	[tilespmem:s5+$0x3300] =	vst v9  }
0x4b7: {  	[tilespmem:s11+$0x3380] =	vst v0  }
0x4b8: {  	v6 =	vld.idx.msk [tilespmem:v7+s10+$0x0], $0xffff;
	[tilespmem:s21+$0x3300] =	vst v2  }
0x4b9: {  	v0 =	vld.idx.msk [tilespmem:v5+s10+$0x0], $0xffff;
	s14 =	sld [smem:$0x7DC];
	[tilespmem:s7+$0x3380] =	vst v4  }
0x4ba: {  	s16 =	sld [smem:$0x7EA];
	_ =	sdelay $0x1  }
0x4bb: {  	s15 =	sshll.u32 s14, $0x14  }
0x4bc: {  	s18 =	rddreg [dreg:$0x1];
	[tilespmem:s5+$0x3380] =	vst v6;
	s1 =	sor.u32 s16, s15  }
0x4bd: {  	s20 =	simm.s32 $0x20000;
	s19 =	simm.s32 $0x1000;
	s17 =	sshrl.u32 s1, $0x3;
	[tilespmem:s21+$0x3380] =	vst v0  }
0x4be: {  	s21 =	simm.s32 $0x2;
	[smem:$0x7D3] =	sst s17;
	s1 =	sadd.s32 s18, s17  }
0x4bf: {  	[hbm4b:s1+s19] =	stream.strided.scatter [tilespmem:s9], [sflag:$0x2], $0x4000, s20, s19, $0x38;
	[tilespmem:$0x16800] =	vst v63  }
0x4c0: {  	_ =	swait.ge [sflag:s21], $0x4000  }
0x4c1: {  	s22 =	sld [smem:$0x7E7]  }
0x4c2: {  	[sflag:s21] =	ssyncset.done $0x0  }
0x4c3: {  	[sflag:s21] =	ssyncadd.s32 $0xFFFFC000  }
0x4c4: {  	s23 =	sld [smem:$0x7DA];
	v2 =	vld [tilespmem:s22+$0x0];
	_ =	sdelay $0x2  }
0x4c5: {  	s24 =	sor.u32 $0x1, s23  }
0x4c6: {  	s25 =	smulhi.u32 $0x55555556, s24  }
0x4c7: {  	s26 =	sld [smem:$0x7F3]  }
0x4c8: {  	s2 =	smul.u32 $0x3, s25;
	_ =	sdelay $0x1  }
0x4c9: {  	s1 =	ssub.s32 s24, s2;
	v0 =	vld.idx.msk [tilespmem:v2+s26+$0x0], $0xffff  }
0x4ca: {  	s0 =	simm.s32 $0x0;
	s1 =	sshll.u32 s1, $0xE  }
0x4cb: {  	s3 =	sand.u32 $0xC00, s0;
	s23 =	sadd.s32 $0x7400, s1  }
0x4cc: {  	s4 =	sld [smem:$0x7F4];
	s2 =	sand.u32 $0x70, s0;
	s1 =	sadd.s32 s3, s23  }
0x4cd: {  	s6 =	sadd.s32 s2, s1  }
0x4ce: {  	[tilespmem:s6+$0x0] =	vst v0  }
0x4cf: {  	v0 =	vld.idx.msk [tilespmem:v2+s4+$0x0], $0xffff;
	_ =	sdelay $0x2  }
0x4d0: {  	s5 =	sld [smem:$0x7F5];
	_ =	sdelay $0x1  }
0x4d1: {  	[tilespmem:s6+$0x80] =	vst v0  }
0x4d2: {  	v0 =	vld.idx.msk [tilespmem:v2+s5+$0x0], $0xffff;
	_ =	sdelay $0x4  }
0x4d3: {  	s7 =	sld [smem:$0x7F6];
	[tilespmem:s6+$0x100] =	vst v0  }
0x4d4: {  	s8 =	sld [smem:$0x7D4];
	_ =	sdelay $0x1  }
0x4d5: {  	v1 =	vld.idx.msk [tilespmem:v2+s7+$0x0], $0xffff  }
0x4d6: {  	v0 =	vld [tilespmem:s8+$0x0];
	_ =	sdelay $0x2  }
0x4d7: {  	s9 =	sld [smem:$0x7F7];
	_ =	sdelay $0x1  }
0x4d8: {  	s10 =	sld [smem:$0x7F3];
	[tilespmem:s6+$0x180] =	vst v1  }
0x4d9: {  	v1 =	vld.idx.msk [tilespmem:v2+s9+$0x0], $0xffff;
	_ =	sdelay $0x1  }
0x4da: {  	v3 =	vld.idx.msk [tilespmem:v0+s10+$0x0], $0xffff  }
0x4db: {  	s12 =	simm.s32 $0x80;
	s11 =	sld [smem:$0x7F8]  }
0x4dc: {  	s13 =	simm.s32 $0x10;
	s1 =	sand.u32 $0xC00, s12  }
0x4dd: {  	s14 =	sld [smem:$0x7F4];
	s2 =	sand.u32 $0x70, s13;
	s1 =	sadd.s32 s1, s23;
	[tilespmem:s6+$0x200] =	vst v1  }
0x4de: {  	v1 =	vld.idx.msk [tilespmem:v2+s11+$0x0], $0xffff;
	s11 =	sadd.s32 s2, s1  }
0x4df: {  	[tilespmem:s11+$0x0] =	vst v3  }
0x4e0: {  	v3 =	vld.idx.msk [tilespmem:v0+s14+$0x0], $0xffff  }
0x4e1: {  	s15 =	sld [smem:$0x7F9];
	_ =	sdelay $0x1  }
0x4e2: {  	[tilespmem:s6+$0x280] =	vst v1;
	s16 =	sld [smem:$0x7F5]  }
0x4e3: {  	v1 =	vld.idx.msk [tilespmem:v2+s15+$0x0], $0xffff  }
0x4e4: {  	[tilespmem:s11+$0x80] =	vst v3  }
0x4e5: {  	v3 =	vld.idx.msk [tilespmem:v0+s16+$0x0], $0xffff  }
0x4e6: {  	s17 =	sld [smem:$0x7FA];
	_ =	sdelay $0x1  }
0x4e7: {  	[tilespmem:s6+$0x300] =	vst v1;
	s18 =	sld [smem:$0x7F6]  }
0x4e8: {  	v4 =	vld.idx.msk [tilespmem:v2+s17+$0x0], $0xffff  }
0x4e9: {  	[tilespmem:s11+$0x100] =	vst v3  }
0x4ea: {  	v3 =	vld.idx.msk [tilespmem:v0+s18+$0x0], $0xffff;
	s20 =	sld [smem:$0x7D5]  }
0x4eb: {  	s19 =	sld [smem:$0x7FB];
	_ =	sdelay $0x1  }
0x4ec: {  	[tilespmem:s6+$0x380] =	vst v4;
	s21 =	sld [smem:$0x7F7];
	v1 =	vld [tilespmem:s20+$0x0]  }
0x4ed: {  	v4 =	vld.idx.msk [tilespmem:v2+s19+$0x0], $0xffff  }
0x4ee: {  	[tilespmem:s11+$0x180] =	vst v3  }
0x4ef: {  	v3 =	vld.idx.msk [tilespmem:v0+s21+$0x0], $0xffff  }
0x4f0: {  	s22 =	sld [smem:$0x7FC]  }
0x4f1: {  	s24 =	sld [smem:$0x7F3]  }
0x4f2: {  	[tilespmem:s6+$0x1000] =	vst v4;
	s25 =	sld [smem:$0x7F8]  }
0x4f3: {  	v4 =	vld.idx.msk [tilespmem:v2+s22+$0x0], $0xffff  }
0x4f4: {  	v5 =	vld.idx.msk [tilespmem:v1+s24+$0x0], $0xffff;
	[tilespmem:s11+$0x200] =	vst v3  }
0x4f5: {  	s26 =	simm.s32 $0x100;
	v3 =	vld.idx.msk [tilespmem:v0+s25+$0x0], $0xffff  }
0x4f6: {  	s3 =	simm.s32 $0x20;
	s1 =	sand.u32 $0xC00, s26;
	s0 =	sld [smem:$0x7FD]  }
0x4f7: {  	s4 =	sld [smem:$0x7F4];
	s2 =	sand.u32 $0x70, s3;
	s1 =	sadd.s32 s1, s23  }
0x4f8: {  	s1 =	sadd.s32 s2, s1;
	[tilespmem:s6+$0x1080] =	vst v4;
	s5 =	sld [smem:$0x7F9]  }
0x4f9: {  	v4 =	vld.idx.msk [tilespmem:v2+s0+$0x0], $0xffff;
	[tilespmem:s1+$0x0] =	vst v5  }
0x4fa: {  	v5 =	vld.idx.msk [tilespmem:v1+s4+$0x0], $0xffff;
	[tilespmem:s11+$0x280] =	vst v3  }
0x4fb: {  	v3 =	vld.idx.msk [tilespmem:v0+s5+$0x0], $0xffff;
	_ =	sdelay $0x1  }
0x4fc: {  	s8 =	sld [smem:$0x7F5]  }
0x4fd: {  	s3 =	simm.s32 $0x6980;
	[tilespmem:s6+$0x1100] =	vst v4;
	s9 =	sld [smem:$0x7FA]  }
0x4fe: {  	v4 =	vld.idx.msk [tilespmem:v2+s3+$0x0], $0xffff;
	[tilespmem:s1+$0x80] =	vst v5  }
0x4ff: {  	v5 =	vld.idx.msk [tilespmem:v1+s8+$0x0], $0xffff;
	[tilespmem:s11+$0x300] =	vst v3  }
0x500: {  	v3 =	vld.idx.msk [tilespmem:v0+s9+$0x0], $0xffff;
	_ =	sdelay $0x2  }
0x501: {  	s16 =	simm.s32 $0x6A00;
	s10 =	sld [smem:$0x7F6];
	[tilespmem:s6+$0x1180] =	vst v4  }
0x502: {  	v4 =	vld.idx.msk [tilespmem:v2+s16+$0x0], $0xffff;
	[tilespmem:s1+$0x100] =	vst v5  }
0x503: {  	s12 =	sld [smem:$0x7FB];
	[tilespmem:s11+$0x380] =	vst v3  }
0x504: {  	v5 =	vld.idx.msk [tilespmem:v1+s10+$0x0], $0xffff;
	s13 =	sld [smem:$0x7D6];
	_ =	sdelay $0x1  }
0x505: {  	v6 =	vld.idx.msk [tilespmem:v0+s12+$0x0], $0xffff  }
0x506: {  	s15 =	simm.s32 $0x6A80;
	s14 =	sld [smem:$0x7F7];
	[tilespmem:s6+$0x1200] =	vst v4;
	v3 =	vld [tilespmem:s13+$0x0]  }
0x507: {  	v4 =	vld.idx.msk [tilespmem:v2+s15+$0x0], $0xffff  }
0x508: {  	[tilespmem:s1+$0x180] =	vst v5  }
0x509: {  	s17 =	sld [smem:$0x7FC];
	v5 =	vld.idx.msk [tilespmem:v1+s14+$0x0], $0xffff;
	_ =	sdelay $0x1  }
0x50a: {  	s18 =	sld [smem:$0x7F3];
	[tilespmem:s11+$0x1000] =	vst v6  }
0x50b: {  	s12 =	simm.s32 $0x6B00;
	s19 =	sld [smem:$0x7F8];
	v6 =	vld.idx.msk [tilespmem:v0+s17+$0x0], $0xffff;
	[tilespmem:s6+$0x1280] =	vst v4  }
0x50c: {  	v4 =	vld.idx.msk [tilespmem:v2+s12+$0x0], $0xffff  }
0x50d: {  	[tilespmem:s1+$0x200] =	vst v5;
	v7 =	vld.idx.msk [tilespmem:v3+s18+$0x0], $0xffff  }
0x50e: {  	s21 =	simm.s32 $0x180;
	s20 =	sld [smem:$0x7FD];
	v5 =	vld.idx.msk [tilespmem:v1+s19+$0x0], $0xffff  }
0x50f: {  	s22 =	sand.u32 $0xC00, s21;
	s24 =	simm.s32 $0x30  }
0x510: {  	s7 =	sand.u32 $0x70, s24;
	s25 =	sld [smem:$0x7F4];
	s5 =	sadd.s32 s22, s23;
	[tilespmem:s11+$0x1080] =	vst v6  }
0x511: {  	s2 =	sadd.s32 s7, s5;
	s14 =	simm.s32 $0x6B80;
	s26 =	sld [smem:$0x7F9];
	v6 =	vld.idx.msk [tilespmem:v0+s20+$0x0], $0xffff;
	[tilespmem:s6+$0x1300] =	vst v4  }
0x512: {  	v4 =	vld.idx.msk [tilespmem:v2+s14+$0x0], $0xffff;
	[tilespmem:s2+$0x0] =	vst v7  }
0x513: {  	[tilespmem:s1+$0x280] =	vst v5;
	v7 =	vld.idx.msk [tilespmem:v3+s25+$0x0], $0xffff  }
0x514: {  	v5 =	vld.idx.msk [tilespmem:v1+s26+$0x0], $0xffff;
	_ =	sdelay $0x1  }
0x515: {  	[tilespmem:s11+$0x1100] =	vst v6;
	s0 =	sld [smem:$0x7F5]  }
0x516: {  	s17 =	simm.s32 $0x6C00;
	s4 =	sld [smem:$0x7FA];
	v6 =	vld.idx.msk [tilespmem:v0+s3+$0x0], $0xffff;
	[tilespmem:s6+$0x1380] =	vst v4  }
0x517: {  	v4 =	vld.idx.msk [tilespmem:v2+s17+$0x0], $0xffff;
	[tilespmem:s2+$0x80] =	vst v7  }
0x518: {  	[tilespmem:s1+$0x300] =	vst v5;
	v7 =	vld.idx.msk [tilespmem:v3+s0+$0x0], $0xffff  }
0x519: {  	v5 =	vld.idx.msk [tilespmem:v1+s4+$0x0], $0xffff;
	_ =	sdelay $0x1  }
0x51a: {  	[tilespmem:s11+$0x1180] =	vst v6  }
0x51b: {  	[tilespmem:s6+$0x2000] =	vst v4  }
0x51c: {  	s8 =	sld [smem:$0x7F6];
	v6 =	vld.idx.msk [tilespmem:v0+s16+$0x0], $0xffff;
	[tilespmem:s2+$0x100] =	vst v7  }
0x51d: {  	s20 =	simm.s32 $0x6C80;
	s9 =	sld [smem:$0x7FB];
	[tilespmem:s1+$0x380] =	vst v5  }
0x51e: {  	v7 =	vld.idx.msk [tilespmem:v2+s20+$0x0], $0xffff;
	s10 =	sld [smem:$0x7D7]  }
0x51f: {  	v8 =	vld.idx.msk [tilespmem:v3+s8+$0x0], $0xffff  }
0x520: {  	v5 =	vld.idx.msk [tilespmem:v1+s9+$0x0], $0xffff  }
0x521: {  	[tilespmem:s11+$0x1200] =	vst v6;
	v4 =	vld [tilespmem:s10+$0x0]  }
0x522: {  	s13 =	sld [smem:$0x7F7];
	v6 =	vld.idx.msk [tilespmem:v0+s15+$0x0], $0xffff  }
0x523: {  	s4 =	simm.s32 $0x6D00;
	s18 =	sld [smem:$0x7FC];
	[tilespmem:s6+$0x2080] =	vst v7  }
0x524: {  	[tilespmem:s2+$0x180] =	vst v8;
	v7 =	vld.idx.msk [tilespmem:v2+s4+$0x0], $0xffff  }
0x525: {  	[tilespmem:s1+$0x1000] =	vst v5;
	v8 =	vld.idx.msk [tilespmem:v3+s13+$0x0], $0xffff  }
0x526: {  	s19 =	sld [smem:$0x7F3];
	v5 =	vld.idx.msk [tilespmem:v1+s18+$0x0], $0xffff  }
0x527: {  	[tilespmem:s11+$0x1280] =	vst v6  }
0x528: {  	s21 =	sld [smem:$0x7F8];
	v6 =	vld.idx.msk [tilespmem:v0+s12+$0x0], $0xffff  }
0x529: {  	s22 =	sld [smem:$0x7FD];
	s13 =	simm.s32 $0x6D80;
	[tilespmem:s6+$0x2100] =	vst v7;
	v9 =	vld.idx.msk [tilespmem:v4+s19+$0x0], $0xffff  }
0x52a: {  	s24 =	simm.s32 $0x200;
	[tilespmem:s2+$0x200] =	vst v8;
	v7 =	vld.idx.msk [tilespmem:v2+s13+$0x0], $0xffff  }
0x52b: {  	s25 =	sand.u32 $0xC00, s24;
	s26 =	simm.s32 $0x40;
	[tilespmem:s1+$0x1080] =	vst v5;
	v8 =	vld.idx.msk [tilespmem:v3+s21+$0x0], $0xffff  }
0x52c: {  	s7 =	sadd.s32 s25, s23;
	s0 =	sld [smem:$0x7F4];
	s8 =	sand.u32 $0x70, s26;
	v5 =	vld.idx.msk [tilespmem:v1+s22+$0x0], $0xffff  }
0x52d: {  	s7 =	sadd.s32 s8, s7;
	[tilespmem:s11+$0x1300] =	vst v6  }
0x52e: {  	s9 =	sld [smem:$0x7F9];
	v6 =	vld.idx.msk [tilespmem:v0+s14+$0x0], $0xffff;
	[tilespmem:s7+$0x0] =	vst v9  }
0x52f: {  	s18 =	simm.s32 $0x6E00;
	[tilespmem:s6+$0x2180] =	vst v7;
	v9 =	vld.idx.msk [tilespmem:v4+s0+$0x0], $0xffff  }
0x530: {  	[tilespmem:s2+$0x280] =	vst v8;
	v7 =	vld.idx.msk [tilespmem:v2+s18+$0x0], $0xffff  }
0x531: {  	[tilespmem:s1+$0x1100] =	vst v5;
	v8 =	vld.idx.msk [tilespmem:v3+s9+$0x0], $0xffff  }
0x532: {  	s19 =	sld [smem:$0x7F5];
	v5 =	vld.idx.msk [tilespmem:v1+s3+$0x0], $0xffff  }
0x533: {  	[tilespmem:s11+$0x1380] =	vst v6  }
0x534: {  	s21 =	sld [smem:$0x7FA];
	v6 =	vld.idx.msk [tilespmem:v0+s17+$0x0], $0xffff;
	[tilespmem:s7+$0x80] =	vst v9  }
0x535: {  	[tilespmem:s6+$0x2200] =	vst v7;
	v10 =	vld.idx.msk [tilespmem:v4+s19+$0x0], $0xffff;
	s19 =	simm.s32 $0x6E80  }
0x536: {  	[tilespmem:s2+$0x300] =	vst v8;
	v7 =	vld.idx.msk [tilespmem:v2+s19+$0x0], $0xffff  }
0x537: {  	[tilespmem:s1+$0x1180] =	vst v5;
	v8 =	vld.idx.msk [tilespmem:v3+s21+$0x0], $0xffff  }
0x538: {  	v5 =	vld.idx.msk [tilespmem:v1+s16+$0x0], $0xffff;
	s24 =	sld [smem:$0x7D8]  }
0x539: {  	s22 =	sld [smem:$0x7F6];
	[tilespmem:s11+$0x2000] =	vst v6  }
0x53a: {  	v6 =	vld.idx.msk [tilespmem:v0+s20+$0x0], $0xffff;
	[tilespmem:s7+$0x100] =	vst v10  }
0x53b: {  	s25 =	sld [smem:$0x7FB];
	v9 =	vld [tilespmem:s24+$0x0];
	[tilespmem:s6+$0x2280] =	vst v7  }
0x53c: {  	s21 =	simm.s32 $0x6F00;
	v11 =	vld.idx.msk [tilespmem:v4+s22+$0x0], $0xffff;
	[tilespmem:s2+$0x380] =	vst v8  }
0x53d: {  	[tilespmem:s1+$0x1200] =	vst v5;
	v7 =	vld.idx.msk [tilespmem:v2+s21+$0x0], $0xffff  }
0x53e: {  	v8 =	vld.idx.msk [tilespmem:v3+s25+$0x0], $0xffff;
	s28 =	sld [smem:$0x7D9]  }
0x53f: {  	s26 =	sld [smem:$0x7F7];
	v5 =	vld.idx.msk [tilespmem:v1+s15+$0x0], $0xffff;
	[tilespmem:s11+$0x2080] =	vst v6  }
0x540: {  	v6 =	vld.idx.msk [tilespmem:v0+s4+$0x0], $0xffff  }
0x541: {  	s0 =	sld [smem:$0x7FC];
	v10 =	vld [tilespmem:s28+$0x0];
	[tilespmem:s7+$0x180] =	vst v11  }
0x542: {  	s5 =	simm.s32 $0x6F80;
	s9 =	sld [smem:$0x7F3];
	v11 =	vld.idx.msk [tilespmem:v4+s26+$0x0], $0xffff;
	[tilespmem:s6+$0x2300] =	vst v7  }
0x543: {  	[tilespmem:s2+$0x1000] =	vst v8;
	v7 =	vld.idx.msk [tilespmem:v2+s5+$0x0], $0xffff  }
0x544: {  	v8 =	vld.idx.msk [tilespmem:v3+s0+$0x0], $0xffff  }
0x545: {  	[tilespmem:s1+$0x1280] =	vst v5;
	s10 =	sld [smem:$0x7F8];
	v12 =	vld.idx.msk [tilespmem:v9+s9+$0x0], $0xffff  }
0x546: {  	s8 =	simm.s32 $0x50;
	v5 =	vld.idx.msk [tilespmem:v1+s12+$0x0], $0xffff;
	[tilespmem:s11+$0x2100] =	vst v6;
	s12 =	simm.s32 $0x280  }
0x547: {  	s24 =	simm.s32 $0x7000;
	s22 =	sld [smem:$0x7FD];
	v6 =	vld.idx.msk [tilespmem:v0+s13+$0x0], $0xffff;
	s5 =	sand.u32 $0xC00, s12;
	[tilespmem:s7+$0x200] =	vst v11  }
0x548: {  	s25 =	sand.u32 $0x70, s8;
	s26 =	sld [smem:$0x7F4];
	s5 =	sadd.s32 s5, s23;
	v11 =	vld.idx.msk [tilespmem:v4+s10+$0x0], $0xffff;
	[tilespmem:s6+$0x2380] =	vst v7  }
0x549: {  	s5 =	sadd.s32 s25, s5;
	[tilespmem:s2+$0x1080] =	vst v8;
	v7 =	vld.idx.msk [tilespmem:v2+s24+$0x0], $0xffff  }
0x54a: {  	[tilespmem:s5+$0x0] =	vst v12;
	v8 =	vld.idx.msk [tilespmem:v3+s22+$0x0], $0xffff  }
0x54b: {  	[tilespmem:s1+$0x1300] =	vst v5;
	s4 =	sld [smem:$0x7F9];
	v12 =	vld.idx.msk [tilespmem:v9+s26+$0x0], $0xffff  }
0x54c: {  	v5 =	vld.idx.msk [tilespmem:v1+s14+$0x0], $0xffff;
	[tilespmem:s11+$0x2180] =	vst v6  }
0x54d: {  	v6 =	vld.idx.msk [tilespmem:v0+s18+$0x0], $0xffff;
	[tilespmem:s7+$0x280] =	vst v11  }
0x54e: {  	s10 =	simm.s32 $0x7080;
	s12 =	sld [smem:$0x7F5];
	v11 =	vld.idx.msk [tilespmem:v4+s4+$0x0], $0xffff;
	[tilespmem:s6+$0x3000] =	vst v7  }
0x54f: {  	[tilespmem:s2+$0x1100] =	vst v8;
	v7 =	vld.idx.msk [tilespmem:v2+s10+$0x0], $0xffff  }
0x550: {  	[tilespmem:s5+$0x80] =	vst v12;
	v8 =	vld.idx.msk [tilespmem:v3+s3+$0x0], $0xffff  }
0x551: {  	[tilespmem:s1+$0x1380] =	vst v5;
	s13 =	sld [smem:$0x7FA];
	v12 =	vld.idx.msk [tilespmem:v9+s12+$0x0], $0xffff  }
0x552: {  	v5 =	vld.idx.msk [tilespmem:v1+s17+$0x0], $0xffff;
	[tilespmem:s11+$0x2200] =	vst v6  }
0x553: {  	v6 =	vld.idx.msk [tilespmem:v0+s19+$0x0], $0xffff;
	[tilespmem:s7+$0x300] =	vst v11  }
0x554: {  	s14 =	simm.s32 $0x7100;
	s17 =	sld [smem:$0x7F6];
	v11 =	vld.idx.msk [tilespmem:v4+s13+$0x0], $0xffff;
	[tilespmem:s6+$0x3080] =	vst v7  }
0x555: {  	s29 =	simm.s32 $0x6E00;
	s31 =	simm.s32 $0x7080;
	[tilespmem:s2+$0x1180] =	vst v8;
	v7 =	vld.idx.msk [tilespmem:v2+s14+$0x0], $0xffff  }
0x556: {  	s30 =	simm.s32 $0x6F00;
	s9 =	smov.u32 s23;
	s0 =	simm.s32 $0x7000;
	[tilespmem:s5+$0x100] =	vst v12;
	v8 =	vld.idx.msk [tilespmem:v3+s16+$0x0], $0xffff  }
0x557: {  	s23 =	simm.s32 $0x6B80;
	s25 =	simm.s32 $0x6C80;
	[tilespmem:s1+$0x2000] =	vst v5;
	s24 =	sld [smem:$0x7FB];
	v20 =	vld.idx.msk [tilespmem:v9+s17+$0x0], $0xffff  }
0x558: {  	s26 =	simm.s32 $0x7180;
	s22 =	simm.s32 $0x7100;
	s18 =	simm.s32 $0x6980;
	v15 =	vld.idx.msk [tilespmem:v1+s20+$0x0], $0xffff;
	[tilespmem:s11+$0x2280] =	vst v6  }
0x559: {  	s4 =	simm.s32 $0x6C00;
	s12 =	simm.s32 $0x380;
	s3 =	simm.s32 $0x6E80;
	v13 =	vld.idx.msk [tilespmem:v0+s21+$0x0], $0xffff;
	[tilespmem:s7+$0x380] =	vst v11  }
0x55a: {  	s10 =	sadd.s32 $0x10, s28;
	s28 =	simm.s32 $0x7300;
	s19 =	simm.s32 $0x6A00;
	v19 =	vld.idx.msk [tilespmem:v4+s24+$0x0], $0xffff;
	[tilespmem:s6+$0x3100] =	vst v7  }
0x55b: {  	v14 =	vmov v9;
	v17 =	vmov v10;
	s13 =	simm.s32 $0x300;
	s14 =	sld [smem:$0x7F7];
	s20 =	simm.s32 $0x6A80;
	[tilespmem:s2+$0x1200] =	vst v8;
	v7 =	vmov v9;
	v16 =	vld.idx.msk [tilespmem:v2+s26+$0x0], $0xffff  }
0x55c: {  	v12 =	vmovc v3;
	v5 =	vmovc v10;
	v6 =	vmov v4;
	s21 =	simm.s32 $0x7380;
	v11 =	vmov v1;
	v8 =	vmov v3;
	s24 =	simm.s32 $0x7280;
	v18 =	vld.idx.msk [tilespmem:v3+s15+$0x0], $0xffff;
	s26 =	simm.s32 $0x7200  }
.LBB2_12:
0x55d: {  	v21 =	vmovc v3;
	v3 =	vmov v4;
	v4 =	vmov v9;
	v9 =	vmov v10;
	p1 =	sne.s32 s12, $0xF80  }
0x55e: {  	s15 =	smov.u32 s6;
	s6 =	smov.u32 s11;
	s11 =	simm.s32 $0x6D00;
	v10 =	vld [tilespmem:s10+$0x0];
	[tilespmem:s1+$0x2080] =	vst v15  }
0x55f: {  	[tilespmem:s5+$0x180] =	vst v20;
	s16 =	sld [smem:$0x7FC];
	v15 =	vld.idx.msk [tilespmem:v1+s11+$0x0], $0xffff;
	s11 =	smov.u32 s1;
	s1 =	smov.u32 s2  }
0x560: {  	s2 =	smov.u32 s7;
	s7 =	smov.u32 s5;
	s5 =	simm.s32 $0x6F80;
	v20 =	vld.idx.msk [tilespmem:v7+s14+$0x0], $0xffff;
	[tilespmem:s6+$0x2300] =	vst v13  }
0x561: {  	[tilespmem:s2+$0x1000] =	vst v19;
	v13 =	vld.idx.msk [tilespmem:v0+s5+$0x0], $0xffff  }
0x562: {  	s5 =	sld [smem:$0x7F3];
	v19 =	vld.idx.msk [tilespmem:v6+s16+$0x0], $0xffff;
	[tilespmem:s15+$0x3180] =	vst v16  }
0x563: {  	s16 =	simm.s32 $0x6B00;
	[tilespmem:s1+$0x1280] =	vst v18;
	v16 =	vld.idx.msk [tilespmem:v2+s26+$0x0], $0xffff  }
0x564: {  	s14 =	sld [smem:$0x7F8];
	v18 =	vld.idx.msk [tilespmem:v8+s16+$0x0], $0xffff  }
0x565: {  	s16 =	simm.s32 $0x6D80;
	v22 =	vld.idx.msk [tilespmem:v5+s5+$0x0], $0xffff;
	[tilespmem:s11+$0x2100] =	vst v15  }
0x566: {  	[tilespmem:s7+$0x200] =	vst v20;
	s5 =	sld [smem:$0x7FD];
	v15 =	vld.idx.msk [tilespmem:v1+s16+$0x0], $0xffff  }
0x567: {  	v20 =	vld.idx.msk [tilespmem:v7+s14+$0x0], $0xffff;
	[tilespmem:s6+$0x2380] =	vst v13  }
0x568: {  	s8 =	sadd.s32 $0x10, s8;
	s14 =	sand.u32 $0xC00, s13;
	s13 =	smov.u32 s12;
	[tilespmem:s2+$0x1080] =	vst v19;
	v13 =	vld.idx.msk [tilespmem:v0+s0+$0x0], $0xffff  }
0x569: {  	s16 =	sand.u32 $0x70, s8;
	s14 =	sadd.s32 s14, s9;
	s17 =	sld [smem:$0x7F4];
	v19 =	vld.idx.msk [tilespmem:v6+s5+$0x0], $0xffff;
	[tilespmem:s15+$0x3200] =	vst v16  }
0x56a: {  	s5 =	sadd.s32 s16, s14;
	[tilespmem:s1+$0x1300] =	vst v18;
	v16 =	vld.idx.msk [tilespmem:v2+s24+$0x0], $0xffff  }
0x56b: {  	[tilespmem:s5+$0x0] =	vst v22;
	s14 =	sld [smem:$0x7F9];
	v18 =	vld.idx.msk [tilespmem:v8+s23+$0x0], $0xffff  }
0x56c: {  	v22 =	vld.idx.msk [tilespmem:v5+s17+$0x0], $0xffff;
	[tilespmem:s11+$0x2180] =	vst v15  }
0x56d: {  	[tilespmem:s7+$0x280] =	vst v20;
	v15 =	vld.idx.msk [tilespmem:v1+s29+$0x0], $0xffff  }
0x56e: {  	v20 =	vld.idx.msk [tilespmem:v7+s14+$0x0], $0xffff;
	[tilespmem:s6+$0x3000] =	vst v13  }
0x56f: {  	[tilespmem:s2+$0x1100] =	vst v19;
	v13 =	vld.idx.msk [tilespmem:v0+s31+$0x0], $0xffff  }
0x570: {  	s14 =	sld [smem:$0x7F5];
	v19 =	vld.idx.msk [tilespmem:v6+s18+$0x0], $0xffff;
	[tilespmem:s15+$0x3280] =	vst v16  }
0x571: {  	[tilespmem:s1+$0x1380] =	vst v18;
	v16 =	vld.idx.msk [tilespmem:v2+s28+$0x0], $0xffff  }
0x572: {  	[tilespmem:s5+$0x80] =	vst v22;
	s16 =	sld [smem:$0x7FA];
	v18 =	vld.idx.msk [tilespmem:v8+s4+$0x0], $0xffff  }
0x573: {  	v22 =	vld.idx.msk [tilespmem:v5+s14+$0x0], $0xffff;
	[tilespmem:s11+$0x2200] =	vst v15  }
0x574: {  	[tilespmem:s7+$0x300] =	vst v20;
	v23 =	vld.idx.msk [tilespmem:v1+s3+$0x0], $0xffff  }
0x575: {  	v24 =	vld.idx.msk [tilespmem:v7+s16+$0x0], $0xffff;
	[tilespmem:s6+$0x3080] =	vst v13  }
0x576: {  	[tilespmem:s2+$0x1180] =	vst v19;
	v25 =	vld.idx.msk [tilespmem:v0+s22+$0x0], $0xffff  }
0x577: {  	s14 =	sld [smem:$0x7F6];
	v26 =	vld.idx.msk [tilespmem:v6+s19+$0x0], $0xffff;
	[tilespmem:s15+$0x3300] =	vst v16  }
0x578: {  	[tilespmem:s1+$0x2000] =	vst v18;
	v27 =	vld.idx.msk [tilespmem:v2+s21+$0x0], $0xffff;
	v2 =	vmovc v0;
	v0 =	vmovc v1;
	v1 =	vmov v8;
	v8 =	vmov v6;
	v6 =	vmov v7  }
0x579: {  	v7 =	vmov v5;
	v5 =	vmov v10;
	[tilespmem:s5+$0x100] =	vst v22;
	s16 =	sld [smem:$0x7FB];
	v15 =	vld.idx.msk [tilespmem:v12+s25+$0x0], $0xffff;
	v12 =	vmov v3  }
.Ltmp5:
0x57a: {  	v20 =	vld.idx.msk [tilespmem:v17+s14+$0x0], $0xffff;
	[tilespmem:s11+$0x2280] =	vst v23;
	v17 =	vmov v10;
	(pc) =	sbr.rel @p1 .LBB2_12-.Ltmp5, $4  }
0x57b: {  	[tilespmem:s7+$0x380] =	vst v24;
	v13 =	vld.idx.msk [tilespmem:v11+s30+$0x0], $0xffff;
	v11 =	vmov v21  }
0x57c: {  	v19 =	vld.idx.msk [tilespmem:v14+s16+$0x0], $0xffff;
	s16 =	simm.s32 $0x7180;
	[tilespmem:s6+$0x3100] =	vst v25;
	v14 =	vmov v9  }
0x57d: {  	[tilespmem:s2+$0x1200] =	vst v26;
	v16 =	vld.idx.msk [tilespmem:v2+s16+$0x0], $0xffff  }
0x57e: {  	s10 =	sadd.s32 $0x10, s10;
	s12 =	sadd.s32 $0x80, s12;
	s14 =	sld [smem:$0x7F7];
	v18 =	vld.idx.msk [tilespmem:v8+s20+$0x0], $0xffff;
	[tilespmem:s15+$0x3380] =	vst v27  }
0x57f: {  	_ = 	snop  }
0x580: {  	s10 =	sld [smem:$0x7F3];
	_ =	sdelay $0x2  }
0x581: {  	v21 =	vld.idx.msk [tilespmem:v5+s10+$0x0], $0xffff;
	_ =	sdelay $0x1  }
0x582: {  	s21 =	sand.u32 $0xC00, s13;
	s8 =	sadd.s32 $0x10, s8  }
0x583: {  	s12 =	sld [smem:$0x7F4];
	s8 =	sand.u32 $0x70, s8;
	s10 =	sadd.s32 s21, s9  }
0x584: {  	s15 =	sadd.s32 s8, s10  }
0x585: {  	[tilespmem:s15+$0x0] =	vst v21  }
0x586: {  	v21 =	vld.idx.msk [tilespmem:v5+s12+$0x0], $0xffff;
	_ =	sdelay $0x2  }
0x587: {  	s22 =	sld [smem:$0x7F5];
	_ =	sdelay $0x1  }
0x588: {  	[tilespmem:s15+$0x80] =	vst v21  }
0x589: {  	v21 =	vld.idx.msk [tilespmem:v5+s22+$0x0], $0xffff;
	_ =	sdelay $0x2  }
0x58a: {  	s23 =	sld [smem:$0x7F6];
	_ =	sdelay $0x1  }
0x58b: {  	[tilespmem:s15+$0x100] =	vst v21  }
0x58c: {  	v17 =	vld.idx.msk [tilespmem:v17+s23+$0x0], $0xffff;
	_ =	sdelay $0x1  }
0x58d: {  	[tilespmem:s5+$0x180] =	vst v20  }
0x58e: {  	v20 =	vld.idx.msk [tilespmem:v7+s14+$0x0], $0xffff;
	s24 =	sld [smem:$0x7F7];
	_ =	sdelay $0x1  }
0x58f: {  	[tilespmem:s15+$0x180] =	vst v17  }
0x590: {  	s25 =	sld [smem:$0x7F8];
	v17 =	vld.idx.msk [tilespmem:v5+s24+$0x0], $0xffff;
	_ =	sdelay $0x1  }
0x591: {  	[tilespmem:s5+$0x200] =	vst v20  }
0x592: {  	v20 =	vld.idx.msk [tilespmem:v7+s25+$0x0], $0xffff;
	s26 =	sld [smem:$0x7F8];
	_ =	sdelay $0x1  }
0x593: {  	[tilespmem:s15+$0x200] =	vst v17  }
0x594: {  	s30 =	sld [smem:$0x7F9];
	v17 =	vld.idx.msk [tilespmem:v5+s26+$0x0], $0xffff;
	_ =	sdelay $0x1  }
0x595: {  	[tilespmem:s5+$0x280] =	vst v20  }
0x596: {  	v20 =	vld.idx.msk [tilespmem:v7+s30+$0x0], $0xffff;
	s31 =	sld [smem:$0x7F9];
	_ =	sdelay $0x1  }
0x597: {  	[tilespmem:s15+$0x280] =	vst v17  }
0x598: {  	s0 =	sld [smem:$0x7FA];
	v17 =	vld.idx.msk [tilespmem:v5+s31+$0x0], $0xffff;
	_ =	sdelay $0x1  }
0x599: {  	[tilespmem:s5+$0x300] =	vst v20  }
0x59a: {  	v20 =	vld.idx.msk [tilespmem:v7+s0+$0x0], $0xffff;
	s3 =	sld [smem:$0x7FA];
	_ =	sdelay $0x1  }
0x59b: {  	[tilespmem:s15+$0x300] =	vst v17  }
0x59c: {  	s4 =	sld [smem:$0x7FB];
	v17 =	vld.idx.msk [tilespmem:v5+s3+$0x0], $0xffff;
	_ =	sdelay $0x1  }
0x59d: {  	[tilespmem:s5+$0x380] =	vst v20  }
0x59e: {  	s13 =	smov.u32 s9;
	v14 =	vld.idx.msk [tilespmem:v14+s4+$0x0], $0xffff;
	s9 =	sld [smem:$0x7FB];
	_ =	sdelay $0x1  }
0x59f: {  	s10 =	sld [smem:$0x7FC];
	[tilespmem:s15+$0x380] =	vst v17  }
0x5a0: {  	s12 =	sld [smem:$0x7FC];
	v17 =	vld.idx.msk [tilespmem:v10+s9+$0x0], $0xffff  }
0x5a1: {  	[tilespmem:s7+$0x1000] =	vst v19  }
0x5a2: {  	v19 =	vld.idx.msk [tilespmem:v6+s10+$0x0], $0xffff;
	[tilespmem:s5+$0x1000] =	vst v14  }
0x5a3: {  	v14 =	vld.idx.msk [tilespmem:v7+s12+$0x0], $0xffff;
	s14 =	sld [smem:$0x7FC];
	_ =	sdelay $0x1  }
0x5a4: {  	s17 =	sld [smem:$0x7FD];
	[tilespmem:s15+$0x1000] =	vst v17  }
0x5a5: {  	s18 =	sld [smem:$0x7FD];
	v17 =	vld.idx.msk [tilespmem:v5+s14+$0x0], $0xffff  }
0x5a6: {  	[tilespmem:s7+$0x1080] =	vst v19  }
0x5a7: {  	v19 =	vld.idx.msk [tilespmem:v6+s17+$0x0], $0xffff;
	[tilespmem:s5+$0x1080] =	vst v14  }
0x5a8: {  	v14 =	vld.idx.msk [tilespmem:v7+s18+$0x0], $0xffff;
	s19 =	sld [smem:$0x7FD];
	_ =	sdelay $0x1  }
0x5a9: {  	[tilespmem:s15+$0x1080] =	vst v17  }
0x5aa: {  	v17 =	vld.idx.msk [tilespmem:v5+s19+$0x0], $0xffff  }
0x5ab: {  	s20 =	simm.s32 $0x6980;
	[tilespmem:s7+$0x1100] =	vst v19  }
0x5ac: {  	v19 =	vld.idx.msk [tilespmem:v6+s20+$0x0], $0xffff;
	[tilespmem:s5+$0x1100] =	vst v14  }
0x5ad: {  	v14 =	vld.idx.msk [tilespmem:v7+s20+$0x0], $0xffff;
	_ =	sdelay $0x1  }
0x5ae: {  	[tilespmem:s15+$0x1100] =	vst v17  }
0x5af: {  	v17 =	vld.idx.msk [tilespmem:v5+s20+$0x0], $0xffff  }
0x5b0: {  	s21 =	simm.s32 $0x6A00;
	[tilespmem:s7+$0x1180] =	vst v19  }
0x5b1: {  	v19 =	vld.idx.msk [tilespmem:v6+s21+$0x0], $0xffff;
	[tilespmem:s5+$0x1180] =	vst v14  }
0x5b2: {  	v14 =	vld.idx.msk [tilespmem:v7+s21+$0x0], $0xffff;
	_ =	sdelay $0x1  }
0x5b3: {  	[tilespmem:s15+$0x1180] =	vst v17  }
0x5b4: {  	v17 =	vld.idx.msk [tilespmem:v5+s21+$0x0], $0xffff  }
0x5b5: {  	s22 =	simm.s32 $0x6A80;
	[tilespmem:s7+$0x1200] =	vst v19  }
0x5b6: {  	v19 =	vld.idx.msk [tilespmem:v6+s22+$0x0], $0xffff;
	[tilespmem:s5+$0x1200] =	vst v14  }
0x5b7: {  	v14 =	vld.idx.msk [tilespmem:v7+s22+$0x0], $0xffff;
	_ =	sdelay $0x1  }
0x5b8: {  	[tilespmem:s15+$0x1200] =	vst v17  }
0x5b9: {  	[tilespmem:s2+$0x1280] =	vst v18;
	s23 =	simm.s32 $0x6B00;
	v17 =	vld.idx.msk [tilespmem:v5+s22+$0x0], $0xffff  }
0x5ba: {  	v18 =	vld.idx.msk [tilespmem:v8+s23+$0x0], $0xffff;
	[tilespmem:s7+$0x1280] =	vst v19  }
0x5bb: {  	v19 =	vld.idx.msk [tilespmem:v6+s23+$0x0], $0xffff;
	[tilespmem:s5+$0x1280] =	vst v14  }
0x5bc: {  	v14 =	vld.idx.msk [tilespmem:v7+s23+$0x0], $0xffff;
	_ =	sdelay $0x1  }
0x5bd: {  	[tilespmem:s15+$0x1280] =	vst v17  }
0x5be: {  	[tilespmem:s2+$0x1300] =	vst v18;
	s24 =	simm.s32 $0x6B80;
	v17 =	vld.idx.msk [tilespmem:v5+s23+$0x0], $0xffff  }
0x5bf: {  	v18 =	vld.idx.msk [tilespmem:v8+s24+$0x0], $0xffff;
	[tilespmem:s7+$0x1300] =	vst v19  }
0x5c0: {  	v19 =	vld.idx.msk [tilespmem:v6+s24+$0x0], $0xffff;
	[tilespmem:s5+$0x1300] =	vst v14  }
0x5c1: {  	v14 =	vld.idx.msk [tilespmem:v7+s24+$0x0], $0xffff;
	_ =	sdelay $0x1  }
0x5c2: {  	[tilespmem:s15+$0x1300] =	vst v17  }
0x5c3: {  	s4 =	simm.s32 $0x6C00;
	[tilespmem:s2+$0x1380] =	vst v18;
	v17 =	vld.idx.msk [tilespmem:v5+s24+$0x0], $0xffff  }
0x5c4: {  	v18 =	vld.idx.msk [tilespmem:v8+s4+$0x0], $0xffff;
	[tilespmem:s7+$0x1380] =	vst v19  }
0x5c5: {  	v19 =	vld.idx.msk [tilespmem:v6+s4+$0x0], $0xffff;
	[tilespmem:s5+$0x1380] =	vst v14  }
0x5c6: {  	v14 =	vld.idx.msk [tilespmem:v7+s4+$0x0], $0xffff;
	_ =	sdelay $0x1  }
0x5c7: {  	[tilespmem:s15+$0x1380] =	vst v17  }
0x5c8: {  	s25 =	simm.s32 $0x6C80;
	[tilespmem:s2+$0x2000] =	vst v18;
	v17 =	vld.idx.msk [tilespmem:v5+s4+$0x0], $0xffff  }
0x5c9: {  	v12 =	vld.idx.msk [tilespmem:v12+s25+$0x0], $0xffff;
	[tilespmem:s7+$0x2000] =	vst v19  }
0x5ca: {  	v47 =	vld.idx.msk [tilespmem:v4+s25+$0x0], $0xffff;
	[tilespmem:s5+$0x2000] =	vst v14  }
0x5cb: {  	v14 =	vld.idx.msk [tilespmem:v9+s25+$0x0], $0xffff;
	_ =	sdelay $0x1  }
0x5cc: {  	[tilespmem:s15+$0x2000] =	vst v17  }
0x5cd: {  	s30 =	simm.s32 $0x6D00;
	[tilespmem:s2+$0x2080] =	vst v12;
	v48 =	vld.idx.msk [tilespmem:v10+s25+$0x0], $0xffff  }
0x5ce: {  	v12 =	vld.idx.msk [tilespmem:v8+s30+$0x0], $0xffff;
	[tilespmem:s7+$0x2080] =	vst v47  }
0x5cf: {  	v18 =	vld.idx.msk [tilespmem:v6+s30+$0x0], $0xffff;
	[tilespmem:s5+$0x2080] =	vst v14  }
0x5d0: {  	[tilespmem:s1+$0x2080] =	vst v15;
	v14 =	vld.idx.msk [tilespmem:v7+s30+$0x0], $0xffff  }
0x5d1: {  	[tilespmem:s11+$0x2300] =	vst v13;
	v50 =	vld.idx.msk [tilespmem:v1+s30+$0x0], $0xffff  }
0x5d2: {  	[tilespmem:s15+$0x2080] =	vst v48  }
0x5d3: {  	s12 =	simm.s32 $0x6D80;
	[tilespmem:s2+$0x2100] =	vst v12;
	v51 =	vld.idx.msk [tilespmem:v5+s30+$0x0], $0xffff  }
0x5d4: {  	v12 =	vld.idx.msk [tilespmem:v8+s12+$0x0], $0xffff;
	[tilespmem:s7+$0x2100] =	vst v18  }
0x5d5: {  	v18 =	vld.idx.msk [tilespmem:v6+s12+$0x0], $0xffff;
	[tilespmem:s5+$0x2100] =	vst v14  }
0x5d6: {  	[tilespmem:s1+$0x2100] =	vst v50;
	v14 =	vld.idx.msk [tilespmem:v7+s12+$0x0], $0xffff  }
0x5d7: {  	[tilespmem:s6+$0x3180] =	vst v16;
	s26 =	simm.s32 $0x7200;
	v17 =	vld.idx.msk [tilespmem:v1+s12+$0x0], $0xffff  }
0x5d8: {  	v49 =	vld.idx.msk [tilespmem:v2+s26+$0x0], $0xffff;
	[tilespmem:s15+$0x2100] =	vst v51  }
0x5d9: {  	s17 =	simm.s32 $0x6E00;
	[tilespmem:s2+$0x2180] =	vst v12;
	v15 =	vld.idx.msk [tilespmem:v5+s12+$0x0], $0xffff  }
0x5da: {  	v12 =	vld.idx.msk [tilespmem:v8+s17+$0x0], $0xffff;
	[tilespmem:s7+$0x2180] =	vst v18  }
0x5db: {  	v18 =	vld.idx.msk [tilespmem:v6+s17+$0x0], $0xffff;
	[tilespmem:s5+$0x2180] =	vst v14  }
0x5dc: {  	v14 =	vld.idx.msk [tilespmem:v7+s17+$0x0], $0xffff;
	[tilespmem:s1+$0x2180] =	vst v17  }
0x5dd: {  	[tilespmem:s6+$0x3200] =	vst v49;
	s31 =	simm.s32 $0x7280;
	v17 =	vld.idx.msk [tilespmem:v1+s17+$0x0], $0xffff  }
0x5de: {  	v52 =	vld.idx.msk [tilespmem:v2+s31+$0x0], $0xffff;
	[tilespmem:s15+$0x2180] =	vst v15  }
0x5df: {  	s3 =	simm.s32 $0x6E80;
	[tilespmem:s2+$0x2200] =	vst v12;
	v15 =	vld.idx.msk [tilespmem:v5+s17+$0x0], $0xffff  }
0x5e0: {  	v12 =	vld.idx.msk [tilespmem:v8+s3+$0x0], $0xffff;
	[tilespmem:s7+$0x2200] =	vst v18  }
0x5e1: {  	v55 =	vld.idx.msk [tilespmem:v6+s3+$0x0], $0xffff;
	[tilespmem:s5+$0x2200] =	vst v14  }
0x5e2: {  	v14 =	vld.idx.msk [tilespmem:v7+s3+$0x0], $0xffff;
	[tilespmem:s1+$0x2200] =	vst v17  }
0x5e3: {  	[tilespmem:s6+$0x3280] =	vst v52;
	s14 =	simm.s32 $0x7300;
	v54 =	vld.idx.msk [tilespmem:v1+s3+$0x0], $0xffff  }
0x5e4: {  	v16 =	vld.idx.msk [tilespmem:v2+s14+$0x0], $0xffff;
	[tilespmem:s15+$0x2200] =	vst v15  }
0x5e5: {  	s19 =	simm.s32 $0x6F00;
	[tilespmem:s2+$0x2280] =	vst v12;
	v56 =	vld.idx.msk [tilespmem:v5+s3+$0x0], $0xffff  }
0x5e6: {  	v3 =	vld.idx.msk [tilespmem:v3+s19+$0x0], $0xffff;
	[tilespmem:s7+$0x2280] =	vst v55  }
0x5e7: {  	v57 =	vld.idx.msk [tilespmem:v4+s19+$0x0], $0xffff;
	[tilespmem:s5+$0x2280] =	vst v14  }
0x5e8: {  	v58 =	vld.idx.msk [tilespmem:v9+s19+$0x0], $0xffff;
	[tilespmem:s1+$0x2280] =	vst v54  }
0x5e9: {  	s18 =	simm.s32 $0x7380;
	[tilespmem:s6+$0x3300] =	vst v16;
	v11 =	vld.idx.msk [tilespmem:v11+s19+$0x0], $0xffff  }
0x5ea: {  	v53 =	vld.idx.msk [tilespmem:v2+s18+$0x0], $0xffff;
	[tilespmem:s15+$0x2280] =	vst v56  }
0x5eb: {  	s20 =	simm.s32 $0x6F80;
	[tilespmem:s2+$0x2300] =	vst v3;
	v2 =	vld.idx.msk [tilespmem:v10+s19+$0x0], $0xffff  }
0x5ec: {  	v3 =	vld.idx.msk [tilespmem:v8+s20+$0x0], $0xffff;
	[tilespmem:s7+$0x2300] =	vst v57  }
0x5ed: {  	v4 =	vld.idx.msk [tilespmem:v6+s20+$0x0], $0xffff;
	[tilespmem:s5+$0x2300] =	vst v58  }
0x5ee: {  	v9 =	vld.idx.msk [tilespmem:v7+s20+$0x0], $0xffff;
	[tilespmem:s1+$0x2300] =	vst v11  }
0x5ef: {  	[tilespmem:s6+$0x3380] =	vst v53;
	v11 =	vld.idx.msk [tilespmem:v1+s20+$0x0], $0xffff  }
0x5f0: {  	v59 =	vld.idx.msk [tilespmem:v0+s20+$0x0], $0xffff;
	[tilespmem:s15+$0x2300] =	vst v2  }
0x5f1: {  	s0 =	simm.s32 $0x7000;
	[tilespmem:s2+$0x2380] =	vst v3;
	v2 =	vld.idx.msk [tilespmem:v5+s20+$0x0], $0xffff  }
0x5f2: {  	v3 =	vld.idx.msk [tilespmem:v8+s0+$0x0], $0xffff;
	[tilespmem:s7+$0x2380] =	vst v4  }
0x5f3: {  	v4 =	vld.idx.msk [tilespmem:v6+s0+$0x0], $0xffff;
	[tilespmem:s5+$0x2380] =	vst v9  }
0x5f4: {  	v9 =	vld.idx.msk [tilespmem:v7+s0+$0x0], $0xffff;
	[tilespmem:s1+$0x2380] =	vst v11  }
0x5f5: {  	[tilespmem:s11+$0x2380] =	vst v59;
	v11 =	vld.idx.msk [tilespmem:v1+s0+$0x0], $0xffff  }
0x5f6: {  	v10 =	vld.idx.msk [tilespmem:v0+s0+$0x0], $0xffff;
	[tilespmem:s15+$0x2380] =	vst v2  }
0x5f7: {  	s21 =	simm.s32 $0x7080;
	[tilespmem:s2+$0x3000] =	vst v3;
	v2 =	vld.idx.msk [tilespmem:v5+s0+$0x0], $0xffff  }
0x5f8: {  	v3 =	vld.idx.msk [tilespmem:v8+s21+$0x0], $0xffff;
	[tilespmem:s7+$0x3000] =	vst v4  }
0x5f9: {  	v4 =	vld.idx.msk [tilespmem:v6+s21+$0x0], $0xffff;
	[tilespmem:s5+$0x3000] =	vst v9  }
0x5fa: {  	v9 =	vld.idx.msk [tilespmem:v7+s21+$0x0], $0xffff;
	[tilespmem:s1+$0x3000] =	vst v11  }
0x5fb: {  	[tilespmem:s11+$0x3000] =	vst v10;
	v11 =	vld.idx.msk [tilespmem:v1+s21+$0x0], $0xffff  }
0x5fc: {  	v10 =	vld.idx.msk [tilespmem:v0+s21+$0x0], $0xffff;
	[tilespmem:s15+$0x3000] =	vst v2  }
0x5fd: {  	s22 =	simm.s32 $0x7100;
	[tilespmem:s2+$0x3080] =	vst v3;
	v2 =	vld.idx.msk [tilespmem:v5+s21+$0x0], $0xffff  }
0x5fe: {  	v3 =	vld.idx.msk [tilespmem:v8+s22+$0x0], $0xffff;
	[tilespmem:s7+$0x3080] =	vst v4  }
0x5ff: {  	v4 =	vld.idx.msk [tilespmem:v6+s22+$0x0], $0xffff;
	[tilespmem:s5+$0x3080] =	vst v9  }
0x600: {  	v9 =	vld.idx.msk [tilespmem:v7+s22+$0x0], $0xffff;
	[tilespmem:s1+$0x3080] =	vst v11  }
0x601: {  	[tilespmem:s11+$0x3080] =	vst v10;
	v11 =	vld.idx.msk [tilespmem:v1+s22+$0x0], $0xffff  }
0x602: {  	v10 =	vld.idx.msk [tilespmem:v0+s22+$0x0], $0xffff;
	[tilespmem:s15+$0x3080] =	vst v2  }
0x603: {  	[tilespmem:s2+$0x3100] =	vst v3;
	v2 =	vld.idx.msk [tilespmem:v5+s22+$0x0], $0xffff  }
0x604: {  	v3 =	vld.idx.msk [tilespmem:v8+s16+$0x0], $0xffff;
	[tilespmem:s7+$0x3100] =	vst v4  }
0x605: {  	v4 =	vld.idx.msk [tilespmem:v6+s16+$0x0], $0xffff;
	[tilespmem:s5+$0x3100] =	vst v9  }
0x606: {  	v9 =	vld.idx.msk [tilespmem:v7+s16+$0x0], $0xffff;
	[tilespmem:s1+$0x3100] =	vst v11  }
0x607: {  	[tilespmem:s11+$0x3100] =	vst v10;
	v11 =	vld.idx.msk [tilespmem:v1+s16+$0x0], $0xffff  }
0x608: {  	v10 =	vld.idx.msk [tilespmem:v0+s16+$0x0], $0xffff;
	[tilespmem:s15+$0x3100] =	vst v2  }
0x609: {  	[tilespmem:s2+$0x3180] =	vst v3;
	v2 =	vld.idx.msk [tilespmem:v5+s16+$0x0], $0xffff  }
0x60a: {  	v3 =	vld.idx.msk [tilespmem:v8+s26+$0x0], $0xffff;
	[tilespmem:s7+$0x3180] =	vst v4  }
0x60b: {  	v4 =	vld.idx.msk [tilespmem:v6+s26+$0x0], $0xffff;
	[tilespmem:s5+$0x3180] =	vst v9  }
0x60c: {  	v9 =	vld.idx.msk [tilespmem:v7+s26+$0x0], $0xffff;
	[tilespmem:s1+$0x3180] =	vst v11  }
0x60d: {  	[tilespmem:s11+$0x3180] =	vst v10;
	v11 =	vld.idx.msk [tilespmem:v1+s26+$0x0], $0xffff  }
0x60e: {  	v10 =	vld.idx.msk [tilespmem:v0+s26+$0x0], $0xffff;
	[tilespmem:s15+$0x3180] =	vst v2  }
0x60f: {  	[tilespmem:s2+$0x3200] =	vst v3;
	v2 =	vld.idx.msk [tilespmem:v5+s26+$0x0], $0xffff  }
0x610: {  	v3 =	vld.idx.msk [tilespmem:v8+s31+$0x0], $0xffff;
	[tilespmem:s7+$0x3200] =	vst v4  }
0x611: {  	v4 =	vld.idx.msk [tilespmem:v6+s31+$0x0], $0xffff;
	[tilespmem:s5+$0x3200] =	vst v9  }
0x612: {  	v9 =	vld.idx.msk [tilespmem:v7+s31+$0x0], $0xffff;
	[tilespmem:s1+$0x3200] =	vst v11  }
0x613: {  	[tilespmem:s11+$0x3200] =	vst v10;
	v11 =	vld.idx.msk [tilespmem:v1+s31+$0x0], $0xffff  }
0x614: {  	v10 =	vld.idx.msk [tilespmem:v0+s31+$0x0], $0xffff;
	[tilespmem:s15+$0x3200] =	vst v2  }
0x615: {  	[tilespmem:s2+$0x3280] =	vst v3;
	v2 =	vld.idx.msk [tilespmem:v5+s31+$0x0], $0xffff  }
0x616: {  	v3 =	vld.idx.msk [tilespmem:v8+s14+$0x0], $0xffff;
	[tilespmem:s7+$0x3280] =	vst v4  }
0x617: {  	v4 =	vld.idx.msk [tilespmem:v6+s14+$0x0], $0xffff;
	[tilespmem:s5+$0x3280] =	vst v9  }
0x618: {  	v9 =	vld.idx.msk [tilespmem:v7+s14+$0x0], $0xffff;
	[tilespmem:s1+$0x3280] =	vst v11  }
0x619: {  	[tilespmem:s11+$0x3280] =	vst v10;
	v11 =	vld.idx.msk [tilespmem:v1+s14+$0x0], $0xffff  }
0x61a: {  	v10 =	vld.idx.msk [tilespmem:v0+s14+$0x0], $0xffff;
	[tilespmem:s15+$0x3280] =	vst v2  }
0x61b: {  	[tilespmem:s2+$0x3300] =	vst v3;
	v2 =	vld.idx.msk [tilespmem:v5+s14+$0x0], $0xffff  }
0x61c: {  	v3 =	vld.idx.msk [tilespmem:v8+s18+$0x0], $0xffff;
	[tilespmem:s7+$0x3300] =	vst v4  }
0x61d: {  	v4 =	vld.idx.msk [tilespmem:v6+s18+$0x0], $0xffff;
	[tilespmem:s5+$0x3300] =	vst v9  }
0x61e: {  	v62 =	vld.idx.msk [tilespmem:v7+s18+$0x0], $0xffff;
	[tilespmem:s1+$0x3300] =	vst v11  }
0x61f: {  	[tilespmem:s11+$0x3300] =	vst v10;
	v61 =	vld.idx.msk [tilespmem:v1+s18+$0x0], $0xffff  }
0x620: {  	v60 =	vld.idx.msk [tilespmem:v0+s18+$0x0], $0xffff;
	[tilespmem:s15+$0x3300] =	vst v2  }
0x621: {  	[tilespmem:s2+$0x3380] =	vst v3;
	v63 =	vld.idx.msk [tilespmem:v5+s18+$0x0], $0xffff  }
0x622: {  	[tilespmem:s7+$0x3380] =	vst v4  }
0x623: {  	[tilespmem:s5+$0x3380] =	vst v62  }
0x624: {  	[tilespmem:s1+$0x3380] =	vst v61  }
0x625: {  	[tilespmem:s11+$0x3380] =	vst v60  }
0x626: {  	s28 =	simm.s32 $0x3D00;
	s29 =	simm.s32 $0x3F80;
	[tilespmem:s15+$0x3380] =	vst v63  }
0x627: {  	s6 =	simm.s32 $0x1;
	s24 =	simm.s32 $0x1000;
	s1 =	sld [smem:$0x7EB]  }
0x628: {  	s25 =	simm.s32 $0x20000;
	s12 =	simm.s32 $0x3400;
	s26 =	sld [smem:$0x7DD]  }
0x629: {  	s17 =	simm.s32 $0x4000;
	s19 =	simm.s32 $0x3F00;
	s23 =	sld [smem:$0x7D3]  }
0x62a: {  	s20 =	simm.s32 $0x4180;
	s21 =	simm.s32 $0x3C00;
	s30 =	sld [smem:$0x7DF]  }
0x62b: {  	s22 =	simm.s32 $0x3E80;
	s31 =	sld [smem:$0x7E7];
	s4 =	sadd.s32 $0x1, s26  }
0x62c: {  	s16 =	simm.s32 $0x3C80;
	s14 =	simm.s32 $0x3A00;
	p1 =	sne.s32 s4, $0xD  }
.Ltmp6:
0x62d: {  	s18 =	simm.s32 $0x3D80;
	s15 =	simm.s32 $0x3A80;
	(pc) =	sbr.rel @p1 .LBB2_2-.Ltmp6, $4  }
0x62e: {  	s1 =	sadd.s32 s23, s1;
	s3 =	sadd.s32 $0x400, s30;
	s0 =	sadd.s32 $0x400, s31  }
0x62f: {  	[hbm4b:s1+s24] =	stream.strided.scatter [tilespmem:s13], [sflag:$0x2], $0x4000, s25, s24, $0x38;
	[tilespmem:$0x16800] =	vst v63  }
0x630: {  	s23 =	simm.s32 $0x3B80;
	s26 =	simm.s32 $0x4080;
	[smem:$0x7E7] =	sst s0  }
0x631: {  	s24 =	simm.s32 $0x4100;
	s25 =	simm.s32 $0x3E00;
	s13 =	simm.s32 $0x3B00  }
0x632: {  	s0 =	simm.s32 $0x2  }
0x633: {  	_ =	swait.ge [sflag:s0], $0x4000  }
0x634: {  	[sflag:s0] =	ssyncset.done $0x0  }
0x635: {  	[sflag:s0] =	ssyncadd.s32 $0xFFFFC000  }
0x636: {  	_ =	swait.ge [sflag:s0], $0x4000  }
0x637: {  	[sflag:s0] =	ssyncset.done $0x0  }
0x638: {  	[sflag:s0] =	ssyncadd.s32 $0xFFFFC000  }
0x639: {  	_ =	swait.ge [sflag:s0], $0x4000  }
0x63a: {  	s2 =	sld [smem:$0x7E6]  }
0x63b: {  	s1 =	sld [smem:$0x7EC];
	_ =	sdelay $0x1  }
0x63c: {  	s2 =	sadd.s32 $0x1, s2  }
0x63d: {  	p1 =	sne.s32 s2, s1  }
.Ltmp7:
0x63e: {  	_ = 	snop;
	(pc) =	sbr.rel @p1 .LBB2_1-.Ltmp7, $3  }
0x63f: {  	_ =	sdelay $0x1  }
0x640: {  	[sflag:s0] =	ssyncset.done $0x0  }
0x641: {  	[sflag:s0] =	ssyncadd.s32 $0xFFFFC000  }
0x642: {  	_ =	sfence.sel $0x180000  }
0x643: {  	[bflag:$0x0] =	sbarrier.arrive $0xFFFF  }
0x644: {  	_ =	strace $0x90000047  }
0x645: {  	[bflag:$0x2] =	sbarrier.arrive $0xFFFF  }
0x646: {  	s0 =	rddreg [dreg:$0x3]  }
0x647: {  	s0 =	sadd.s32 @!p0 $0x100000, s0  }
0x648: {  	[sflag:s0] =	ssyncadd.tile.s32 @!p0 $0x1;
	_ =	shalt  }
.Lfunc_end2:
_tile_overlayer_lowered:
.L_overlay_start_2:
0x649: {  	(tag) =	ssettag $0x2  }
0x64a: {  	s0 =	rddreg [dreg:$0x0];
	s2 =	stileid.u32  }
0x64b: {  	s1 =	rddreg [dreg:$0x1];
	p0 =	sne.s32 s2, $0x0  }
0x64c: {  	s3 =	rddreg [dreg:$0x2];
	[bflag:$0x3] =	sbarrier.arrive $0xFFFF;
	s2 =	simm.s32 @!p0 $0x1C03  }
0x64d: {  	[timem:s3], [sflag:s2] =	dma.local @!p0 [hbm:s0], s1  }
0x64e: {  	s0 =	simm.s32 @!p0 $0x3  }
0x64f: {  	_ =	swait.ge @!p0 [sflag:s0], s1  }
0x650: {  	s1 =	ssub.s32 @!p0 $0x0, s1;
	[sflag:s0] =	ssyncset.done @!p0 $0x0  }
0x651: {  	[sflag:s0] =	ssyncadd.s32 @!p0 s1  }
0x652: {  	[bflag:$0x3] =	sbarrier.arrive $0xFFFF  }
0x653: {  	_ =	shalt  }

</sc_bundles>
